<compile_context>
chip_gen: v7x
topology: tpu7x:2x2x1
jax: 0.10.2.dev20260603
libtpu: 0.0.44.dev20260713+nightly
codegen_flags: <defaults>
</compile_context>

<pallas_src>
import functools

import jax
import jax.numpy as jnp
from jax import lax
from jax.experimental import pallas as pl
from jax.experimental.pallas import tpu as pltpu
from jax.experimental.pallas import tpu_sc as plsc

B = 16
LQ = 576
C = 1024
H = 8
P = 4
L = 3
DH = C // H
LV = 3024
NPTS = L * P

NC = 2
NS = 16
NW = NC * NS
NROWS = B * LQ * H
RPW = NROWS // NW
G = 8
STEPS = RPW // G
IDXW = G * NPTS
BODY = 2
FLUSH_ROWS = BODY * G


def _mm_bias_kernel(x_ref, w_ref, b_ref, o_ref):
    x = x_ref[...]
    if x.dtype != jnp.bfloat16:
        x = x.astype(jnp.bfloat16)
    acc = lax.dot_general(x, w_ref[...], (((1,), (0,)), ((), ())),
                          preferred_element_type=jnp.float32)
    o_ref[...] = acc + b_ref[...]


def _mm_bias(x, w_bf16, bias, bm):
    m, k = x.shape
    n = w_bf16.shape[1]
    grid = m // bm
    return pl.pallas_call(
        _mm_bias_kernel,
        grid=(grid,),
        in_specs=[
            pl.BlockSpec((bm, k), lambda i: (i, 0)),
            pl.BlockSpec((k, n), lambda i: (0, 0)),
            pl.BlockSpec((1, n), lambda i: (0, 0)),
        ],
        out_specs=pl.BlockSpec((bm, n), lambda i: (i, 0)),
        out_shape=jax.ShapeDtypeStruct((m, n), jnp.float32),
    )(x, w_bf16, bias.reshape(1, n))


_BM1 = 768


def _vproj_kernel(x_ref, w_ref, b_ref, o_ref):
    x = x_ref[...].astype(jnp.bfloat16)
    acc = lax.dot_general(x, w_ref[...], (((1,), (0,)), ((), ())),
                          preferred_element_type=jnp.float32)
    acc = acc + b_ref[...]
    for h in range(H):
        o_ref[h] = acc[:, h * DH:(h + 1) * DH]


def _vproj_head_major(vflat, wv_bf16, bv):
    grid = (B * LV // _BM1,)
    return pl.pallas_call(
        _vproj_kernel,
        grid=grid,
        in_specs=[
            pl.BlockSpec((_BM1, C), lambda i: (i, 0)),
            pl.BlockSpec((C, C), lambda i: (0, 0)),
            pl.BlockSpec((1, C), lambda i: (0, 0)),
        ],
        out_specs=pl.BlockSpec((H, _BM1, DH), lambda i: (0, i, 0)),
        out_shape=jax.ShapeDtypeStruct((H, B * LV, DH), jnp.float32),
    )(vflat, wv_bf16, bv.reshape(1, C))


_BM2 = 768


def _coord_kernel(q_ref, ws_ref, bsr_ref, wa_ref, ba_ref, fr_ref,
                  idx_ref, w_ref):
    i = pl.program_id(0)
    q = q_ref[...]
    offp = lax.dot_general(q, ws_ref[...], (((1,), (0,)), ((), ())),
                           precision=lax.Precision.DEFAULT,
                           preferred_element_type=jnp.float32) + bsr_ref[...]
    awp = lax.dot_general(q, wa_ref[...], (((1,), (0,)), ((), ())),
                          precision=lax.Precision.DEFAULT,
                          preferred_element_type=jnp.float32) + ba_ref[...]
    fx = fr_ref[:, 0:1]
    fy = fr_ref[:, 1:2]
    coordx = offp[:, 0:96] + fx
    coordy = offp[:, 96:192] + fy
    col = lax.broadcasted_iota(jnp.int32, (_BM2, 96), 1)
    lcol = (col // P) % L
    hcol = col // NPTS
    size = jnp.where(lcol == 0, 48, jnp.where(lcol == 1, 24, 12))
    lsi = jnp.where(lcol == 0, 0, jnp.where(lcol == 1, 2304, 2880))
    cx = jnp.clip(jnp.floor(coordx).astype(jnp.int32), 0, size - 1)
    cy = jnp.clip(jnp.floor(coordy).astype(jnp.int32), 0, size - 1)
    rowg = lax.broadcasted_iota(jnp.int32, (_BM2, 96), 0) + i * _BM2
    b = rowg // LQ
    idx_ref[...] = hcol * (B * LV) + b * LV + lsi + cx * size + cy
    for h in range(H):
        g = awp[:, h * NPTS:(h + 1) * NPTS]
        m = jnp.max(g, axis=1, keepdims=True)
        e = jnp.exp(g - m)
        w_ref[:, h * 16:h * 16 + NPTS] = e / jnp.sum(e, axis=1, keepdims=True)


def _coords_and_weights(query2d, ws_perm, bs_perm, Wa, ba, final2d):
    m = query2d.shape[0]
    grid = m // _BM2
    return pl.pallas_call(
        _coord_kernel,
        grid=(grid,),
        in_specs=[
            pl.BlockSpec((_BM2, C), lambda i: (i, 0)),
            pl.BlockSpec((C, 192), lambda i: (0, 0)),
            pl.BlockSpec((1, 192), lambda i: (0, 0)),
            pl.BlockSpec((C, 96), lambda i: (0, 0)),
            pl.BlockSpec((1, 96), lambda i: (0, 0)),
            pl.BlockSpec((_BM2, 2), lambda i: (i, 0)),
        ],
        out_specs=[
            pl.BlockSpec((_BM2, 96), lambda i: (i, 0)),
            pl.BlockSpec((_BM2, H * 16), lambda i: (i, 0)),
        ],
        out_shape=[
            jax.ShapeDtypeStruct((m, 96), jnp.int32),
            jax.ShapeDtypeStruct((m, H * 16), jnp.float32),
        ],
    )(query2d, ws_perm, bs_perm.reshape(1, 192), Wa, ba.reshape(1, 96),
      final2d)


def _sc_gather_body(table_hbm, idx_hbm, w_hbm, out_hbm,
                    idx_v, w_v, rows_v, out_v,
                    gsem0, gsem1, osem):
    wid = lax.axis_index("s") * NC + lax.axis_index("c")
    pltpu.sync_copy(idx_hbm.at[wid], idx_v)
    pltpu.sync_copy(w_hbm.at[wid], w_v)
    gsems = (gsem0, gsem1)
    out_base = wid * RPW

    HALF = IDXW // 2

    def _start_gather(s, slot):
        pltpu.async_copy(table_hbm.at[idx_v.at[s, pl.ds(0, HALF)]],
                         rows_v.at[slot, pl.ds(0, HALF)], gsems[slot])
        pltpu.async_copy(table_hbm.at[idx_v.at[s, pl.ds(HALF, HALF)]],
                         rows_v.at[slot, pl.ds(HALF, HALF)], gsems[slot])

    def _wait_gather(slot):
        pltpu.make_async_copy(table_hbm.at[idx_v.at[0, pl.ds(0, HALF)]],
                              rows_v.at[slot, pl.ds(0, HALF)],
                              gsems[slot]).wait()
        pltpu.make_async_copy(table_hbm.at[idx_v.at[0, pl.ds(0, HALF)]],
                              rows_v.at[slot, pl.ds(HALF, HALF)],
                              gsems[slot]).wait()

    for k in range(BODY):
        _start_gather(k, k)

    def body(s2, carry):
        @pl.when(s2 >= 1)
        def _wait_out():
            pltpu.make_async_copy(out_v,
                                  out_hbm.at[pl.ds(0, FLUSH_ROWS * DH)],
                                  osem).wait()
        for k in range(BODY):
            s = s2 * BODY + k
            par = k
            _wait_gather(par)

            rflat = rows_v.reshape(BODY, IDXW * DH)
            oflat = out_v
            wflat = w_v

            @plsc.parallel_loop(0, G, step=1, unroll=4)
            def _row(g, par=par, k=k, s=s):
                wrow = wflat[pl.ds((s * G + g) * 16, 16)]
                wsc = [wrow[p] for p in range(NPTS)]
                base = g * NPTS * DH
                for c in range(DH // 16):
                    acc = wsc[0] * rflat[par, pl.ds(base + c * 16, 16)]
                    for p in range(1, NPTS):
                        acc = acc + wsc[p] * rflat[
                            par, pl.ds(base + p * DH + c * 16, 16)]
                    oflat[pl.ds((k * G + g) * DH + c * 16, 16)] = acc
            @pl.when(s < STEPS - BODY)
            def _prefetch(s=s, par=par):
                _start_gather(s + BODY, par)
        row0 = (out_base + s2 * FLUSH_ROWS) * DH
        pltpu.async_copy(out_v, out_hbm.at[pl.ds(row0, FLUSH_ROWS * DH)],
                         osem)
        return carry

    lax.fori_loop(0, STEPS // BODY, body, 0)
    pltpu.make_async_copy(out_v, out_hbm.at[pl.ds(0, FLUSH_ROWS * DH)],
                          osem).wait()


def _sc_gather(table, idx3, w3):
    mesh = plsc.VectorSubcoreMesh(core_axis_name="c", subcore_axis_name="s")
    f = functools.partial(
        pl.kernel,
        out_type=jax.ShapeDtypeStruct((NROWS * DH,), jnp.float32),
        mesh=mesh,
        scratch_types=[
            pltpu.VMEM((STEPS, IDXW), jnp.int32),
            pltpu.VMEM((RPW * 16,), jnp.float32),
            pltpu.VMEM((BODY, IDXW, DH), jnp.float32),
            pltpu.VMEM((FLUSH_ROWS * DH,), jnp.float32),
            pltpu.SemaphoreType.DMA,
            pltpu.SemaphoreType.DMA,
            pltpu.SemaphoreType.DMA,
        ],
    )(_sc_gather_body)
    return f(table, idx3, w3)


def kernel(query, reference_points, value, spatial_shapes, level_start_index,
           Wv, bv, Ws, bs, Wa, ba, Wo, bo):
    ref = reference_points.reshape(B, LV, 1, 2)
    part1 = ref[:, :2304].reshape(B, 48, 48, 1, 2).mean(axis=(1, 2))
    part1 = jnp.broadcast_to(part1.reshape(B, 1, 1, 2), (B, LQ, 1, 2))
    part2 = ref[:, 2304:2880].reshape(B, LQ, 1, 2)
    p3 = ref[:, 2880:].reshape(B, 12, 12, 2).transpose(0, 3, 1, 2)
    p3 = jax.image.resize(p3, (B, 2, 24, 24), method="bilinear")
    part3 = p3.reshape(B, 2, LQ).transpose(0, 2, 1).reshape(B, LQ, 1, 2)
    final2d = ((part1 + part2 + part3) / 3.0).reshape(B * LQ, 2)

    vproj = _vproj_head_major(value.reshape(B * LV, C),
                              Wv.astype(jnp.bfloat16), bv)
    table = vproj.reshape(H * B * LV, DH)

    ws_perm = Ws.reshape(C, H, L, P, 2).transpose(0, 4, 1, 2, 3).reshape(C, 192)
    bs_perm = bs.reshape(H, L, P, 2).transpose(3, 0, 1, 2).reshape(192)
    idx, w = _coords_and_weights(query.reshape(B * LQ, C), ws_perm, bs_perm,
                                 Wa, ba, final2d)
    idx3 = idx.reshape(NW, STEPS, IDXW)
    w3 = w.reshape(NW, RPW * 16)

    out = _sc_gather(table, idx3, w3)

    res = _mm_bias(out.reshape(B * LQ, C), Wo.astype(jnp.bfloat16), bo,
                   bm=768)
    return res.reshape(B, LQ, C)

# --- scband reference (transcript-rebuilt; emitter-appended) ---
"""Pipeline reference for scband-msdeform-attn-71536975282230 (READ-ONLY COPY).

The authoritative reference and input builder live on the scoring server;
editing this copy changes nothing except your own understanding.
"""

import jax, jax.numpy as jnp
import numpy as np

B = 16
LQ = 576
C = 1024
H = 8
P = 4
L = 3
DH = C // H
LV = 3024


def setup_inputs(seed: int = 0) -> dict:
    key = jax.random.key(seed)
    ks = jax.random.split(key, 12)
    inp = {}
    inp["query"] = jax.random.normal(ks[0], (B, LQ, C), dtype=jnp.float32)
    inp["reference_points"] = jax.random.uniform(ks[1], (B, LV, 2), dtype=jnp.float32, minval=0.0, maxval=48.0)
    inp["value"] = jax.random.normal(ks[2], (B, LV, C), dtype=jnp.float32)
    inp["spatial_shapes"] = jnp.array([[48, 48], [24, 24], [12, 12]], dtype=jnp.int32)
    inp["level_start_index"] = jnp.array([0, 2304, 2880], dtype=jnp.int32)
    inp["Wv"] = jax.random.normal(ks[3], (C, C), dtype=jnp.float32) * 0.02
    inp["bv"] = jnp.zeros((C,), dtype=jnp.float32)
    inp["Ws"] = jax.random.normal(ks[4], (C, H * L * P * 2), dtype=jnp.float32) * 0.02
    inp["bs"] = jnp.zeros((H * L * P * 2,), dtype=jnp.float32)
    inp["Wa"] = jax.random.normal(ks[5], (C, H * L * P), dtype=jnp.float32) * 0.02
    inp["ba"] = jnp.zeros((H * L * P,), dtype=jnp.float32)
    inp["Wo"] = jax.random.normal(ks[6], (C, C), dtype=jnp.float32) * 0.02
    inp["bo"] = jnp.zeros((C,), dtype=jnp.float32)
    return inp


def reference(query, reference_points, value, spatial_shapes, level_start_index, Wv, bv, Ws, bs, Wa, ba, Wo, bo):
    Bq, Lq, Cq = query.shape
    v = value @ Wv + bv
    v = v.reshape(Bq, -1, H, DH)
    off = (query @ Ws + bs).reshape(Bq, Lq, H, L, P, 2)
    aw = (query @ Wa + ba).reshape(Bq, Lq, H, L * P)
    aw = jax.nn.softmax(aw, axis=-1).reshape(Bq, Lq, H, L, P)
    ref = reference_points.reshape(Bq, -1, 1, 2)
    part1 = ref[:, :2304].reshape(Bq, 48, 48, 1, 2).mean(axis=(1, 2)).reshape(Bq, 1, 1, 2)
    part1 = jnp.broadcast_to(part1, (Bq, 576, 1, 2))
    part2 = ref[:, 2304:2880].reshape(Bq, 576, 1, 2)
    p3 = ref[:, 2880:].reshape(Bq, 12, 12, 2).transpose(0, 3, 1, 2)
    p3 = jax.image.resize(p3, (Bq, 2, 24, 24), method="bilinear")
    part3 = p3.reshape(Bq, 2, 576).transpose(0, 2, 1).reshape(Bq, 576, 1, 2)
    final = (part1 + part2 + part3) / 3.0
    ref_exp = final[:, :, None, :, None, :]  # (B, Lq, 1, 1, 1, 2)
    coords = (off + ref_exp).reshape(Bq, Lq, H, L * P, 2)
    out = jnp.zeros((Bq, Lq, H, DH), dtype=query.dtype)
    bidx = jnp.arange(Bq)[:, None, None]
    hidx = jnp.arange(H)[None, None, :]
    for level in range(L):
        Hl, Wl = 48 >> level, 48 >> level
        val_l = jax.lax.dynamic_slice_in_dim(v, level_start_index[level], Hl * Wl, axis=1)
        val_l = val_l.reshape(Bq, Hl, Wl, H, DH)
        for i in range(P):
            cx = jnp.clip(jnp.floor(coords[:, :, :, level * P + i, 0]).astype(jnp.int32), 0, spatial_shapes[level, 0] - 1)
            cy = jnp.clip(jnp.floor(coords[:, :, :, level * P + i, 1]).astype(jnp.int32), 0, spatial_shapes[level, 1] - 1)
            w = aw[:, :, :, level, i]
            sampled = val_l[bidx, cx, cy, hidx]  # (B, Lq, H, DH)
            out = out + w[..., None] * sampled
    out = out.reshape(Bq, Lq, C)
    return out @ Wo + bo

if __name__ == "__main__":
    import jax
    _d = setup_inputs()
    print(jax.jit(kernel)(*tuple(_d.values())))

</pallas_src>

<mosaic_0001>
#map = affine_map<(d0, d1) -> (0, 0)>
#map1 = affine_map<(d0, d1) -> (0, 0, 0)>
#map2 = affine_map<(d0, d1) -> (0)>
module attributes {stable_mosaic.version = 14 : i64} {
  func.func @_sc_gather_body(%arg0: i32, %arg1: i32, %arg2: memref<387072x128xf32, #tpu.memory_space<hbm>>, %arg3: memref<32x288x96xi32, #tpu.memory_space<hbm>>, %arg4: memref<32x36864xf32, #tpu.memory_space<hbm>>, %arg5: memref<9437184xf32, #tpu.memory_space<hbm>>, %arg6: memref<288x96xi32, #tpu.memory_space<vmem>>, %arg7: memref<36864xf32, #tpu.memory_space<vmem>>, %arg8: memref<2x96x128xf32, #tpu.memory_space<vmem>>, %arg9: memref<2048xf32, #tpu.memory_space<vmem>>, %arg10: memref<!tpu.dma_semaphore, #tpu.memory_space<semaphore_mem>>, %arg11: memref<!tpu.dma_semaphore, #tpu.memory_space<semaphore_mem>>, %arg12: memref<!tpu.dma_semaphore, #tpu.memory_space<semaphore_mem>>) attributes {dimension_semantics = [#tpu.dimension_semantics<core_parallel>, #tpu.dimension_semantics<subcore_parallel>], iteration_bounds = array<i64: 2, 16>, scalar_prefetch = 0 : i64, scratch_operands = 7 : i64, tpu.core_type = #tpu.core_type<sc_vector_subcore>, window_params = [{transform_indices = #map}, {transform_indices = #map1}, {transform_indices = #map}, {transform_indices = #map2}]} {
    %mul3A = arith.constant 2 : i32
    %mul3A_0 = arith.muli %arg1, %mul3A : i32
    %add3A = arith.addi %mul3A_0, %arg0 : i32
    "tpu.region"() ({
      %run_scoped3A = tpu.sem_alloc : memref<!tpu.dma_semaphore, #tpu.memory_space<semaphore_mem>>
      %dma_start3A_58 = arith.constant 0 : i32
      %dma_start3A_59 = arith.constant 0 : i32
      %dma_start3A_60 = tpu.memref_slice %arg3[%add3A, %dma_start3A_58, %dma_start3A_59] : memref<32x288x96xi32, #tpu.memory_space<hbm>> -> memref<1x288x96xi32, #tpu.memory_space<hbm>>
      %dma_start3A_61 = tpu.memref_squeeze %dma_start3A_60 : memref<1x288x96xi32, #tpu.memory_space<hbm>> -> memref<288x96xi32, #tpu.memory_space<hbm>>
      %dma_start3A_62 = arith.constant 0 : i32
      %dma_start3A_63 = arith.constant 0 : i32
      %dma_start3A_64 = tpu.memref_slice %arg3[%add3A, %dma_start3A_62, %dma_start3A_63] : memref<32x288x96xi32, #tpu.memory_space<hbm>> -> memref<1x288x96xi32, #tpu.memory_space<hbm>>
      %dma_start3A_65 = tpu.memref_squeeze %dma_start3A_64 : memref<1x288x96xi32, #tpu.memory_space<hbm>> -> memref<288x96xi32, #tpu.memory_space<hbm>>
      tpu.enqueue_dma source(%dma_start3A_65 : memref<288x96xi32, #tpu.memory_space<hbm>>) target(%arg6 : memref<288x96xi32, #tpu.memory_space<vmem>>) target_semaphore(%run_scoped3A : memref<!tpu.dma_semaphore, #tpu.memory_space<semaphore_mem>>)
      %dma_wait3A_66 = arith.constant 0 : i32
      %dma_wait3A_67 = arith.constant 0 : i32
      %dma_wait3A_68 = tpu.memref_slice %arg3[%add3A, %dma_wait3A_66, %dma_wait3A_67] : memref<32x288x96xi32, #tpu.memory_space<hbm>> -> memref<1x288x96xi32, #tpu.memory_space<hbm>>
      %dma_wait3A_69 = tpu.memref_squeeze %dma_wait3A_68 : memref<1x288x96xi32, #tpu.memory_space<hbm>> -> memref<288x96xi32, #tpu.memory_space<hbm>>
      %dma_wait3A_70 = arith.constant 0 : i32
      %dma_wait3A_71 = arith.constant 0 : i32
      %dma_wait3A_72 = tpu.memref_slice %arg3[%add3A, %dma_wait3A_70, %dma_wait3A_71] : memref<32x288x96xi32, #tpu.memory_space<hbm>> -> memref<1x288x96xi32, #tpu.memory_space<hbm>>
      %dma_wait3A_73 = tpu.memref_squeeze %dma_wait3A_72 : memref<1x288x96xi32, #tpu.memory_space<hbm>> -> memref<288x96xi32, #tpu.memory_space<hbm>>
      tpu.wait_dma2 semaphore(%run_scoped3A : memref<!tpu.dma_semaphore, #tpu.memory_space<semaphore_mem>>) src(%dma_wait3A_73 : memref<288x96xi32, #tpu.memory_space<hbm>>) dst(%arg6 : memref<288x96xi32, #tpu.memory_space<vmem>>)
      tpu.yield
    }) : () -> ()
    "tpu.region"() ({
      %run_scoped3A = tpu.sem_alloc : memref<!tpu.dma_semaphore, #tpu.memory_space<semaphore_mem>>
      %dma_start3A_58 = arith.constant 0 : i32
      %dma_start3A_59 = tpu.memref_slice %arg4[%add3A, %dma_start3A_58] : memref<32x36864xf32, #tpu.memory_space<hbm>> -> memref<1x36864xf32, #tpu.memory_space<hbm>>
      %dma_start3A_60 = tpu.memref_squeeze %dma_start3A_59 : memref<1x36864xf32, #tpu.memory_space<hbm>> -> memref<36864xf32, #tpu.memory_space<hbm>>
      %dma_start3A_61 = arith.constant 0 : i32
      %dma_start3A_62 = tpu.memref_slice %arg4[%add3A, %dma_start3A_61] : memref<32x36864xf32, #tpu.memory_space<hbm>> -> memref<1x36864xf32, #tpu.memory_space<hbm>>
      %dma_start3A_63 = tpu.memref_squeeze %dma_start3A_62 : memref<1x36864xf32, #tpu.memory_space<hbm>> -> memref<36864xf32, #tpu.memory_space<hbm>>
      tpu.enqueue_dma source(%dma_start3A_63 : memref<36864xf32, #tpu.memory_space<hbm>>) target(%arg7 : memref<36864xf32, #tpu.memory_space<vmem>>) target_semaphore(%run_scoped3A : memref<!tpu.dma_semaphore, #tpu.memory_space<semaphore_mem>>)
      %dma_wait3A_64 = arith.constant 0 : i32
      %dma_wait3A_65 = tpu.memref_slice %arg4[%add3A, %dma_wait3A_64] : memref<32x36864xf32, #tpu.memory_space<hbm>> -> memref<1x36864xf32, #tpu.memory_space<hbm>>
      %dma_wait3A_66 = tpu.memref_squeeze %dma_wait3A_65 : memref<1x36864xf32, #tpu.memory_space<hbm>> -> memref<36864xf32, #tpu.memory_space<hbm>>
      %dma_wait3A_67 = arith.constant 0 : i32
      %dma_wait3A_68 = tpu.memref_slice %arg4[%add3A, %dma_wait3A_67] : memref<32x36864xf32, #tpu.memory_space<hbm>> -> memref<1x36864xf32, #tpu.memory_space<hbm>>
      %dma_wait3A_69 = tpu.memref_squeeze %dma_wait3A_68 : memref<1x36864xf32, #tpu.memory_space<hbm>> -> memref<36864xf32, #tpu.memory_space<hbm>>
      tpu.wait_dma2 semaphore(%run_scoped3A : memref<!tpu.dma_semaphore, #tpu.memory_space<semaphore_mem>>) src(%dma_wait3A_69 : memref<36864xf32, #tpu.memory_space<hbm>>) dst(%arg7 : memref<36864xf32, #tpu.memory_space<vmem>>)
      tpu.yield
    }) : () -> ()
    %mul3A_1 = arith.constant 2304 : i32
    %mul3A_2 = arith.muli %add3A, %mul3A_1 : i32
    %dma_start3A = arith.constant 0 : i32
    %dma_start3A_3 = arith.constant 0 : i32
    %dma_start3A_4 = arith.constant 0 : i32
    %dma_start3A_5 = arith.constant 0 : i32
    %dma_start3A_6 = tpu.memref_slice %arg8[%dma_start3A_3, %dma_start3A_4, %dma_start3A_5] : memref<2x96x128xf32, #tpu.memory_space<vmem>> -> memref<1x48x128xf32, #tpu.memory_space<vmem>>
    %dma_start3A_7 = tpu.memref_squeeze %dma_start3A_6 : memref<1x48x128xf32, #tpu.memory_space<vmem>> -> memref<48x128xf32, #tpu.memory_space<vmem>>
    %dma_start3A_8 = arith.constant 0 : i32
    %dma_start3A_9 = tpu.memref_slice %arg6[%dma_start3A, %dma_start3A_8] : memref<288x96xi32, #tpu.memory_space<vmem>> -> memref<1x48xi32, #tpu.memory_space<vmem>>
    %dma_start3A_10 = tpu.memref_squeeze %dma_start3A_9 : memref<1x48xi32, #tpu.memory_space<vmem>> -> memref<48xi32, #tpu.memory_space<vmem>>
    %dma_start3A_11 = arith.constant 0 : i32
    %dma_start3A_12 = arith.constant 0 : i32
    %dma_start3A_13 = tpu.memref_slice %arg2[%dma_start3A_11, %dma_start3A_12] : memref<387072x128xf32, #tpu.memory_space<hbm>> -> memref<387072x128xf32, #tpu.memory_space<hbm>>
    tpu.enqueue_indirect_dma source(%dma_start3A_13 : memref<387072x128xf32, #tpu.memory_space<hbm>>) target(%dma_start3A_7 : memref<48x128xf32, #tpu.memory_space<vmem>>) offsets(%dma_start3A_10 : memref<48xi32, #tpu.memory_space<vmem>>) semaphore(%arg10 : memref<!tpu.dma_semaphore, #tpu.memory_space<semaphore_mem>>)
    %dma_start3A_14 = arith.constant 0 : i32
    %dma_start3A_15 = arith.constant 0 : i32
    %dma_start3A_16 = arith.constant 48 : i32
    %dma_start3A_17 = arith.constant 0 : i32
    %dma_start3A_18 = tpu.memref_slice %arg8[%dma_start3A_15, %dma_start3A_16, %dma_start3A_17] : memref<2x96x128xf32, #tpu.memory_space<vmem>> -> memref<1x48x128xf32, #tpu.memory_space<vmem>>
    %dma_start3A_19 = tpu.memref_squeeze %dma_start3A_18 : memref<1x48x128xf32, #tpu.memory_space<vmem>> -> memref<48x128xf32, #tpu.memory_space<vmem>>
    %dma_start3A_20 = arith.constant 48 : i32
    %dma_start3A_21 = tpu.memref_slice %arg6[%dma_start3A_14, %dma_start3A_20] : memref<288x96xi32, #tpu.memory_space<vmem>> -> memref<1x48xi32, #tpu.memory_space<vmem>>
    %dma_start3A_22 = tpu.memref_squeeze %dma_start3A_21 : memref<1x48xi32, #tpu.memory_space<vmem>> -> memref<48xi32, #tpu.memory_space<vmem>>
    %dma_start3A_23 = arith.constant 0 : i32
    %dma_start3A_24 = arith.constant 0 : i32
    %dma_start3A_25 = tpu.memref_slice %arg2[%dma_start3A_23, %dma_start3A_24] : memref<387072x128xf32, #tpu.memory_space<hbm>> -> memref<387072x128xf32, #tpu.memory_space<hbm>>
    tpu.enqueue_indirect_dma source(%dma_start3A_25 : memref<387072x128xf32, #tpu.memory_space<hbm>>) target(%dma_start3A_19 : memref<48x128xf32, #tpu.memory_space<vmem>>) offsets(%dma_start3A_22 : memref<48xi32, #tpu.memory_space<vmem>>) semaphore(%arg10 : memref<!tpu.dma_semaphore, #tpu.memory_space<semaphore_mem>>)
    %dma_start3A_26 = arith.constant 1 : i32
    %dma_start3A_27 = arith.constant 1 : i32
    %dma_start3A_28 = arith.constant 0 : i32
    %dma_start3A_29 = arith.constant 0 : i32
    %dma_start3A_30 = tpu.memref_slice %arg8[%dma_start3A_27, %dma_start3A_28, %dma_start3A_29] : memref<2x96x128xf32, #tpu.memory_space<vmem>> -> memref<1x48x128xf32, #tpu.memory_space<vmem>>
    %dma_start3A_31 = tpu.memref_squeeze %dma_start3A_30 : memref<1x48x128xf32, #tpu.memory_space<vmem>> -> memref<48x128xf32, #tpu.memory_space<vmem>>
    %dma_start3A_32 = arith.constant 0 : i32
    %dma_start3A_33 = tpu.memref_slice %arg6[%dma_start3A_26, %dma_start3A_32] : memref<288x96xi32, #tpu.memory_space<vmem>> -> memref<1x48xi32, #tpu.memory_space<vmem>>
    %dma_start3A_34 = tpu.memref_squeeze %dma_start3A_33 : memref<1x48xi32, #tpu.memory_space<vmem>> -> memref<48xi32, #tpu.memory_space<vmem>>
    %dma_start3A_35 = arith.constant 0 : i32
    %dma_start3A_36 = arith.constant 0 : i32
    %dma_start3A_37 = tpu.memref_slice %arg2[%dma_start3A_35, %dma_start3A_36] : memref<387072x128xf32, #tpu.memory_space<hbm>> -> memref<387072x128xf32, #tpu.memory_space<hbm>>
    tpu.enqueue_indirect_dma source(%dma_start3A_37 : memref<387072x128xf32, #tpu.memory_space<hbm>>) target(%dma_start3A_31 : memref<48x128xf32, #tpu.memory_space<vmem>>) offsets(%dma_start3A_34 : memref<48xi32, #tpu.memory_space<vmem>>) semaphore(%arg11 : memref<!tpu.dma_semaphore, #tpu.memory_space<semaphore_mem>>)
    %dma_start3A_38 = arith.constant 1 : i32
    %dma_start3A_39 = arith.constant 1 : i32
    %dma_start3A_40 = arith.constant 48 : i32
    %dma_start3A_41 = arith.constant 0 : i32
    %dma_start3A_42 = tpu.memref_slice %arg8[%dma_start3A_39, %dma_start3A_40, %dma_start3A_41] : memref<2x96x128xf32, #tpu.memory_space<vmem>> -> memref<1x48x128xf32, #tpu.memory_space<vmem>>
    %dma_start3A_43 = tpu.memref_squeeze %dma_start3A_42 : memref<1x48x128xf32, #tpu.memory_space<vmem>> -> memref<48x128xf32, #tpu.memory_space<vmem>>
    %dma_start3A_44 = arith.constant 48 : i32
    %dma_start3A_45 = tpu.memref_slice %arg6[%dma_start3A_38, %dma_start3A_44] : memref<288x96xi32, #tpu.memory_space<vmem>> -> memref<1x48xi32, #tpu.memory_space<vmem>>
    %dma_start3A_46 = tpu.memref_squeeze %dma_start3A_45 : memref<1x48xi32, #tpu.memory_space<vmem>> -> memref<48xi32, #tpu.memory_space<vmem>>
    %dma_start3A_47 = arith.constant 0 : i32
    %dma_start3A_48 = arith.constant 0 : i32
    %dma_start3A_49 = tpu.memref_slice %arg2[%dma_start3A_47, %dma_start3A_48] : memref<387072x128xf32, #tpu.memory_space<hbm>> -> memref<387072x128xf32, #tpu.memory_space<hbm>>
    tpu.enqueue_indirect_dma source(%dma_start3A_49 : memref<387072x128xf32, #tpu.memory_space<hbm>>) target(%dma_start3A_43 : memref<48x128xf32, #tpu.memory_space<vmem>>) offsets(%dma_start3A_46 : memref<48xi32, #tpu.memory_space<vmem>>) semaphore(%arg11 : memref<!tpu.dma_semaphore, #tpu.memory_space<semaphore_mem>>)
    %scan3A = arith.constant 0 : i32
    %scan3A_50 = arith.constant 0 : i32
    %scan3A_51 = arith.constant 144 : i32
    %scan3A_52 = arith.addi %scan3A_50, %scan3A_51 : i32
    %scan3A_53 = arith.constant 1 : i32
    scf.for %scan3A_58 = %scan3A_50 to %scan3A_52 step %scan3A_53  : i32 {
      %ge3A = arith.constant 1 : i32
      %ge3A_59 = arith.cmpi sge, %scan3A_58, %ge3A : i32
      %convert_element_type3A = arith.extui %ge3A_59 : i1 to i32
      %cond3A = arith.constant 0 : i32
      %cond3A_60 = arith.cmpi ne, %convert_element_type3A, %cond3A : i32
      scf.if %cond3A_60 {
        %dma_wait3A_138 = arith.constant 0 : i32
        %dma_wait3A_139 = tpu.memref_slice %arg5[%dma_wait3A_138] : memref<9437184xf32, #tpu.memory_space<hbm>> -> memref<2048xf32, #tpu.memory_space<hbm>>
        %dma_wait3A_140 = arith.constant 0 : i32
        %dma_wait3A_141 = tpu.memref_slice %arg5[%dma_wait3A_140] : memref<9437184xf32, #tpu.memory_space<hbm>> -> memref<2048xf32, #tpu.memory_space<hbm>>
        tpu.wait_dma2 semaphore(%arg12 : memref<!tpu.dma_semaphore, #tpu.memory_space<semaphore_mem>>) src(%arg9 : memref<2048xf32, #tpu.memory_space<vmem>>) dst(%dma_wait3A_141 : memref<2048xf32, #tpu.memory_space<hbm>>)
      } else {
      }
      %mul3A_61 = arith.constant 2 : i32
      %mul3A_62 = arith.muli %scan3A_58, %mul3A_61 : i32
      %add3A_63 = arith.constant 0 : i32
      %add3A_64 = arith.addi %mul3A_62, %add3A_63 : i32
      %dma_wait3A_65 = arith.constant 0 : i32
      %dma_wait3A_66 = arith.constant 0 : i32
      %dma_wait3A_67 = arith.constant 0 : i32
      %dma_wait3A_68 = arith.constant 0 : i32
      %dma_wait3A_69 = tpu.memref_slice %arg8[%dma_wait3A_66, %dma_wait3A_67, %dma_wait3A_68] : memref<2x96x128xf32, #tpu.memory_space<vmem>> -> memref<1x48x128xf32, #tpu.memory_space<vmem>>
      %dma_wait3A_70 = tpu.memref_squeeze %dma_wait3A_69 : memref<1x48x128xf32, #tpu.memory_space<vmem>> -> memref<48x128xf32, #tpu.memory_space<vmem>>
      %dma_wait3A_71 = arith.constant 0 : i32
      %dma_wait3A_72 = tpu.memref_slice %arg6[%dma_wait3A_65, %dma_wait3A_71] : memref<288x96xi32, #tpu.memory_space<vmem>> -> memref<1x48xi32, #tpu.memory_space<vmem>>
      %dma_wait3A_73 = tpu.memref_squeeze %dma_wait3A_72 : memref<1x48xi32, #tpu.memory_space<vmem>> -> memref<48xi32, #tpu.memory_space<vmem>>
      %dma_wait3A_74 = arith.constant 0 : i32
      %dma_wait3A_75 = arith.constant 0 : i32
      %dma_wait3A_76 = tpu.memref_slice %arg2[%dma_wait3A_74, %dma_wait3A_75] : memref<387072x128xf32, #tpu.memory_space<hbm>> -> memref<387072x128xf32, #tpu.memory_space<hbm>>
      tpu.wait_indirect_dma semaphore(%arg10 : memref<!tpu.dma_semaphore, #tpu.memory_space<semaphore_mem>>) src(%dma_wait3A_76 : memref<387072x128xf32, #tpu.memory_space<hbm>>) dst(%dma_wait3A_70 : memref<48x128xf32, #tpu.memory_space<vmem>>)
      %dma_wait3A_77 = arith.constant 0 : i32
      %dma_wait3A_78 = arith.constant 0 : i32
      %dma_wait3A_79 = arith.constant 48 : i32
      %dma_wait3A_80 = arith.constant 0 : i32
      %dma_wait3A_81 = tpu.memref_slice %arg8[%dma_wait3A_78, %dma_wait3A_79, %dma_wait3A_80] : memref<2x96x128xf32, #tpu.memory_space<vmem>> -> memref<1x48x128xf32, #tpu.memory_space<vmem>>
      %dma_wait3A_82 = tpu.memref_squeeze %dma_wait3A_81 : memref<1x48x128xf32, #tpu.memory_space<vmem>> -> memref<48x128xf32, #tpu.memory_space<vmem>>
      %dma_wait3A_83 = arith.constant 0 : i32
      %dma_wait3A_84 = tpu.memref_slice %arg6[%dma_wait3A_77, %dma_wait3A_83] : memref<288x96xi32, #tpu.memory_space<vmem>> -> memref<1x48xi32, #tpu.memory_space<vmem>>
      %dma_wait3A_85 = tpu.memref_squeeze %dma_wait3A_84 : memref<1x48xi32, #tpu.memory_space<vmem>> -> memref<48xi32, #tpu.memory_space<vmem>>
      %dma_wait3A_86 = arith.constant 0 : i32
      %dma_wait3A_87 = arith.constant 0 : i32
      %dma_wait3A_88 = tpu.memref_slice %arg2[%dma_wait3A_86, %dma_wait3A_87] : memref<387072x128xf32, #tpu.memory_space<hbm>> -> memref<387072x128xf32, #tpu.memory_space<hbm>>
      tpu.wait_indirect_dma semaphore(%arg10 : memref<!tpu.dma_semaphore, #tpu.memory_space<semaphore_mem>>) src(%dma_wait3A_88 : memref<387072x128xf32, #tpu.memory_space<hbm>>) dst(%dma_wait3A_82 : memref<48x128xf32, #tpu.memory_space<vmem>>)
      %parallel_loop3A = arith.constant 0 : i32
      %parallel_loop3A_89 = arith.constant 8 : i32
      %parallel_loop3A_90 = arith.constant 1 : i32
      scf.for %parallel_loop3A_138 = %parallel_loop3A to %parallel_loop3A_89 step %parallel_loop3A_90  : i32 {
        %parallel_loop3A_139 = arith.constant 8 : i32
        %parallel_loop3A_140 = arith.muli %add3A_64, %parallel_loop3A_139 : i32
        %parallel_loop3A_141 = arith.addi %parallel_loop3A_140, %parallel_loop3A_138 : i32
        %parallel_loop3A_142 = arith.constant 16 : i32
        %parallel_loop3A_143 = arith.muli %parallel_loop3A_141, %parallel_loop3A_142 : i32
        %parallel_loop3A_144 = arith.index_cast %parallel_loop3A_143 : i32 to index
        %parallel_loop3A_145 = tpu.vector_load %arg7[%parallel_loop3A_144] {strides = array<i32>} : memref<36864xf32, #tpu.memory_space<vmem>>, vector<16xf32>,
        %parallel_loop3A_146 = vector.shape_cast %parallel_loop3A_145 : vector<16xf32> to vector<16xf32>
        %parallel_loop3A_147 = vector.extract_strided_slice %parallel_loop3A_146 {offsets = [0], sizes = [1], strides = [1]} : vector<16xf32> to vector<1xf32>
        %parallel_loop3A_148 = vector.extract %parallel_loop3A_147[0] : f32 from vector<1xf32>
        %parallel_loop3A_149 = vector.extract_strided_slice %parallel_loop3A_146 {offsets = [1], sizes = [1], strides = [1]} : vector<16xf32> to vector<1xf32>
        %parallel_loop3A_150 = vector.extract %parallel_loop3A_149[0] : f32 from vector<1xf32>
        %parallel_loop3A_151 = vector.extract_strided_slice %parallel_loop3A_146 {offsets = [2], sizes = [1], strides = [1]} : vector<16xf32> to vector<1xf32>
        %parallel_loop3A_152 = vector.extract %parallel_loop3A_151[0] : f32 from vector<1xf32>
        %parallel_loop3A_153 = vector.extract_strided_slice %parallel_loop3A_146 {offsets = [3], sizes = [1], strides = [1]} : vector<16xf32> to vector<1xf32>
        %parallel_loop3A_154 = vector.extract %parallel_loop3A_153[0] : f32 from vector<1xf32>
        %parallel_loop3A_155 = vector.extract_strided_slice %parallel_loop3A_146 {offsets = [4], sizes = [1], strides = [1]} : vector<16xf32> to vector<1xf32>
        %parallel_loop3A_156 = vector.extract %parallel_loop3A_155[0] : f32 from vector<1xf32>
        %parallel_loop3A_157 = vector.extract_strided_slice %parallel_loop3A_146 {offsets = [5], sizes = [1], strides = [1]} : vector<16xf32> to vector<1xf32>
        %parallel_loop3A_158 = vector.extract %parallel_loop3A_157[0] : f32 from vector<1xf32>
        %parallel_loop3A_159 = vector.extract_strided_slice %parallel_loop3A_146 {offsets = [6], sizes = [1], strides = [1]} : vector<16xf32> to vector<1xf32>
        %parallel_loop3A_160 = vector.extract %parallel_loop3A_159[0] : f32 from vector<1xf32>
        %parallel_loop3A_161 = vector.extract_strided_slice %parallel_loop3A_146 {offsets = [7], sizes = [1], strides = [1]} : vector<16xf32> to vector<1xf32>
        %parallel_loop3A_162 = vector.extract %parallel_loop3A_161[0] : f32 from vector<1xf32>
        %parallel_loop3A_163 = vector.extract_strided_slice %parallel_loop3A_146 {offsets = [8], sizes = [1], strides = [1]} : vector<16xf32> to vector<1xf32>
        %parallel_loop3A_164 = vector.extract %parallel_loop3A_163[0] : f32 from vector<1xf32>
        %parallel_loop3A_165 = vector.extract_strided_slice %parallel_loop3A_146 {offsets = [9], sizes = [1], strides = [1]} : vector<16xf32> to vector<1xf32>
        %parallel_loop3A_166 = vector.extract %parallel_loop3A_165[0] : f32 from vector<1xf32>
        %parallel_loop3A_167 = vector.extract_strided_slice %parallel_loop3A_146 {offsets = [10], sizes = [1], strides = [1]} : vector<16xf32> to vector<1xf32>
        %parallel_loop3A_168 = vector.extract %parallel_loop3A_167[0] : f32 from vector<1xf32>
        %parallel_loop3A_169 = vector.extract_strided_slice %parallel_loop3A_146 {offsets = [11], sizes = [1], strides = [1]} : vector<16xf32> to vector<1xf32>
        %parallel_loop3A_170 = vector.extract %parallel_loop3A_169[0] : f32 from vector<1xf32>
        %parallel_loop3A_171 = arith.constant 12 : i32
        %parallel_loop3A_172 = arith.muli %parallel_loop3A_138, %parallel_loop3A_171 : i32
        %parallel_loop3A_173 = arith.constant 128 : i32
        %parallel_loop3A_174 = arith.muli %parallel_loop3A_172, %parallel_loop3A_173 : i32
        %parallel_loop3A_175 = arith.constant 0 : i32
        %parallel_loop3A_176 = arith.addi %parallel_loop3A_174, %parallel_loop3A_175 : i32
        %parallel_loop3A_177 = arith.constant 0 : i32
        %parallel_loop3A_178 = tpu.memref_reshape %arg8 : memref<2x96x128xf32, #tpu.memory_space<vmem>> -> memref<2x12288xf32, #tpu.memory_space<vmem>>
        %parallel_loop3A_179 = arith.index_cast %parallel_loop3A_177 : i32 to index
        %parallel_loop3A_180 = arith.index_cast %parallel_loop3A_176 : i32 to index
        %parallel_loop3A_181 = tpu.vector_load %parallel_loop3A_178[%parallel_loop3A_179, %parallel_loop3A_180] {strides = array<i32>} : memref<2x12288xf32, #tpu.memory_space<vmem>>, vector<1x16xf32>,
        %parallel_loop3A_182 = vector.shape_cast %parallel_loop3A_181 : vector<1x16xf32> to vector<16xf32>
        %parallel_loop3A_183 = vector.broadcast %parallel_loop3A_148 : f32 to vector<16xf32>
        %parallel_loop3A_184 = arith.mulf %parallel_loop3A_183, %parallel_loop3A_182 : vector<16xf32>
        %parallel_loop3A_185 = arith.constant 128 : i32
        %parallel_loop3A_186 = arith.addi %parallel_loop3A_174, %parallel_loop3A_185 : i32
        %parallel_loop3A_187 = arith.constant 0 : i32
        %parallel_loop3A_188 = arith.addi %parallel_loop3A_186, %parallel_loop3A_187 : i32
        %parallel_loop3A_189 = arith.constant 0 : i32
        %parallel_loop3A_190 = tpu.memref_reshape %arg8 : memref<2x96x128xf32, #tpu.memory_space<vmem>> -> memref<2x12288xf32, #tpu.memory_space<vmem>>
        %parallel_loop3A_191 = arith.index_cast %parallel_loop3A_189 : i32 to index
        %parallel_loop3A_192 = arith.index_cast %parallel_loop3A_188 : i32 to index
        %parallel_loop3A_193 = tpu.vector_load %parallel_loop3A_190[%parallel_loop3A_191, %parallel_loop3A_192] {strides = array<i32>} : memref<2x12288xf32, #tpu.memory_space<vmem>>, vector<1x16xf32>,
        %parallel_loop3A_194 = vector.shape_cast %parallel_loop3A_193 : vector<1x16xf32> to vector<16xf32>
        %parallel_loop3A_195 = vector.broadcast %parallel_loop3A_150 : f32 to vector<16xf32>
        %parallel_loop3A_196 = arith.mulf %parallel_loop3A_195, %parallel_loop3A_194 : vector<16xf32>
        %parallel_loop3A_197 = arith.addf %parallel_loop3A_184, %parallel_loop3A_196 : vector<16xf32>
        %parallel_loop3A_198 = arith.constant 256 : i32
        %parallel_loop3A_199 = arith.addi %parallel_loop3A_174, %parallel_loop3A_198 : i32
        %parallel_loop3A_200 = arith.constant 0 : i32
        %parallel_loop3A_201 = arith.addi %parallel_loop3A_199, %parallel_loop3A_200 : i32
        %parallel_loop3A_202 = arith.constant 0 : i32
        %parallel_loop3A_203 = tpu.memref_reshape %arg8 : memref<2x96x128xf32, #tpu.memory_space<vmem>> -> memref<2x12288xf32, #tpu.memory_space<vmem>>
        %parallel_loop3A_204 = arith.index_cast %parallel_loop3A_202 : i32 to index
        %parallel_loop3A_205 = arith.index_cast %parallel_loop3A_201 : i32 to index
        %parallel_loop3A_206 = tpu.vector_load %parallel_loop3A_203[%parallel_loop3A_204, %parallel_loop3A_205] {strides = array<i32>} : memref<2x12288xf32, #tpu.memory_space<vmem>>, vector<1x16xf32>,
        %parallel_loop3A_207 = vector.shape_cast %parallel_loop3A_206 : vector<1x16xf32> to vector<16xf32>
        %parallel_loop3A_208 = vector.broadcast %parallel_loop3A_152 : f32 to vector<16xf32>
        %parallel_loop3A_209 = arith.mulf %parallel_loop3A_208, %parallel_loop3A_207 : vector<16xf32>
        %parallel_loop3A_210 = arith.addf %parallel_loop3A_197, %parallel_loop3A_209 : vector<16xf32>
        %parallel_loop3A_211 = arith.constant 384 : i32
        %parallel_loop3A_212 = arith.addi %parallel_loop3A_174, %parallel_loop3A_211 : i32
        %parallel_loop3A_213 = arith.constant 0 : i32
        %parallel_loop3A_214 = arith.addi %parallel_loop3A_212, %parallel_loop3A_213 : i32
        %parallel_loop3A_215 = arith.constant 0 : i32
        %parallel_loop3A_216 = tpu.memref_reshape %arg8 : memref<2x96x128xf32, #tpu.memory_space<vmem>> -> memref<2x12288xf32, #tpu.memory_space<vmem>>
        %parallel_loop3A_217 = arith.index_cast %parallel_loop3A_215 : i32 to index
        %parallel_loop3A_218 = arith.index_cast %parallel_loop3A_214 : i32 to index
        %parallel_loop3A_219 = tpu.vector_load %parallel_loop3A_216[%parallel_loop3A_217, %parallel_loop3A_218] {strides = array<i32>} : memref<2x12288xf32, #tpu.memory_space<vmem>>, vector<1x16xf32>,
        %parallel_loop3A_220 = vector.shape_cast %parallel_loop3A_219 : vector<1x16xf32> to vector<16xf32>
        %parallel_loop3A_221 = vector.broadcast %parallel_loop3A_154 : f32 to vector<16xf32>
        %parallel_loop3A_222 = arith.mulf %parallel_loop3A_221, %parallel_loop3A_220 : vector<16xf32>
        %parallel_loop3A_223 = arith.addf %parallel_loop3A_210, %parallel_loop3A_222 : vector<16xf32>
        %parallel_loop3A_224 = arith.constant 512 : i32
        %parallel_loop3A_225 = arith.addi %parallel_loop3A_174, %parallel_loop3A_224 : i32
        %parallel_loop3A_226 = arith.constant 0 : i32
        %parallel_loop3A_227 = arith.addi %parallel_loop3A_225, %parallel_loop3A_226 : i32
        %parallel_loop3A_228 = arith.constant 0 : i32
        %parallel_loop3A_229 = tpu.memref_reshape %arg8 : memref<2x96x128xf32, #tpu.memory_space<vmem>> -> memref<2x12288xf32, #tpu.memory_space<vmem>>
        %parallel_loop3A_230 = arith.index_cast %parallel_loop3A_228 : i32 to index
        %parallel_loop3A_231 = arith.index_cast %parallel_loop3A_227 : i32 to index
        %parallel_loop3A_232 = tpu.vector_load %parallel_loop3A_229[%parallel_loop3A_230, %parallel_loop3A_231] {strides = array<i32>} : memref<2x12288xf32, #tpu.memory_space<vmem>>, vector<1x16xf32>,
        %parallel_loop3A_233 = vector.shape_cast %parallel_loop3A_232 : vector<1x16xf32> to vector<16xf32>
        %parallel_loop3A_234 = vector.broadcast %parallel_loop3A_156 : f32 to vector<16xf32>
        %parallel_loop3A_235 = arith.mulf %parallel_loop3A_234, %parallel_loop3A_233 : vector<16xf32>
        %parallel_loop3A_236 = arith.addf %parallel_loop3A_223, %parallel_loop3A_235 : vector<16xf32>
        %parallel_loop3A_237 = arith.constant 640 : i32
        %parallel_loop3A_238 = arith.addi %parallel_loop3A_174, %parallel_loop3A_237 : i32
        %parallel_loop3A_239 = arith.constant 0 : i32
        %parallel_loop3A_240 = arith.addi %parallel_loop3A_238, %parallel_loop3A_239 : i32
        %parallel_loop3A_241 = arith.constant 0 : i32
        %parallel_loop3A_242 = tpu.memref_reshape %arg8 : memref<2x96x128xf32, #tpu.memory_space<vmem>> -> memref<2x12288xf32, #tpu.memory_space<vmem>>
        %parallel_loop3A_243 = arith.index_cast %parallel_loop3A_241 : i32 to index
        %parallel_loop3A_244 = arith.index_cast %parallel_loop3A_240 : i32 to index
        %parallel_loop3A_245 = tpu.vector_load %parallel_loop3A_242[%parallel_loop3A_243, %parallel_loop3A_244] {strides = array<i32>} : memref<2x12288xf32, #tpu.memory_space<vmem>>, vector<1x16xf32>,
        %parallel_loop3A_246 = vector.shape_cast %parallel_loop3A_245 : vector<1x16xf32> to vector<16xf32>
        %parallel_loop3A_247 = vector.broadcast %parallel_loop3A_158 : f32 to vector<16xf32>
        %parallel_loop3A_248 = arith.mulf %parallel_loop3A_247, %parallel_loop3A_246 : vector<16xf32>
        %parallel_loop3A_249 = arith.addf %parallel_loop3A_236, %parallel_loop3A_248 : vector<16xf32>
        %parallel_loop3A_250 = arith.constant 768 : i32
        %parallel_loop3A_251 = arith.addi %parallel_loop3A_174, %parallel_loop3A_250 : i32
        %parallel_loop3A_252 = arith.constant 0 : i32
        %parallel_loop3A_253 = arith.addi %parallel_loop3A_251, %parallel_loop3A_252 : i32
        %parallel_loop3A_254 = arith.constant 0 : i32
        %parallel_loop3A_255 = tpu.memref_reshape %arg8 : memref<2x96x128xf32, #tpu.memory_space<vmem>> -> memref<2x12288xf32, #tpu.memory_space<vmem>>
        %parallel_loop3A_256 = arith.index_cast %parallel_loop3A_254 : i32 to index
        %parallel_loop3A_257 = arith.index_cast %parallel_loop3A_253 : i32 to index
        %parallel_loop3A_258 = tpu.vector_load %parallel_loop3A_255[%parallel_loop3A_256, %parallel_loop3A_257] {strides = array<i32>} : memref<2x12288xf32, #tpu.memory_space<vmem>>, vector<1x16xf32>,
        %parallel_loop3A_259 = vector.shape_cast %parallel_loop3A_258 : vector<1x16xf32> to vector<16xf32>
        %parallel_loop3A_260 = vector.broadcast %parallel_loop3A_160 : f32 to vector<16xf32>
        %parallel_loop3A_261 = arith.mulf %parallel_loop3A_260, %parallel_loop3A_259 : vector<16xf32>
        %parallel_loop3A_262 = arith.addf %parallel_loop3A_249, %parallel_loop3A_261 : vector<16xf32>
        %parallel_loop3A_263 = arith.constant 896 : i32
        %parallel_loop3A_264 = arith.addi %parallel_loop3A_174, %parallel_loop3A_263 : i32
        %parallel_loop3A_265 = arith.constant 0 : i32
        %parallel_loop3A_266 = arith.addi %parallel_loop3A_264, %parallel_loop3A_265 : i32
        %parallel_loop3A_267 = arith.constant 0 : i32
        %parallel_loop3A_268 = tpu.memref_reshape %arg8 : memref<2x96x128xf32, #tpu.memory_space<vmem>> -> memref<2x12288xf32, #tpu.memory_space<vmem>>
        %parallel_loop3A_269 = arith.index_cast %parallel_loop3A_267 : i32 to index
        %parallel_loop3A_270 = arith.index_cast %parallel_loop3A_266 : i32 to index
        %parallel_loop3A_271 = tpu.vector_load %parallel_loop3A_268[%parallel_loop3A_269, %parallel_loop3A_270] {strides = array<i32>} : memref<2x12288xf32, #tpu.memory_space<vmem>>, vector<1x16xf32>,
        %parallel_loop3A_272 = vector.shape_cast %parallel_loop3A_271 : vector<1x16xf32> to vector<16xf32>
        %parallel_loop3A_273 = vector.broadcast %parallel_loop3A_162 : f32 to vector<16xf32>
        %parallel_loop3A_274 = arith.mulf %parallel_loop3A_273, %parallel_loop3A_272 : vector<16xf32>
        %parallel_loop3A_275 = arith.addf %parallel_loop3A_262, %parallel_loop3A_274 : vector<16xf32>
        %parallel_loop3A_276 = arith.constant 1024 : i32
        %parallel_loop3A_277 = arith.addi %parallel_loop3A_174, %parallel_loop3A_276 : i32
        %parallel_loop3A_278 = arith.constant 0 : i32
        %parallel_loop3A_279 = arith.addi %parallel_loop3A_277, %parallel_loop3A_278 : i32
        %parallel_loop3A_280 = arith.constant 0 : i32
        %parallel_loop3A_281 = tpu.memref_reshape %arg8 : memref<2x96x128xf32, #tpu.memory_space<vmem>> -> memref<2x12288xf32, #tpu.memory_space<vmem>>
        %parallel_loop3A_282 = arith.index_cast %parallel_loop3A_280 : i32 to index
        %parallel_loop3A_283 = arith.index_cast %parallel_loop3A_279 : i32 to index
        %parallel_loop3A_284 = tpu.vector_load %parallel_loop3A_281[%parallel_loop3A_282, %parallel_loop3A_283] {strides = array<i32>} : memref<2x12288xf32, #tpu.memory_space<vmem>>, vector<1x16xf32>,
        %parallel_loop3A_285 = vector.shape_cast %parallel_loop3A_284 : vector<1x16xf32> to vector<16xf32>
        %parallel_loop3A_286 = vector.broadcast %parallel_loop3A_164 : f32 to vector<16xf32>
        %parallel_loop3A_287 = arith.mulf %parallel_loop3A_286, %parallel_loop3A_285 : vector<16xf32>
        %parallel_loop3A_288 = arith.addf %parallel_loop3A_275, %parallel_loop3A_287 : vector<16xf32>
        %parallel_loop3A_289 = arith.constant 1152 : i32
        %parallel_loop3A_290 = arith.addi %parallel_loop3A_174, %parallel_loop3A_289 : i32
        %parallel_loop3A_291 = arith.constant 0 : i32
        %parallel_loop3A_292 = arith.addi %parallel_loop3A_290, %parallel_loop3A_291 : i32
        %parallel_loop3A_293 = arith.constant 0 : i32
        %parallel_loop3A_294 = tpu.memref_reshape %arg8 : memref<2x96x128xf32, #tpu.memory_space<vmem>> -> memref<2x12288xf32, #tpu.memory_space<vmem>>
        %parallel_loop3A_295 = arith.index_cast %parallel_loop3A_293 : i32 to index
        %parallel_loop3A_296 = arith.index_cast %parallel_loop3A_292 : i32 to index
        %parallel_loop3A_297 = tpu.vector_load %parallel_loop3A_294[%parallel_loop3A_295, %parallel_loop3A_296] {strides = array<i32>} : memref<2x12288xf32, #tpu.memory_space<vmem>>, vector<1x16xf32>,
        %parallel_loop3A_298 = vector.shape_cast %parallel_loop3A_297 : vector<1x16xf32> to vector<16xf32>
        %parallel_loop3A_299 = vector.broadcast %parallel_loop3A_166 : f32 to vector<16xf32>
        %parallel_loop3A_300 = arith.mulf %parallel_loop3A_299, %parallel_loop3A_298 : vector<16xf32>
        %parallel_loop3A_301 = arith.addf %parallel_loop3A_288, %parallel_loop3A_300 : vector<16xf32>
        %parallel_loop3A_302 = arith.constant 1280 : i32
        %parallel_loop3A_303 = arith.addi %parallel_loop3A_174, %parallel_loop3A_302 : i32
        %parallel_loop3A_304 = arith.constant 0 : i32
        %parallel_loop3A_305 = arith.addi %parallel_loop3A_303, %parallel_loop3A_304 : i32
        %parallel_loop3A_306 = arith.constant 0 : i32
        %parallel_loop3A_307 = tpu.memref_reshape %arg8 : memref<2x96x128xf32, #tpu.memory_space<vmem>> -> memref<2x12288xf32, #tpu.memory_space<vmem>>
        %parallel_loop3A_308 = arith.index_cast %parallel_loop3A_306 : i32 to index
        %parallel_loop3A_309 = arith.index_cast %parallel_loop3A_305 : i32 to index
        %parallel_loop3A_310 = tpu.vector_load %parallel_loop3A_307[%parallel_loop3A_308, %parallel_loop3A_309] {strides = array<i32>} : memref<2x12288xf32, #tpu.memory_space<vmem>>, vector<1x16xf32>,
        %parallel_loop3A_311 = vector.shape_cast %parallel_loop3A_310 : vector<1x16xf32> to vector<16xf32>
        %parallel_loop3A_312 = vector.broadcast %parallel_loop3A_168 : f32 to vector<16xf32>
        %parallel_loop3A_313 = arith.mulf %parallel_loop3A_312, %parallel_loop3A_311 : vector<16xf32>
        %parallel_loop3A_314 = arith.addf %parallel_loop3A_301, %parallel_loop3A_313 : vector<16xf32>
        %parallel_loop3A_315 = arith.constant 1408 : i32
        %parallel_loop3A_316 = arith.addi %parallel_loop3A_174, %parallel_loop3A_315 : i32
        %parallel_loop3A_317 = arith.constant 0 : i32
        %parallel_loop3A_318 = arith.addi %parallel_loop3A_316, %parallel_loop3A_317 : i32
        %parallel_loop3A_319 = arith.constant 0 : i32
        %parallel_loop3A_320 = tpu.memref_reshape %arg8 : memref<2x96x128xf32, #tpu.memory_space<vmem>> -> memref<2x12288xf32, #tpu.memory_space<vmem>>
        %parallel_loop3A_321 = arith.index_cast %parallel_loop3A_319 : i32 to index
        %parallel_loop3A_322 = arith.index_cast %parallel_loop3A_318 : i32 to index
        %parallel_loop3A_323 = tpu.vector_load %parallel_loop3A_320[%parallel_loop3A_321, %parallel_loop3A_322] {strides = array<i32>} : memref<2x12288xf32, #tpu.memory_space<vmem>>, vector<1x16xf32>,
        %parallel_loop3A_324 = vector.shape_cast %parallel_loop3A_323 : vector<1x16xf32> to vector<16xf32>
        %parallel_loop3A_325 = vector.broadcast %parallel_loop3A_170 : f32 to vector<16xf32>
        %parallel_loop3A_326 = arith.mulf %parallel_loop3A_325, %parallel_loop3A_324 : vector<16xf32>
        %parallel_loop3A_327 = arith.addf %parallel_loop3A_314, %parallel_loop3A_326 : vector<16xf32>
        %parallel_loop3A_328 = arith.constant 0 : i32
        %parallel_loop3A_329 = arith.addi %parallel_loop3A_328, %parallel_loop3A_138 : i32
        %parallel_loop3A_330 = arith.constant 128 : i32
        %parallel_loop3A_331 = arith.muli %parallel_loop3A_329, %parallel_loop3A_330 : i32
        %parallel_loop3A_332 = arith.constant 0 : i32
        %parallel_loop3A_333 = arith.addi %parallel_loop3A_331, %parallel_loop3A_332 : i32
        %parallel_loop3A_334 = arith.index_cast %parallel_loop3A_333 : i32 to index
        %parallel_loop3A_335 = tpu.vector_load %arg9[%parallel_loop3A_334] {strides = array<i32>} : memref<2048xf32, #tpu.memory_space<vmem>>, vector<16xf32>,
        %parallel_loop3A_336 = vector.shape_cast %parallel_loop3A_335 : vector<16xf32> to vector<16xf32>
        %parallel_loop3A_337 = vector.shape_cast %parallel_loop3A_327 : vector<16xf32> to vector<16xf32>
        tpu.vector_store %arg9[%parallel_loop3A_334], %parallel_loop3A_337 {strides = array<i32>} : memref<2048xf32, #tpu.memory_space<vmem>>, vector<16xf32>,
        %parallel_loop3A_338 = arith.constant 16 : i32
        %parallel_loop3A_339 = arith.addi %parallel_loop3A_174, %parallel_loop3A_338 : i32
        %parallel_loop3A_340 = arith.constant 0 : i32
        %parallel_loop3A_341 = tpu.memref_reshape %arg8 : memref<2x96x128xf32, #tpu.memory_space<vmem>> -> memref<2x12288xf32, #tpu.memory_space<vmem>>
        %parallel_loop3A_342 = arith.index_cast %parallel_loop3A_340 : i32 to index
        %parallel_loop3A_343 = arith.index_cast %parallel_loop3A_339 : i32 to index
        %parallel_loop3A_344 = tpu.vector_load %parallel_loop3A_341[%parallel_loop3A_342, %parallel_loop3A_343] {strides = array<i32>} : memref<2x12288xf32, #tpu.memory_space<vmem>>, vector<1x16xf32>,
        %parallel_loop3A_345 = vector.shape_cast %parallel_loop3A_344 : vector<1x16xf32> to vector<16xf32>
        %parallel_loop3A_346 = vector.broadcast %parallel_loop3A_148 : f32 to vector<16xf32>
        %parallel_loop3A_347 = arith.mulf %parallel_loop3A_346, %parallel_loop3A_345 : vector<16xf32>
        %parallel_loop3A_348 = arith.constant 128 : i32
        %parallel_loop3A_349 = arith.addi %parallel_loop3A_174, %parallel_loop3A_348 : i32
        %parallel_loop3A_350 = arith.constant 16 : i32
        %parallel_loop3A_351 = arith.addi %parallel_loop3A_349, %parallel_loop3A_350 : i32
        %parallel_loop3A_352 = arith.constant 0 : i32
        %parallel_loop3A_353 = tpu.memref_reshape %arg8 : memref<2x96x128xf32, #tpu.memory_space<vmem>> -> memref<2x12288xf32, #tpu.memory_space<vmem>>
        %parallel_loop3A_354 = arith.index_cast %parallel_loop3A_352 : i32 to index
        %parallel_loop3A_355 = arith.index_cast %parallel_loop3A_351 : i32 to index
        %parallel_loop3A_356 = tpu.vector_load %parallel_loop3A_353[%parallel_loop3A_354, %parallel_loop3A_355] {strides = array<i32>} : memref<2x12288xf32, #tpu.memory_space<vmem>>, vector<1x16xf32>,
        %parallel_loop3A_357 = vector.shape_cast %parallel_loop3A_356 : vector<1x16xf32> to vector<16xf32>
        %parallel_loop3A_358 = vector.broadcast %parallel_loop3A_150 : f32 to vector<16xf32>
        %parallel_loop3A_359 = arith.mulf %parallel_loop3A_358, %parallel_loop3A_357 : vector<16xf32>
        %parallel_loop3A_360 = arith.addf %parallel_loop3A_347, %parallel_loop3A_359 : vector<16xf32>
        %parallel_loop3A_361 = arith.constant 256 : i32
        %parallel_loop3A_362 = arith.addi %parallel_loop3A_174, %parallel_loop3A_361 : i32
        %parallel_loop3A_363 = arith.constant 16 : i32
        %parallel_loop3A_364 = arith.addi %parallel_loop3A_362, %parallel_loop3A_363 : i32
        %parallel_loop3A_365 = arith.constant 0 : i32
        %parallel_loop3A_366 = tpu.memref_reshape %arg8 : memref<2x96x128xf32, #tpu.memory_space<vmem>> -> memref<2x12288xf32, #tpu.memory_space<vmem>>
        %parallel_loop3A_367 = arith.index_cast %parallel_loop3A_365 : i32 to index
        %parallel_loop3A_368 = arith.index_cast %parallel_loop3A_364 : i32 to index
        %parallel_loop3A_369 = tpu.vector_load %parallel_loop3A_366[%parallel_loop3A_367, %parallel_loop3A_368] {strides = array<i32>} : memref<2x12288xf32, #tpu.memory_space<vmem>>, vector<1x16xf32>,
        %parallel_loop3A_370 = vector.shape_cast %parallel_loop3A_369 : vector<1x16xf32> to vector<16xf32>
        %parallel_loop3A_371 = vector.broadcast %parallel_loop3A_152 : f32 to vector<16xf32>
        %parallel_loop3A_372 = arith.mulf %parallel_loop3A_371, %parallel_loop3A_370 : vector<16xf32>
        %parallel_loop3A_373 = arith.addf %parallel_loop3A_360, %parallel_loop3A_372 : vector<16xf32>
        %parallel_loop3A_374 = arith.constant 384 : i32
        %parallel_loop3A_375 = arith.addi %parallel_loop3A_174, %parallel_loop3A_374 : i32
        %parallel_loop3A_376 = arith.constant 16 : i32
        %parallel_loop3A_377 = arith.addi %parallel_loop3A_375, %parallel_loop3A_376 : i32
        %parallel_loop3A_378 = arith.constant 0 : i32
        %parallel_loop3A_379 = tpu.memref_reshape %arg8 : memref<2x96x128xf32, #tpu.memory_space<vmem>> -> memref<2x12288xf32, #tpu.memory_space<vmem>>
        %parallel_loop3A_380 = arith.index_cast %parallel_loop3A_378 : i32 to index
        %parallel_loop3A_381 = arith.index_cast %parallel_loop3A_377 : i32 to index
        %parallel_loop3A_382 = tpu.vector_load %parallel_loop3A_379[%parallel_loop3A_380, %parallel_loop3A_381] {strides = array<i32>} : memref<2x12288xf32, #tpu.memory_space<vmem>>, vector<1x16xf32>,
        %parallel_loop3A_383 = vector.shape_cast %parallel_loop3A_382 : vector<1x16xf32> to vector<16xf32>
        %parallel_loop3A_384 = vector.broadcast %parallel_loop3A_154 : f32 to vector<16xf32>
        %parallel_loop3A_385 = arith.mulf %parallel_loop3A_384, %parallel_loop3A_383 : vector<16xf32>
        %parallel_loop3A_386 = arith.addf %parallel_loop3A_373, %parallel_loop3A_385 : vector<16xf32>
        %parallel_loop3A_387 = arith.constant 512 : i32
        %parallel_loop3A_388 = arith.addi %parallel_loop3A_174, %parallel_loop3A_387 : i32
        %parallel_loop3A_389 = arith.constant 16 : i32
        %parallel_loop3A_390 = arith.addi %parallel_loop3A_388, %parallel_loop3A_389 : i32
        %parallel_loop3A_391 = arith.constant 0 : i32
        %parallel_loop3A_392 = tpu.memref_reshape %arg8 : memref<2x96x128xf32, #tpu.memory_space<vmem>> -> memref<2x12288xf32, #tpu.memory_space<vmem>>
        %parallel_loop3A_393 = arith.index_cast %parallel_loop3A_391 : i32 to index
        %parallel_loop3A_394 = arith.index_cast %parallel_loop3A_390 : i32 to index
        %parallel_loop3A_395 = tpu.vector_load %parallel_loop3A_392[%parallel_loop3A_393, %parallel_loop3A_394] {strides = array<i32>} : memref<2x12288xf32, #tpu.memory_space<vmem>>, vector<1x16xf32>,
        %parallel_loop3A_396 = vector.shape_cast %parallel_loop3A_395 : vector<1x16xf32> to vector<16xf32>
        %parallel_loop3A_397 = vector.broadcast %parallel_loop3A_156 : f32 to vector<16xf32>
        %parallel_loop3A_398 = arith.mulf %parallel_loop3A_397, %parallel_loop3A_396 : vector<16xf32>
        %parallel_loop3A_399 = arith.addf %parallel_loop3A_386, %parallel_loop3A_398 : vector<16xf32>
        %parallel_loop3A_400 = arith.constant 640 : i32
        %parallel_loop3A_401 = arith.addi %parallel_loop3A_174, %parallel_loop3A_400 : i32
        %parallel_loop3A_402 = arith.constant 16 : i32
        %parallel_loop3A_403 = arith.addi %parallel_loop3A_401, %parallel_loop3A_402 : i32
        %parallel_loop3A_404 = arith.constant 0 : i32
        %parallel_loop3A_405 = tpu.memref_reshape %arg8 : memref<2x96x128xf32, #tpu.memory_space<vmem>> -> memref<2x12288xf32, #tpu.memory_space<vmem>>
        %parallel_loop3A_406 = arith.index_cast %parallel_loop3A_404 : i32 to index
        %parallel_loop3A_407 = arith.index_cast %parallel_loop3A_403 : i32 to index
        %parallel_loop3A_408 = tpu.vector_load %parallel_loop3A_405[%parallel_loop3A_406, %parallel_loop3A_407] {strides = array<i32>} : memref<2x12288xf32, #tpu.memory_space<vmem>>, vector<1x16xf32>,
        %parallel_loop3A_409 = vector.shape_cast %parallel_loop3A_408 : vector<1x16xf32> to vector<16xf32>
        %parallel_loop3A_410 = vector.broadcast %parallel_loop3A_158 : f32 to vector<16xf32>
        %parallel_loop3A_411 = arith.mulf %parallel_loop3A_410, %parallel_loop3A_409 : vector<16xf32>
        %parallel_loop3A_412 = arith.addf %parallel_loop3A_399, %parallel_loop3A_411 : vector<16xf32>
        %parallel_loop3A_413 = arith.constant 768 : i32
        %parallel_loop3A_414 = arith.addi %parallel_loop3A_174, %parallel_loop3A_413 : i32
        %parallel_loop3A_415 = arith.constant 16 : i32
        %parallel_loop3A_416 = arith.addi %parallel_loop3A_414, %parallel_loop3A_415 : i32
        %parallel_loop3A_417 = arith.constant 0 : i32
        %parallel_loop3A_418 = tpu.memref_reshape %arg8 : memref<2x96x128xf32, #tpu.memory_space<vmem>> -> memref<2x12288xf32, #tpu.memory_space<vmem>>
        %parallel_loop3A_419 = arith.index_cast %parallel_loop3A_417 : i32 to index
        %parallel_loop3A_420 = arith.index_cast %parallel_loop3A_416 : i32 to index
        %parallel_loop3A_421 = tpu.vector_load %parallel_loop3A_418[%parallel_loop3A_419, %parallel_loop3A_420] {strides = array<i32>} : memref<2x12288xf32, #tpu.memory_space<vmem>>, vector<1x16xf32>,
        %parallel_loop3A_422 = vector.shape_cast %parallel_loop3A_421 : vector<1x16xf32> to vector<16xf32>
        %parallel_loop3A_423 = vector.broadcast %parallel_loop3A_160 : f32 to vector<16xf32>
        %parallel_loop3A_424 = arith.mulf %parallel_loop3A_423, %parallel_loop3A_422 : vector<16xf32>
        %parallel_loop3A_425 = arith.addf %parallel_loop3A_412, %parallel_loop3A_424 : vector<16xf32>
        %parallel_loop3A_426 = arith.constant 896 : i32
        %parallel_loop3A_427 = arith.addi %parallel_loop3A_174, %parallel_loop3A_426 : i32
        %parallel_loop3A_428 = arith.constant 16 : i32
        %parallel_loop3A_429 = arith.addi %parallel_loop3A_427, %parallel_loop3A_428 : i32
        %parallel_loop3A_430 = arith.constant 0 : i32
        %parallel_loop3A_431 = tpu.memref_reshape %arg8 : memref<2x96x128xf32, #tpu.memory_space<vmem>> -> memref<2x12288xf32, #tpu.memory_space<vmem>>
        %parallel_loop3A_432 = arith.index_cast %parallel_loop3A_430 : i32 to index
        %parallel_loop3A_433 = arith.index_cast %parallel_loop3A_429 : i32 to index
        %parallel_loop3A_434 = tpu.vector_load %parallel_loop3A_431[%parallel_loop3A_432, %parallel_loop3A_433] {strides = array<i32>} : memref<2x12288xf32, #tpu.memory_space<vmem>>, vector<1x16xf32>,
        %parallel_loop3A_435 = vector.shape_cast %parallel_loop3A_434 : vector<1x16xf32> to vector<16xf32>
        %parallel_loop3A_436 = vector.broadcast %parallel_loop3A_162 : f32 to vector<16xf32>
        %parallel_loop3A_437 = arith.mulf %parallel_loop3A_436, %parallel_loop3A_435 : vector<16xf32>
        %parallel_loop3A_438 = arith.addf %parallel_loop3A_425, %parallel_loop3A_437 : vector<16xf32>
        %parallel_loop3A_439 = arith.constant 1024 : i32
        %parallel_loop3A_440 = arith.addi %parallel_loop3A_174, %parallel_loop3A_439 : i32
        %parallel_loop3A_441 = arith.constant 16 : i32
        %parallel_loop3A_442 = arith.addi %parallel_loop3A_440, %parallel_loop3A_441 : i32
        %parallel_loop3A_443 = arith.constant 0 : i32
        %parallel_loop3A_444 = tpu.memref_reshape %arg8 : memref<2x96x128xf32, #tpu.memory_space<vmem>> -> memref<2x12288xf32, #tpu.memory_space<vmem>>
        %parallel_loop3A_445 = arith.index_cast %parallel_loop3A_443 : i32 to index
        %parallel_loop3A_446 = arith.index_cast %parallel_loop3A_442 : i32 to index
        %parallel_loop3A_447 = tpu.vector_load %parallel_loop3A_444[%parallel_loop3A_445, %parallel_loop3A_446] {strides = array<i32>} : memref<2x12288xf32, #tpu.memory_space<vmem>>, vector<1x16xf32>,
        %parallel_loop3A_448 = vector.shape_cast %parallel_loop3A_447 : vector<1x16xf32> to vector<16xf32>
        %parallel_loop3A_449 = vector.broadcast %parallel_loop3A_164 : f32 to vector<16xf32>
        %parallel_loop3A_450 = arith.mulf %parallel_loop3A_449, %parallel_loop3A_448 : vector<16xf32>
        %parallel_loop3A_451 = arith.addf %parallel_loop3A_438, %parallel_loop3A_450 : vector<16xf32>
        %parallel_loop3A_452 = arith.constant 1152 : i32
        %parallel_loop3A_453 = arith.addi %parallel_loop3A_174, %parallel_loop3A_452 : i32
        %parallel_loop3A_454 = arith.constant 16 : i32
        %parallel_loop3A_455 = arith.addi %parallel_loop3A_453, %parallel_loop3A_454 : i32
        %parallel_loop3A_456 = arith.constant 0 : i32
        %parallel_loop3A_457 = tpu.memref_reshape %arg8 : memref<2x96x128xf32, #tpu.memory_space<vmem>> -> memref<2x12288xf32, #tpu.memory_space<vmem>>
        %parallel_loop3A_458 = arith.index_cast %parallel_loop3A_456 : i32 to index
        %parallel_loop3A_459 = arith.index_cast %parallel_loop3A_455 : i32 to index
        %parallel_loop3A_460 = tpu.vector_load %parallel_loop3A_457[%parallel_loop3A_458, %parallel_loop3A_459] {strides = array<i32>} : memref<2x12288xf32, #tpu.memory_space<vmem>>, vector<1x16xf32>,
        %parallel_loop3A_461 = vector.shape_cast %parallel_loop3A_460 : vector<1x16xf32> to vector<16xf32>
        %parallel_loop3A_462 = vector.broadcast %parallel_loop3A_166 : f32 to vector<16xf32>
        %parallel_loop3A_463 = arith.mulf %parallel_loop3A_462, %parallel_loop3A_461 : vector<16xf32>
        %parallel_loop3A_464 = arith.addf %parallel_loop3A_451, %parallel_loop3A_463 : vector<16xf32>
        %parallel_loop3A_465 = arith.constant 1280 : i32
        %parallel_loop3A_466 = arith.addi %parallel_loop3A_174, %parallel_loop3A_465 : i32
        %parallel_loop3A_467 = arith.constant 16 : i32
        %parallel_loop3A_468 = arith.addi %parallel_loop3A_466, %parallel_loop3A_467 : i32
        %parallel_loop3A_469 = arith.constant 0 : i32
        %parallel_loop3A_470 = tpu.memref_reshape %arg8 : memref<2x96x128xf32, #tpu.memory_space<vmem>> -> memref<2x12288xf32, #tpu.memory_space<vmem>>
        %parallel_loop3A_471 = arith.index_cast %parallel_loop3A_469 : i32 to index
        %parallel_loop3A_472 = arith.index_cast %parallel_loop3A_468 : i32 to index
        %parallel_loop3A_473 = tpu.vector_load %parallel_loop3A_470[%parallel_loop3A_471, %parallel_loop3A_472] {strides = array<i32>} : memref<2x12288xf32, #tpu.memory_space<vmem>>, vector<1x16xf32>,
        %parallel_loop3A_474 = vector.shape_cast %parallel_loop3A_473 : vector<1x16xf32> to vector<16xf32>
        %parallel_loop3A_475 = vector.broadcast %parallel_loop3A_168 : f32 to vector<16xf32>
        %parallel_loop3A_476 = arith.mulf %parallel_loop3A_475, %parallel_loop3A_474 : vector<16xf32>
        %parallel_loop3A_477 = arith.addf %parallel_loop3A_464, %parallel_loop3A_476 : vector<16xf32>
        %parallel_loop3A_478 = arith.constant 1408 : i32
        %parallel_loop3A_479 = arith.addi %parallel_loop3A_174, %parallel_loop3A_478 : i32
        %parallel_loop3A_480 = arith.constant 16 : i32
        %parallel_loop3A_481 = arith.addi %parallel_loop3A_479, %parallel_loop3A_480 : i32
        %parallel_loop3A_482 = arith.constant 0 : i32
        %parallel_loop3A_483 = tpu.memref_reshape %arg8 : memref<2x96x128xf32, #tpu.memory_space<vmem>> -> memref<2x12288xf32, #tpu.memory_space<vmem>>
        %parallel_loop3A_484 = arith.index_cast %parallel_loop3A_482 : i32 to index
        %parallel_loop3A_485 = arith.index_cast %parallel_loop3A_481 : i32 to index
        %parallel_loop3A_486 = tpu.vector_load %parallel_loop3A_483[%parallel_loop3A_484, %parallel_loop3A_485] {strides = array<i32>} : memref<2x12288xf32, #tpu.memory_space<vmem>>, vector<1x16xf32>,
        %parallel_loop3A_487 = vector.shape_cast %parallel_loop3A_486 : vector<1x16xf32> to vector<16xf32>
        %parallel_loop3A_488 = vector.broadcast %parallel_loop3A_170 : f32 to vector<16xf32>
        %parallel_loop3A_489 = arith.mulf %parallel_loop3A_488, %parallel_loop3A_487 : vector<16xf32>
        %parallel_loop3A_490 = arith.addf %parallel_loop3A_477, %parallel_loop3A_489 : vector<16xf32>
        %parallel_loop3A_491 = arith.constant 0 : i32
        %parallel_loop3A_492 = arith.addi %parallel_loop3A_491, %parallel_loop3A_138 : i32
        %parallel_loop3A_493 = arith.constant 128 : i32
        %parallel_loop3A_494 = arith.muli %parallel_loop3A_492, %parallel_loop3A_493 : i32
        %parallel_loop3A_495 = arith.constant 16 : i32
        %parallel_loop3A_496 = arith.addi %parallel_loop3A_494, %parallel_loop3A_495 : i32
        %parallel_loop3A_497 = arith.index_cast %parallel_loop3A_496 : i32 to index
        %parallel_loop3A_498 = tpu.vector_load %arg9[%parallel_loop3A_497] {strides = array<i32>} : memref<2048xf32, #tpu.memory_space<vmem>>, vector<16xf32>,
        %parallel_loop3A_499 = vector.shape_cast %parallel_loop3A_498 : vector<16xf32> to vector<16xf32>
        %parallel_loop3A_500 = vector.shape_cast %parallel_loop3A_490 : vector<16xf32> to vector<16xf32>
        tpu.vector_store %arg9[%parallel_loop3A_497], %parallel_loop3A_500 {strides = array<i32>} : memref<2048xf32, #tpu.memory_space<vmem>>, vector<16xf32>,
        %parallel_loop3A_501 = arith.constant 32 : i32
        %parallel_loop3A_502 = arith.addi %parallel_loop3A_174, %parallel_loop3A_501 : i32
        %parallel_loop3A_503 = arith.constant 0 : i32
        %parallel_loop3A_504 = tpu.memref_reshape %arg8 : memref<2x96x128xf32, #tpu.memory_space<vmem>> -> memref<2x12288xf32, #tpu.memory_space<vmem>>
        %parallel_loop3A_505 = arith.index_cast %parallel_loop3A_503 : i32 to index
        %parallel_loop3A_506 = arith.index_cast %parallel_loop3A_502 : i32 to index
        %parallel_loop3A_507 = tpu.vector_load %parallel_loop3A_504[%parallel_loop3A_505, %parallel_loop3A_506] {strides = array<i32>} : memref<2x12288xf32, #tpu.memory_space<vmem>>, vector<1x16xf32>,
        %parallel_loop3A_508 = vector.shape_cast %parallel_loop3A_507 : vector<1x16xf32> to vector<16xf32>
        %parallel_loop3A_509 = vector.broadcast %parallel_loop3A_148 : f32 to vector<16xf32>
        %parallel_loop3A_510 = arith.mulf %parallel_loop3A_509, %parallel_loop3A_508 : vector<16xf32>
        %parallel_loop3A_511 = arith.constant 128 : i32
        %parallel_loop3A_512 = arith.addi %parallel_loop3A_174, %parallel_loop3A_511 : i32
        %parallel_loop3A_513 = arith.constant 32 : i32
        %parallel_loop3A_514 = arith.addi %parallel_loop3A_512, %parallel_loop3A_513 : i32
        %parallel_loop3A_515 = arith.constant 0 : i32
        %parallel_loop3A_516 = tpu.memref_reshape %arg8 : memref<2x96x128xf32, #tpu.memory_space<vmem>> -> memref<2x12288xf32, #tpu.memory_space<vmem>>
        %parallel_loop3A_517 = arith.index_cast %parallel_loop3A_515 : i32 to index
        %parallel_loop3A_518 = arith.index_cast %parallel_loop3A_514 : i32 to index
        %parallel_loop3A_519 = tpu.vector_load %parallel_loop3A_516[%parallel_loop3A_517, %parallel_loop3A_518] {strides = array<i32>} : memref<2x12288xf32, #tpu.memory_space<vmem>>, vector<1x16xf32>,
        %parallel_loop3A_520 = vector.shape_cast %parallel_loop3A_519 : vector<1x16xf32> to vector<16xf32>
        %parallel_loop3A_521 = vector.broadcast %parallel_loop3A_150 : f32 to vector<16xf32>
        %parallel_loop3A_522 = arith.mulf %parallel_loop3A_521, %parallel_loop3A_520 : vector<16xf32>
        %parallel_loop3A_523 = arith.addf %parallel_loop3A_510, %parallel_loop3A_522 : vector<16xf32>
        %parallel_loop3A_524 = arith.constant 256 : i32
        %parallel_loop3A_525 = arith.addi %parallel_loop3A_174, %parallel_loop3A_524 : i32
        %parallel_loop3A_526 = arith.constant 32 : i32
        %parallel_loop3A_527 = arith.addi %parallel_loop3A_525, %parallel_loop3A_526 : i32
        %parallel_loop3A_528 = arith.constant 0 : i32
        %parallel_loop3A_529 = tpu.memref_reshape %arg8 : memref<2x96x128xf32, #tpu.memory_space<vmem>> -> memref<2x12288xf32, #tpu.memory_space<vmem>>
        %parallel_loop3A_530 = arith.index_cast %parallel_loop3A_528 : i32 to index
        %parallel_loop3A_531 = arith.index_cast %parallel_loop3A_527 : i32 to index
        %parallel_loop3A_532 = tpu.vector_load %parallel_loop3A_529[%parallel_loop3A_530, %parallel_loop3A_531] {strides = array<i32>} : memref<2x12288xf32, #tpu.memory_space<vmem>>, vector<1x16xf32>,
        %parallel_loop3A_533 = vector.shape_cast %parallel_loop3A_532 : vector<1x16xf32> to vector<16xf32>
        %parallel_loop3A_534 = vector.broadcast %parallel_loop3A_152 : f32 to vector<16xf32>
        %parallel_loop3A_535 = arith.mulf %parallel_loop3A_534, %parallel_loop3A_533 : vector<16xf32>
        %parallel_loop3A_536 = arith.addf %parallel_loop3A_523, %parallel_loop3A_535 : vector<16xf32>
        %parallel_loop3A_537 = arith.constant 384 : i32
        %parallel_loop3A_538 = arith.addi %parallel_loop3A_174, %parallel_loop3A_537 : i32
        %parallel_loop3A_539 = arith.constant 32 : i32
        %parallel_loop3A_540 = arith.addi %parallel_loop3A_538, %parallel_loop3A_539 : i32
        %parallel_loop3A_541 = arith.constant 0 : i32
        %parallel_loop3A_542 = tpu.memref_reshape %arg8 : memref<2x96x128xf32, #tpu.memory_space<vmem>> -> memref<2x12288xf32, #tpu.memory_space<vmem>>
        %parallel_loop3A_543 = arith.index_cast %parallel_loop3A_541 : i32 to index
        %parallel_loop3A_544 = arith.index_cast %parallel_loop3A_540 : i32 to index
        %parallel_loop3A_545 = tpu.vector_load %parallel_loop3A_542[%parallel_loop3A_543, %parallel_loop3A_544] {strides = array<i32>} : memref<2x12288xf32, #tpu.memory_space<vmem>>, vector<1x16xf32>,
        %parallel_loop3A_546 = vector.shape_cast %parallel_loop3A_545 : vector<1x16xf32> to vector<16xf32>
        %parallel_loop3A_547 = vector.broadcast %parallel_loop3A_154 : f32 to vector<16xf32>
        %parallel_loop3A_548 = arith.mulf %parallel_loop3A_547, %parallel_loop3A_546 : vector<16xf32>
        %parallel_loop3A_549 = arith.addf %parallel_loop3A_536, %parallel_loop3A_548 : vector<16xf32>
        %parallel_loop3A_550 = arith.constant 512 : i32
        %parallel_loop3A_551 = arith.addi %parallel_loop3A_174, %parallel_loop3A_550 : i32
        %parallel_loop3A_552 = arith.constant 32 : i32
        %parallel_loop3A_553 = arith.addi %parallel_loop3A_551, %parallel_loop3A_552 : i32
        %parallel_loop3A_554 = arith.constant 0 : i32
        %parallel_loop3A_555 = tpu.memref_reshape %arg8 : memref<2x96x128xf32, #tpu.memory_space<vmem>> -> memref<2x12288xf32, #tpu.memory_space<vmem>>
        %parallel_loop3A_556 = arith.index_cast %parallel_loop3A_554 : i32 to index
        %parallel_loop3A_557 = arith.index_cast %parallel_loop3A_553 : i32 to index
        %parallel_loop3A_558 = tpu.vector_load %parallel_loop3A_555[%parallel_loop3A_556, %parallel_loop3A_557] {strides = array<i32>} : memref<2x12288xf32, #tpu.memory_space<vmem>>, vector<1x16xf32>,
        %parallel_loop3A_559 = vector.shape_cast %parallel_loop3A_558 : vector<1x16xf32> to vector<16xf32>
        %parallel_loop3A_560 = vector.broadcast %parallel_loop3A_156 : f32 to vector<16xf32>
        %parallel_loop3A_561 = arith.mulf %parallel_loop3A_560, %parallel_loop3A_559 : vector<16xf32>
        %parallel_loop3A_562 = arith.addf %parallel_loop3A_549, %parallel_loop3A_561 : vector<16xf32>
        %parallel_loop3A_563 = arith.constant 640 : i32
        %parallel_loop3A_564 = arith.addi %parallel_loop3A_174, %parallel_loop3A_563 : i32
        %parallel_loop3A_565 = arith.constant 32 : i32
        %parallel_loop3A_566 = arith.addi %parallel_loop3A_564, %parallel_loop3A_565 : i32
        %parallel_loop3A_567 = arith.constant 0 : i32
        %parallel_loop3A_568 = tpu.memref_reshape %arg8 : memref<2x96x128xf32, #tpu.memory_space<vmem>> -> memref<2x12288xf32, #tpu.memory_space<vmem>>
        %parallel_loop3A_569 = arith.index_cast %parallel_loop3A_567 : i32 to index
        %parallel_loop3A_570 = arith.index_cast %parallel_loop3A_566 : i32 to index
        %parallel_loop3A_571 = tpu.vector_load %parallel_loop3A_568[%parallel_loop3A_569, %parallel_loop3A_570] {strides = array<i32>} : memref<2x12288xf32, #tpu.memory_space<vmem>>, vector<1x16xf32>,
        %parallel_loop3A_572 = vector.shape_cast %parallel_loop3A_571 : vector<1x16xf32> to vector<16xf32>
        %parallel_loop3A_573 = vector.broadcast %parallel_loop3A_158 : f32 to vector<16xf32>
        %parallel_loop3A_574 = arith.mulf %parallel_loop3A_573, %parallel_loop3A_572 : vector<16xf32>
        %parallel_loop3A_575 = arith.addf %parallel_loop3A_562, %parallel_loop3A_574 : vector<16xf32>
        %parallel_loop3A_576 = arith.constant 768 : i32
        %parallel_loop3A_577 = arith.addi %parallel_loop3A_174, %parallel_loop3A_576 : i32
        %parallel_loop3A_578 = arith.constant 32 : i32
        %parallel_loop3A_579 = arith.addi %parallel_loop3A_577, %parallel_loop3A_578 : i32
        %parallel_loop3A_580 = arith.constant 0 : i32
        %parallel_loop3A_581 = tpu.memref_reshape %arg8 : memref<2x96x128xf32, #tpu.memory_space<vmem>> -> memref<2x12288xf32, #tpu.memory_space<vmem>>
        %parallel_loop3A_582 = arith.index_cast %parallel_loop3A_580 : i32 to index
        %parallel_loop3A_583 = arith.index_cast %parallel_loop3A_579 : i32 to index
        %parallel_loop3A_584 = tpu.vector_load %parallel_loop3A_581[%parallel_loop3A_582, %parallel_loop3A_583] {strides = array<i32>} : memref<2x12288xf32, #tpu.memory_space<vmem>>, vector<1x16xf32>,
        %parallel_loop3A_585 = vector.shape_cast %parallel_loop3A_584 : vector<1x16xf32> to vector<16xf32>
        %parallel_loop3A_586 = vector.broadcast %parallel_loop3A_160 : f32 to vector<16xf32>
        %parallel_loop3A_587 = arith.mulf %parallel_loop3A_586, %parallel_loop3A_585 : vector<16xf32>
        %parallel_loop3A_588 = arith.addf %parallel_loop3A_575, %parallel_loop3A_587 : vector<16xf32>
        %parallel_loop3A_589 = arith.constant 896 : i32
        %parallel_loop3A_590 = arith.addi %parallel_loop3A_174, %parallel_loop3A_589 : i32
        %parallel_loop3A_591 = arith.constant 32 : i32
        %parallel_loop3A_592 = arith.addi %parallel_loop3A_590, %parallel_loop3A_591 : i32
        %parallel_loop3A_593 = arith.constant 0 : i32
        %parallel_loop3A_594 = tpu.memref_reshape %arg8 : memref<2x96x128xf32, #tpu.memory_space<vmem>> -> memref<2x12288xf32, #tpu.memory_space<vmem>>
        %parallel_loop3A_595 = arith.index_cast %parallel_loop3A_593 : i32 to index
        %parallel_loop3A_596 = arith.index_cast %parallel_loop3A_592 : i32 to index
        %parallel_loop3A_597 = tpu.vector_load %parallel_loop3A_594[%parallel_loop3A_595, %parallel_loop3A_596] {strides = array<i32>} : memref<2x12288xf32, #tpu.memory_space<vmem>>, vector<1x16xf32>,
        %parallel_loop3A_598 = vector.shape_cast %parallel_loop3A_597 : vector<1x16xf32> to vector<16xf32>
        %parallel_loop3A_599 = vector.broadcast %parallel_loop3A_162 : f32 to vector<16xf32>
        %parallel_loop3A_600 = arith.mulf %parallel_loop3A_599, %parallel_loop3A_598 : vector<16xf32>
        %parallel_loop3A_601 = arith.addf %parallel_loop3A_588, %parallel_loop3A_600 : vector<16xf32>
        %parallel_loop3A_602 = arith.constant 1024 : i32
        %parallel_loop3A_603 = arith.addi %parallel_loop3A_174, %parallel_loop3A_602 : i32
        %parallel_loop3A_604 = arith.constant 32 : i32
        %parallel_loop3A_605 = arith.addi %parallel_loop3A_603, %parallel_loop3A_604 : i32
        %parallel_loop3A_606 = arith.constant 0 : i32
        %parallel_loop3A_607 = tpu.memref_reshape %arg8 : memref<2x96x128xf32, #tpu.memory_space<vmem>> -> memref<2x12288xf32, #tpu.memory_space<vmem>>
        %parallel_loop3A_608 = arith.index_cast %parallel_loop3A_606 : i32 to index
        %parallel_loop3A_609 = arith.index_cast %parallel_loop3A_605 : i32 to index
        %parallel_loop3A_610 = tpu.vector_load %parallel_loop3A_607[%parallel_loop3A_608, %parallel_loop3A_609] {strides = array<i32>} : memref<2x12288xf32, #tpu.memory_space<vmem>>, vector<1x16xf32>,
        %parallel_loop3A_611 = vector.shape_cast %parallel_loop3A_610 : vector<1x16xf32> to vector<16xf32>
        %parallel_loop3A_612 = vector.broadcast %parallel_loop3A_164 : f32 to vector<16xf32>
        %parallel_loop3A_613 = arith.mulf %parallel_loop3A_612, %parallel_loop3A_611 : vector<16xf32>
        %parallel_loop3A_614 = arith.addf %parallel_loop3A_601, %parallel_loop3A_613 : vector<16xf32>
        %parallel_loop3A_615 = arith.constant 1152 : i32
        %parallel_loop3A_616 = arith.addi %parallel_loop3A_174, %parallel_loop3A_615 : i32
        %parallel_loop3A_617 = arith.constant 32 : i32
        %parallel_loop3A_618 = arith.addi %parallel_loop3A_616, %parallel_loop3A_617 : i32
        %parallel_loop3A_619 = arith.constant 0 : i32
        %parallel_loop3A_620 = tpu.memref_reshape %arg8 : memref<2x96x128xf32, #tpu.memory_space<vmem>> -> memref<2x12288xf32, #tpu.memory_space<vmem>>
        %parallel_loop3A_621 = arith.index_cast %parallel_loop3A_619 : i32 to index
        %parallel_loop3A_622 = arith.index_cast %parallel_loop3A_618 : i32 to index
        %parallel_loop3A_623 = tpu.vector_load %parallel_loop3A_620[%parallel_loop3A_621, %parallel_loop3A_622] {strides = array<i32>} : memref<2x12288xf32, #tpu.memory_space<vmem>>, vector<1x16xf32>,
        %parallel_loop3A_624 = vector.shape_cast %parallel_loop3A_623 : vector<1x16xf32> to vector<16xf32>
        %parallel_loop3A_625 = vector.broadcast %parallel_loop3A_166 : f32 to vector<16xf32>
        %parallel_loop3A_626 = arith.mulf %parallel_loop3A_625, %parallel_loop3A_624 : vector<16xf32>
        %parallel_loop3A_627 = arith.addf %parallel_loop3A_614, %parallel_loop3A_626 : vector<16xf32>
        %parallel_loop3A_628 = arith.constant 1280 : i32
        %parallel_loop3A_629 = arith.addi %parallel_loop3A_174, %parallel_loop3A_628 : i32
        %parallel_loop3A_630 = arith.constant 32 : i32
        %parallel_loop3A_631 = arith.addi %parallel_loop3A_629, %parallel_loop3A_630 : i32
        %parallel_loop3A_632 = arith.constant 0 : i32
        %parallel_loop3A_633 = tpu.memref_reshape %arg8 : memref<2x96x128xf32, #tpu.memory_space<vmem>> -> memref<2x12288xf32, #tpu.memory_space<vmem>>
        %parallel_loop3A_634 = arith.index_cast %parallel_loop3A_632 : i32 to index
        %parallel_loop3A_635 = arith.index_cast %parallel_loop3A_631 : i32 to index
        %parallel_loop3A_636 = tpu.vector_load %parallel_loop3A_633[%parallel_loop3A_634, %parallel_loop3A_635] {strides = array<i32>} : memref<2x12288xf32, #tpu.memory_space<vmem>>, vector<1x16xf32>,
        %parallel_loop3A_637 = vector.shape_cast %parallel_loop3A_636 : vector<1x16xf32> to vector<16xf32>
        %parallel_loop3A_638 = vector.broadcast %parallel_loop3A_168 : f32 to vector<16xf32>
        %parallel_loop3A_639 = arith.mulf %parallel_loop3A_638, %parallel_loop3A_637 : vector<16xf32>
        %parallel_loop3A_640 = arith.addf %parallel_loop3A_627, %parallel_loop3A_639 : vector<16xf32>
        %parallel_loop3A_641 = arith.constant 1408 : i32
        %parallel_loop3A_642 = arith.addi %parallel_loop3A_174, %parallel_loop3A_641 : i32
        %parallel_loop3A_643 = arith.constant 32 : i32
        %parallel_loop3A_644 = arith.addi %parallel_loop3A_642, %parallel_loop3A_643 : i32
        %parallel_loop3A_645 = arith.constant 0 : i32
        %parallel_loop3A_646 = tpu.memref_reshape %arg8 : memref<2x96x128xf32, #tpu.memory_space<vmem>> -> memref<2x12288xf32, #tpu.memory_space<vmem>>
        %parallel_loop3A_647 = arith.index_cast %parallel_loop3A_645 : i32 to index
        %parallel_loop3A_648 = arith.index_cast %parallel_loop3A_644 : i32 to index
        %parallel_loop3A_649 = tpu.vector_load %parallel_loop3A_646[%parallel_loop3A_647, %parallel_loop3A_648] {strides = array<i32>} : memref<2x12288xf32, #tpu.memory_space<vmem>>, vector<1x16xf32>,
        %parallel_loop3A_650 = vector.shape_cast %parallel_loop3A_649 : vector<1x16xf32> to vector<16xf32>
        %parallel_loop3A_651 = vector.broadcast %parallel_loop3A_170 : f32 to vector<16xf32>
        %parallel_loop3A_652 = arith.mulf %parallel_loop3A_651, %parallel_loop3A_650 : vector<16xf32>
        %parallel_loop3A_653 = arith.addf %parallel_loop3A_640, %parallel_loop3A_652 : vector<16xf32>
        %parallel_loop3A_654 = arith.constant 0 : i32
        %parallel_loop3A_655 = arith.addi %parallel_loop3A_654, %parallel_loop3A_138 : i32
        %parallel_loop3A_656 = arith.constant 128 : i32
        %parallel_loop3A_657 = arith.muli %parallel_loop3A_655, %parallel_loop3A_656 : i32
        %parallel_loop3A_658 = arith.constant 32 : i32
        %parallel_loop3A_659 = arith.addi %parallel_loop3A_657, %parallel_loop3A_658 : i32
        %parallel_loop3A_660 = arith.index_cast %parallel_loop3A_659 : i32 to index
        %parallel_loop3A_661 = tpu.vector_load %arg9[%parallel_loop3A_660] {strides = array<i32>} : memref<2048xf32, #tpu.memory_space<vmem>>, vector<16xf32>,
        %parallel_loop3A_662 = vector.shape_cast %parallel_loop3A_661 : vector<16xf32> to vector<16xf32>
        %parallel_loop3A_663 = vector.shape_cast %parallel_loop3A_653 : vector<16xf32> to vector<16xf32>
        tpu.vector_store %arg9[%parallel_loop3A_660], %parallel_loop3A_663 {strides = array<i32>} : memref<2048xf32, #tpu.memory_space<vmem>>, vector<16xf32>,
        %parallel_loop3A_664 = arith.constant 48 : i32
        %parallel_loop3A_665 = arith.addi %parallel_loop3A_174, %parallel_loop3A_664 : i32
        %parallel_loop3A_666 = arith.constant 0 : i32
        %parallel_loop3A_667 = tpu.memref_reshape %arg8 : memref<2x96x128xf32, #tpu.memory_space<vmem>> -> memref<2x12288xf32, #tpu.memory_space<vmem>>
        %parallel_loop3A_668 = arith.index_cast %parallel_loop3A_666 : i32 to index
        %parallel_loop3A_669 = arith.index_cast %parallel_loop3A_665 : i32 to index
        %parallel_loop3A_670 = tpu.vector_load %parallel_loop3A_667[%parallel_loop3A_668, %parallel_loop3A_669] {strides = array<i32>} : memref<2x12288xf32, #tpu.memory_space<vmem>>, vector<1x16xf32>,
        %parallel_loop3A_671 = vector.shape_cast %parallel_loop3A_670 : vector<1x16xf32> to vector<16xf32>
        %parallel_loop3A_672 = vector.broadcast %parallel_loop3A_148 : f32 to vector<16xf32>
        %parallel_loop3A_673 = arith.mulf %parallel_loop3A_672, %parallel_loop3A_671 : vector<16xf32>
        %parallel_loop3A_674 = arith.constant 128 : i32
        %parallel_loop3A_675 = arith.addi %parallel_loop3A_174, %parallel_loop3A_674 : i32
        %parallel_loop3A_676 = arith.constant 48 : i32
        %parallel_loop3A_677 = arith.addi %parallel_loop3A_675, %parallel_loop3A_676 : i32
        %parallel_loop3A_678 = arith.constant 0 : i32
        %parallel_loop3A_679 = tpu.memref_reshape %arg8 : memref<2x96x128xf32, #tpu.memory_space<vmem>> -> memref<2x12288xf32, #tpu.memory_space<vmem>>
        %parallel_loop3A_680 = arith.index_cast %parallel_loop3A_678 : i32 to index
        %parallel_loop3A_681 = arith.index_cast %parallel_loop3A_677 : i32 to index
        %parallel_loop3A_682 = tpu.vector_load %parallel_loop3A_679[%parallel_loop3A_680, %parallel_loop3A_681] {strides = array<i32>} : memref<2x12288xf32, #tpu.memory_space<vmem>>, vector<1x16xf32>,
        %parallel_loop3A_683 = vector.shape_cast %parallel_loop3A_682 : vector<1x16xf32> to vector<16xf32>
        %parallel_loop3A_684 = vector.broadcast %parallel_loop3A_150 : f32 to vector<16xf32>
        %parallel_loop3A_685 = arith.mulf %parallel_loop3A_684, %parallel_loop3A_683 : vector<16xf32>
        %parallel_loop3A_686 = arith.addf %parallel_loop3A_673, %parallel_loop3A_685 : vector<16xf32>
        %parallel_loop3A_687 = arith.constant 256 : i32
        %parallel_loop3A_688 = arith.addi %parallel_loop3A_174, %parallel_loop3A_687 : i32
        %parallel_loop3A_689 = arith.constant 48 : i32
        %parallel_loop3A_690 = arith.addi %parallel_loop3A_688, %parallel_loop3A_689 : i32
        %parallel_loop3A_691 = arith.constant 0 : i32
        %parallel_loop3A_692 = tpu.memref_reshape %arg8 : memref<2x96x128xf32, #tpu.memory_space<vmem>> -> memref<2x12288xf32, #tpu.memory_space<vmem>>
        %parallel_loop3A_693 = arith.index_cast %parallel_loop3A_691 : i32 to index
        %parallel_loop3A_694 = arith.index_cast %parallel_loop3A_690 : i32 to index
        %parallel_loop3A_695 = tpu.vector_load %parallel_loop3A_692[%parallel_loop3A_693, %parallel_loop3A_694] {strides = array<i32>} : memref<2x12288xf32, #tpu.memory_space<vmem>>, vector<1x16xf32>,
        %parallel_loop3A_696 = vector.shape_cast %parallel_loop3A_695 : vector<1x16xf32> to vector<16xf32>
        %parallel_loop3A_697 = vector.broadcast %parallel_loop3A_152 : f32 to vector<16xf32>
        %parallel_loop3A_698 = arith.mulf %parallel_loop3A_697, %parallel_loop3A_696 : vector<16xf32>
        %parallel_loop3A_699 = arith.addf %parallel_loop3A_686, %parallel_loop3A_698 : vector<16xf32>
        %parallel_loop3A_700 = arith.constant 384 : i32
        %parallel_loop3A_701 = arith.addi %parallel_loop3A_174, %parallel_loop3A_700 : i32
        %parallel_loop3A_702 = arith.constant 48 : i32
        %parallel_loop3A_703 = arith.addi %parallel_loop3A_701, %parallel_loop3A_702 : i32
        %parallel_loop3A_704 = arith.constant 0 : i32
        %parallel_loop3A_705 = tpu.memref_reshape %arg8 : memref<2x96x128xf32, #tpu.memory_space<vmem>> -> memref<2x12288xf32, #tpu.memory_space<vmem>>
        %parallel_loop3A_706 = arith.index_cast %parallel_loop3A_704 : i32 to index
        %parallel_loop3A_707 = arith.index_cast %parallel_loop3A_703 : i32 to index
        %parallel_loop3A_708 = tpu.vector_load %parallel_loop3A_705[%parallel_loop3A_706, %parallel_loop3A_707] {strides = array<i32>} : memref<2x12288xf32, #tpu.memory_space<vmem>>, vector<1x16xf32>,
        %parallel_loop3A_709 = vector.shape_cast %parallel_loop3A_708 : vector<1x16xf32> to vector<16xf32>
        %parallel_loop3A_710 = vector.broadcast %parallel_loop3A_154 : f32 to vector<16xf32>
        %parallel_loop3A_711 = arith.mulf %parallel_loop3A_710, %parallel_loop3A_709 : vector<16xf32>
        %parallel_loop3A_712 = arith.addf %parallel_loop3A_699, %parallel_loop3A_711 : vector<16xf32>
        %parallel_loop3A_713 = arith.constant 512 : i32
        %parallel_loop3A_714 = arith.addi %parallel_loop3A_174, %parallel_loop3A_713 : i32
        %parallel_loop3A_715 = arith.constant 48 : i32
        %parallel_loop3A_716 = arith.addi %parallel_loop3A_714, %parallel_loop3A_715 : i32
        %parallel_loop3A_717 = arith.constant 0 : i32
        %parallel_loop3A_718 = tpu.memref_reshape %arg8 : memref<2x96x128xf32, #tpu.memory_space<vmem>> -> memref<2x12288xf32, #tpu.memory_space<vmem>>
        %parallel_loop3A_719 = arith.index_cast %parallel_loop3A_717 : i32 to index
        %parallel_loop3A_720 = arith.index_cast %parallel_loop3A_716 : i32 to index
        %parallel_loop3A_721 = tpu.vector_load %parallel_loop3A_718[%parallel_loop3A_719, %parallel_loop3A_720] {strides = array<i32>} : memref<2x12288xf32, #tpu.memory_space<vmem>>, vector<1x16xf32>,
        %parallel_loop3A_722 = vector.shape_cast %parallel_loop3A_721 : vector<1x16xf32> to vector<16xf32>
        %parallel_loop3A_723 = vector.broadcast %parallel_loop3A_156 : f32 to vector<16xf32>
        %parallel_loop3A_724 = arith.mulf %parallel_loop3A_723, %parallel_loop3A_722 : vector<16xf32>
        %parallel_loop3A_725 = arith.addf %parallel_loop3A_712, %parallel_loop3A_724 : vector<16xf32>
        %parallel_loop3A_726 = arith.constant 640 : i32
        %parallel_loop3A_727 = arith.addi %parallel_loop3A_174, %parallel_loop3A_726 : i32
        %parallel_loop3A_728 = arith.constant 48 : i32
        %parallel_loop3A_729 = arith.addi %parallel_loop3A_727, %parallel_loop3A_728 : i32
        %parallel_loop3A_730 = arith.constant 0 : i32
        %parallel_loop3A_731 = tpu.memref_reshape %arg8 : memref<2x96x128xf32, #tpu.memory_space<vmem>> -> memref<2x12288xf32, #tpu.memory_space<vmem>>
        %parallel_loop3A_732 = arith.index_cast %parallel_loop3A_730 : i32 to index
        %parallel_loop3A_733 = arith.index_cast %parallel_loop3A_729 : i32 to index
        %parallel_loop3A_734 = tpu.vector_load %parallel_loop3A_731[%parallel_loop3A_732, %parallel_loop3A_733] {strides = array<i32>} : memref<2x12288xf32, #tpu.memory_space<vmem>>, vector<1x16xf32>,
        %parallel_loop3A_735 = vector.shape_cast %parallel_loop3A_734 : vector<1x16xf32> to vector<16xf32>
        %parallel_loop3A_736 = vector.broadcast %parallel_loop3A_158 : f32 to vector<16xf32>
        %parallel_loop3A_737 = arith.mulf %parallel_loop3A_736, %parallel_loop3A_735 : vector<16xf32>
        %parallel_loop3A_738 = arith.addf %parallel_loop3A_725, %parallel_loop3A_737 : vector<16xf32>
        %parallel_loop3A_739 = arith.constant 768 : i32
        %parallel_loop3A_740 = arith.addi %parallel_loop3A_174, %parallel_loop3A_739 : i32
        %parallel_loop3A_741 = arith.constant 48 : i32
        %parallel_loop3A_742 = arith.addi %parallel_loop3A_740, %parallel_loop3A_741 : i32
        %parallel_loop3A_743 = arith.constant 0 : i32
        %parallel_loop3A_744 = tpu.memref_reshape %arg8 : memref<2x96x128xf32, #tpu.memory_space<vmem>> -> memref<2x12288xf32, #tpu.memory_space<vmem>>
        %parallel_loop3A_745 = arith.index_cast %parallel_loop3A_743 : i32 to index
        %parallel_loop3A_746 = arith.index_cast %parallel_loop3A_742 : i32 to index
        %parallel_loop3A_747 = tpu.vector_load %parallel_loop3A_744[%parallel_loop3A_745, %parallel_loop3A_746] {strides = array<i32>} : memref<2x12288xf32, #tpu.memory_space<vmem>>, vector<1x16xf32>,
        %parallel_loop3A_748 = vector.shape_cast %parallel_loop3A_747 : vector<1x16xf32> to vector<16xf32>
        %parallel_loop3A_749 = vector.broadcast %parallel_loop3A_160 : f32 to vector<16xf32>
        %parallel_loop3A_750 = arith.mulf %parallel_loop3A_749, %parallel_loop3A_748 : vector<16xf32>
        %parallel_loop3A_751 = arith.addf %parallel_loop3A_738, %parallel_loop3A_750 : vector<16xf32>
        %parallel_loop3A_752 = arith.constant 896 : i32
        %parallel_loop3A_753 = arith.addi %parallel_loop3A_174, %parallel_loop3A_752 : i32
        %parallel_loop3A_754 = arith.constant 48 : i32
        %parallel_loop3A_755 = arith.addi %parallel_loop3A_753, %parallel_loop3A_754 : i32
        %parallel_loop3A_756 = arith.constant 0 : i32
        %parallel_loop3A_757 = tpu.memref_reshape %arg8 : memref<2x96x128xf32, #tpu.memory_space<vmem>> -> memref<2x12288xf32, #tpu.memory_space<vmem>>
        %parallel_loop3A_758 = arith.index_cast %parallel_loop3A_756 : i32 to index
        %parallel_loop3A_759 = arith.index_cast %parallel_loop3A_755 : i32 to index
        %parallel_loop3A_760 = tpu.vector_load %parallel_loop3A_757[%parallel_loop3A_758, %parallel_loop3A_759] {strides = array<i32>} : memref<2x12288xf32, #tpu.memory_space<vmem>>, vector<1x16xf32>,
        %parallel_loop3A_761 = vector.shape_cast %parallel_loop3A_760 : vector<1x16xf32> to vector<16xf32>
        %parallel_loop3A_762 = vector.broadcast %parallel_loop3A_162 : f32 to vector<16xf32>
        %parallel_loop3A_763 = arith.mulf %parallel_loop3A_762, %parallel_loop3A_761 : vector<16xf32>
        %parallel_loop3A_764 = arith.addf %parallel_loop3A_751, %parallel_loop3A_763 : vector<16xf32>
        %parallel_loop3A_765 = arith.constant 1024 : i32
        %parallel_loop3A_766 = arith.addi %parallel_loop3A_174, %parallel_loop3A_765 : i32
        %parallel_loop3A_767 = arith.constant 48 : i32
        %parallel_loop3A_768 = arith.addi %parallel_loop3A_766, %parallel_loop3A_767 : i32
        %parallel_loop3A_769 = arith.constant 0 : i32
        %parallel_loop3A_770 = tpu.memref_reshape %arg8 : memref<2x96x128xf32, #tpu.memory_space<vmem>> -> memref<2x12288xf32, #tpu.memory_space<vmem>>
        %parallel_loop3A_771 = arith.index_cast %parallel_loop3A_769 : i32 to index
        %parallel_loop3A_772 = arith.index_cast %parallel_loop3A_768 : i32 to index
        %parallel_loop3A_773 = tpu.vector_load %parallel_loop3A_770[%parallel_loop3A_771, %parallel_loop3A_772] {strides = array<i32>} : memref<2x12288xf32, #tpu.memory_space<vmem>>, vector<1x16xf32>,
        %parallel_loop3A_774 = vector.shape_cast %parallel_loop3A_773 : vector<1x16xf32> to vector<16xf32>
        %parallel_loop3A_775 = vector.broadcast %parallel_loop3A_164 : f32 to vector<16xf32>
        %parallel_loop3A_776 = arith.mulf %parallel_loop3A_775, %parallel_loop3A_774 : vector<16xf32>
        %parallel_loop3A_777 = arith.addf %parallel_loop3A_764, %parallel_loop3A_776 : vector<16xf32>
        %parallel_loop3A_778 = arith.constant 1152 : i32
        %parallel_loop3A_779 = arith.addi %parallel_loop3A_174, %parallel_loop3A_778 : i32
        %parallel_loop3A_780 = arith.constant 48 : i32
        %parallel_loop3A_781 = arith.addi %parallel_loop3A_779, %parallel_loop3A_780 : i32
        %parallel_loop3A_782 = arith.constant 0 : i32
        %parallel_loop3A_783 = tpu.memref_reshape %arg8 : memref<2x96x128xf32, #tpu.memory_space<vmem>> -> memref<2x12288xf32, #tpu.memory_space<vmem>>
        %parallel_loop3A_784 = arith.index_cast %parallel_loop3A_782 : i32 to index
        %parallel_loop3A_785 = arith.index_cast %parallel_loop3A_781 : i32 to index
        %parallel_loop3A_786 = tpu.vector_load %parallel_loop3A_783[%parallel_loop3A_784, %parallel_loop3A_785] {strides = array<i32>} : memref<2x12288xf32, #tpu.memory_space<vmem>>, vector<1x16xf32>,
        %parallel_loop3A_787 = vector.shape_cast %parallel_loop3A_786 : vector<1x16xf32> to vector<16xf32>
        %parallel_loop3A_788 = vector.broadcast %parallel_loop3A_166 : f32 to vector<16xf32>
        %parallel_loop3A_789 = arith.mulf %parallel_loop3A_788, %parallel_loop3A_787 : vector<16xf32>
        %parallel_loop3A_790 = arith.addf %parallel_loop3A_777, %parallel_loop3A_789 : vector<16xf32>
        %parallel_loop3A_791 = arith.constant 1280 : i32
        %parallel_loop3A_792 = arith.addi %parallel_loop3A_174, %parallel_loop3A_791 : i32
        %parallel_loop3A_793 = arith.constant 48 : i32
        %parallel_loop3A_794 = arith.addi %parallel_loop3A_792, %parallel_loop3A_793 : i32
        %parallel_loop3A_795 = arith.constant 0 : i32
        %parallel_loop3A_796 = tpu.memref_reshape %arg8 : memref<2x96x128xf32, #tpu.memory_space<vmem>> -> memref<2x12288xf32, #tpu.memory_space<vmem>>
        %parallel_loop3A_797 = arith.index_cast %parallel_loop3A_795 : i32 to index
        %parallel_loop3A_798 = arith.index_cast %parallel_loop3A_794 : i32 to index
        %parallel_loop3A_799 = tpu.vector_load %parallel_loop3A_796[%parallel_loop3A_797, %parallel_loop3A_798] {strides = array<i32>} : memref<2x12288xf32, #tpu.memory_space<vmem>>, vector<1x16xf32>,
        %parallel_loop3A_800 = vector.shape_cast %parallel_loop3A_799 : vector<1x16xf32> to vector<16xf32>
        %parallel_loop3A_801 = vector.broadcast %parallel_loop3A_168 : f32 to vector<16xf32>
        %parallel_loop3A_802 = arith.mulf %parallel_loop3A_801, %parallel_loop3A_800 : vector<16xf32>
        %parallel_loop3A_803 = arith.addf %parallel_loop3A_790, %parallel_loop3A_802 : vector<16xf32>
        %parallel_loop3A_804 = arith.constant 1408 : i32
        %parallel_loop3A_805 = arith.addi %parallel_loop3A_174, %parallel_loop3A_804 : i32
        %parallel_loop3A_806 = arith.constant 48 : i32
        %parallel_loop3A_807 = arith.addi %parallel_loop3A_805, %parallel_loop3A_806 : i32
        %parallel_loop3A_808 = arith.constant 0 : i32
        %parallel_loop3A_809 = tpu.memref_reshape %arg8 : memref<2x96x128xf32, #tpu.memory_space<vmem>> -> memref<2x12288xf32, #tpu.memory_space<vmem>>
        %parallel_loop3A_810 = arith.index_cast %parallel_loop3A_808 : i32 to index
        %parallel_loop3A_811 = arith.index_cast %parallel_loop3A_807 : i32 to index
        %parallel_loop3A_812 = tpu.vector_load %parallel_loop3A_809[%parallel_loop3A_810, %parallel_loop3A_811] {strides = array<i32>} : memref<2x12288xf32, #tpu.memory_space<vmem>>, vector<1x16xf32>,
        %parallel_loop3A_813 = vector.shape_cast %parallel_loop3A_812 : vector<1x16xf32> to vector<16xf32>
        %parallel_loop3A_814 = vector.broadcast %parallel_loop3A_170 : f32 to vector<16xf32>
        %parallel_loop3A_815 = arith.mulf %parallel_loop3A_814, %parallel_loop3A_813 : vector<16xf32>
        %parallel_loop3A_816 = arith.addf %parallel_loop3A_803, %parallel_loop3A_815 : vector<16xf32>
        %parallel_loop3A_817 = arith.constant 0 : i32
        %parallel_loop3A_818 = arith.addi %parallel_loop3A_817, %parallel_loop3A_138 : i32
        %parallel_loop3A_819 = arith.constant 128 : i32
        %parallel_loop3A_820 = arith.muli %parallel_loop3A_818, %parallel_loop3A_819 : i32
        %parallel_loop3A_821 = arith.constant 48 : i32
        %parallel_loop3A_822 = arith.addi %parallel_loop3A_820, %parallel_loop3A_821 : i32
        %parallel_loop3A_823 = arith.index_cast %parallel_loop3A_822 : i32 to index
        %parallel_loop3A_824 = tpu.vector_load %arg9[%parallel_loop3A_823] {strides = array<i32>} : memref<2048xf32, #tpu.memory_space<vmem>>, vector<16xf32>,
        %parallel_loop3A_825 = vector.shape_cast %parallel_loop3A_824 : vector<16xf32> to vector<16xf32>
        %parallel_loop3A_826 = vector.shape_cast %parallel_loop3A_816 : vector<16xf32> to vector<16xf32>
        tpu.vector_store %arg9[%parallel_loop3A_823], %parallel_loop3A_826 {strides = array<i32>} : memref<2048xf32, #tpu.memory_space<vmem>>, vector<16xf32>,
        %parallel_loop3A_827 = arith.constant 64 : i32
        %parallel_loop3A_828 = arith.addi %parallel_loop3A_174, %parallel_loop3A_827 : i32
        %parallel_loop3A_829 = arith.constant 0 : i32
        %parallel_loop3A_830 = tpu.memref_reshape %arg8 : memref<2x96x128xf32, #tpu.memory_space<vmem>> -> memref<2x12288xf32, #tpu.memory_space<vmem>>
        %parallel_loop3A_831 = arith.index_cast %parallel_loop3A_829 : i32 to index
        %parallel_loop3A_832 = arith.index_cast %parallel_loop3A_828 : i32 to index
        %parallel_loop3A_833 = tpu.vector_load %parallel_loop3A_830[%parallel_loop3A_831, %parallel_loop3A_832] {strides = array<i32>} : memref<2x12288xf32, #tpu.memory_space<vmem>>, vector<1x16xf32>,
        %parallel_loop3A_834 = vector.shape_cast %parallel_loop3A_833 : vector<1x16xf32> to vector<16xf32>
        %parallel_loop3A_835 = vector.broadcast %parallel_loop3A_148 : f32 to vector<16xf32>
        %parallel_loop3A_836 = arith.mulf %parallel_loop3A_835, %parallel_loop3A_834 : vector<16xf32>
        %parallel_loop3A_837 = arith.constant 128 : i32
        %parallel_loop3A_838 = arith.addi %parallel_loop3A_174, %parallel_loop3A_837 : i32
        %parallel_loop3A_839 = arith.constant 64 : i32
        %parallel_loop3A_840 = arith.addi %parallel_loop3A_838, %parallel_loop3A_839 : i32
        %parallel_loop3A_841 = arith.constant 0 : i32
        %parallel_loop3A_842 = tpu.memref_reshape %arg8 : memref<2x96x128xf32, #tpu.memory_space<vmem>> -> memref<2x12288xf32, #tpu.memory_space<vmem>>
        %parallel_loop3A_843 = arith.index_cast %parallel_loop3A_841 : i32 to index
        %parallel_loop3A_844 = arith.index_cast %parallel_loop3A_840 : i32 to index
        %parallel_loop3A_845 = tpu.vector_load %parallel_loop3A_842[%parallel_loop3A_843, %parallel_loop3A_844] {strides = array<i32>} : memref<2x12288xf32, #tpu.memory_space<vmem>>, vector<1x16xf32>,
        %parallel_loop3A_846 = vector.shape_cast %parallel_loop3A_845 : vector<1x16xf32> to vector<16xf32>
        %parallel_loop3A_847 = vector.broadcast %parallel_loop3A_150 : f32 to vector<16xf32>
        %parallel_loop3A_848 = arith.mulf %parallel_loop3A_847, %parallel_loop3A_846 : vector<16xf32>
        %parallel_loop3A_849 = arith.addf %parallel_loop3A_836, %parallel_loop3A_848 : vector<16xf32>
        %parallel_loop3A_850 = arith.constant 256 : i32
        %parallel_loop3A_851 = arith.addi %parallel_loop3A_174, %parallel_loop3A_850 : i32
        %parallel_loop3A_852 = arith.constant 64 : i32
        %parallel_loop3A_853 = arith.addi %parallel_loop3A_851, %parallel_loop3A_852 : i32
        %parallel_loop3A_854 = arith.constant 0 : i32
        %parallel_loop3A_855 = tpu.memref_reshape %arg8 : memref<2x96x128xf32, #tpu.memory_space<vmem>> -> memref<2x12288xf32, #tpu.memory_space<vmem>>
        %parallel_loop3A_856 = arith.index_cast %parallel_loop3A_854 : i32 to index
        %parallel_loop3A_857 = arith.index_cast %parallel_loop3A_853 : i32 to index
        %parallel_loop3A_858 = tpu.vector_load %parallel_loop3A_855[%parallel_loop3A_856, %parallel_loop3A_857] {strides = array<i32>} : memref<2x12288xf32, #tpu.memory_space<vmem>>, vector<1x16xf32>,
        %parallel_loop3A_859 = vector.shape_cast %parallel_loop3A_858 : vector<1x16xf32> to vector<16xf32>
        %parallel_loop3A_860 = vector.broadcast %parallel_loop3A_152 : f32 to vector<16xf32>
        %parallel_loop3A_861 = arith.mulf %parallel_loop3A_860, %parallel_loop3A_859 : vector<16xf32>
        %parallel_loop3A_862 = arith.addf %parallel_loop3A_849, %parallel_loop3A_861 : vector<16xf32>
        %parallel_loop3A_863 = arith.constant 384 : i32
        %parallel_loop3A_864 = arith.addi %parallel_loop3A_174, %parallel_loop3A_863 : i32
        %parallel_loop3A_865 = arith.constant 64 : i32
        %parallel_loop3A_866 = arith.addi %parallel_loop3A_864, %parallel_loop3A_865 : i32
        %parallel_loop3A_867 = arith.constant 0 : i32
        %parallel_loop3A_868 = tpu.memref_reshape %arg8 : memref<2x96x128xf32, #tpu.memory_space<vmem>> -> memref<2x12288xf32, #tpu.memory_space<vmem>>
        %parallel_loop3A_869 = arith.index_cast %parallel_loop3A_867 : i32 to index
        %parallel_loop3A_870 = arith.index_cast %parallel_loop3A_866 : i32 to index
        %parallel_loop3A_871 = tpu.vector_load %parallel_loop3A_868[%parallel_loop3A_869, %parallel_loop3A_870] {strides = array<i32>} : memref<2x12288xf32, #tpu.memory_space<vmem>>, vector<1x16xf32>,
        %parallel_loop3A_872 = vector.shape_cast %parallel_loop3A_871 : vector<1x16xf32> to vector<16xf32>
        %parallel_loop3A_873 = vector.broadcast %parallel_loop3A_154 : f32 to vector<16xf32>
        %parallel_loop3A_874 = arith.mulf %parallel_loop3A_873, %parallel_loop3A_872 : vector<16xf32>
        %parallel_loop3A_875 = arith.addf %parallel_loop3A_862, %parallel_loop3A_874 : vector<16xf32>
        %parallel_loop3A_876 = arith.constant 512 : i32
        %parallel_loop3A_877 = arith.addi %parallel_loop3A_174, %parallel_loop3A_876 : i32
        %parallel_loop3A_878 = arith.constant 64 : i32
        %parallel_loop3A_879 = arith.addi %parallel_loop3A_877, %parallel_loop3A_878 : i32
        %parallel_loop3A_880 = arith.constant 0 : i32
        %parallel_loop3A_881 = tpu.memref_reshape %arg8 : memref<2x96x128xf32, #tpu.memory_space<vmem>> -> memref<2x12288xf32, #tpu.memory_space<vmem>>
        %parallel_loop3A_882 = arith.index_cast %parallel_loop3A_880 : i32 to index
        %parallel_loop3A_883 = arith.index_cast %parallel_loop3A_879 : i32 to index
        %parallel_loop3A_884 = tpu.vector_load %parallel_loop3A_881[%parallel_loop3A_882, %parallel_loop3A_883] {strides = array<i32>} : memref<2x12288xf32, #tpu.memory_space<vmem>>, vector<1x16xf32>,
        %parallel_loop3A_885 = vector.shape_cast %parallel_loop3A_884 : vector<1x16xf32> to vector<16xf32>
        %parallel_loop3A_886 = vector.broadcast %parallel_loop3A_156 : f32 to vector<16xf32>
        %parallel_loop3A_887 = arith.mulf %parallel_loop3A_886, %parallel_loop3A_885 : vector<16xf32>
        %parallel_loop3A_888 = arith.addf %parallel_loop3A_875, %parallel_loop3A_887 : vector<16xf32>
        %parallel_loop3A_889 = arith.constant 640 : i32
        %parallel_loop3A_890 = arith.addi %parallel_loop3A_174, %parallel_loop3A_889 : i32
        %parallel_loop3A_891 = arith.constant 64 : i32
        %parallel_loop3A_892 = arith.addi %parallel_loop3A_890, %parallel_loop3A_891 : i32
        %parallel_loop3A_893 = arith.constant 0 : i32
        %parallel_loop3A_894 = tpu.memref_reshape %arg8 : memref<2x96x128xf32, #tpu.memory_space<vmem>> -> memref<2x12288xf32, #tpu.memory_space<vmem>>
        %parallel_loop3A_895 = arith.index_cast %parallel_loop3A_893 : i32 to index
        %parallel_loop3A_896 = arith.index_cast %parallel_loop3A_892 : i32 to index
        %parallel_loop3A_897 = tpu.vector_load %parallel_loop3A_894[%parallel_loop3A_895, %parallel_loop3A_896] {strides = array<i32>} : memref<2x12288xf32, #tpu.memory_space<vmem>>, vector<1x16xf32>,
        %parallel_loop3A_898 = vector.shape_cast %parallel_loop3A_897 : vector<1x16xf32> to vector<16xf32>
        %parallel_loop3A_899 = vector.broadcast %parallel_loop3A_158 : f32 to vector<16xf32>
        %parallel_loop3A_900 = arith.mulf %parallel_loop3A_899, %parallel_loop3A_898 : vector<16xf32>
        %parallel_loop3A_901 = arith.addf %parallel_loop3A_888, %parallel_loop3A_900 : vector<16xf32>
        %parallel_loop3A_902 = arith.constant 768 : i32
        %parallel_loop3A_903 = arith.addi %parallel_loop3A_174, %parallel_loop3A_902 : i32
        %parallel_loop3A_904 = arith.constant 64 : i32
        %parallel_loop3A_905 = arith.addi %parallel_loop3A_903, %parallel_loop3A_904 : i32
        %parallel_loop3A_906 = arith.constant 0 : i32
        %parallel_loop3A_907 = tpu.memref_reshape %arg8 : memref<2x96x128xf32, #tpu.memory_space<vmem>> -> memref<2x12288xf32, #tpu.memory_space<vmem>>
        %parallel_loop3A_908 = arith.index_cast %parallel_loop3A_906 : i32 to index
        %parallel_loop3A_909 = arith.index_cast %parallel_loop3A_905 : i32 to index
        %parallel_loop3A_910 = tpu.vector_load %parallel_loop3A_907[%parallel_loop3A_908, %parallel_loop3A_909] {strides = array<i32>} : memref<2x12288xf32, #tpu.memory_space<vmem>>, vector<1x16xf32>,
        %parallel_loop3A_911 = vector.shape_cast %parallel_loop3A_910 : vector<1x16xf32> to vector<16xf32>
        %parallel_loop3A_912 = vector.broadcast %parallel_loop3A_160 : f32 to vector<16xf32>
        %parallel_loop3A_913 = arith.mulf %parallel_loop3A_912, %parallel_loop3A_911 : vector<16xf32>
        %parallel_loop3A_914 = arith.addf %parallel_loop3A_901, %parallel_loop3A_913 : vector<16xf32>
        %parallel_loop3A_915 = arith.constant 896 : i32
        %parallel_loop3A_916 = arith.addi %parallel_loop3A_174, %parallel_loop3A_915 : i32
        %parallel_loop3A_917 = arith.constant 64 : i32
        %parallel_loop3A_918 = arith.addi %parallel_loop3A_916, %parallel_loop3A_917 : i32
        %parallel_loop3A_919 = arith.constant 0 : i32
        %parallel_loop3A_920 = tpu.memref_reshape %arg8 : memref<2x96x128xf32, #tpu.memory_space<vmem>> -> memref<2x12288xf32, #tpu.memory_space<vmem>>
        %parallel_loop3A_921 = arith.index_cast %parallel_loop3A_919 : i32 to index
        %parallel_loop3A_922 = arith.index_cast %parallel_loop3A_918 : i32 to index
        %parallel_loop3A_923 = tpu.vector_load %parallel_loop3A_920[%parallel_loop3A_921, %parallel_loop3A_922] {strides = array<i32>} : memref<2x12288xf32, #tpu.memory_space<vmem>>, vector<1x16xf32>,
        %parallel_loop3A_924 = vector.shape_cast %parallel_loop3A_923 : vector<1x16xf32> to vector<16xf32>
        %parallel_loop3A_925 = vector.broadcast %parallel_loop3A_162 : f32 to vector<16xf32>
        %parallel_loop3A_926 = arith.mulf %parallel_loop3A_925, %parallel_loop3A_924 : vector<16xf32>
        %parallel_loop3A_927 = arith.addf %parallel_loop3A_914, %parallel_loop3A_926 : vector<16xf32>
        %parallel_loop3A_928 = arith.constant 1024 : i32
        %parallel_loop3A_929 = arith.addi %parallel_loop3A_174, %parallel_loop3A_928 : i32
        %parallel_loop3A_930 = arith.constant 64 : i32
        %parallel_loop3A_931 = arith.addi %parallel_loop3A_929, %parallel_loop3A_930 : i32
        %parallel_loop3A_932 = arith.constant 0 : i32
        %parallel_loop3A_933 = tpu.memref_reshape %arg8 : memref<2x96x128xf32, #tpu.memory_space<vmem>> -> memref<2x12288xf32, #tpu.memory_space<vmem>>
        %parallel_loop3A_934 = arith.index_cast %parallel_loop3A_932 : i32 to index
        %parallel_loop3A_935 = arith.index_cast %parallel_loop3A_931 : i32 to index
        %parallel_loop3A_936 = tpu.vector_load %parallel_loop3A_933[%parallel_loop3A_934, %parallel_loop3A_935] {strides = array<i32>} : memref<2x12288xf32, #tpu.memory_space<vmem>>, vector<1x16xf32>,
        %parallel_loop3A_937 = vector.shape_cast %parallel_loop3A_936 : vector<1x16xf32> to vector<16xf32>
        %parallel_loop3A_938 = vector.broadcast %parallel_loop3A_164 : f32 to vector<16xf32>
        %parallel_loop3A_939 = arith.mulf %parallel_loop3A_938, %parallel_loop3A_937 : vector<16xf32>
        %parallel_loop3A_940 = arith.addf %parallel_loop3A_927, %parallel_loop3A_939 : vector<16xf32>
        %parallel_loop3A_941 = arith.constant 1152 : i32
        %parallel_loop3A_942 = arith.addi %parallel_loop3A_174, %parallel_loop3A_941 : i32
        %parallel_loop3A_943 = arith.constant 64 : i32
        %parallel_loop3A_944 = arith.addi %parallel_loop3A_942, %parallel_loop3A_943 : i32
        %parallel_loop3A_945 = arith.constant 0 : i32
        %parallel_loop3A_946 = tpu.memref_reshape %arg8 : memref<2x96x128xf32, #tpu.memory_space<vmem>> -> memref<2x12288xf32, #tpu.memory_space<vmem>>
        %parallel_loop3A_947 = arith.index_cast %parallel_loop3A_945 : i32 to index
        %parallel_loop3A_948 = arith.index_cast %parallel_loop3A_944 : i32 to index
        %parallel_loop3A_949 = tpu.vector_load %parallel_loop3A_946[%parallel_loop3A_947, %parallel_loop3A_948] {strides = array<i32>} : memref<2x12288xf32, #tpu.memory_space<vmem>>, vector<1x16xf32>,
        %parallel_loop3A_950 = vector.shape_cast %parallel_loop3A_949 : vector<1x16xf32> to vector<16xf32>
        %parallel_loop3A_951 = vector.broadcast %parallel_loop3A_166 : f32 to vector<16xf32>
        %parallel_loop3A_952 = arith.mulf %parallel_loop3A_951, %parallel_loop3A_950 : vector<16xf32>
        %parallel_loop3A_953 = arith.addf %parallel_loop3A_940, %parallel_loop3A_952 : vector<16xf32>
        %parallel_loop3A_954 = arith.constant 1280 : i32
        %parallel_loop3A_955 = arith.addi %parallel_loop3A_174, %parallel_loop3A_954 : i32
        %parallel_loop3A_956 = arith.constant 64 : i32
        %parallel_loop3A_957 = arith.addi %parallel_loop3A_955, %parallel_loop3A_956 : i32
        %parallel_loop3A_958 = arith.constant 0 : i32
        %parallel_loop3A_959 = tpu.memref_reshape %arg8 : memref<2x96x128xf32, #tpu.memory_space<vmem>> -> memref<2x12288xf32, #tpu.memory_space<vmem>>
        %parallel_loop3A_960 = arith.index_cast %parallel_loop3A_958 : i32 to index
        %parallel_loop3A_961 = arith.index_cast %parallel_loop3A_957 : i32 to index
        %parallel_loop3A_962 = tpu.vector_load %parallel_loop3A_959[%parallel_loop3A_960, %parallel_loop3A_961] {strides = array<i32>} : memref<2x12288xf32, #tpu.memory_space<vmem>>, vector<1x16xf32>,
        %parallel_loop3A_963 = vector.shape_cast %parallel_loop3A_962 : vector<1x16xf32> to vector<16xf32>
        %parallel_loop3A_964 = vector.broadcast %parallel_loop3A_168 : f32 to vector<16xf32>
        %parallel_loop3A_965 = arith.mulf %parallel_loop3A_964, %parallel_loop3A_963 : vector<16xf32>
        %parallel_loop3A_966 = arith.addf %parallel_loop3A_953, %parallel_loop3A_965 : vector<16xf32>
        %parallel_loop3A_967 = arith.constant 1408 : i32
        %parallel_loop3A_968 = arith.addi %parallel_loop3A_174, %parallel_loop3A_967 : i32
        %parallel_loop3A_969 = arith.constant 64 : i32
        %parallel_loop3A_970 = arith.addi %parallel_loop3A_968, %parallel_loop3A_969 : i32
        %parallel_loop3A_971 = arith.constant 0 : i32
        %parallel_loop3A_972 = tpu.memref_reshape %arg8 : memref<2x96x128xf32, #tpu.memory_space<vmem>> -> memref<2x12288xf32, #tpu.memory_space<vmem>>
        %parallel_loop3A_973 = arith.index_cast %parallel_loop3A_971 : i32 to index
        %parallel_loop3A_974 = arith.index_cast %parallel_loop3A_970 : i32 to index
        %parallel_loop3A_975 = tpu.vector_load %parallel_loop3A_972[%parallel_loop3A_973, %parallel_loop3A_974] {strides = array<i32>} : memref<2x12288xf32, #tpu.memory_space<vmem>>, vector<1x16xf32>,
        %parallel_loop3A_976 = vector.shape_cast %parallel_loop3A_975 : vector<1x16xf32> to vector<16xf32>
        %parallel_loop3A_977 = vector.broadcast %parallel_loop3A_170 : f32 to vector<16xf32>
        %parallel_loop3A_978 = arith.mulf %parallel_loop3A_977, %parallel_loop3A_976 : vector<16xf32>
        %parallel_loop3A_979 = arith.addf %parallel_loop3A_966, %parallel_loop3A_978 : vector<16xf32>
        %parallel_loop3A_980 = arith.constant 0 : i32
        %parallel_loop3A_981 = arith.addi %parallel_loop3A_980, %parallel_loop3A_138 : i32
        %parallel_loop3A_982 = arith.constant 128 : i32
        %parallel_loop3A_983 = arith.muli %parallel_loop3A_981, %parallel_loop3A_982 : i32
        %parallel_loop3A_984 = arith.constant 64 : i32
        %parallel_loop3A_985 = arith.addi %parallel_loop3A_983, %parallel_loop3A_984 : i32
        %parallel_loop3A_986 = arith.index_cast %parallel_loop3A_985 : i32 to index
        %parallel_loop3A_987 = tpu.vector_load %arg9[%parallel_loop3A_986] {strides = array<i32>} : memref<2048xf32, #tpu.memory_space<vmem>>, vector<16xf32>,
        %parallel_loop3A_988 = vector.shape_cast %parallel_loop3A_987 : vector<16xf32> to vector<16xf32>
        %parallel_loop3A_989 = vector.shape_cast %parallel_loop3A_979 : vector<16xf32> to vector<16xf32>
        tpu.vector_store %arg9[%parallel_loop3A_986], %parallel_loop3A_989 {strides = array<i32>} : memref<2048xf32, #tpu.memory_space<vmem>>, vector<16xf32>,
        %parallel_loop3A_990 = arith.constant 80 : i32
        %parallel_loop3A_991 = arith.addi %parallel_loop3A_174, %parallel_loop3A_990 : i32
        %parallel_loop3A_992 = arith.constant 0 : i32
        %parallel_loop3A_993 = tpu.memref_reshape %arg8 : memref<2x96x128xf32, #tpu.memory_space<vmem>> -> memref<2x12288xf32, #tpu.memory_space<vmem>>
        %parallel_loop3A_994 = arith.index_cast %parallel_loop3A_992 : i32 to index
        %parallel_loop3A_995 = arith.index_cast %parallel_loop3A_991 : i32 to index
        %parallel_loop3A_996 = tpu.vector_load %parallel_loop3A_993[%parallel_loop3A_994, %parallel_loop3A_995] {strides = array<i32>} : memref<2x12288xf32, #tpu.memory_space<vmem>>, vector<1x16xf32>,
        %parallel_loop3A_997 = vector.shape_cast %parallel_loop3A_996 : vector<1x16xf32> to vector<16xf32>
        %parallel_loop3A_998 = vector.broadcast %parallel_loop3A_148 : f32 to vector<16xf32>
        %parallel_loop3A_999 = arith.mulf %parallel_loop3A_998, %parallel_loop3A_997 : vector<16xf32>
        %parallel_loop3A_1000 = arith.constant 128 : i32
        %parallel_loop3A_1001 = arith.addi %parallel_loop3A_174, %parallel_loop3A_1000 : i32
        %parallel_loop3A_1002 = arith.constant 80 : i32
        %parallel_loop3A_1003 = arith.addi %parallel_loop3A_1001, %parallel_loop3A_1002 : i32
        %parallel_loop3A_1004 = arith.constant 0 : i32
        %parallel_loop3A_1005 = tpu.memref_reshape %arg8 : memref<2x96x128xf32, #tpu.memory_space<vmem>> -> memref<2x12288xf32, #tpu.memory_space<vmem>>
        %parallel_loop3A_1006 = arith.index_cast %parallel_loop3A_1004 : i32 to index
        %parallel_loop3A_1007 = arith.index_cast %parallel_loop3A_1003 : i32 to index
        %parallel_loop3A_1008 = tpu.vector_load %parallel_loop3A_1005[%parallel_loop3A_1006, %parallel_loop3A_1007] {strides = array<i32>} : memref<2x12288xf32, #tpu.memory_space<vmem>>, vector<1x16xf32>,
        %parallel_loop3A_1009 = vector.shape_cast %parallel_loop3A_1008 : vector<1x16xf32> to vector<16xf32>
        %parallel_loop3A_1010 = vector.broadcast %parallel_loop3A_150 : f32 to vector<16xf32>
        %parallel_loop3A_1011 = arith.mulf %parallel_loop3A_1010, %parallel_loop3A_1009 : vector<16xf32>
        %parallel_loop3A_1012 = arith.addf %parallel_loop3A_999, %parallel_loop3A_1011 : vector<16xf32>
        %parallel_loop3A_1013 = arith.constant 256 : i32
        %parallel_loop3A_1014 = arith.addi %parallel_loop3A_174, %parallel_loop3A_1013 : i32
        %parallel_loop3A_1015 = arith.constant 80 : i32
        %parallel_loop3A_1016 = arith.addi %parallel_loop3A_1014, %parallel_loop3A_1015 : i32
        %parallel_loop3A_1017 = arith.constant 0 : i32
        %parallel_loop3A_1018 = tpu.memref_reshape %arg8 : memref<2x96x128xf32, #tpu.memory_space<vmem>> -> memref<2x12288xf32, #tpu.memory_space<vmem>>
        %parallel_loop3A_1019 = arith.index_cast %parallel_loop3A_1017 : i32 to index
        %parallel_loop3A_1020 = arith.index_cast %parallel_loop3A_1016 : i32 to index
        %parallel_loop3A_1021 = tpu.vector_load %parallel_loop3A_1018[%parallel_loop3A_1019, %parallel_loop3A_1020] {strides = array<i32>} : memref<2x12288xf32, #tpu.memory_space<vmem>>, vector<1x16xf32>,
        %parallel_loop3A_1022 = vector.shape_cast %parallel_loop3A_1021 : vector<1x16xf32> to vector<16xf32>
        %parallel_loop3A_1023 = vector.broadcast %parallel_loop3A_152 : f32 to vector<16xf32>
        %parallel_loop3A_1024 = arith.mulf %parallel_loop3A_1023, %parallel_loop3A_1022 : vector<16xf32>
        %parallel_loop3A_1025 = arith.addf %parallel_loop3A_1012, %parallel_loop3A_1024 : vector<16xf32>
        %parallel_loop3A_1026 = arith.constant 384 : i32
        %parallel_loop3A_1027 = arith.addi %parallel_loop3A_174, %parallel_loop3A_1026 : i32
        %parallel_loop3A_1028 = arith.constant 80 : i32
        %parallel_loop3A_1029 = arith.addi %parallel_loop3A_1027, %parallel_loop3A_1028 : i32
        %parallel_loop3A_1030 = arith.constant 0 : i32
        %parallel_loop3A_1031 = tpu.memref_reshape %arg8 : memref<2x96x128xf32, #tpu.memory_space<vmem>> -> memref<2x12288xf32, #tpu.memory_space<vmem>>
        %parallel_loop3A_1032 = arith.index_cast %parallel_loop3A_1030 : i32 to index
        %parallel_loop3A_1033 = arith.index_cast %parallel_loop3A_1029 : i32 to index
        %parallel_loop3A_1034 = tpu.vector_load %parallel_loop3A_1031[%parallel_loop3A_1032, %parallel_loop3A_1033] {strides = array<i32>} : memref<2x12288xf32, #tpu.memory_space<vmem>>, vector<1x16xf32>,
        %parallel_loop3A_1035 = vector.shape_cast %parallel_loop3A_1034 : vector<1x16xf32> to vector<16xf32>
        %parallel_loop3A_1036 = vector.broadcast %parallel_loop3A_154 : f32 to vector<16xf32>
        %parallel_loop3A_1037 = arith.mulf %parallel_loop3A_1036, %parallel_loop3A_1035 : vector<16xf32>
        %parallel_loop3A_1038 = arith.addf %parallel_loop3A_1025, %parallel_loop3A_1037 : vector<16xf32>
        %parallel_loop3A_1039 = arith.constant 512 : i32
        %parallel_loop3A_1040 = arith.addi %parallel_loop3A_174, %parallel_loop3A_1039 : i32
        %parallel_loop3A_1041 = arith.constant 80 : i32
        %parallel_loop3A_1042 = arith.addi %parallel_loop3A_1040, %parallel_loop3A_1041 : i32
        %parallel_loop3A_1043 = arith.constant 0 : i32
        %parallel_loop3A_1044 = tpu.memref_reshape %arg8 : memref<2x96x128xf32, #tpu.memory_space<vmem>> -> memref<2x12288xf32, #tpu.memory_space<vmem>>
        %parallel_loop3A_1045 = arith.index_cast %parallel_loop3A_1043 : i32 to index
        %parallel_loop3A_1046 = arith.index_cast %parallel_loop3A_1042 : i32 to index
        %parallel_loop3A_1047 = tpu.vector_load %parallel_loop3A_1044[%parallel_loop3A_1045, %parallel_loop3A_1046] {strides = array<i32>} : memref<2x12288xf32, #tpu.memory_space<vmem>>, vector<1x16xf32>,
        %parallel_loop3A_1048 = vector.shape_cast %parallel_loop3A_1047 : vector<1x16xf32> to vector<16xf32>
        %parallel_loop3A_1049 = vector.broadcast %parallel_loop3A_156 : f32 to vector<16xf32>
        %parallel_loop3A_1050 = arith.mulf %parallel_loop3A_1049, %parallel_loop3A_1048 : vector<16xf32>
        %parallel_loop3A_1051 = arith.addf %parallel_loop3A_1038, %parallel_loop3A_1050 : vector<16xf32>
        %parallel_loop3A_1052 = arith.constant 640 : i32
        %parallel_loop3A_1053 = arith.addi %parallel_loop3A_174, %parallel_loop3A_1052 : i32
        %parallel_loop3A_1054 = arith.constant 80 : i32
        %parallel_loop3A_1055 = arith.addi %parallel_loop3A_1053, %parallel_loop3A_1054 : i32
        %parallel_loop3A_1056 = arith.constant 0 : i32
        %parallel_loop3A_1057 = tpu.memref_reshape %arg8 : memref<2x96x128xf32, #tpu.memory_space<vmem>> -> memref<2x12288xf32, #tpu.memory_space<vmem>>
        %parallel_loop3A_1058 = arith.index_cast %parallel_loop3A_1056 : i32 to index
        %parallel_loop3A_1059 = arith.index_cast %parallel_loop3A_1055 : i32 to index
        %parallel_loop3A_1060 = tpu.vector_load %parallel_loop3A_1057[%parallel_loop3A_1058, %parallel_loop3A_1059] {strides = array<i32>} : memref<2x12288xf32, #tpu.memory_space<vmem>>, vector<1x16xf32>,
        %parallel_loop3A_1061 = vector.shape_cast %parallel_loop3A_1060 : vector<1x16xf32> to vector<16xf32>
        %parallel_loop3A_1062 = vector.broadcast %parallel_loop3A_158 : f32 to vector<16xf32>
        %parallel_loop3A_1063 = arith.mulf %parallel_loop3A_1062, %parallel_loop3A_1061 : vector<16xf32>
        %parallel_loop3A_1064 = arith.addf %parallel_loop3A_1051, %parallel_loop3A_1063 : vector<16xf32>
        %parallel_loop3A_1065 = arith.constant 768 : i32
        %parallel_loop3A_1066 = arith.addi %parallel_loop3A_174, %parallel_loop3A_1065 : i32
        %parallel_loop3A_1067 = arith.constant 80 : i32
        %parallel_loop3A_1068 = arith.addi %parallel_loop3A_1066, %parallel_loop3A_1067 : i32
        %parallel_loop3A_1069 = arith.constant 0 : i32
        %parallel_loop3A_1070 = tpu.memref_reshape %arg8 : memref<2x96x128xf32, #tpu.memory_space<vmem>> -> memref<2x12288xf32, #tpu.memory_space<vmem>>
        %parallel_loop3A_1071 = arith.index_cast %parallel_loop3A_1069 : i32 to index
        %parallel_loop3A_1072 = arith.index_cast %parallel_loop3A_1068 : i32 to index
        %parallel_loop3A_1073 = tpu.vector_load %parallel_loop3A_1070[%parallel_loop3A_1071, %parallel_loop3A_1072] {strides = array<i32>} : memref<2x12288xf32, #tpu.memory_space<vmem>>, vector<1x16xf32>,
        %parallel_loop3A_1074 = vector.shape_cast %parallel_loop3A_1073 : vector<1x16xf32> to vector<16xf32>
        %parallel_loop3A_1075 = vector.broadcast %parallel_loop3A_160 : f32 to vector<16xf32>
        %parallel_loop3A_1076 = arith.mulf %parallel_loop3A_1075, %parallel_loop3A_1074 : vector<16xf32>
        %parallel_loop3A_1077 = arith.addf %parallel_loop3A_1064, %parallel_loop3A_1076 : vector<16xf32>
        %parallel_loop3A_1078 = arith.constant 896 : i32
        %parallel_loop3A_1079 = arith.addi %parallel_loop3A_174, %parallel_loop3A_1078 : i32
        %parallel_loop3A_1080 = arith.constant 80 : i32
        %parallel_loop3A_1081 = arith.addi %parallel_loop3A_1079, %parallel_loop3A_1080 : i32
        %parallel_loop3A_1082 = arith.constant 0 : i32
        %parallel_loop3A_1083 = tpu.memref_reshape %arg8 : memref<2x96x128xf32, #tpu.memory_space<vmem>> -> memref<2x12288xf32, #tpu.memory_space<vmem>>
        %parallel_loop3A_1084 = arith.index_cast %parallel_loop3A_1082 : i32 to index
        %parallel_loop3A_1085 = arith.index_cast %parallel_loop3A_1081 : i32 to index
        %parallel_loop3A_1086 = tpu.vector_load %parallel_loop3A_1083[%parallel_loop3A_1084, %parallel_loop3A_1085] {strides = array<i32>} : memref<2x12288xf32, #tpu.memory_space<vmem>>, vector<1x16xf32>,
        %parallel_loop3A_1087 = vector.shape_cast %parallel_loop3A_1086 : vector<1x16xf32> to vector<16xf32>
        %parallel_loop3A_1088 = vector.broadcast %parallel_loop3A_162 : f32 to vector<16xf32>
        %parallel_loop3A_1089 = arith.mulf %parallel_loop3A_1088, %parallel_loop3A_1087 : vector<16xf32>
        %parallel_loop3A_1090 = arith.addf %parallel_loop3A_1077, %parallel_loop3A_1089 : vector<16xf32>
        %parallel_loop3A_1091 = arith.constant 1024 : i32
        %parallel_loop3A_1092 = arith.addi %parallel_loop3A_174, %parallel_loop3A_1091 : i32
        %parallel_loop3A_1093 = arith.constant 80 : i32
        %parallel_loop3A_1094 = arith.addi %parallel_loop3A_1092, %parallel_loop3A_1093 : i32
        %parallel_loop3A_1095 = arith.constant 0 : i32
        %parallel_loop3A_1096 = tpu.memref_reshape %arg8 : memref<2x96x128xf32, #tpu.memory_space<vmem>> -> memref<2x12288xf32, #tpu.memory_space<vmem>>
        %parallel_loop3A_1097 = arith.index_cast %parallel_loop3A_1095 : i32 to index
        %parallel_loop3A_1098 = arith.index_cast %parallel_loop3A_1094 : i32 to index
        %parallel_loop3A_1099 = tpu.vector_load %parallel_loop3A_1096[%parallel_loop3A_1097, %parallel_loop3A_1098] {strides = array<i32>} : memref<2x12288xf32, #tpu.memory_space<vmem>>, vector<1x16xf32>,
        %parallel_loop3A_1100 = vector.shape_cast %parallel_loop3A_1099 : vector<1x16xf32> to vector<16xf32>
        %parallel_loop3A_1101 = vector.broadcast %parallel_loop3A_164 : f32 to vector<16xf32>
        %parallel_loop3A_1102 = arith.mulf %parallel_loop3A_1101, %parallel_loop3A_1100 : vector<16xf32>
        %parallel_loop3A_1103 = arith.addf %parallel_loop3A_1090, %parallel_loop3A_1102 : vector<16xf32>
        %parallel_loop3A_1104 = arith.constant 1152 : i32
        %parallel_loop3A_1105 = arith.addi %parallel_loop3A_174, %parallel_loop3A_1104 : i32
        %parallel_loop3A_1106 = arith.constant 80 : i32
        %parallel_loop3A_1107 = arith.addi %parallel_loop3A_1105, %parallel_loop3A_1106 : i32
        %parallel_loop3A_1108 = arith.constant 0 : i32
        %parallel_loop3A_1109 = tpu.memref_reshape %arg8 : memref<2x96x128xf32, #tpu.memory_space<vmem>> -> memref<2x12288xf32, #tpu.memory_space<vmem>>
        %parallel_loop3A_1110 = arith.index_cast %parallel_loop3A_1108 : i32 to index
        %parallel_loop3A_1111 = arith.index_cast %parallel_loop3A_1107 : i32 to index
        %parallel_loop3A_1112 = tpu.vector_load %parallel_loop3A_1109[%parallel_loop3A_1110, %parallel_loop3A_1111] {strides = array<i32>} : memref<2x12288xf32, #tpu.memory_space<vmem>>, vector<1x16xf32>,
        %parallel_loop3A_1113 = vector.shape_cast %parallel_loop3A_1112 : vector<1x16xf32> to vector<16xf32>
        %parallel_loop3A_1114 = vector.broadcast %parallel_loop3A_166 : f32 to vector<16xf32>
        %parallel_loop3A_1115 = arith.mulf %parallel_loop3A_1114, %parallel_loop3A_1113 : vector<16xf32>
        %parallel_loop3A_1116 = arith.addf %parallel_loop3A_1103, %parallel_loop3A_1115 : vector<16xf32>
        %parallel_loop3A_1117 = arith.constant 1280 : i32
        %parallel_loop3A_1118 = arith.addi %parallel_loop3A_174, %parallel_loop3A_1117 : i32
        %parallel_loop3A_1119 = arith.constant 80 : i32
        %parallel_loop3A_1120 = arith.addi %parallel_loop3A_1118, %parallel_loop3A_1119 : i32
        %parallel_loop3A_1121 = arith.constant 0 : i32
        %parallel_loop3A_1122 = tpu.memref_reshape %arg8 : memref<2x96x128xf32, #tpu.memory_space<vmem>> -> memref<2x12288xf32, #tpu.memory_space<vmem>>
        %parallel_loop3A_1123 = arith.index_cast %parallel_loop3A_1121 : i32 to index
        %parallel_loop3A_1124 = arith.index_cast %parallel_loop3A_1120 : i32 to index
        %parallel_loop3A_1125 = tpu.vector_load %parallel_loop3A_1122[%parallel_loop3A_1123, %parallel_loop3A_1124] {strides = array<i32>} : memref<2x12288xf32, #tpu.memory_space<vmem>>, vector<1x16xf32>,
        %parallel_loop3A_1126 = vector.shape_cast %parallel_loop3A_1125 : vector<1x16xf32> to vector<16xf32>
        %parallel_loop3A_1127 = vector.broadcast %parallel_loop3A_168 : f32 to vector<16xf32>
        %parallel_loop3A_1128 = arith.mulf %parallel_loop3A_1127, %parallel_loop3A_1126 : vector<16xf32>
        %parallel_loop3A_1129 = arith.addf %parallel_loop3A_1116, %parallel_loop3A_1128 : vector<16xf32>
        %parallel_loop3A_1130 = arith.constant 1408 : i32
        %parallel_loop3A_1131 = arith.addi %parallel_loop3A_174, %parallel_loop3A_1130 : i32
        %parallel_loop3A_1132 = arith.constant 80 : i32
        %parallel_loop3A_1133 = arith.addi %parallel_loop3A_1131, %parallel_loop3A_1132 : i32
        %parallel_loop3A_1134 = arith.constant 0 : i32
        %parallel_loop3A_1135 = tpu.memref_reshape %arg8 : memref<2x96x128xf32, #tpu.memory_space<vmem>> -> memref<2x12288xf32, #tpu.memory_space<vmem>>
        %parallel_loop3A_1136 = arith.index_cast %parallel_loop3A_1134 : i32 to index
        %parallel_loop3A_1137 = arith.index_cast %parallel_loop3A_1133 : i32 to index
        %parallel_loop3A_1138 = tpu.vector_load %parallel_loop3A_1135[%parallel_loop3A_1136, %parallel_loop3A_1137] {strides = array<i32>} : memref<2x12288xf32, #tpu.memory_space<vmem>>, vector<1x16xf32>,
        %parallel_loop3A_1139 = vector.shape_cast %parallel_loop3A_1138 : vector<1x16xf32> to vector<16xf32>
        %parallel_loop3A_1140 = vector.broadcast %parallel_loop3A_170 : f32 to vector<16xf32>
        %parallel_loop3A_1141 = arith.mulf %parallel_loop3A_1140, %parallel_loop3A_1139 : vector<16xf32>
        %parallel_loop3A_1142 = arith.addf %parallel_loop3A_1129, %parallel_loop3A_1141 : vector<16xf32>
        %parallel_loop3A_1143 = arith.constant 0 : i32
        %parallel_loop3A_1144 = arith.addi %parallel_loop3A_1143, %parallel_loop3A_138 : i32
        %parallel_loop3A_1145 = arith.constant 128 : i32
        %parallel_loop3A_1146 = arith.muli %parallel_loop3A_1144, %parallel_loop3A_1145 : i32
        %parallel_loop3A_1147 = arith.constant 80 : i32
        %parallel_loop3A_1148 = arith.addi %parallel_loop3A_1146, %parallel_loop3A_1147 : i32
        %parallel_loop3A_1149 = arith.index_cast %parallel_loop3A_1148 : i32 to index
        %parallel_loop3A_1150 = tpu.vector_load %arg9[%parallel_loop3A_1149] {strides = array<i32>} : memref<2048xf32, #tpu.memory_space<vmem>>, vector<16xf32>,
        %parallel_loop3A_1151 = vector.shape_cast %parallel_loop3A_1150 : vector<16xf32> to vector<16xf32>
        %parallel_loop3A_1152 = vector.shape_cast %parallel_loop3A_1142 : vector<16xf32> to vector<16xf32>
        tpu.vector_store %arg9[%parallel_loop3A_1149], %parallel_loop3A_1152 {strides = array<i32>} : memref<2048xf32, #tpu.memory_space<vmem>>, vector<16xf32>,
        %parallel_loop3A_1153 = arith.constant 96 : i32
        %parallel_loop3A_1154 = arith.addi %parallel_loop3A_174, %parallel_loop3A_1153 : i32
        %parallel_loop3A_1155 = arith.constant 0 : i32
        %parallel_loop3A_1156 = tpu.memref_reshape %arg8 : memref<2x96x128xf32, #tpu.memory_space<vmem>> -> memref<2x12288xf32, #tpu.memory_space<vmem>>
        %parallel_loop3A_1157 = arith.index_cast %parallel_loop3A_1155 : i32 to index
        %parallel_loop3A_1158 = arith.index_cast %parallel_loop3A_1154 : i32 to index
        %parallel_loop3A_1159 = tpu.vector_load %parallel_loop3A_1156[%parallel_loop3A_1157, %parallel_loop3A_1158] {strides = array<i32>} : memref<2x12288xf32, #tpu.memory_space<vmem>>, vector<1x16xf32>,
        %parallel_loop3A_1160 = vector.shape_cast %parallel_loop3A_1159 : vector<1x16xf32> to vector<16xf32>
        %parallel_loop3A_1161 = vector.broadcast %parallel_loop3A_148 : f32 to vector<16xf32>
        %parallel_loop3A_1162 = arith.mulf %parallel_loop3A_1161, %parallel_loop3A_1160 : vector<16xf32>
        %parallel_loop3A_1163 = arith.constant 128 : i32
        %parallel_loop3A_1164 = arith.addi %parallel_loop3A_174, %parallel_loop3A_1163 : i32
        %parallel_loop3A_1165 = arith.constant 96 : i32
        %parallel_loop3A_1166 = arith.addi %parallel_loop3A_1164, %parallel_loop3A_1165 : i32
        %parallel_loop3A_1167 = arith.constant 0 : i32
        %parallel_loop3A_1168 = tpu.memref_reshape %arg8 : memref<2x96x128xf32, #tpu.memory_space<vmem>> -> memref<2x12288xf32, #tpu.memory_space<vmem>>
        %parallel_loop3A_1169 = arith.index_cast %parallel_loop3A_1167 : i32 to index
        %parallel_loop3A_1170 = arith.index_cast %parallel_loop3A_1166 : i32 to index
        %parallel_loop3A_1171 = tpu.vector_load %parallel_loop3A_1168[%parallel_loop3A_1169, %parallel_loop3A_1170] {strides = array<i32>} : memref<2x12288xf32, #tpu.memory_space<vmem>>, vector<1x16xf32>,
        %parallel_loop3A_1172 = vector.shape_cast %parallel_loop3A_1171 : vector<1x16xf32> to vector<16xf32>
        %parallel_loop3A_1173 = vector.broadcast %parallel_loop3A_150 : f32 to vector<16xf32>
        %parallel_loop3A_1174 = arith.mulf %parallel_loop3A_1173, %parallel_loop3A_1172 : vector<16xf32>
        %parallel_loop3A_1175 = arith.addf %parallel_loop3A_1162, %parallel_loop3A_1174 : vector<16xf32>
        %parallel_loop3A_1176 = arith.constant 256 : i32
        %parallel_loop3A_1177 = arith.addi %parallel_loop3A_174, %parallel_loop3A_1176 : i32
        %parallel_loop3A_1178 = arith.constant 96 : i32
        %parallel_loop3A_1179 = arith.addi %parallel_loop3A_1177, %parallel_loop3A_1178 : i32
        %parallel_loop3A_1180 = arith.constant 0 : i32
        %parallel_loop3A_1181 = tpu.memref_reshape %arg8 : memref<2x96x128xf32, #tpu.memory_space<vmem>> -> memref<2x12288xf32, #tpu.memory_space<vmem>>
        %parallel_loop3A_1182 = arith.index_cast %parallel_loop3A_1180 : i32 to index
        %parallel_loop3A_1183 = arith.index_cast %parallel_loop3A_1179 : i32 to index
        %parallel_loop3A_1184 = tpu.vector_load %parallel_loop3A_1181[%parallel_loop3A_1182, %parallel_loop3A_1183] {strides = array<i32>} : memref<2x12288xf32, #tpu.memory_space<vmem>>, vector<1x16xf32>,
        %parallel_loop3A_1185 = vector.shape_cast %parallel_loop3A_1184 : vector<1x16xf32> to vector<16xf32>
        %parallel_loop3A_1186 = vector.broadcast %parallel_loop3A_152 : f32 to vector<16xf32>
        %parallel_loop3A_1187 = arith.mulf %parallel_loop3A_1186, %parallel_loop3A_1185 : vector<16xf32>
        %parallel_loop3A_1188 = arith.addf %parallel_loop3A_1175, %parallel_loop3A_1187 : vector<16xf32>
        %parallel_loop3A_1189 = arith.constant 384 : i32
        %parallel_loop3A_1190 = arith.addi %parallel_loop3A_174, %parallel_loop3A_1189 : i32
        %parallel_loop3A_1191 = arith.constant 96 : i32
        %parallel_loop3A_1192 = arith.addi %parallel_loop3A_1190, %parallel_loop3A_1191 : i32
        %parallel_loop3A_1193 = arith.constant 0 : i32
        %parallel_loop3A_1194 = tpu.memref_reshape %arg8 : memref<2x96x128xf32, #tpu.memory_space<vmem>> -> memref<2x12288xf32, #tpu.memory_space<vmem>>
        %parallel_loop3A_1195 = arith.index_cast %parallel_loop3A_1193 : i32 to index
        %parallel_loop3A_1196 = arith.index_cast %parallel_loop3A_1192 : i32 to index
        %parallel_loop3A_1197 = tpu.vector_load %parallel_loop3A_1194[%parallel_loop3A_1195, %parallel_loop3A_1196] {strides = array<i32>} : memref<2x12288xf32, #tpu.memory_space<vmem>>, vector<1x16xf32>,
        %parallel_loop3A_1198 = vector.shape_cast %parallel_loop3A_1197 : vector<1x16xf32> to vector<16xf32>
        %parallel_loop3A_1199 = vector.broadcast %parallel_loop3A_154 : f32 to vector<16xf32>
        %parallel_loop3A_1200 = arith.mulf %parallel_loop3A_1199, %parallel_loop3A_1198 : vector<16xf32>
        %parallel_loop3A_1201 = arith.addf %parallel_loop3A_1188, %parallel_loop3A_1200 : vector<16xf32>
        %parallel_loop3A_1202 = arith.constant 512 : i32
        %parallel_loop3A_1203 = arith.addi %parallel_loop3A_174, %parallel_loop3A_1202 : i32
        %parallel_loop3A_1204 = arith.constant 96 : i32
        %parallel_loop3A_1205 = arith.addi %parallel_loop3A_1203, %parallel_loop3A_1204 : i32
        %parallel_loop3A_1206 = arith.constant 0 : i32
        %parallel_loop3A_1207 = tpu.memref_reshape %arg8 : memref<2x96x128xf32, #tpu.memory_space<vmem>> -> memref<2x12288xf32, #tpu.memory_space<vmem>>
        %parallel_loop3A_1208 = arith.index_cast %parallel_loop3A_1206 : i32 to index
        %parallel_loop3A_1209 = arith.index_cast %parallel_loop3A_1205 : i32 to index
        %parallel_loop3A_1210 = tpu.vector_load %parallel_loop3A_1207[%parallel_loop3A_1208, %parallel_loop3A_1209] {strides = array<i32>} : memref<2x12288xf32, #tpu.memory_space<vmem>>, vector<1x16xf32>,
        %parallel_loop3A_1211 = vector.shape_cast %parallel_loop3A_1210 : vector<1x16xf32> to vector<16xf32>
        %parallel_loop3A_1212 = vector.broadcast %parallel_loop3A_156 : f32 to vector<16xf32>
        %parallel_loop3A_1213 = arith.mulf %parallel_loop3A_1212, %parallel_loop3A_1211 : vector<16xf32>
        %parallel_loop3A_1214 = arith.addf %parallel_loop3A_1201, %parallel_loop3A_1213 : vector<16xf32>
        %parallel_loop3A_1215 = arith.constant 640 : i32
        %parallel_loop3A_1216 = arith.addi %parallel_loop3A_174, %parallel_loop3A_1215 : i32
        %parallel_loop3A_1217 = arith.constant 96 : i32
        %parallel_loop3A_1218 = arith.addi %parallel_loop3A_1216, %parallel_loop3A_1217 : i32
        %parallel_loop3A_1219 = arith.constant 0 : i32
        %parallel_loop3A_1220 = tpu.memref_reshape %arg8 : memref<2x96x128xf32, #tpu.memory_space<vmem>> -> memref<2x12288xf32, #tpu.memory_space<vmem>>
        %parallel_loop3A_1221 = arith.index_cast %parallel_loop3A_1219 : i32 to index
        %parallel_loop3A_1222 = arith.index_cast %parallel_loop3A_1218 : i32 to index
        %parallel_loop3A_1223 = tpu.vector_load %parallel_loop3A_1220[%parallel_loop3A_1221, %parallel_loop3A_1222] {strides = array<i32>} : memref<2x12288xf32, #tpu.memory_space<vmem>>, vector<1x16xf32>,
        %parallel_loop3A_1224 = vector.shape_cast %parallel_loop3A_1223 : vector<1x16xf32> to vector<16xf32>
        %parallel_loop3A_1225 = vector.broadcast %parallel_loop3A_158 : f32 to vector<16xf32>
        %parallel_loop3A_1226 = arith.mulf %parallel_loop3A_1225, %parallel_loop3A_1224 : vector<16xf32>
        %parallel_loop3A_1227 = arith.addf %parallel_loop3A_1214, %parallel_loop3A_1226 : vector<16xf32>
        %parallel_loop3A_1228 = arith.constant 768 : i32
        %parallel_loop3A_1229 = arith.addi %parallel_loop3A_174, %parallel_loop3A_1228 : i32
        %parallel_loop3A_1230 = arith.constant 96 : i32
        %parallel_loop3A_1231 = arith.addi %parallel_loop3A_1229, %parallel_loop3A_1230 : i32
        %parallel_loop3A_1232 = arith.constant 0 : i32
        %parallel_loop3A_1233 = tpu.memref_reshape %arg8 : memref<2x96x128xf32, #tpu.memory_space<vmem>> -> memref<2x12288xf32, #tpu.memory_space<vmem>>
        %parallel_loop3A_1234 = arith.index_cast %parallel_loop3A_1232 : i32 to index
        %parallel_loop3A_1235 = arith.index_cast %parallel_loop3A_1231 : i32 to index
        %parallel_loop3A_1236 = tpu.vector_load %parallel_loop3A_1233[%parallel_loop3A_1234, %parallel_loop3A_1235] {strides = array<i32>} : memref<2x12288xf32, #tpu.memory_space<vmem>>, vector<1x16xf32>,
        %parallel_loop3A_1237 = vector.shape_cast %parallel_loop3A_1236 : vector<1x16xf32> to vector<16xf32>
        %parallel_loop3A_1238 = vector.broadcast %parallel_loop3A_160 : f32 to vector<16xf32>
        %parallel_loop3A_1239 = arith.mulf %parallel_loop3A_1238, %parallel_loop3A_1237 : vector<16xf32>
        %parallel_loop3A_1240 = arith.addf %parallel_loop3A_1227, %parallel_loop3A_1239 : vector<16xf32>
        %parallel_loop3A_1241 = arith.constant 896 : i32
        %parallel_loop3A_1242 = arith.addi %parallel_loop3A_174, %parallel_loop3A_1241 : i32
        %parallel_loop3A_1243 = arith.constant 96 : i32
        %parallel_loop3A_1244 = arith.addi %parallel_loop3A_1242, %parallel_loop3A_1243 : i32
        %parallel_loop3A_1245 = arith.constant 0 : i32
        %parallel_loop3A_1246 = tpu.memref_reshape %arg8 : memref<2x96x128xf32, #tpu.memory_space<vmem>> -> memref<2x12288xf32, #tpu.memory_space<vmem>>
        %parallel_loop3A_1247 = arith.index_cast %parallel_loop3A_1245 : i32 to index
        %parallel_loop3A_1248 = arith.index_cast %parallel_loop3A_1244 : i32 to index
        %parallel_loop3A_1249 = tpu.vector_load %parallel_loop3A_1246[%parallel_loop3A_1247, %parallel_loop3A_1248] {strides = array<i32>} : memref<2x12288xf32, #tpu.memory_space<vmem>>, vector<1x16xf32>,
        %parallel_loop3A_1250 = vector.shape_cast %parallel_loop3A_1249 : vector<1x16xf32> to vector<16xf32>
        %parallel_loop3A_1251 = vector.broadcast %parallel_loop3A_162 : f32 to vector<16xf32>
        %parallel_loop3A_1252 = arith.mulf %parallel_loop3A_1251, %parallel_loop3A_1250 : vector<16xf32>
        %parallel_loop3A_1253 = arith.addf %parallel_loop3A_1240, %parallel_loop3A_1252 : vector<16xf32>
        %parallel_loop3A_1254 = arith.constant 1024 : i32
        %parallel_loop3A_1255 = arith.addi %parallel_loop3A_174, %parallel_loop3A_1254 : i32
        %parallel_loop3A_1256 = arith.constant 96 : i32
        %parallel_loop3A_1257 = arith.addi %parallel_loop3A_1255, %parallel_loop3A_1256 : i32
        %parallel_loop3A_1258 = arith.constant 0 : i32
        %parallel_loop3A_1259 = tpu.memref_reshape %arg8 : memref<2x96x128xf32, #tpu.memory_space<vmem>> -> memref<2x12288xf32, #tpu.memory_space<vmem>>
        %parallel_loop3A_1260 = arith.index_cast %parallel_loop3A_1258 : i32 to index
        %parallel_loop3A_1261 = arith.index_cast %parallel_loop3A_1257 : i32 to index
        %parallel_loop3A_1262 = tpu.vector_load %parallel_loop3A_1259[%parallel_loop3A_1260, %parallel_loop3A_1261] {strides = array<i32>} : memref<2x12288xf32, #tpu.memory_space<vmem>>, vector<1x16xf32>,
        %parallel_loop3A_1263 = vector.shape_cast %parallel_loop3A_1262 : vector<1x16xf32> to vector<16xf32>
        %parallel_loop3A_1264 = vector.broadcast %parallel_loop3A_164 : f32 to vector<16xf32>
        %parallel_loop3A_1265 = arith.mulf %parallel_loop3A_1264, %parallel_loop3A_1263 : vector<16xf32>
        %parallel_loop3A_1266 = arith.addf %parallel_loop3A_1253, %parallel_loop3A_1265 : vector<16xf32>
        %parallel_loop3A_1267 = arith.constant 1152 : i32
        %parallel_loop3A_1268 = arith.addi %parallel_loop3A_174, %parallel_loop3A_1267 : i32
        %parallel_loop3A_1269 = arith.constant 96 : i32
        %parallel_loop3A_1270 = arith.addi %parallel_loop3A_1268, %parallel_loop3A_1269 : i32
        %parallel_loop3A_1271 = arith.constant 0 : i32
        %parallel_loop3A_1272 = tpu.memref_reshape %arg8 : memref<2x96x128xf32, #tpu.memory_space<vmem>> -> memref<2x12288xf32, #tpu.memory_space<vmem>>
        %parallel_loop3A_1273 = arith.index_cast %parallel_loop3A_1271 : i32 to index
        %parallel_loop3A_1274 = arith.index_cast %parallel_loop3A_1270 : i32 to index
        %parallel_loop3A_1275 = tpu.vector_load %parallel_loop3A_1272[%parallel_loop3A_1273, %parallel_loop3A_1274] {strides = array<i32>} : memref<2x12288xf32, #tpu.memory_space<vmem>>, vector<1x16xf32>,
        %parallel_loop3A_1276 = vector.shape_cast %parallel_loop3A_1275 : vector<1x16xf32> to vector<16xf32>
        %parallel_loop3A_1277 = vector.broadcast %parallel_loop3A_166 : f32 to vector<16xf32>
        %parallel_loop3A_1278 = arith.mulf %parallel_loop3A_1277, %parallel_loop3A_1276 : vector<16xf32>
        %parallel_loop3A_1279 = arith.addf %parallel_loop3A_1266, %parallel_loop3A_1278 : vector<16xf32>
        %parallel_loop3A_1280 = arith.constant 1280 : i32
        %parallel_loop3A_1281 = arith.addi %parallel_loop3A_174, %parallel_loop3A_1280 : i32
        %parallel_loop3A_1282 = arith.constant 96 : i32
        %parallel_loop3A_1283 = arith.addi %parallel_loop3A_1281, %parallel_loop3A_1282 : i32
        %parallel_loop3A_1284 = arith.constant 0 : i32
        %parallel_loop3A_1285 = tpu.memref_reshape %arg8 : memref<2x96x128xf32, #tpu.memory_space<vmem>> -> memref<2x12288xf32, #tpu.memory_space<vmem>>
        %parallel_loop3A_1286 = arith.index_cast %parallel_loop3A_1284 : i32 to index
        %parallel_loop3A_1287 = arith.index_cast %parallel_loop3A_1283 : i32 to index
        %parallel_loop3A_1288 = tpu.vector_load %parallel_loop3A_1285[%parallel_loop3A_1286, %parallel_loop3A_1287] {strides = array<i32>} : memref<2x12288xf32, #tpu.memory_space<vmem>>, vector<1x16xf32>,
        %parallel_loop3A_1289 = vector.shape_cast %parallel_loop3A_1288 : vector<1x16xf32> to vector<16xf32>
        %parallel_loop3A_1290 = vector.broadcast %parallel_loop3A_168 : f32 to vector<16xf32>
        %parallel_loop3A_1291 = arith.mulf %parallel_loop3A_1290, %parallel_loop3A_1289 : vector<16xf32>
        %parallel_loop3A_1292 = arith.addf %parallel_loop3A_1279, %parallel_loop3A_1291 : vector<16xf32>
        %parallel_loop3A_1293 = arith.constant 1408 : i32
        %parallel_loop3A_1294 = arith.addi %parallel_loop3A_174, %parallel_loop3A_1293 : i32
        %parallel_loop3A_1295 = arith.constant 96 : i32
        %parallel_loop3A_1296 = arith.addi %parallel_loop3A_1294, %parallel_loop3A_1295 : i32
        %parallel_loop3A_1297 = arith.constant 0 : i32
        %parallel_loop3A_1298 = tpu.memref_reshape %arg8 : memref<2x96x128xf32, #tpu.memory_space<vmem>> -> memref<2x12288xf32, #tpu.memory_space<vmem>>
        %parallel_loop3A_1299 = arith.index_cast %parallel_loop3A_1297 : i32 to index
        %parallel_loop3A_1300 = arith.index_cast %parallel_loop3A_1296 : i32 to index
        %parallel_loop3A_1301 = tpu.vector_load %parallel_loop3A_1298[%parallel_loop3A_1299, %parallel_loop3A_1300] {strides = array<i32>} : memref<2x12288xf32, #tpu.memory_space<vmem>>, vector<1x16xf32>,
        %parallel_loop3A_1302 = vector.shape_cast %parallel_loop3A_1301 : vector<1x16xf32> to vector<16xf32>
        %parallel_loop3A_1303 = vector.broadcast %parallel_loop3A_170 : f32 to vector<16xf32>
        %parallel_loop3A_1304 = arith.mulf %parallel_loop3A_1303, %parallel_loop3A_1302 : vector<16xf32>
        %parallel_loop3A_1305 = arith.addf %parallel_loop3A_1292, %parallel_loop3A_1304 : vector<16xf32>
        %parallel_loop3A_1306 = arith.constant 0 : i32
        %parallel_loop3A_1307 = arith.addi %parallel_loop3A_1306, %parallel_loop3A_138 : i32
        %parallel_loop3A_1308 = arith.constant 128 : i32
        %parallel_loop3A_1309 = arith.muli %parallel_loop3A_1307, %parallel_loop3A_1308 : i32
        %parallel_loop3A_1310 = arith.constant 96 : i32
        %parallel_loop3A_1311 = arith.addi %parallel_loop3A_1309, %parallel_loop3A_1310 : i32
        %parallel_loop3A_1312 = arith.index_cast %parallel_loop3A_1311 : i32 to index
        %parallel_loop3A_1313 = tpu.vector_load %arg9[%parallel_loop3A_1312] {strides = array<i32>} : memref<2048xf32, #tpu.memory_space<vmem>>, vector<16xf32>,
        %parallel_loop3A_1314 = vector.shape_cast %parallel_loop3A_1313 : vector<16xf32> to vector<16xf32>
        %parallel_loop3A_1315 = vector.shape_cast %parallel_loop3A_1305 : vector<16xf32> to vector<16xf32>
        tpu.vector_store %arg9[%parallel_loop3A_1312], %parallel_loop3A_1315 {strides = array<i32>} : memref<2048xf32, #tpu.memory_space<vmem>>, vector<16xf32>,
        %parallel_loop3A_1316 = arith.constant 112 : i32
        %parallel_loop3A_1317 = arith.addi %parallel_loop3A_174, %parallel_loop3A_1316 : i32
        %parallel_loop3A_1318 = arith.constant 0 : i32
        %parallel_loop3A_1319 = tpu.memref_reshape %arg8 : memref<2x96x128xf32, #tpu.memory_space<vmem>> -> memref<2x12288xf32, #tpu.memory_space<vmem>>
        %parallel_loop3A_1320 = arith.index_cast %parallel_loop3A_1318 : i32 to index
        %parallel_loop3A_1321 = arith.index_cast %parallel_loop3A_1317 : i32 to index
        %parallel_loop3A_1322 = tpu.vector_load %parallel_loop3A_1319[%parallel_loop3A_1320, %parallel_loop3A_1321] {strides = array<i32>} : memref<2x12288xf32, #tpu.memory_space<vmem>>, vector<1x16xf32>,
        %parallel_loop3A_1323 = vector.shape_cast %parallel_loop3A_1322 : vector<1x16xf32> to vector<16xf32>
        %parallel_loop3A_1324 = vector.broadcast %parallel_loop3A_148 : f32 to vector<16xf32>
        %parallel_loop3A_1325 = arith.mulf %parallel_loop3A_1324, %parallel_loop3A_1323 : vector<16xf32>
        %parallel_loop3A_1326 = arith.constant 128 : i32
        %parallel_loop3A_1327 = arith.addi %parallel_loop3A_174, %parallel_loop3A_1326 : i32
        %parallel_loop3A_1328 = arith.constant 112 : i32
        %parallel_loop3A_1329 = arith.addi %parallel_loop3A_1327, %parallel_loop3A_1328 : i32
        %parallel_loop3A_1330 = arith.constant 0 : i32
        %parallel_loop3A_1331 = tpu.memref_reshape %arg8 : memref<2x96x128xf32, #tpu.memory_space<vmem>> -> memref<2x12288xf32, #tpu.memory_space<vmem>>
        %parallel_loop3A_1332 = arith.index_cast %parallel_loop3A_1330 : i32 to index
        %parallel_loop3A_1333 = arith.index_cast %parallel_loop3A_1329 : i32 to index
        %parallel_loop3A_1334 = tpu.vector_load %parallel_loop3A_1331[%parallel_loop3A_1332, %parallel_loop3A_1333] {strides = array<i32>} : memref<2x12288xf32, #tpu.memory_space<vmem>>, vector<1x16xf32>,
        %parallel_loop3A_1335 = vector.shape_cast %parallel_loop3A_1334 : vector<1x16xf32> to vector<16xf32>
        %parallel_loop3A_1336 = vector.broadcast %parallel_loop3A_150 : f32 to vector<16xf32>
        %parallel_loop3A_1337 = arith.mulf %parallel_loop3A_1336, %parallel_loop3A_1335 : vector<16xf32>
        %parallel_loop3A_1338 = arith.addf %parallel_loop3A_1325, %parallel_loop3A_1337 : vector<16xf32>
        %parallel_loop3A_1339 = arith.constant 256 : i32
        %parallel_loop3A_1340 = arith.addi %parallel_loop3A_174, %parallel_loop3A_1339 : i32
        %parallel_loop3A_1341 = arith.constant 112 : i32
        %parallel_loop3A_1342 = arith.addi %parallel_loop3A_1340, %parallel_loop3A_1341 : i32
        %parallel_loop3A_1343 = arith.constant 0 : i32
        %parallel_loop3A_1344 = tpu.memref_reshape %arg8 : memref<2x96x128xf32, #tpu.memory_space<vmem>> -> memref<2x12288xf32, #tpu.memory_space<vmem>>
        %parallel_loop3A_1345 = arith.index_cast %parallel_loop3A_1343 : i32 to index
        %parallel_loop3A_1346 = arith.index_cast %parallel_loop3A_1342 : i32 to index
        %parallel_loop3A_1347 = tpu.vector_load %parallel_loop3A_1344[%parallel_loop3A_1345, %parallel_loop3A_1346] {strides = array<i32>} : memref<2x12288xf32, #tpu.memory_space<vmem>>, vector<1x16xf32>,
        %parallel_loop3A_1348 = vector.shape_cast %parallel_loop3A_1347 : vector<1x16xf32> to vector<16xf32>
        %parallel_loop3A_1349 = vector.broadcast %parallel_loop3A_152 : f32 to vector<16xf32>
        %parallel_loop3A_1350 = arith.mulf %parallel_loop3A_1349, %parallel_loop3A_1348 : vector<16xf32>
        %parallel_loop3A_1351 = arith.addf %parallel_loop3A_1338, %parallel_loop3A_1350 : vector<16xf32>
        %parallel_loop3A_1352 = arith.constant 384 : i32
        %parallel_loop3A_1353 = arith.addi %parallel_loop3A_174, %parallel_loop3A_1352 : i32
        %parallel_loop3A_1354 = arith.constant 112 : i32
        %parallel_loop3A_1355 = arith.addi %parallel_loop3A_1353, %parallel_loop3A_1354 : i32
        %parallel_loop3A_1356 = arith.constant 0 : i32
        %parallel_loop3A_1357 = tpu.memref_reshape %arg8 : memref<2x96x128xf32, #tpu.memory_space<vmem>> -> memref<2x12288xf32, #tpu.memory_space<vmem>>
        %parallel_loop3A_1358 = arith.index_cast %parallel_loop3A_1356 : i32 to index
        %parallel_loop3A_1359 = arith.index_cast %parallel_loop3A_1355 : i32 to index
        %parallel_loop3A_1360 = tpu.vector_load %parallel_loop3A_1357[%parallel_loop3A_1358, %parallel_loop3A_1359] {strides = array<i32>} : memref<2x12288xf32, #tpu.memory_space<vmem>>, vector<1x16xf32>,
        %parallel_loop3A_1361 = vector.shape_cast %parallel_loop3A_1360 : vector<1x16xf32> to vector<16xf32>
        %parallel_loop3A_1362 = vector.broadcast %parallel_loop3A_154 : f32 to vector<16xf32>
        %parallel_loop3A_1363 = arith.mulf %parallel_loop3A_1362, %parallel_loop3A_1361 : vector<16xf32>
        %parallel_loop3A_1364 = arith.addf %parallel_loop3A_1351, %parallel_loop3A_1363 : vector<16xf32>
        %parallel_loop3A_1365 = arith.constant 512 : i32
        %parallel_loop3A_1366 = arith.addi %parallel_loop3A_174, %parallel_loop3A_1365 : i32
        %parallel_loop3A_1367 = arith.constant 112 : i32
        %parallel_loop3A_1368 = arith.addi %parallel_loop3A_1366, %parallel_loop3A_1367 : i32
        %parallel_loop3A_1369 = arith.constant 0 : i32
        %parallel_loop3A_1370 = tpu.memref_reshape %arg8 : memref<2x96x128xf32, #tpu.memory_space<vmem>> -> memref<2x12288xf32, #tpu.memory_space<vmem>>
        %parallel_loop3A_1371 = arith.index_cast %parallel_loop3A_1369 : i32 to index
        %parallel_loop3A_1372 = arith.index_cast %parallel_loop3A_1368 : i32 to index
        %parallel_loop3A_1373 = tpu.vector_load %parallel_loop3A_1370[%parallel_loop3A_1371, %parallel_loop3A_1372] {strides = array<i32>} : memref<2x12288xf32, #tpu.memory_space<vmem>>, vector<1x16xf32>,
        %parallel_loop3A_1374 = vector.shape_cast %parallel_loop3A_1373 : vector<1x16xf32> to vector<16xf32>
        %parallel_loop3A_1375 = vector.broadcast %parallel_loop3A_156 : f32 to vector<16xf32>
        %parallel_loop3A_1376 = arith.mulf %parallel_loop3A_1375, %parallel_loop3A_1374 : vector<16xf32>
        %parallel_loop3A_1377 = arith.addf %parallel_loop3A_1364, %parallel_loop3A_1376 : vector<16xf32>
        %parallel_loop3A_1378 = arith.constant 640 : i32
        %parallel_loop3A_1379 = arith.addi %parallel_loop3A_174, %parallel_loop3A_1378 : i32
        %parallel_loop3A_1380 = arith.constant 112 : i32
        %parallel_loop3A_1381 = arith.addi %parallel_loop3A_1379, %parallel_loop3A_1380 : i32
        %parallel_loop3A_1382 = arith.constant 0 : i32
        %parallel_loop3A_1383 = tpu.memref_reshape %arg8 : memref<2x96x128xf32, #tpu.memory_space<vmem>> -> memref<2x12288xf32, #tpu.memory_space<vmem>>
        %parallel_loop3A_1384 = arith.index_cast %parallel_loop3A_1382 : i32 to index
        %parallel_loop3A_1385 = arith.index_cast %parallel_loop3A_1381 : i32 to index
        %parallel_loop3A_1386 = tpu.vector_load %parallel_loop3A_1383[%parallel_loop3A_1384, %parallel_loop3A_1385] {strides = array<i32>} : memref<2x12288xf32, #tpu.memory_space<vmem>>, vector<1x16xf32>,
        %parallel_loop3A_1387 = vector.shape_cast %parallel_loop3A_1386 : vector<1x16xf32> to vector<16xf32>
        %parallel_loop3A_1388 = vector.broadcast %parallel_loop3A_158 : f32 to vector<16xf32>
        %parallel_loop3A_1389 = arith.mulf %parallel_loop3A_1388, %parallel_loop3A_1387 : vector<16xf32>
        %parallel_loop3A_1390 = arith.addf %parallel_loop3A_1377, %parallel_loop3A_1389 : vector<16xf32>
        %parallel_loop3A_1391 = arith.constant 768 : i32
        %parallel_loop3A_1392 = arith.addi %parallel_loop3A_174, %parallel_loop3A_1391 : i32
        %parallel_loop3A_1393 = arith.constant 112 : i32
        %parallel_loop3A_1394 = arith.addi %parallel_loop3A_1392, %parallel_loop3A_1393 : i32
        %parallel_loop3A_1395 = arith.constant 0 : i32
        %parallel_loop3A_1396 = tpu.memref_reshape %arg8 : memref<2x96x128xf32, #tpu.memory_space<vmem>> -> memref<2x12288xf32, #tpu.memory_space<vmem>>
        %parallel_loop3A_1397 = arith.index_cast %parallel_loop3A_1395 : i32 to index
        %parallel_loop3A_1398 = arith.index_cast %parallel_loop3A_1394 : i32 to index
        %parallel_loop3A_1399 = tpu.vector_load %parallel_loop3A_1396[%parallel_loop3A_1397, %parallel_loop3A_1398] {strides = array<i32>} : memref<2x12288xf32, #tpu.memory_space<vmem>>, vector<1x16xf32>,
        %parallel_loop3A_1400 = vector.shape_cast %parallel_loop3A_1399 : vector<1x16xf32> to vector<16xf32>
        %parallel_loop3A_1401 = vector.broadcast %parallel_loop3A_160 : f32 to vector<16xf32>
        %parallel_loop3A_1402 = arith.mulf %parallel_loop3A_1401, %parallel_loop3A_1400 : vector<16xf32>
        %parallel_loop3A_1403 = arith.addf %parallel_loop3A_1390, %parallel_loop3A_1402 : vector<16xf32>
        %parallel_loop3A_1404 = arith.constant 896 : i32
        %parallel_loop3A_1405 = arith.addi %parallel_loop3A_174, %parallel_loop3A_1404 : i32
        %parallel_loop3A_1406 = arith.constant 112 : i32
        %parallel_loop3A_1407 = arith.addi %parallel_loop3A_1405, %parallel_loop3A_1406 : i32
        %parallel_loop3A_1408 = arith.constant 0 : i32
        %parallel_loop3A_1409 = tpu.memref_reshape %arg8 : memref<2x96x128xf32, #tpu.memory_space<vmem>> -> memref<2x12288xf32, #tpu.memory_space<vmem>>
        %parallel_loop3A_1410 = arith.index_cast %parallel_loop3A_1408 : i32 to index
        %parallel_loop3A_1411 = arith.index_cast %parallel_loop3A_1407 : i32 to index
        %parallel_loop3A_1412 = tpu.vector_load %parallel_loop3A_1409[%parallel_loop3A_1410, %parallel_loop3A_1411] {strides = array<i32>} : memref<2x12288xf32, #tpu.memory_space<vmem>>, vector<1x16xf32>,
        %parallel_loop3A_1413 = vector.shape_cast %parallel_loop3A_1412 : vector<1x16xf32> to vector<16xf32>
        %parallel_loop3A_1414 = vector.broadcast %parallel_loop3A_162 : f32 to vector<16xf32>
        %parallel_loop3A_1415 = arith.mulf %parallel_loop3A_1414, %parallel_loop3A_1413 : vector<16xf32>
        %parallel_loop3A_1416 = arith.addf %parallel_loop3A_1403, %parallel_loop3A_1415 : vector<16xf32>
        %parallel_loop3A_1417 = arith.constant 1024 : i32
        %parallel_loop3A_1418 = arith.addi %parallel_loop3A_174, %parallel_loop3A_1417 : i32
        %parallel_loop3A_1419 = arith.constant 112 : i32
        %parallel_loop3A_1420 = arith.addi %parallel_loop3A_1418, %parallel_loop3A_1419 : i32
        %parallel_loop3A_1421 = arith.constant 0 : i32
        %parallel_loop3A_1422 = tpu.memref_reshape %arg8 : memref<2x96x128xf32, #tpu.memory_space<vmem>> -> memref<2x12288xf32, #tpu.memory_space<vmem>>
        %parallel_loop3A_1423 = arith.index_cast %parallel_loop3A_1421 : i32 to index
        %parallel_loop3A_1424 = arith.index_cast %parallel_loop3A_1420 : i32 to index
        %parallel_loop3A_1425 = tpu.vector_load %parallel_loop3A_1422[%parallel_loop3A_1423, %parallel_loop3A_1424] {strides = array<i32>} : memref<2x12288xf32, #tpu.memory_space<vmem>>, vector<1x16xf32>,
        %parallel_loop3A_1426 = vector.shape_cast %parallel_loop3A_1425 : vector<1x16xf32> to vector<16xf32>
        %parallel_loop3A_1427 = vector.broadcast %parallel_loop3A_164 : f32 to vector<16xf32>
        %parallel_loop3A_1428 = arith.mulf %parallel_loop3A_1427, %parallel_loop3A_1426 : vector<16xf32>
        %parallel_loop3A_1429 = arith.addf %parallel_loop3A_1416, %parallel_loop3A_1428 : vector<16xf32>
        %parallel_loop3A_1430 = arith.constant 1152 : i32
        %parallel_loop3A_1431 = arith.addi %parallel_loop3A_174, %parallel_loop3A_1430 : i32
        %parallel_loop3A_1432 = arith.constant 112 : i32
        %parallel_loop3A_1433 = arith.addi %parallel_loop3A_1431, %parallel_loop3A_1432 : i32
        %parallel_loop3A_1434 = arith.constant 0 : i32
        %parallel_loop3A_1435 = tpu.memref_reshape %arg8 : memref<2x96x128xf32, #tpu.memory_space<vmem>> -> memref<2x12288xf32, #tpu.memory_space<vmem>>
        %parallel_loop3A_1436 = arith.index_cast %parallel_loop3A_1434 : i32 to index
        %parallel_loop3A_1437 = arith.index_cast %parallel_loop3A_1433 : i32 to index
        %parallel_loop3A_1438 = tpu.vector_load %parallel_loop3A_1435[%parallel_loop3A_1436, %parallel_loop3A_1437] {strides = array<i32>} : memref<2x12288xf32, #tpu.memory_space<vmem>>, vector<1x16xf32>,
        %parallel_loop3A_1439 = vector.shape_cast %parallel_loop3A_1438 : vector<1x16xf32> to vector<16xf32>
        %parallel_loop3A_1440 = vector.broadcast %parallel_loop3A_166 : f32 to vector<16xf32>
        %parallel_loop3A_1441 = arith.mulf %parallel_loop3A_1440, %parallel_loop3A_1439 : vector<16xf32>
        %parallel_loop3A_1442 = arith.addf %parallel_loop3A_1429, %parallel_loop3A_1441 : vector<16xf32>
        %parallel_loop3A_1443 = arith.constant 1280 : i32
        %parallel_loop3A_1444 = arith.addi %parallel_loop3A_174, %parallel_loop3A_1443 : i32
        %parallel_loop3A_1445 = arith.constant 112 : i32
        %parallel_loop3A_1446 = arith.addi %parallel_loop3A_1444, %parallel_loop3A_1445 : i32
        %parallel_loop3A_1447 = arith.constant 0 : i32
        %parallel_loop3A_1448 = tpu.memref_reshape %arg8 : memref<2x96x128xf32, #tpu.memory_space<vmem>> -> memref<2x12288xf32, #tpu.memory_space<vmem>>
        %parallel_loop3A_1449 = arith.index_cast %parallel_loop3A_1447 : i32 to index
        %parallel_loop3A_1450 = arith.index_cast %parallel_loop3A_1446 : i32 to index
        %parallel_loop3A_1451 = tpu.vector_load %parallel_loop3A_1448[%parallel_loop3A_1449, %parallel_loop3A_1450] {strides = array<i32>} : memref<2x12288xf32, #tpu.memory_space<vmem>>, vector<1x16xf32>,
        %parallel_loop3A_1452 = vector.shape_cast %parallel_loop3A_1451 : vector<1x16xf32> to vector<16xf32>
        %parallel_loop3A_1453 = vector.broadcast %parallel_loop3A_168 : f32 to vector<16xf32>
        %parallel_loop3A_1454 = arith.mulf %parallel_loop3A_1453, %parallel_loop3A_1452 : vector<16xf32>
        %parallel_loop3A_1455 = arith.addf %parallel_loop3A_1442, %parallel_loop3A_1454 : vector<16xf32>
        %parallel_loop3A_1456 = arith.constant 1408 : i32
        %parallel_loop3A_1457 = arith.addi %parallel_loop3A_174, %parallel_loop3A_1456 : i32
        %parallel_loop3A_1458 = arith.constant 112 : i32
        %parallel_loop3A_1459 = arith.addi %parallel_loop3A_1457, %parallel_loop3A_1458 : i32
        %parallel_loop3A_1460 = arith.constant 0 : i32
        %parallel_loop3A_1461 = tpu.memref_reshape %arg8 : memref<2x96x128xf32, #tpu.memory_space<vmem>> -> memref<2x12288xf32, #tpu.memory_space<vmem>>
        %parallel_loop3A_1462 = arith.index_cast %parallel_loop3A_1460 : i32 to index
        %parallel_loop3A_1463 = arith.index_cast %parallel_loop3A_1459 : i32 to index
        %parallel_loop3A_1464 = tpu.vector_load %parallel_loop3A_1461[%parallel_loop3A_1462, %parallel_loop3A_1463] {strides = array<i32>} : memref<2x12288xf32, #tpu.memory_space<vmem>>, vector<1x16xf32>,
        %parallel_loop3A_1465 = vector.shape_cast %parallel_loop3A_1464 : vector<1x16xf32> to vector<16xf32>
        %parallel_loop3A_1466 = vector.broadcast %parallel_loop3A_170 : f32 to vector<16xf32>
        %parallel_loop3A_1467 = arith.mulf %parallel_loop3A_1466, %parallel_loop3A_1465 : vector<16xf32>
        %parallel_loop3A_1468 = arith.addf %parallel_loop3A_1455, %parallel_loop3A_1467 : vector<16xf32>
        %parallel_loop3A_1469 = arith.constant 0 : i32
        %parallel_loop3A_1470 = arith.addi %parallel_loop3A_1469, %parallel_loop3A_138 : i32
        %parallel_loop3A_1471 = arith.constant 128 : i32
        %parallel_loop3A_1472 = arith.muli %parallel_loop3A_1470, %parallel_loop3A_1471 : i32
        %parallel_loop3A_1473 = arith.constant 112 : i32
        %parallel_loop3A_1474 = arith.addi %parallel_loop3A_1472, %parallel_loop3A_1473 : i32
        %parallel_loop3A_1475 = arith.index_cast %parallel_loop3A_1474 : i32 to index
        %parallel_loop3A_1476 = tpu.vector_load %arg9[%parallel_loop3A_1475] {strides = array<i32>} : memref<2048xf32, #tpu.memory_space<vmem>>, vector<16xf32>,
        %parallel_loop3A_1477 = vector.shape_cast %parallel_loop3A_1476 : vector<16xf32> to vector<16xf32>
        %parallel_loop3A_1478 = vector.shape_cast %parallel_loop3A_1468 : vector<16xf32> to vector<16xf32>
        tpu.vector_store %arg9[%parallel_loop3A_1475], %parallel_loop3A_1478 {strides = array<i32>} : memref<2048xf32, #tpu.memory_space<vmem>>, vector<16xf32>,
      } {sc.loop_unroll_factor = 4 : i64, sc.parallel_access}
      %lt3A = arith.constant 286 : i32
      %lt3A_91 = arith.cmpi slt, %add3A_64, %lt3A : i32
      %convert_element_type3A_92 = arith.extui %lt3A_91 : i1 to i32
      %cond3A_93 = arith.constant 0 : i32
      %cond3A_94 = arith.cmpi ne, %convert_element_type3A_92, %cond3A_93 : i32
      scf.if %cond3A_94 {
        %add3A_138 = arith.constant 2 : i32
        %add3A_139 = arith.addi %add3A_64, %add3A_138 : i32
        %dma_start3A_140 = arith.constant 0 : i32
        %dma_start3A_141 = arith.constant 0 : i32
        %dma_start3A_142 = arith.constant 0 : i32
        %dma_start3A_143 = tpu.memref_slice %arg8[%dma_start3A_140, %dma_start3A_141, %dma_start3A_142] : memref<2x96x128xf32, #tpu.memory_space<vmem>> -> memref<1x48x128xf32, #tpu.memory_space<vmem>>
        %dma_start3A_144 = tpu.memref_squeeze %dma_start3A_143 : memref<1x48x128xf32, #tpu.memory_space<vmem>> -> memref<48x128xf32, #tpu.memory_space<vmem>>
        %dma_start3A_145 = arith.constant 0 : i32
        %dma_start3A_146 = tpu.memref_slice %arg6[%add3A_139, %dma_start3A_145] : memref<288x96xi32, #tpu.memory_space<vmem>> -> memref<1x48xi32, #tpu.memory_space<vmem>>
        %dma_start3A_147 = tpu.memref_squeeze %dma_start3A_146 : memref<1x48xi32, #tpu.memory_space<vmem>> -> memref<48xi32, #tpu.memory_space<vmem>>
        %dma_start3A_148 = arith.constant 0 : i32
        %dma_start3A_149 = arith.constant 0 : i32
        %dma_start3A_150 = tpu.memref_slice %arg2[%dma_start3A_148, %dma_start3A_149] : memref<387072x128xf32, #tpu.memory_space<hbm>> -> memref<387072x128xf32, #tpu.memory_space<hbm>>
        tpu.enqueue_indirect_dma source(%dma_start3A_150 : memref<387072x128xf32, #tpu.memory_space<hbm>>) target(%dma_start3A_144 : memref<48x128xf32, #tpu.memory_space<vmem>>) offsets(%dma_start3A_147 : memref<48xi32, #tpu.memory_space<vmem>>) semaphore(%arg10 : memref<!tpu.dma_semaphore, #tpu.memory_space<semaphore_mem>>)
        %dma_start3A_151 = arith.constant 0 : i32
        %dma_start3A_152 = arith.constant 48 : i32
        %dma_start3A_153 = arith.constant 0 : i32
        %dma_start3A_154 = tpu.memref_slice %arg8[%dma_start3A_151, %dma_start3A_152, %dma_start3A_153] : memref<2x96x128xf32, #tpu.memory_space<vmem>> -> memref<1x48x128xf32, #tpu.memory_space<vmem>>
        %dma_start3A_155 = tpu.memref_squeeze %dma_start3A_154 : memref<1x48x128xf32, #tpu.memory_space<vmem>> -> memref<48x128xf32, #tpu.memory_space<vmem>>
        %dma_start3A_156 = arith.constant 48 : i32
        %dma_start3A_157 = tpu.memref_slice %arg6[%add3A_139, %dma_start3A_156] : memref<288x96xi32, #tpu.memory_space<vmem>> -> memref<1x48xi32, #tpu.memory_space<vmem>>
        %dma_start3A_158 = tpu.memref_squeeze %dma_start3A_157 : memref<1x48xi32, #tpu.memory_space<vmem>> -> memref<48xi32, #tpu.memory_space<vmem>>
        %dma_start3A_159 = arith.constant 0 : i32
        %dma_start3A_160 = arith.constant 0 : i32
        %dma_start3A_161 = tpu.memref_slice %arg2[%dma_start3A_159, %dma_start3A_160] : memref<387072x128xf32, #tpu.memory_space<hbm>> -> memref<387072x128xf32, #tpu.memory_space<hbm>>
        tpu.enqueue_indirect_dma source(%dma_start3A_161 : memref<387072x128xf32, #tpu.memory_space<hbm>>) target(%dma_start3A_155 : memref<48x128xf32, #tpu.memory_space<vmem>>) offsets(%dma_start3A_158 : memref<48xi32, #tpu.memory_space<vmem>>) semaphore(%arg10 : memref<!tpu.dma_semaphore, #tpu.memory_space<semaphore_mem>>)
      } else {
      }
      %mul3A_95 = arith.constant 2 : i32
      %mul3A_96 = arith.muli %scan3A_58, %mul3A_95 : i32
      %add3A_97 = arith.constant 1 : i32
      %add3A_98 = arith.addi %mul3A_96, %add3A_97 : i32
      %dma_wait3A_99 = arith.constant 0 : i32
      %dma_wait3A_100 = arith.constant 1 : i32
      %dma_wait3A_101 = arith.constant 0 : i32
      %dma_wait3A_102 = arith.constant 0 : i32
      %dma_wait3A_103 = tpu.memref_slice %arg8[%dma_wait3A_100, %dma_wait3A_101, %dma_wait3A_102] : memref<2x96x128xf32, #tpu.memory_space<vmem>> -> memref<1x48x128xf32, #tpu.memory_space<vmem>>
      %dma_wait3A_104 = tpu.memref_squeeze %dma_wait3A_103 : memref<1x48x128xf32, #tpu.memory_space<vmem>> -> memref<48x128xf32, #tpu.memory_space<vmem>>
      %dma_wait3A_105 = arith.constant 0 : i32
      %dma_wait3A_106 = tpu.memref_slice %arg6[%dma_wait3A_99, %dma_wait3A_105] : memref<288x96xi32, #tpu.memory_space<vmem>> -> memref<1x48xi32, #tpu.memory_space<vmem>>
      %dma_wait3A_107 = tpu.memref_squeeze %dma_wait3A_106 : memref<1x48xi32, #tpu.memory_space<vmem>> -> memref<48xi32, #tpu.memory_space<vmem>>
      %dma_wait3A_108 = arith.constant 0 : i32
      %dma_wait3A_109 = arith.constant 0 : i32
      %dma_wait3A_110 = tpu.memref_slice %arg2[%dma_wait3A_108, %dma_wait3A_109] : memref<387072x128xf32, #tpu.memory_space<hbm>> -> memref<387072x128xf32, #tpu.memory_space<hbm>>
      tpu.wait_indirect_dma semaphore(%arg11 : memref<!tpu.dma_semaphore, #tpu.memory_space<semaphore_mem>>) src(%dma_wait3A_110 : memref<387072x128xf32, #tpu.memory_space<hbm>>) dst(%dma_wait3A_104 : memref<48x128xf32, #tpu.memory_space<vmem>>)
      %dma_wait3A_111 = arith.constant 0 : i32
      %dma_wait3A_112 = arith.constant 1 : i32
      %dma_wait3A_113 = arith.constant 48 : i32
      %dma_wait3A_114 = arith.constant 0 : i32
      %dma_wait3A_115 = tpu.memref_slice %arg8[%dma_wait3A_112, %dma_wait3A_113, %dma_wait3A_114] : memref<2x96x128xf32, #tpu.memory_space<vmem>> -> memref<1x48x128xf32, #tpu.memory_space<vmem>>
      %dma_wait3A_116 = tpu.memref_squeeze %dma_wait3A_115 : memref<1x48x128xf32, #tpu.memory_space<vmem>> -> memref<48x128xf32, #tpu.memory_space<vmem>>
      %dma_wait3A_117 = arith.constant 0 : i32
      %dma_wait3A_118 = tpu.memref_slice %arg6[%dma_wait3A_111, %dma_wait3A_117] : memref<288x96xi32, #tpu.memory_space<vmem>> -> memref<1x48xi32, #tpu.memory_space<vmem>>
      %dma_wait3A_119 = tpu.memref_squeeze %dma_wait3A_118 : memref<1x48xi32, #tpu.memory_space<vmem>> -> memref<48xi32, #tpu.memory_space<vmem>>
      %dma_wait3A_120 = arith.constant 0 : i32
      %dma_wait3A_121 = arith.constant 0 : i32
      %dma_wait3A_122 = tpu.memref_slice %arg2[%dma_wait3A_120, %dma_wait3A_121] : memref<387072x128xf32, #tpu.memory_space<hbm>> -> memref<387072x128xf32, #tpu.memory_space<hbm>>
      tpu.wait_indirect_dma semaphore(%arg11 : memref<!tpu.dma_semaphore, #tpu.memory_space<semaphore_mem>>) src(%dma_wait3A_122 : memref<387072x128xf32, #tpu.memory_space<hbm>>) dst(%dma_wait3A_116 : memref<48x128xf32, #tpu.memory_space<vmem>>)
      %parallel_loop3A_123 = arith.constant 0 : i32
      %parallel_loop3A_124 = arith.constant 8 : i32
      %parallel_loop3A_125 = arith.constant 1 : i32
      scf.for %parallel_loop3A_138 = %parallel_loop3A_123 to %parallel_loop3A_124 step %parallel_loop3A_125  : i32 {
        %parallel_loop3A_139 = arith.constant 8 : i32
        %parallel_loop3A_140 = arith.muli %add3A_98, %parallel_loop3A_139 : i32
        %parallel_loop3A_141 = arith.addi %parallel_loop3A_140, %parallel_loop3A_138 : i32
        %parallel_loop3A_142 = arith.constant 16 : i32
        %parallel_loop3A_143 = arith.muli %parallel_loop3A_141, %parallel_loop3A_142 : i32
        %parallel_loop3A_144 = arith.index_cast %parallel_loop3A_143 : i32 to index
        %parallel_loop3A_145 = tpu.vector_load %arg7[%parallel_loop3A_144] {strides = array<i32>} : memref<36864xf32, #tpu.memory_space<vmem>>, vector<16xf32>,
        %parallel_loop3A_146 = vector.shape_cast %parallel_loop3A_145 : vector<16xf32> to vector<16xf32>
        %parallel_loop3A_147 = vector.extract_strided_slice %parallel_loop3A_146 {offsets = [0], sizes = [1], strides = [1]} : vector<16xf32> to vector<1xf32>
        %parallel_loop3A_148 = vector.extract %parallel_loop3A_147[0] : f32 from vector<1xf32>
        %parallel_loop3A_149 = vector.extract_strided_slice %parallel_loop3A_146 {offsets = [1], sizes = [1], strides = [1]} : vector<16xf32> to vector<1xf32>
        %parallel_loop3A_150 = vector.extract %parallel_loop3A_149[0] : f32 from vector<1xf32>
        %parallel_loop3A_151 = vector.extract_strided_slice %parallel_loop3A_146 {offsets = [2], sizes = [1], strides = [1]} : vector<16xf32> to vector<1xf32>
        %parallel_loop3A_152 = vector.extract %parallel_loop3A_151[0] : f32 from vector<1xf32>
        %parallel_loop3A_153 = vector.extract_strided_slice %parallel_loop3A_146 {offsets = [3], sizes = [1], strides = [1]} : vector<16xf32> to vector<1xf32>
        %parallel_loop3A_154 = vector.extract %parallel_loop3A_153[0] : f32 from vector<1xf32>
        %parallel_loop3A_155 = vector.extract_strided_slice %parallel_loop3A_146 {offsets = [4], sizes = [1], strides = [1]} : vector<16xf32> to vector<1xf32>
        %parallel_loop3A_156 = vector.extract %parallel_loop3A_155[0] : f32 from vector<1xf32>
        %parallel_loop3A_157 = vector.extract_strided_slice %parallel_loop3A_146 {offsets = [5], sizes = [1], strides = [1]} : vector<16xf32> to vector<1xf32>
        %parallel_loop3A_158 = vector.extract %parallel_loop3A_157[0] : f32 from vector<1xf32>
        %parallel_loop3A_159 = vector.extract_strided_slice %parallel_loop3A_146 {offsets = [6], sizes = [1], strides = [1]} : vector<16xf32> to vector<1xf32>
        %parallel_loop3A_160 = vector.extract %parallel_loop3A_159[0] : f32 from vector<1xf32>
        %parallel_loop3A_161 = vector.extract_strided_slice %parallel_loop3A_146 {offsets = [7], sizes = [1], strides = [1]} : vector<16xf32> to vector<1xf32>
        %parallel_loop3A_162 = vector.extract %parallel_loop3A_161[0] : f32 from vector<1xf32>
        %parallel_loop3A_163 = vector.extract_strided_slice %parallel_loop3A_146 {offsets = [8], sizes = [1], strides = [1]} : vector<16xf32> to vector<1xf32>
        %parallel_loop3A_164 = vector.extract %parallel_loop3A_163[0] : f32 from vector<1xf32>
        %parallel_loop3A_165 = vector.extract_strided_slice %parallel_loop3A_146 {offsets = [9], sizes = [1], strides = [1]} : vector<16xf32> to vector<1xf32>
        %parallel_loop3A_166 = vector.extract %parallel_loop3A_165[0] : f32 from vector<1xf32>
        %parallel_loop3A_167 = vector.extract_strided_slice %parallel_loop3A_146 {offsets = [10], sizes = [1], strides = [1]} : vector<16xf32> to vector<1xf32>
        %parallel_loop3A_168 = vector.extract %parallel_loop3A_167[0] : f32 from vector<1xf32>
        %parallel_loop3A_169 = vector.extract_strided_slice %parallel_loop3A_146 {offsets = [11], sizes = [1], strides = [1]} : vector<16xf32> to vector<1xf32>
        %parallel_loop3A_170 = vector.extract %parallel_loop3A_169[0] : f32 from vector<1xf32>
        %parallel_loop3A_171 = arith.constant 12 : i32
        %parallel_loop3A_172 = arith.muli %parallel_loop3A_138, %parallel_loop3A_171 : i32
        %parallel_loop3A_173 = arith.constant 128 : i32
        %parallel_loop3A_174 = arith.muli %parallel_loop3A_172, %parallel_loop3A_173 : i32
        %parallel_loop3A_175 = arith.constant 0 : i32
        %parallel_loop3A_176 = arith.addi %parallel_loop3A_174, %parallel_loop3A_175 : i32
        %parallel_loop3A_177 = arith.constant 1 : i32
        %parallel_loop3A_178 = tpu.memref_reshape %arg8 : memref<2x96x128xf32, #tpu.memory_space<vmem>> -> memref<2x12288xf32, #tpu.memory_space<vmem>>
        %parallel_loop3A_179 = arith.index_cast %parallel_loop3A_177 : i32 to index
        %parallel_loop3A_180 = arith.index_cast %parallel_loop3A_176 : i32 to index
        %parallel_loop3A_181 = tpu.vector_load %parallel_loop3A_178[%parallel_loop3A_179, %parallel_loop3A_180] {strides = array<i32>} : memref<2x12288xf32, #tpu.memory_space<vmem>>, vector<1x16xf32>,
        %parallel_loop3A_182 = vector.shape_cast %parallel_loop3A_181 : vector<1x16xf32> to vector<16xf32>
        %parallel_loop3A_183 = vector.broadcast %parallel_loop3A_148 : f32 to vector<16xf32>
        %parallel_loop3A_184 = arith.mulf %parallel_loop3A_183, %parallel_loop3A_182 : vector<16xf32>
        %parallel_loop3A_185 = arith.constant 128 : i32
        %parallel_loop3A_186 = arith.addi %parallel_loop3A_174, %parallel_loop3A_185 : i32
        %parallel_loop3A_187 = arith.constant 0 : i32
        %parallel_loop3A_188 = arith.addi %parallel_loop3A_186, %parallel_loop3A_187 : i32
        %parallel_loop3A_189 = arith.constant 1 : i32
        %parallel_loop3A_190 = tpu.memref_reshape %arg8 : memref<2x96x128xf32, #tpu.memory_space<vmem>> -> memref<2x12288xf32, #tpu.memory_space<vmem>>
        %parallel_loop3A_191 = arith.index_cast %parallel_loop3A_189 : i32 to index
        %parallel_loop3A_192 = arith.index_cast %parallel_loop3A_188 : i32 to index
        %parallel_loop3A_193 = tpu.vector_load %parallel_loop3A_190[%parallel_loop3A_191, %parallel_loop3A_192] {strides = array<i32>} : memref<2x12288xf32, #tpu.memory_space<vmem>>, vector<1x16xf32>,
        %parallel_loop3A_194 = vector.shape_cast %parallel_loop3A_193 : vector<1x16xf32> to vector<16xf32>
        %parallel_loop3A_195 = vector.broadcast %parallel_loop3A_150 : f32 to vector<16xf32>
        %parallel_loop3A_196 = arith.mulf %parallel_loop3A_195, %parallel_loop3A_194 : vector<16xf32>
        %parallel_loop3A_197 = arith.addf %parallel_loop3A_184, %parallel_loop3A_196 : vector<16xf32>
        %parallel_loop3A_198 = arith.constant 256 : i32
        %parallel_loop3A_199 = arith.addi %parallel_loop3A_174, %parallel_loop3A_198 : i32
        %parallel_loop3A_200 = arith.constant 0 : i32
        %parallel_loop3A_201 = arith.addi %parallel_loop3A_199, %parallel_loop3A_200 : i32
        %parallel_loop3A_202 = arith.constant 1 : i32
        %parallel_loop3A_203 = tpu.memref_reshape %arg8 : memref<2x96x128xf32, #tpu.memory_space<vmem>> -> memref<2x12288xf32, #tpu.memory_space<vmem>>
        %parallel_loop3A_204 = arith.index_cast %parallel_loop3A_202 : i32 to index
        %parallel_loop3A_205 = arith.index_cast %parallel_loop3A_201 : i32 to index
        %parallel_loop3A_206 = tpu.vector_load %parallel_loop3A_203[%parallel_loop3A_204, %parallel_loop3A_205] {strides = array<i32>} : memref<2x12288xf32, #tpu.memory_space<vmem>>, vector<1x16xf32>,
        %parallel_loop3A_207 = vector.shape_cast %parallel_loop3A_206 : vector<1x16xf32> to vector<16xf32>
        %parallel_loop3A_208 = vector.broadcast %parallel_loop3A_152 : f32 to vector<16xf32>
        %parallel_loop3A_209 = arith.mulf %parallel_loop3A_208, %parallel_loop3A_207 : vector<16xf32>
        %parallel_loop3A_210 = arith.addf %parallel_loop3A_197, %parallel_loop3A_209 : vector<16xf32>
        %parallel_loop3A_211 = arith.constant 384 : i32
        %parallel_loop3A_212 = arith.addi %parallel_loop3A_174, %parallel_loop3A_211 : i32
        %parallel_loop3A_213 = arith.constant 0 : i32
        %parallel_loop3A_214 = arith.addi %parallel_loop3A_212, %parallel_loop3A_213 : i32
        %parallel_loop3A_215 = arith.constant 1 : i32
        %parallel_loop3A_216 = tpu.memref_reshape %arg8 : memref<2x96x128xf32, #tpu.memory_space<vmem>> -> memref<2x12288xf32, #tpu.memory_space<vmem>>
        %parallel_loop3A_217 = arith.index_cast %parallel_loop3A_215 : i32 to index
        %parallel_loop3A_218 = arith.index_cast %parallel_loop3A_214 : i32 to index
        %parallel_loop3A_219 = tpu.vector_load %parallel_loop3A_216[%parallel_loop3A_217, %parallel_loop3A_218] {strides = array<i32>} : memref<2x12288xf32, #tpu.memory_space<vmem>>, vector<1x16xf32>,
        %parallel_loop3A_220 = vector.shape_cast %parallel_loop3A_219 : vector<1x16xf32> to vector<16xf32>
        %parallel_loop3A_221 = vector.broadcast %parallel_loop3A_154 : f32 to vector<16xf32>
        %parallel_loop3A_222 = arith.mulf %parallel_loop3A_221, %parallel_loop3A_220 : vector<16xf32>
        %parallel_loop3A_223 = arith.addf %parallel_loop3A_210, %parallel_loop3A_222 : vector<16xf32>
        %parallel_loop3A_224 = arith.constant 512 : i32
        %parallel_loop3A_225 = arith.addi %parallel_loop3A_174, %parallel_loop3A_224 : i32
        %parallel_loop3A_226 = arith.constant 0 : i32
        %parallel_loop3A_227 = arith.addi %parallel_loop3A_225, %parallel_loop3A_226 : i32
        %parallel_loop3A_228 = arith.constant 1 : i32
        %parallel_loop3A_229 = tpu.memref_reshape %arg8 : memref<2x96x128xf32, #tpu.memory_space<vmem>> -> memref<2x12288xf32, #tpu.memory_space<vmem>>
        %parallel_loop3A_230 = arith.index_cast %parallel_loop3A_228 : i32 to index
        %parallel_loop3A_231 = arith.index_cast %parallel_loop3A_227 : i32 to index
        %parallel_loop3A_232 = tpu.vector_load %parallel_loop3A_229[%parallel_loop3A_230, %parallel_loop3A_231] {strides = array<i32>} : memref<2x12288xf32, #tpu.memory_space<vmem>>, vector<1x16xf32>,
        %parallel_loop3A_233 = vector.shape_cast %parallel_loop3A_232 : vector<1x16xf32> to vector<16xf32>
        %parallel_loop3A_234 = vector.broadcast %parallel_loop3A_156 : f32 to vector<16xf32>
        %parallel_loop3A_235 = arith.mulf %parallel_loop3A_234, %parallel_loop3A_233 : vector<16xf32>
        %parallel_loop3A_236 = arith.addf %parallel_loop3A_223, %parallel_loop3A_235 : vector<16xf32>
        %parallel_loop3A_237 = arith.constant 640 : i32
        %parallel_loop3A_238 = arith.addi %parallel_loop3A_174, %parallel_loop3A_237 : i32
        %parallel_loop3A_239 = arith.constant 0 : i32
        %parallel_loop3A_240 = arith.addi %parallel_loop3A_238, %parallel_loop3A_239 : i32
        %parallel_loop3A_241 = arith.constant 1 : i32
        %parallel_loop3A_242 = tpu.memref_reshape %arg8 : memref<2x96x128xf32, #tpu.memory_space<vmem>> -> memref<2x12288xf32, #tpu.memory_space<vmem>>
        %parallel_loop3A_243 = arith.index_cast %parallel_loop3A_241 : i32 to index
        %parallel_loop3A_244 = arith.index_cast %parallel_loop3A_240 : i32 to index
        %parallel_loop3A_245 = tpu.vector_load %parallel_loop3A_242[%parallel_loop3A_243, %parallel_loop3A_244] {strides = array<i32>} : memref<2x12288xf32, #tpu.memory_space<vmem>>, vector<1x16xf32>,
        %parallel_loop3A_246 = vector.shape_cast %parallel_loop3A_245 : vector<1x16xf32> to vector<16xf32>
        %parallel_loop3A_247 = vector.broadcast %parallel_loop3A_158 : f32 to vector<16xf32>
        %parallel_loop3A_248 = arith.mulf %parallel_loop3A_247, %parallel_loop3A_246 : vector<16xf32>
        %parallel_loop3A_249 = arith.addf %parallel_loop3A_236, %parallel_loop3A_248 : vector<16xf32>
        %parallel_loop3A_250 = arith.constant 768 : i32
        %parallel_loop3A_251 = arith.addi %parallel_loop3A_174, %parallel_loop3A_250 : i32
        %parallel_loop3A_252 = arith.constant 0 : i32
        %parallel_loop3A_253 = arith.addi %parallel_loop3A_251, %parallel_loop3A_252 : i32
        %parallel_loop3A_254 = arith.constant 1 : i32
        %parallel_loop3A_255 = tpu.memref_reshape %arg8 : memref<2x96x128xf32, #tpu.memory_space<vmem>> -> memref<2x12288xf32, #tpu.memory_space<vmem>>
        %parallel_loop3A_256 = arith.index_cast %parallel_loop3A_254 : i32 to index
        %parallel_loop3A_257 = arith.index_cast %parallel_loop3A_253 : i32 to index
        %parallel_loop3A_258 = tpu.vector_load %parallel_loop3A_255[%parallel_loop3A_256, %parallel_loop3A_257] {strides = array<i32>} : memref<2x12288xf32, #tpu.memory_space<vmem>>, vector<1x16xf32>,
        %parallel_loop3A_259 = vector.shape_cast %parallel_loop3A_258 : vector<1x16xf32> to vector<16xf32>
        %parallel_loop3A_260 = vector.broadcast %parallel_loop3A_160 : f32 to vector<16xf32>
        %parallel_loop3A_261 = arith.mulf %parallel_loop3A_260, %parallel_loop3A_259 : vector<16xf32>
        %parallel_loop3A_262 = arith.addf %parallel_loop3A_249, %parallel_loop3A_261 : vector<16xf32>
        %parallel_loop3A_263 = arith.constant 896 : i32
        %parallel_loop3A_264 = arith.addi %parallel_loop3A_174, %parallel_loop3A_263 : i32
        %parallel_loop3A_265 = arith.constant 0 : i32
        %parallel_loop3A_266 = arith.addi %parallel_loop3A_264, %parallel_loop3A_265 : i32
        %parallel_loop3A_267 = arith.constant 1 : i32
        %parallel_loop3A_268 = tpu.memref_reshape %arg8 : memref<2x96x128xf32, #tpu.memory_space<vmem>> -> memref<2x12288xf32, #tpu.memory_space<vmem>>
        %parallel_loop3A_269 = arith.index_cast %parallel_loop3A_267 : i32 to index
        %parallel_loop3A_270 = arith.index_cast %parallel_loop3A_266 : i32 to index
        %parallel_loop3A_271 = tpu.vector_load %parallel_loop3A_268[%parallel_loop3A_269, %parallel_loop3A_270] {strides = array<i32>} : memref<2x12288xf32, #tpu.memory_space<vmem>>, vector<1x16xf32>,
        %parallel_loop3A_272 = vector.shape_cast %parallel_loop3A_271 : vector<1x16xf32> to vector<16xf32>
        %parallel_loop3A_273 = vector.broadcast %parallel_loop3A_162 : f32 to vector<16xf32>
        %parallel_loop3A_274 = arith.mulf %parallel_loop3A_273, %parallel_loop3A_272 : vector<16xf32>
        %parallel_loop3A_275 = arith.addf %parallel_loop3A_262, %parallel_loop3A_274 : vector<16xf32>
        %parallel_loop3A_276 = arith.constant 1024 : i32
        %parallel_loop3A_277 = arith.addi %parallel_loop3A_174, %parallel_loop3A_276 : i32
        %parallel_loop3A_278 = arith.constant 0 : i32
        %parallel_loop3A_279 = arith.addi %parallel_loop3A_277, %parallel_loop3A_278 : i32
        %parallel_loop3A_280 = arith.constant 1 : i32
        %parallel_loop3A_281 = tpu.memref_reshape %arg8 : memref<2x96x128xf32, #tpu.memory_space<vmem>> -> memref<2x12288xf32, #tpu.memory_space<vmem>>
        %parallel_loop3A_282 = arith.index_cast %parallel_loop3A_280 : i32 to index
        %parallel_loop3A_283 = arith.index_cast %parallel_loop3A_279 : i32 to index
        %parallel_loop3A_284 = tpu.vector_load %parallel_loop3A_281[%parallel_loop3A_282, %parallel_loop3A_283] {strides = array<i32>} : memref<2x12288xf32, #tpu.memory_space<vmem>>, vector<1x16xf32>,
        %parallel_loop3A_285 = vector.shape_cast %parallel_loop3A_284 : vector<1x16xf32> to vector<16xf32>
        %parallel_loop3A_286 = vector.broadcast %parallel_loop3A_164 : f32 to vector<16xf32>
        %parallel_loop3A_287 = arith.mulf %parallel_loop3A_286, %parallel_loop3A_285 : vector<16xf32>
        %parallel_loop3A_288 = arith.addf %parallel_loop3A_275, %parallel_loop3A_287 : vector<16xf32>
        %parallel_loop3A_289 = arith.constant 1152 : i32
        %parallel_loop3A_290 = arith.addi %parallel_loop3A_174, %parallel_loop3A_289 : i32
        %parallel_loop3A_291 = arith.constant 0 : i32
        %parallel_loop3A_292 = arith.addi %parallel_loop3A_290, %parallel_loop3A_291 : i32
        %parallel_loop3A_293 = arith.constant 1 : i32
        %parallel_loop3A_294 = tpu.memref_reshape %arg8 : memref<2x96x128xf32, #tpu.memory_space<vmem>> -> memref<2x12288xf32, #tpu.memory_space<vmem>>
        %parallel_loop3A_295 = arith.index_cast %parallel_loop3A_293 : i32 to index
        %parallel_loop3A_296 = arith.index_cast %parallel_loop3A_292 : i32 to index
        %parallel_loop3A_297 = tpu.vector_load %parallel_loop3A_294[%parallel_loop3A_295, %parallel_loop3A_296] {strides = array<i32>} : memref<2x12288xf32, #tpu.memory_space<vmem>>, vector<1x16xf32>,
        %parallel_loop3A_298 = vector.shape_cast %parallel_loop3A_297 : vector<1x16xf32> to vector<16xf32>
        %parallel_loop3A_299 = vector.broadcast %parallel_loop3A_166 : f32 to vector<16xf32>
        %parallel_loop3A_300 = arith.mulf %parallel_loop3A_299, %parallel_loop3A_298 : vector<16xf32>
        %parallel_loop3A_301 = arith.addf %parallel_loop3A_288, %parallel_loop3A_300 : vector<16xf32>
        %parallel_loop3A_302 = arith.constant 1280 : i32
        %parallel_loop3A_303 = arith.addi %parallel_loop3A_174, %parallel_loop3A_302 : i32
        %parallel_loop3A_304 = arith.constant 0 : i32
        %parallel_loop3A_305 = arith.addi %parallel_loop3A_303, %parallel_loop3A_304 : i32
        %parallel_loop3A_306 = arith.constant 1 : i32
        %parallel_loop3A_307 = tpu.memref_reshape %arg8 : memref<2x96x128xf32, #tpu.memory_space<vmem>> -> memref<2x12288xf32, #tpu.memory_space<vmem>>
        %parallel_loop3A_308 = arith.index_cast %parallel_loop3A_306 : i32 to index
        %parallel_loop3A_309 = arith.index_cast %parallel_loop3A_305 : i32 to index
        %parallel_loop3A_310 = tpu.vector_load %parallel_loop3A_307[%parallel_loop3A_308, %parallel_loop3A_309] {strides = array<i32>} : memref<2x12288xf32, #tpu.memory_space<vmem>>, vector<1x16xf32>,
        %parallel_loop3A_311 = vector.shape_cast %parallel_loop3A_310 : vector<1x16xf32> to vector<16xf32>
        %parallel_loop3A_312 = vector.broadcast %parallel_loop3A_168 : f32 to vector<16xf32>
        %parallel_loop3A_313 = arith.mulf %parallel_loop3A_312, %parallel_loop3A_311 : vector<16xf32>
        %parallel_loop3A_314 = arith.addf %parallel_loop3A_301, %parallel_loop3A_313 : vector<16xf32>
        %parallel_loop3A_315 = arith.constant 1408 : i32
        %parallel_loop3A_316 = arith.addi %parallel_loop3A_174, %parallel_loop3A_315 : i32
        %parallel_loop3A_317 = arith.constant 0 : i32
        %parallel_loop3A_318 = arith.addi %parallel_loop3A_316, %parallel_loop3A_317 : i32
        %parallel_loop3A_319 = arith.constant 1 : i32
        %parallel_loop3A_320 = tpu.memref_reshape %arg8 : memref<2x96x128xf32, #tpu.memory_space<vmem>> -> memref<2x12288xf32, #tpu.memory_space<vmem>>
        %parallel_loop3A_321 = arith.index_cast %parallel_loop3A_319 : i32 to index
        %parallel_loop3A_322 = arith.index_cast %parallel_loop3A_318 : i32 to index
        %parallel_loop3A_323 = tpu.vector_load %parallel_loop3A_320[%parallel_loop3A_321, %parallel_loop3A_322] {strides = array<i32>} : memref<2x12288xf32, #tpu.memory_space<vmem>>, vector<1x16xf32>,
        %parallel_loop3A_324 = vector.shape_cast %parallel_loop3A_323 : vector<1x16xf32> to vector<16xf32>
        %parallel_loop3A_325 = vector.broadcast %parallel_loop3A_170 : f32 to vector<16xf32>
        %parallel_loop3A_326 = arith.mulf %parallel_loop3A_325, %parallel_loop3A_324 : vector<16xf32>
        %parallel_loop3A_327 = arith.addf %parallel_loop3A_314, %parallel_loop3A_326 : vector<16xf32>
        %parallel_loop3A_328 = arith.constant 8 : i32
        %parallel_loop3A_329 = arith.addi %parallel_loop3A_328, %parallel_loop3A_138 : i32
        %parallel_loop3A_330 = arith.constant 128 : i32
        %parallel_loop3A_331 = arith.muli %parallel_loop3A_329, %parallel_loop3A_330 : i32
        %parallel_loop3A_332 = arith.constant 0 : i32
        %parallel_loop3A_333 = arith.addi %parallel_loop3A_331, %parallel_loop3A_332 : i32
        %parallel_loop3A_334 = arith.index_cast %parallel_loop3A_333 : i32 to index
        %parallel_loop3A_335 = tpu.vector_load %arg9[%parallel_loop3A_334] {strides = array<i32>} : memref<2048xf32, #tpu.memory_space<vmem>>, vector<16xf32>,
        %parallel_loop3A_336 = vector.shape_cast %parallel_loop3A_335 : vector<16xf32> to vector<16xf32>
        %parallel_loop3A_337 = vector.shape_cast %parallel_loop3A_327 : vector<16xf32> to vector<16xf32>
        tpu.vector_store %arg9[%parallel_loop3A_334], %parallel_loop3A_337 {strides = array<i32>} : memref<2048xf32, #tpu.memory_space<vmem>>, vector<16xf32>,
        %parallel_loop3A_338 = arith.constant 16 : i32
        %parallel_loop3A_339 = arith.addi %parallel_loop3A_174, %parallel_loop3A_338 : i32
        %parallel_loop3A_340 = arith.constant 1 : i32
        %parallel_loop3A_341 = tpu.memref_reshape %arg8 : memref<2x96x128xf32, #tpu.memory_space<vmem>> -> memref<2x12288xf32, #tpu.memory_space<vmem>>
        %parallel_loop3A_342 = arith.index_cast %parallel_loop3A_340 : i32 to index
        %parallel_loop3A_343 = arith.index_cast %parallel_loop3A_339 : i32 to index
        %parallel_loop3A_344 = tpu.vector_load %parallel_loop3A_341[%parallel_loop3A_342, %parallel_loop3A_343] {strides = array<i32>} : memref<2x12288xf32, #tpu.memory_space<vmem>>, vector<1x16xf32>,
        %parallel_loop3A_345 = vector.shape_cast %parallel_loop3A_344 : vector<1x16xf32> to vector<16xf32>
        %parallel_loop3A_346 = vector.broadcast %parallel_loop3A_148 : f32 to vector<16xf32>
        %parallel_loop3A_347 = arith.mulf %parallel_loop3A_346, %parallel_loop3A_345 : vector<16xf32>
        %parallel_loop3A_348 = arith.constant 128 : i32
        %parallel_loop3A_349 = arith.addi %parallel_loop3A_174, %parallel_loop3A_348 : i32
        %parallel_loop3A_350 = arith.constant 16 : i32
        %parallel_loop3A_351 = arith.addi %parallel_loop3A_349, %parallel_loop3A_350 : i32
        %parallel_loop3A_352 = arith.constant 1 : i32
        %parallel_loop3A_353 = tpu.memref_reshape %arg8 : memref<2x96x128xf32, #tpu.memory_space<vmem>> -> memref<2x12288xf32, #tpu.memory_space<vmem>>
        %parallel_loop3A_354 = arith.index_cast %parallel_loop3A_352 : i32 to index
        %parallel_loop3A_355 = arith.index_cast %parallel_loop3A_351 : i32 to index
        %parallel_loop3A_356 = tpu.vector_load %parallel_loop3A_353[%parallel_loop3A_354, %parallel_loop3A_355] {strides = array<i32>} : memref<2x12288xf32, #tpu.memory_space<vmem>>, vector<1x16xf32>,
        %parallel_loop3A_357 = vector.shape_cast %parallel_loop3A_356 : vector<1x16xf32> to vector<16xf32>
        %parallel_loop3A_358 = vector.broadcast %parallel_loop3A_150 : f32 to vector<16xf32>
        %parallel_loop3A_359 = arith.mulf %parallel_loop3A_358, %parallel_loop3A_357 : vector<16xf32>
        %parallel_loop3A_360 = arith.addf %parallel_loop3A_347, %parallel_loop3A_359 : vector<16xf32>
        %parallel_loop3A_361 = arith.constant 256 : i32
        %parallel_loop3A_362 = arith.addi %parallel_loop3A_174, %parallel_loop3A_361 : i32
        %parallel_loop3A_363 = arith.constant 16 : i32
        %parallel_loop3A_364 = arith.addi %parallel_loop3A_362, %parallel_loop3A_363 : i32
        %parallel_loop3A_365 = arith.constant 1 : i32
        %parallel_loop3A_366 = tpu.memref_reshape %arg8 : memref<2x96x128xf32, #tpu.memory_space<vmem>> -> memref<2x12288xf32, #tpu.memory_space<vmem>>
        %parallel_loop3A_367 = arith.index_cast %parallel_loop3A_365 : i32 to index
        %parallel_loop3A_368 = arith.index_cast %parallel_loop3A_364 : i32 to index
        %parallel_loop3A_369 = tpu.vector_load %parallel_loop3A_366[%parallel_loop3A_367, %parallel_loop3A_368] {strides = array<i32>} : memref<2x12288xf32, #tpu.memory_space<vmem>>, vector<1x16xf32>,
        %parallel_loop3A_370 = vector.shape_cast %parallel_loop3A_369 : vector<1x16xf32> to vector<16xf32>
        %parallel_loop3A_371 = vector.broadcast %parallel_loop3A_152 : f32 to vector<16xf32>
        %parallel_loop3A_372 = arith.mulf %parallel_loop3A_371, %parallel_loop3A_370 : vector<16xf32>
        %parallel_loop3A_373 = arith.addf %parallel_loop3A_360, %parallel_loop3A_372 : vector<16xf32>
        %parallel_loop3A_374 = arith.constant 384 : i32
        %parallel_loop3A_375 = arith.addi %parallel_loop3A_174, %parallel_loop3A_374 : i32
        %parallel_loop3A_376 = arith.constant 16 : i32
        %parallel_loop3A_377 = arith.addi %parallel_loop3A_375, %parallel_loop3A_376 : i32
        %parallel_loop3A_378 = arith.constant 1 : i32
        %parallel_loop3A_379 = tpu.memref_reshape %arg8 : memref<2x96x128xf32, #tpu.memory_space<vmem>> -> memref<2x12288xf32, #tpu.memory_space<vmem>>
        %parallel_loop3A_380 = arith.index_cast %parallel_loop3A_378 : i32 to index
        %parallel_loop3A_381 = arith.index_cast %parallel_loop3A_377 : i32 to index
        %parallel_loop3A_382 = tpu.vector_load %parallel_loop3A_379[%parallel_loop3A_380, %parallel_loop3A_381] {strides = array<i32>} : memref<2x12288xf32, #tpu.memory_space<vmem>>, vector<1x16xf32>,
        %parallel_loop3A_383 = vector.shape_cast %parallel_loop3A_382 : vector<1x16xf32> to vector<16xf32>
        %parallel_loop3A_384 = vector.broadcast %parallel_loop3A_154 : f32 to vector<16xf32>
        %parallel_loop3A_385 = arith.mulf %parallel_loop3A_384, %parallel_loop3A_383 : vector<16xf32>
        %parallel_loop3A_386 = arith.addf %parallel_loop3A_373, %parallel_loop3A_385 : vector<16xf32>
        %parallel_loop3A_387 = arith.constant 512 : i32
        %parallel_loop3A_388 = arith.addi %parallel_loop3A_174, %parallel_loop3A_387 : i32
        %parallel_loop3A_389 = arith.constant 16 : i32
        %parallel_loop3A_390 = arith.addi %parallel_loop3A_388, %parallel_loop3A_389 : i32
        %parallel_loop3A_391 = arith.constant 1 : i32
        %parallel_loop3A_392 = tpu.memref_reshape %arg8 : memref<2x96x128xf32, #tpu.memory_space<vmem>> -> memref<2x12288xf32, #tpu.memory_space<vmem>>
        %parallel_loop3A_393 = arith.index_cast %parallel_loop3A_391 : i32 to index
        %parallel_loop3A_394 = arith.index_cast %parallel_loop3A_390 : i32 to index
        %parallel_loop3A_395 = tpu.vector_load %parallel_loop3A_392[%parallel_loop3A_393, %parallel_loop3A_394] {strides = array<i32>} : memref<2x12288xf32, #tpu.memory_space<vmem>>, vector<1x16xf32>,
        %parallel_loop3A_396 = vector.shape_cast %parallel_loop3A_395 : vector<1x16xf32> to vector<16xf32>
        %parallel_loop3A_397 = vector.broadcast %parallel_loop3A_156 : f32 to vector<16xf32>
        %parallel_loop3A_398 = arith.mulf %parallel_loop3A_397, %parallel_loop3A_396 : vector<16xf32>
        %parallel_loop3A_399 = arith.addf %parallel_loop3A_386, %parallel_loop3A_398 : vector<16xf32>
        %parallel_loop3A_400 = arith.constant 640 : i32
        %parallel_loop3A_401 = arith.addi %parallel_loop3A_174, %parallel_loop3A_400 : i32
        %parallel_loop3A_402 = arith.constant 16 : i32
        %parallel_loop3A_403 = arith.addi %parallel_loop3A_401, %parallel_loop3A_402 : i32
        %parallel_loop3A_404 = arith.constant 1 : i32
        %parallel_loop3A_405 = tpu.memref_reshape %arg8 : memref<2x96x128xf32, #tpu.memory_space<vmem>> -> memref<2x12288xf32, #tpu.memory_space<vmem>>
        %parallel_loop3A_406 = arith.index_cast %parallel_loop3A_404 : i32 to index
        %parallel_loop3A_407 = arith.index_cast %parallel_loop3A_403 : i32 to index
        %parallel_loop3A_408 = tpu.vector_load %parallel_loop3A_405[%parallel_loop3A_406, %parallel_loop3A_407] {strides = array<i32>} : memref<2x12288xf32, #tpu.memory_space<vmem>>, vector<1x16xf32>,
        %parallel_loop3A_409 = vector.shape_cast %parallel_loop3A_408 : vector<1x16xf32> to vector<16xf32>
        %parallel_loop3A_410 = vector.broadcast %parallel_loop3A_158 : f32 to vector<16xf32>
        %parallel_loop3A_411 = arith.mulf %parallel_loop3A_410, %parallel_loop3A_409 : vector<16xf32>
        %parallel_loop3A_412 = arith.addf %parallel_loop3A_399, %parallel_loop3A_411 : vector<16xf32>
        %parallel_loop3A_413 = arith.constant 768 : i32
        %parallel_loop3A_414 = arith.addi %parallel_loop3A_174, %parallel_loop3A_413 : i32
        %parallel_loop3A_415 = arith.constant 16 : i32
        %parallel_loop3A_416 = arith.addi %parallel_loop3A_414, %parallel_loop3A_415 : i32
        %parallel_loop3A_417 = arith.constant 1 : i32
        %parallel_loop3A_418 = tpu.memref_reshape %arg8 : memref<2x96x128xf32, #tpu.memory_space<vmem>> -> memref<2x12288xf32, #tpu.memory_space<vmem>>
        %parallel_loop3A_419 = arith.index_cast %parallel_loop3A_417 : i32 to index
        %parallel_loop3A_420 = arith.index_cast %parallel_loop3A_416 : i32 to index
        %parallel_loop3A_421 = tpu.vector_load %parallel_loop3A_418[%parallel_loop3A_419, %parallel_loop3A_420] {strides = array<i32>} : memref<2x12288xf32, #tpu.memory_space<vmem>>, vector<1x16xf32>,
        %parallel_loop3A_422 = vector.shape_cast %parallel_loop3A_421 : vector<1x16xf32> to vector<16xf32>
        %parallel_loop3A_423 = vector.broadcast %parallel_loop3A_160 : f32 to vector<16xf32>
        %parallel_loop3A_424 = arith.mulf %parallel_loop3A_423, %parallel_loop3A_422 : vector<16xf32>
        %parallel_loop3A_425 = arith.addf %parallel_loop3A_412, %parallel_loop3A_424 : vector<16xf32>
        %parallel_loop3A_426 = arith.constant 896 : i32
        %parallel_loop3A_427 = arith.addi %parallel_loop3A_174, %parallel_loop3A_426 : i32
        %parallel_loop3A_428 = arith.constant 16 : i32
        %parallel_loop3A_429 = arith.addi %parallel_loop3A_427, %parallel_loop3A_428 : i32
        %parallel_loop3A_430 = arith.constant 1 : i32
        %parallel_loop3A_431 = tpu.memref_reshape %arg8 : memref<2x96x128xf32, #tpu.memory_space<vmem>> -> memref<2x12288xf32, #tpu.memory_space<vmem>>
        %parallel_loop3A_432 = arith.index_cast %parallel_loop3A_430 : i32 to index
        %parallel_loop3A_433 = arith.index_cast %parallel_loop3A_429 : i32 to index
        %parallel_loop3A_434 = tpu.vector_load %parallel_loop3A_431[%parallel_loop3A_432, %parallel_loop3A_433] {strides = array<i32>} : memref<2x12288xf32, #tpu.memory_space<vmem>>, vector<1x16xf32>,
        %parallel_loop3A_435 = vector.shape_cast %parallel_loop3A_434 : vector<1x16xf32> to vector<16xf32>
        %parallel_loop3A_436 = vector.broadcast %parallel_loop3A_162 : f32 to vector<16xf32>
        %parallel_loop3A_437 = arith.mulf %parallel_loop3A_436, %parallel_loop3A_435 : vector<16xf32>
        %parallel_loop3A_438 = arith.addf %parallel_loop3A_425, %parallel_loop3A_437 : vector<16xf32>
        %parallel_loop3A_439 = arith.constant 1024 : i32
        %parallel_loop3A_440 = arith.addi %parallel_loop3A_174, %parallel_loop3A_439 : i32
        %parallel_loop3A_441 = arith.constant 16 : i32
        %parallel_loop3A_442 = arith.addi %parallel_loop3A_440, %parallel_loop3A_441 : i32
        %parallel_loop3A_443 = arith.constant 1 : i32
        %parallel_loop3A_444 = tpu.memref_reshape %arg8 : memref<2x96x128xf32, #tpu.memory_space<vmem>> -> memref<2x12288xf32, #tpu.memory_space<vmem>>
        %parallel_loop3A_445 = arith.index_cast %parallel_loop3A_443 : i32 to index
        %parallel_loop3A_446 = arith.index_cast %parallel_loop3A_442 : i32 to index
        %parallel_loop3A_447 = tpu.vector_load %parallel_loop3A_444[%parallel_loop3A_445, %parallel_loop3A_446] {strides = array<i32>} : memref<2x12288xf32, #tpu.memory_space<vmem>>, vector<1x16xf32>,
        %parallel_loop3A_448 = vector.shape_cast %parallel_loop3A_447 : vector<1x16xf32> to vector<16xf32>
        %parallel_loop3A_449 = vector.broadcast %parallel_loop3A_164 : f32 to vector<16xf32>
        %parallel_loop3A_450 = arith.mulf %parallel_loop3A_449, %parallel_loop3A_448 : vector<16xf32>
        %parallel_loop3A_451 = arith.addf %parallel_loop3A_438, %parallel_loop3A_450 : vector<16xf32>
        %parallel_loop3A_452 = arith.constant 1152 : i32
        %parallel_loop3A_453 = arith.addi %parallel_loop3A_174, %parallel_loop3A_452 : i32
        %parallel_loop3A_454 = arith.constant 16 : i32
        %parallel_loop3A_455 = arith.addi %parallel_loop3A_453, %parallel_loop3A_454 : i32
        %parallel_loop3A_456 = arith.constant 1 : i32
        %parallel_loop3A_457 = tpu.memref_reshape %arg8 : memref<2x96x128xf32, #tpu.memory_space<vmem>> -> memref<2x12288xf32, #tpu.memory_space<vmem>>
        %parallel_loop3A_458 = arith.index_cast %parallel_loop3A_456 : i32 to index
        %parallel_loop3A_459 = arith.index_cast %parallel_loop3A_455 : i32 to index
        %parallel_loop3A_460 = tpu.vector_load %parallel_loop3A_457[%parallel_loop3A_458, %parallel_loop3A_459] {strides = array<i32>} : memref<2x12288xf32, #tpu.memory_space<vmem>>, vector<1x16xf32>,
        %parallel_loop3A_461 = vector.shape_cast %parallel_loop3A_460 : vector<1x16xf32> to vector<16xf32>
        %parallel_loop3A_462 = vector.broadcast %parallel_loop3A_166 : f32 to vector<16xf32>
        %parallel_loop3A_463 = arith.mulf %parallel_loop3A_462, %parallel_loop3A_461 : vector<16xf32>
        %parallel_loop3A_464 = arith.addf %parallel_loop3A_451, %parallel_loop3A_463 : vector<16xf32>
        %parallel_loop3A_465 = arith.constant 1280 : i32
        %parallel_loop3A_466 = arith.addi %parallel_loop3A_174, %parallel_loop3A_465 : i32
        %parallel_loop3A_467 = arith.constant 16 : i32
        %parallel_loop3A_468 = arith.addi %parallel_loop3A_466, %parallel_loop3A_467 : i32
        %parallel_loop3A_469 = arith.constant 1 : i32
        %parallel_loop3A_470 = tpu.memref_reshape %arg8 : memref<2x96x128xf32, #tpu.memory_space<vmem>> -> memref<2x12288xf32, #tpu.memory_space<vmem>>
        %parallel_loop3A_471 = arith.index_cast %parallel_loop3A_469 : i32 to index
        %parallel_loop3A_472 = arith.index_cast %parallel_loop3A_468 : i32 to index
        %parallel_loop3A_473 = tpu.vector_load %parallel_loop3A_470[%parallel_loop3A_471, %parallel_loop3A_472] {strides = array<i32>} : memref<2x12288xf32, #tpu.memory_space<vmem>>, vector<1x16xf32>,
        %parallel_loop3A_474 = vector.shape_cast %parallel_loop3A_473 : vector<1x16xf32> to vector<16xf32>
        %parallel_loop3A_475 = vector.broadcast %parallel_loop3A_168 : f32 to vector<16xf32>
        %parallel_loop3A_476 = arith.mulf %parallel_loop3A_475, %parallel_loop3A_474 : vector<16xf32>
        %parallel_loop3A_477 = arith.addf %parallel_loop3A_464, %parallel_loop3A_476 : vector<16xf32>
        %parallel_loop3A_478 = arith.constant 1408 : i32
        %parallel_loop3A_479 = arith.addi %parallel_loop3A_174, %parallel_loop3A_478 : i32
        %parallel_loop3A_480 = arith.constant 16 : i32
        %parallel_loop3A_481 = arith.addi %parallel_loop3A_479, %parallel_loop3A_480 : i32
        %parallel_loop3A_482 = arith.constant 1 : i32
        %parallel_loop3A_483 = tpu.memref_reshape %arg8 : memref<2x96x128xf32, #tpu.memory_space<vmem>> -> memref<2x12288xf32, #tpu.memory_space<vmem>>
        %parallel_loop3A_484 = arith.index_cast %parallel_loop3A_482 : i32 to index
        %parallel_loop3A_485 = arith.index_cast %parallel_loop3A_481 : i32 to index
        %parallel_loop3A_486 = tpu.vector_load %parallel_loop3A_483[%parallel_loop3A_484, %parallel_loop3A_485] {strides = array<i32>} : memref<2x12288xf32, #tpu.memory_space<vmem>>, vector<1x16xf32>,
        %parallel_loop3A_487 = vector.shape_cast %parallel_loop3A_486 : vector<1x16xf32> to vector<16xf32>
        %parallel_loop3A_488 = vector.broadcast %parallel_loop3A_170 : f32 to vector<16xf32>
        %parallel_loop3A_489 = arith.mulf %parallel_loop3A_488, %parallel_loop3A_487 : vector<16xf32>
        %parallel_loop3A_490 = arith.addf %parallel_loop3A_477, %parallel_loop3A_489 : vector<16xf32>
        %parallel_loop3A_491 = arith.constant 8 : i32
        %parallel_loop3A_492 = arith.addi %parallel_loop3A_491, %parallel_loop3A_138 : i32
        %parallel_loop3A_493 = arith.constant 128 : i32
        %parallel_loop3A_494 = arith.muli %parallel_loop3A_492, %parallel_loop3A_493 : i32
        %parallel_loop3A_495 = arith.constant 16 : i32
        %parallel_loop3A_496 = arith.addi %parallel_loop3A_494, %parallel_loop3A_495 : i32
        %parallel_loop3A_497 = arith.index_cast %parallel_loop3A_496 : i32 to index
        %parallel_loop3A_498 = tpu.vector_load %arg9[%parallel_loop3A_497] {strides = array<i32>} : memref<2048xf32, #tpu.memory_space<vmem>>, vector<16xf32>,
        %parallel_loop3A_499 = vector.shape_cast %parallel_loop3A_498 : vector<16xf32> to vector<16xf32>
        %parallel_loop3A_500 = vector.shape_cast %parallel_loop3A_490 : vector<16xf32> to vector<16xf32>
        tpu.vector_store %arg9[%parallel_loop3A_497], %parallel_loop3A_500 {strides = array<i32>} : memref<2048xf32, #tpu.memory_space<vmem>>, vector<16xf32>,
        %parallel_loop3A_501 = arith.constant 32 : i32
        %parallel_loop3A_502 = arith.addi %parallel_loop3A_174, %parallel_loop3A_501 : i32
        %parallel_loop3A_503 = arith.constant 1 : i32
        %parallel_loop3A_504 = tpu.memref_reshape %arg8 : memref<2x96x128xf32, #tpu.memory_space<vmem>> -> memref<2x12288xf32, #tpu.memory_space<vmem>>
        %parallel_loop3A_505 = arith.index_cast %parallel_loop3A_503 : i32 to index
        %parallel_loop3A_506 = arith.index_cast %parallel_loop3A_502 : i32 to index
        %parallel_loop3A_507 = tpu.vector_load %parallel_loop3A_504[%parallel_loop3A_505, %parallel_loop3A_506] {strides = array<i32>} : memref<2x12288xf32, #tpu.memory_space<vmem>>, vector<1x16xf32>,
        %parallel_loop3A_508 = vector.shape_cast %parallel_loop3A_507 : vector<1x16xf32> to vector<16xf32>
        %parallel_loop3A_509 = vector.broadcast %parallel_loop3A_148 : f32 to vector<16xf32>
        %parallel_loop3A_510 = arith.mulf %parallel_loop3A_509, %parallel_loop3A_508 : vector<16xf32>
        %parallel_loop3A_511 = arith.constant 128 : i32
        %parallel_loop3A_512 = arith.addi %parallel_loop3A_174, %parallel_loop3A_511 : i32
        %parallel_loop3A_513 = arith.constant 32 : i32
        %parallel_loop3A_514 = arith.addi %parallel_loop3A_512, %parallel_loop3A_513 : i32
        %parallel_loop3A_515 = arith.constant 1 : i32
        %parallel_loop3A_516 = tpu.memref_reshape %arg8 : memref<2x96x128xf32, #tpu.memory_space<vmem>> -> memref<2x12288xf32, #tpu.memory_space<vmem>>
        %parallel_loop3A_517 = arith.index_cast %parallel_loop3A_515 : i32 to index
        %parallel_loop3A_518 = arith.index_cast %parallel_loop3A_514 : i32 to index
        %parallel_loop3A_519 = tpu.vector_load %parallel_loop3A_516[%parallel_loop3A_517, %parallel_loop3A_518] {strides = array<i32>} : memref<2x12288xf32, #tpu.memory_space<vmem>>, vector<1x16xf32>,
        %parallel_loop3A_520 = vector.shape_cast %parallel_loop3A_519 : vector<1x16xf32> to vector<16xf32>
        %parallel_loop3A_521 = vector.broadcast %parallel_loop3A_150 : f32 to vector<16xf32>
        %parallel_loop3A_522 = arith.mulf %parallel_loop3A_521, %parallel_loop3A_520 : vector<16xf32>
        %parallel_loop3A_523 = arith.addf %parallel_loop3A_510, %parallel_loop3A_522 : vector<16xf32>
        %parallel_loop3A_524 = arith.constant 256 : i32
        %parallel_loop3A_525 = arith.addi %parallel_loop3A_174, %parallel_loop3A_524 : i32
        %parallel_loop3A_526 = arith.constant 32 : i32
        %parallel_loop3A_527 = arith.addi %parallel_loop3A_525, %parallel_loop3A_526 : i32
        %parallel_loop3A_528 = arith.constant 1 : i32
        %parallel_loop3A_529 = tpu.memref_reshape %arg8 : memref<2x96x128xf32, #tpu.memory_space<vmem>> -> memref<2x12288xf32, #tpu.memory_space<vmem>>
        %parallel_loop3A_530 = arith.index_cast %parallel_loop3A_528 : i32 to index
        %parallel_loop3A_531 = arith.index_cast %parallel_loop3A_527 : i32 to index
        %parallel_loop3A_532 = tpu.vector_load %parallel_loop3A_529[%parallel_loop3A_530, %parallel_loop3A_531] {strides = array<i32>} : memref<2x12288xf32, #tpu.memory_space<vmem>>, vector<1x16xf32>,
        %parallel_loop3A_533 = vector.shape_cast %parallel_loop3A_532 : vector<1x16xf32> to vector<16xf32>
        %parallel_loop3A_534 = vector.broadcast %parallel_loop3A_152 : f32 to vector<16xf32>
        %parallel_loop3A_535 = arith.mulf %parallel_loop3A_534, %parallel_loop3A_533 : vector<16xf32>
        %parallel_loop3A_536 = arith.addf %parallel_loop3A_523, %parallel_loop3A_535 : vector<16xf32>
        %parallel_loop3A_537 = arith.constant 384 : i32
        %parallel_loop3A_538 = arith.addi %parallel_loop3A_174, %parallel_loop3A_537 : i32
        %parallel_loop3A_539 = arith.constant 32 : i32
        %parallel_loop3A_540 = arith.addi %parallel_loop3A_538, %parallel_loop3A_539 : i32
        %parallel_loop3A_541 = arith.constant 1 : i32
        %parallel_loop3A_542 = tpu.memref_reshape %arg8 : memref<2x96x128xf32, #tpu.memory_space<vmem>> -> memref<2x12288xf32, #tpu.memory_space<vmem>>
        %parallel_loop3A_543 = arith.index_cast %parallel_loop3A_541 : i32 to index
        %parallel_loop3A_544 = arith.index_cast %parallel_loop3A_540 : i32 to index
        %parallel_loop3A_545 = tpu.vector_load %parallel_loop3A_542[%parallel_loop3A_543, %parallel_loop3A_544] {strides = array<i32>} : memref<2x12288xf32, #tpu.memory_space<vmem>>, vector<1x16xf32>,
        %parallel_loop3A_546 = vector.shape_cast %parallel_loop3A_545 : vector<1x16xf32> to vector<16xf32>
        %parallel_loop3A_547 = vector.broadcast %parallel_loop3A_154 : f32 to vector<16xf32>
        %parallel_loop3A_548 = arith.mulf %parallel_loop3A_547, %parallel_loop3A_546 : vector<16xf32>
        %parallel_loop3A_549 = arith.addf %parallel_loop3A_536, %parallel_loop3A_548 : vector<16xf32>
        %parallel_loop3A_550 = arith.constant 512 : i32
        %parallel_loop3A_551 = arith.addi %parallel_loop3A_174, %parallel_loop3A_550 : i32
        %parallel_loop3A_552 = arith.constant 32 : i32
        %parallel_loop3A_553 = arith.addi %parallel_loop3A_551, %parallel_loop3A_552 : i32
        %parallel_loop3A_554 = arith.constant 1 : i32
        %parallel_loop3A_555 = tpu.memref_reshape %arg8 : memref<2x96x128xf32, #tpu.memory_space<vmem>> -> memref<2x12288xf32, #tpu.memory_space<vmem>>
        %parallel_loop3A_556 = arith.index_cast %parallel_loop3A_554 : i32 to index
        %parallel_loop3A_557 = arith.index_cast %parallel_loop3A_553 : i32 to index
        %parallel_loop3A_558 = tpu.vector_load %parallel_loop3A_555[%parallel_loop3A_556, %parallel_loop3A_557] {strides = array<i32>} : memref<2x12288xf32, #tpu.memory_space<vmem>>, vector<1x16xf32>,
        %parallel_loop3A_559 = vector.shape_cast %parallel_loop3A_558 : vector<1x16xf32> to vector<16xf32>
        %parallel_loop3A_560 = vector.broadcast %parallel_loop3A_156 : f32 to vector<16xf32>
        %parallel_loop3A_561 = arith.mulf %parallel_loop3A_560, %parallel_loop3A_559 : vector<16xf32>
        %parallel_loop3A_562 = arith.addf %parallel_loop3A_549, %parallel_loop3A_561 : vector<16xf32>
        %parallel_loop3A_563 = arith.constant 640 : i32
        %parallel_loop3A_564 = arith.addi %parallel_loop3A_174, %parallel_loop3A_563 : i32
        %parallel_loop3A_565 = arith.constant 32 : i32
        %parallel_loop3A_566 = arith.addi %parallel_loop3A_564, %parallel_loop3A_565 : i32
        %parallel_loop3A_567 = arith.constant 1 : i32
        %parallel_loop3A_568 = tpu.memref_reshape %arg8 : memref<2x96x128xf32, #tpu.memory_space<vmem>> -> memref<2x12288xf32, #tpu.memory_space<vmem>>
        %parallel_loop3A_569 = arith.index_cast %parallel_loop3A_567 : i32 to index
        %parallel_loop3A_570 = arith.index_cast %parallel_loop3A_566 : i32 to index
        %parallel_loop3A_571 = tpu.vector_load %parallel_loop3A_568[%parallel_loop3A_569, %parallel_loop3A_570] {strides = array<i32>} : memref<2x12288xf32, #tpu.memory_space<vmem>>, vector<1x16xf32>,
        %parallel_loop3A_572 = vector.shape_cast %parallel_loop3A_571 : vector<1x16xf32> to vector<16xf32>
        %parallel_loop3A_573 = vector.broadcast %parallel_loop3A_158 : f32 to vector<16xf32>
        %parallel_loop3A_574 = arith.mulf %parallel_loop3A_573, %parallel_loop3A_572 : vector<16xf32>
        %parallel_loop3A_575 = arith.addf %parallel_loop3A_562, %parallel_loop3A_574 : vector<16xf32>
        %parallel_loop3A_576 = arith.constant 768 : i32
        %parallel_loop3A_577 = arith.addi %parallel_loop3A_174, %parallel_loop3A_576 : i32
        %parallel_loop3A_578 = arith.constant 32 : i32
        %parallel_loop3A_579 = arith.addi %parallel_loop3A_577, %parallel_loop3A_578 : i32
        %parallel_loop3A_580 = arith.constant 1 : i32
        %parallel_loop3A_581 = tpu.memref_reshape %arg8 : memref<2x96x128xf32, #tpu.memory_space<vmem>> -> memref<2x12288xf32, #tpu.memory_space<vmem>>
        %parallel_loop3A_582 = arith.index_cast %parallel_loop3A_580 : i32 to index
        %parallel_loop3A_583 = arith.index_cast %parallel_loop3A_579 : i32 to index
        %parallel_loop3A_584 = tpu.vector_load %parallel_loop3A_581[%parallel_loop3A_582, %parallel_loop3A_583] {strides = array<i32>} : memref<2x12288xf32, #tpu.memory_space<vmem>>, vector<1x16xf32>,
        %parallel_loop3A_585 = vector.shape_cast %parallel_loop3A_584 : vector<1x16xf32> to vector<16xf32>
        %parallel_loop3A_586 = vector.broadcast %parallel_loop3A_160 : f32 to vector<16xf32>
        %parallel_loop3A_587 = arith.mulf %parallel_loop3A_586, %parallel_loop3A_585 : vector<16xf32>
        %parallel_loop3A_588 = arith.addf %parallel_loop3A_575, %parallel_loop3A_587 : vector<16xf32>
        %parallel_loop3A_589 = arith.constant 896 : i32
        %parallel_loop3A_590 = arith.addi %parallel_loop3A_174, %parallel_loop3A_589 : i32
        %parallel_loop3A_591 = arith.constant 32 : i32
        %parallel_loop3A_592 = arith.addi %parallel_loop3A_590, %parallel_loop3A_591 : i32
        %parallel_loop3A_593 = arith.constant 1 : i32
        %parallel_loop3A_594 = tpu.memref_reshape %arg8 : memref<2x96x128xf32, #tpu.memory_space<vmem>> -> memref<2x12288xf32, #tpu.memory_space<vmem>>
        %parallel_loop3A_595 = arith.index_cast %parallel_loop3A_593 : i32 to index
        %parallel_loop3A_596 = arith.index_cast %parallel_loop3A_592 : i32 to index
        %parallel_loop3A_597 = tpu.vector_load %parallel_loop3A_594[%parallel_loop3A_595, %parallel_loop3A_596] {strides = array<i32>} : memref<2x12288xf32, #tpu.memory_space<vmem>>, vector<1x16xf32>,
        %parallel_loop3A_598 = vector.shape_cast %parallel_loop3A_597 : vector<1x16xf32> to vector<16xf32>
        %parallel_loop3A_599 = vector.broadcast %parallel_loop3A_162 : f32 to vector<16xf32>
        %parallel_loop3A_600 = arith.mulf %parallel_loop3A_599, %parallel_loop3A_598 : vector<16xf32>
        %parallel_loop3A_601 = arith.addf %parallel_loop3A_588, %parallel_loop3A_600 : vector<16xf32>
        %parallel_loop3A_602 = arith.constant 1024 : i32
        %parallel_loop3A_603 = arith.addi %parallel_loop3A_174, %parallel_loop3A_602 : i32
        %parallel_loop3A_604 = arith.constant 32 : i32
        %parallel_loop3A_605 = arith.addi %parallel_loop3A_603, %parallel_loop3A_604 : i32
        %parallel_loop3A_606 = arith.constant 1 : i32
        %parallel_loop3A_607 = tpu.memref_reshape %arg8 : memref<2x96x128xf32, #tpu.memory_space<vmem>> -> memref<2x12288xf32, #tpu.memory_space<vmem>>
        %parallel_loop3A_608 = arith.index_cast %parallel_loop3A_606 : i32 to index
        %parallel_loop3A_609 = arith.index_cast %parallel_loop3A_605 : i32 to index
        %parallel_loop3A_610 = tpu.vector_load %parallel_loop3A_607[%parallel_loop3A_608, %parallel_loop3A_609] {strides = array<i32>} : memref<2x12288xf32, #tpu.memory_space<vmem>>, vector<1x16xf32>,
        %parallel_loop3A_611 = vector.shape_cast %parallel_loop3A_610 : vector<1x16xf32> to vector<16xf32>
        %parallel_loop3A_612 = vector.broadcast %parallel_loop3A_164 : f32 to vector<16xf32>
        %parallel_loop3A_613 = arith.mulf %parallel_loop3A_612, %parallel_loop3A_611 : vector<16xf32>
        %parallel_loop3A_614 = arith.addf %parallel_loop3A_601, %parallel_loop3A_613 : vector<16xf32>
        %parallel_loop3A_615 = arith.constant 1152 : i32
        %parallel_loop3A_616 = arith.addi %parallel_loop3A_174, %parallel_loop3A_615 : i32
        %parallel_loop3A_617 = arith.constant 32 : i32
        %parallel_loop3A_618 = arith.addi %parallel_loop3A_616, %parallel_loop3A_617 : i32
        %parallel_loop3A_619 = arith.constant 1 : i32
        %parallel_loop3A_620 = tpu.memref_reshape %arg8 : memref<2x96x128xf32, #tpu.memory_space<vmem>> -> memref<2x12288xf32, #tpu.memory_space<vmem>>
        %parallel_loop3A_621 = arith.index_cast %parallel_loop3A_619 : i32 to index
        %parallel_loop3A_622 = arith.index_cast %parallel_loop3A_618 : i32 to index
        %parallel_loop3A_623 = tpu.vector_load %parallel_loop3A_620[%parallel_loop3A_621, %parallel_loop3A_622] {strides = array<i32>} : memref<2x12288xf32, #tpu.memory_space<vmem>>, vector<1x16xf32>,
        %parallel_loop3A_624 = vector.shape_cast %parallel_loop3A_623 : vector<1x16xf32> to vector<16xf32>
        %parallel_loop3A_625 = vector.broadcast %parallel_loop3A_166 : f32 to vector<16xf32>
        %parallel_loop3A_626 = arith.mulf %parallel_loop3A_625, %parallel_loop3A_624 : vector<16xf32>
        %parallel_loop3A_627 = arith.addf %parallel_loop3A_614, %parallel_loop3A_626 : vector<16xf32>
        %parallel_loop3A_628 = arith.constant 1280 : i32
        %parallel_loop3A_629 = arith.addi %parallel_loop3A_174, %parallel_loop3A_628 : i32
        %parallel_loop3A_630 = arith.constant 32 : i32
        %parallel_loop3A_631 = arith.addi %parallel_loop3A_629, %parallel_loop3A_630 : i32
        %parallel_loop3A_632 = arith.constant 1 : i32
        %parallel_loop3A_633 = tpu.memref_reshape %arg8 : memref<2x96x128xf32, #tpu.memory_space<vmem>> -> memref<2x12288xf32, #tpu.memory_space<vmem>>
        %parallel_loop3A_634 = arith.index_cast %parallel_loop3A_632 : i32 to index
        %parallel_loop3A_635 = arith.index_cast %parallel_loop3A_631 : i32 to index
        %parallel_loop3A_636 = tpu.vector_load %parallel_loop3A_633[%parallel_loop3A_634, %parallel_loop3A_635] {strides = array<i32>} : memref<2x12288xf32, #tpu.memory_space<vmem>>, vector<1x16xf32>,
        %parallel_loop3A_637 = vector.shape_cast %parallel_loop3A_636 : vector<1x16xf32> to vector<16xf32>
        %parallel_loop3A_638 = vector.broadcast %parallel_loop3A_168 : f32 to vector<16xf32>
        %parallel_loop3A_639 = arith.mulf %parallel_loop3A_638, %parallel_loop3A_637 : vector<16xf32>
        %parallel_loop3A_640 = arith.addf %parallel_loop3A_627, %parallel_loop3A_639 : vector<16xf32>
        %parallel_loop3A_641 = arith.constant 1408 : i32
        %parallel_loop3A_642 = arith.addi %parallel_loop3A_174, %parallel_loop3A_641 : i32
        %parallel_loop3A_643 = arith.constant 32 : i32
        %parallel_loop3A_644 = arith.addi %parallel_loop3A_642, %parallel_loop3A_643 : i32
        %parallel_loop3A_645 = arith.constant 1 : i32
        %parallel_loop3A_646 = tpu.memref_reshape %arg8 : memref<2x96x128xf32, #tpu.memory_space<vmem>> -> memref<2x12288xf32, #tpu.memory_space<vmem>>
        %parallel_loop3A_647 = arith.index_cast %parallel_loop3A_645 : i32 to index
        %parallel_loop3A_648 = arith.index_cast %parallel_loop3A_644 : i32 to index
        %parallel_loop3A_649 = tpu.vector_load %parallel_loop3A_646[%parallel_loop3A_647, %parallel_loop3A_648] {strides = array<i32>} : memref<2x12288xf32, #tpu.memory_space<vmem>>, vector<1x16xf32>,
        %parallel_loop3A_650 = vector.shape_cast %parallel_loop3A_649 : vector<1x16xf32> to vector<16xf32>
        %parallel_loop3A_651 = vector.broadcast %parallel_loop3A_170 : f32 to vector<16xf32>
        %parallel_loop3A_652 = arith.mulf %parallel_loop3A_651, %parallel_loop3A_650 : vector<16xf32>
        %parallel_loop3A_653 = arith.addf %parallel_loop3A_640, %parallel_loop3A_652 : vector<16xf32>
        %parallel_loop3A_654 = arith.constant 8 : i32
        %parallel_loop3A_655 = arith.addi %parallel_loop3A_654, %parallel_loop3A_138 : i32
        %parallel_loop3A_656 = arith.constant 128 : i32
        %parallel_loop3A_657 = arith.muli %parallel_loop3A_655, %parallel_loop3A_656 : i32
        %parallel_loop3A_658 = arith.constant 32 : i32
        %parallel_loop3A_659 = arith.addi %parallel_loop3A_657, %parallel_loop3A_658 : i32
        %parallel_loop3A_660 = arith.index_cast %parallel_loop3A_659 : i32 to index
        %parallel_loop3A_661 = tpu.vector_load %arg9[%parallel_loop3A_660] {strides = array<i32>} : memref<2048xf32, #tpu.memory_space<vmem>>, vector<16xf32>,
        %parallel_loop3A_662 = vector.shape_cast %parallel_loop3A_661 : vector<16xf32> to vector<16xf32>
        %parallel_loop3A_663 = vector.shape_cast %parallel_loop3A_653 : vector<16xf32> to vector<16xf32>
        tpu.vector_store %arg9[%parallel_loop3A_660], %parallel_loop3A_663 {strides = array<i32>} : memref<2048xf32, #tpu.memory_space<vmem>>, vector<16xf32>,
        %parallel_loop3A_664 = arith.constant 48 : i32
        %parallel_loop3A_665 = arith.addi %parallel_loop3A_174, %parallel_loop3A_664 : i32
        %parallel_loop3A_666 = arith.constant 1 : i32
        %parallel_loop3A_667 = tpu.memref_reshape %arg8 : memref<2x96x128xf32, #tpu.memory_space<vmem>> -> memref<2x12288xf32, #tpu.memory_space<vmem>>
        %parallel_loop3A_668 = arith.index_cast %parallel_loop3A_666 : i32 to index
        %parallel_loop3A_669 = arith.index_cast %parallel_loop3A_665 : i32 to index
        %parallel_loop3A_670 = tpu.vector_load %parallel_loop3A_667[%parallel_loop3A_668, %parallel_loop3A_669] {strides = array<i32>} : memref<2x12288xf32, #tpu.memory_space<vmem>>, vector<1x16xf32>,
        %parallel_loop3A_671 = vector.shape_cast %parallel_loop3A_670 : vector<1x16xf32> to vector<16xf32>
        %parallel_loop3A_672 = vector.broadcast %parallel_loop3A_148 : f32 to vector<16xf32>
        %parallel_loop3A_673 = arith.mulf %parallel_loop3A_672, %parallel_loop3A_671 : vector<16xf32>
        %parallel_loop3A_674 = arith.constant 128 : i32
        %parallel_loop3A_675 = arith.addi %parallel_loop3A_174, %parallel_loop3A_674 : i32
        %parallel_loop3A_676 = arith.constant 48 : i32
        %parallel_loop3A_677 = arith.addi %parallel_loop3A_675, %parallel_loop3A_676 : i32
        %parallel_loop3A_678 = arith.constant 1 : i32
        %parallel_loop3A_679 = tpu.memref_reshape %arg8 : memref<2x96x128xf32, #tpu.memory_space<vmem>> -> memref<2x12288xf32, #tpu.memory_space<vmem>>
        %parallel_loop3A_680 = arith.index_cast %parallel_loop3A_678 : i32 to index
        %parallel_loop3A_681 = arith.index_cast %parallel_loop3A_677 : i32 to index
        %parallel_loop3A_682 = tpu.vector_load %parallel_loop3A_679[%parallel_loop3A_680, %parallel_loop3A_681] {strides = array<i32>} : memref<2x12288xf32, #tpu.memory_space<vmem>>, vector<1x16xf32>,
        %parallel_loop3A_683 = vector.shape_cast %parallel_loop3A_682 : vector<1x16xf32> to vector<16xf32>
        %parallel_loop3A_684 = vector.broadcast %parallel_loop3A_150 : f32 to vector<16xf32>
        %parallel_loop3A_685 = arith.mulf %parallel_loop3A_684, %parallel_loop3A_683 : vector<16xf32>
        %parallel_loop3A_686 = arith.addf %parallel_loop3A_673, %parallel_loop3A_685 : vector<16xf32>
        %parallel_loop3A_687 = arith.constant 256 : i32
        %parallel_loop3A_688 = arith.addi %parallel_loop3A_174, %parallel_loop3A_687 : i32
        %parallel_loop3A_689 = arith.constant 48 : i32
        %parallel_loop3A_690 = arith.addi %parallel_loop3A_688, %parallel_loop3A_689 : i32
        %parallel_loop3A_691 = arith.constant 1 : i32
        %parallel_loop3A_692 = tpu.memref_reshape %arg8 : memref<2x96x128xf32, #tpu.memory_space<vmem>> -> memref<2x12288xf32, #tpu.memory_space<vmem>>
        %parallel_loop3A_693 = arith.index_cast %parallel_loop3A_691 : i32 to index
        %parallel_loop3A_694 = arith.index_cast %parallel_loop3A_690 : i32 to index
        %parallel_loop3A_695 = tpu.vector_load %parallel_loop3A_692[%parallel_loop3A_693, %parallel_loop3A_694] {strides = array<i32>} : memref<2x12288xf32, #tpu.memory_space<vmem>>, vector<1x16xf32>,
        %parallel_loop3A_696 = vector.shape_cast %parallel_loop3A_695 : vector<1x16xf32> to vector<16xf32>
        %parallel_loop3A_697 = vector.broadcast %parallel_loop3A_152 : f32 to vector<16xf32>
        %parallel_loop3A_698 = arith.mulf %parallel_loop3A_697, %parallel_loop3A_696 : vector<16xf32>
        %parallel_loop3A_699 = arith.addf %parallel_loop3A_686, %parallel_loop3A_698 : vector<16xf32>
        %parallel_loop3A_700 = arith.constant 384 : i32
        %parallel_loop3A_701 = arith.addi %parallel_loop3A_174, %parallel_loop3A_700 : i32
        %parallel_loop3A_702 = arith.constant 48 : i32
        %parallel_loop3A_703 = arith.addi %parallel_loop3A_701, %parallel_loop3A_702 : i32
        %parallel_loop3A_704 = arith.constant 1 : i32
        %parallel_loop3A_705 = tpu.memref_reshape %arg8 : memref<2x96x128xf32, #tpu.memory_space<vmem>> -> memref<2x12288xf32, #tpu.memory_space<vmem>>
        %parallel_loop3A_706 = arith.index_cast %parallel_loop3A_704 : i32 to index
        %parallel_loop3A_707 = arith.index_cast %parallel_loop3A_703 : i32 to index
        %parallel_loop3A_708 = tpu.vector_load %parallel_loop3A_705[%parallel_loop3A_706, %parallel_loop3A_707] {strides = array<i32>} : memref<2x12288xf32, #tpu.memory_space<vmem>>, vector<1x16xf32>,
        %parallel_loop3A_709 = vector.shape_cast %parallel_loop3A_708 : vector<1x16xf32> to vector<16xf32>
        %parallel_loop3A_710 = vector.broadcast %parallel_loop3A_154 : f32 to vector<16xf32>
        %parallel_loop3A_711 = arith.mulf %parallel_loop3A_710, %parallel_loop3A_709 : vector<16xf32>
        %parallel_loop3A_712 = arith.addf %parallel_loop3A_699, %parallel_loop3A_711 : vector<16xf32>
        %parallel_loop3A_713 = arith.constant 512 : i32
        %parallel_loop3A_714 = arith.addi %parallel_loop3A_174, %parallel_loop3A_713 : i32
        %parallel_loop3A_715 = arith.constant 48 : i32
        %parallel_loop3A_716 = arith.addi %parallel_loop3A_714, %parallel_loop3A_715 : i32
        %parallel_loop3A_717 = arith.constant 1 : i32
        %parallel_loop3A_718 = tpu.memref_reshape %arg8 : memref<2x96x128xf32, #tpu.memory_space<vmem>> -> memref<2x12288xf32, #tpu.memory_space<vmem>>
        %parallel_loop3A_719 = arith.index_cast %parallel_loop3A_717 : i32 to index
        %parallel_loop3A_720 = arith.index_cast %parallel_loop3A_716 : i32 to index
        %parallel_loop3A_721 = tpu.vector_load %parallel_loop3A_718[%parallel_loop3A_719, %parallel_loop3A_720] {strides = array<i32>} : memref<2x12288xf32, #tpu.memory_space<vmem>>, vector<1x16xf32>,
        %parallel_loop3A_722 = vector.shape_cast %parallel_loop3A_721 : vector<1x16xf32> to vector<16xf32>
        %parallel_loop3A_723 = vector.broadcast %parallel_loop3A_156 : f32 to vector<16xf32>
        %parallel_loop3A_724 = arith.mulf %parallel_loop3A_723, %parallel_loop3A_722 : vector<16xf32>
        %parallel_loop3A_725 = arith.addf %parallel_loop3A_712, %parallel_loop3A_724 : vector<16xf32>
        %parallel_loop3A_726 = arith.constant 640 : i32
        %parallel_loop3A_727 = arith.addi %parallel_loop3A_174, %parallel_loop3A_726 : i32
        %parallel_loop3A_728 = arith.constant 48 : i32
        %parallel_loop3A_729 = arith.addi %parallel_loop3A_727, %parallel_loop3A_728 : i32
        %parallel_loop3A_730 = arith.constant 1 : i32
        %parallel_loop3A_731 = tpu.memref_reshape %arg8 : memref<2x96x128xf32, #tpu.memory_space<vmem>> -> memref<2x12288xf32, #tpu.memory_space<vmem>>
        %parallel_loop3A_732 = arith.index_cast %parallel_loop3A_730 : i32 to index
        %parallel_loop3A_733 = arith.index_cast %parallel_loop3A_729 : i32 to index
        %parallel_loop3A_734 = tpu.vector_load %parallel_loop3A_731[%parallel_loop3A_732, %parallel_loop3A_733] {strides = array<i32>} : memref<2x12288xf32, #tpu.memory_space<vmem>>, vector<1x16xf32>,
        %parallel_loop3A_735 = vector.shape_cast %parallel_loop3A_734 : vector<1x16xf32> to vector<16xf32>
        %parallel_loop3A_736 = vector.broadcast %parallel_loop3A_158 : f32 to vector<16xf32>
        %parallel_loop3A_737 = arith.mulf %parallel_loop3A_736, %parallel_loop3A_735 : vector<16xf32>
        %parallel_loop3A_738 = arith.addf %parallel_loop3A_725, %parallel_loop3A_737 : vector<16xf32>
        %parallel_loop3A_739 = arith.constant 768 : i32
        %parallel_loop3A_740 = arith.addi %parallel_loop3A_174, %parallel_loop3A_739 : i32
        %parallel_loop3A_741 = arith.constant 48 : i32
        %parallel_loop3A_742 = arith.addi %parallel_loop3A_740, %parallel_loop3A_741 : i32
        %parallel_loop3A_743 = arith.constant 1 : i32
        %parallel_loop3A_744 = tpu.memref_reshape %arg8 : memref<2x96x128xf32, #tpu.memory_space<vmem>> -> memref<2x12288xf32, #tpu.memory_space<vmem>>
        %parallel_loop3A_745 = arith.index_cast %parallel_loop3A_743 : i32 to index
        %parallel_loop3A_746 = arith.index_cast %parallel_loop3A_742 : i32 to index
        %parallel_loop3A_747 = tpu.vector_load %parallel_loop3A_744[%parallel_loop3A_745, %parallel_loop3A_746] {strides = array<i32>} : memref<2x12288xf32, #tpu.memory_space<vmem>>, vector<1x16xf32>,
        %parallel_loop3A_748 = vector.shape_cast %parallel_loop3A_747 : vector<1x16xf32> to vector<16xf32>
        %parallel_loop3A_749 = vector.broadcast %parallel_loop3A_160 : f32 to vector<16xf32>
        %parallel_loop3A_750 = arith.mulf %parallel_loop3A_749, %parallel_loop3A_748 : vector<16xf32>
        %parallel_loop3A_751 = arith.addf %parallel_loop3A_738, %parallel_loop3A_750 : vector<16xf32>
        %parallel_loop3A_752 = arith.constant 896 : i32
        %parallel_loop3A_753 = arith.addi %parallel_loop3A_174, %parallel_loop3A_752 : i32
        %parallel_loop3A_754 = arith.constant 48 : i32
        %parallel_loop3A_755 = arith.addi %parallel_loop3A_753, %parallel_loop3A_754 : i32
        %parallel_loop3A_756 = arith.constant 1 : i32
        %parallel_loop3A_757 = tpu.memref_reshape %arg8 : memref<2x96x128xf32, #tpu.memory_space<vmem>> -> memref<2x12288xf32, #tpu.memory_space<vmem>>
        %parallel_loop3A_758 = arith.index_cast %parallel_loop3A_756 : i32 to index
        %parallel_loop3A_759 = arith.index_cast %parallel_loop3A_755 : i32 to index
        %parallel_loop3A_760 = tpu.vector_load %parallel_loop3A_757[%parallel_loop3A_758, %parallel_loop3A_759] {strides = array<i32>} : memref<2x12288xf32, #tpu.memory_space<vmem>>, vector<1x16xf32>,
        %parallel_loop3A_761 = vector.shape_cast %parallel_loop3A_760 : vector<1x16xf32> to vector<16xf32>
        %parallel_loop3A_762 = vector.broadcast %parallel_loop3A_162 : f32 to vector<16xf32>
        %parallel_loop3A_763 = arith.mulf %parallel_loop3A_762, %parallel_loop3A_761 : vector<16xf32>
        %parallel_loop3A_764 = arith.addf %parallel_loop3A_751, %parallel_loop3A_763 : vector<16xf32>
        %parallel_loop3A_765 = arith.constant 1024 : i32
        %parallel_loop3A_766 = arith.addi %parallel_loop3A_174, %parallel_loop3A_765 : i32
        %parallel_loop3A_767 = arith.constant 48 : i32
        %parallel_loop3A_768 = arith.addi %parallel_loop3A_766, %parallel_loop3A_767 : i32
        %parallel_loop3A_769 = arith.constant 1 : i32
        %parallel_loop3A_770 = tpu.memref_reshape %arg8 : memref<2x96x128xf32, #tpu.memory_space<vmem>> -> memref<2x12288xf32, #tpu.memory_space<vmem>>
        %parallel_loop3A_771 = arith.index_cast %parallel_loop3A_769 : i32 to index
        %parallel_loop3A_772 = arith.index_cast %parallel_loop3A_768 : i32 to index
        %parallel_loop3A_773 = tpu.vector_load %parallel_loop3A_770[%parallel_loop3A_771, %parallel_loop3A_772] {strides = array<i32>} : memref<2x12288xf32, #tpu.memory_space<vmem>>, vector<1x16xf32>,
        %parallel_loop3A_774 = vector.shape_cast %parallel_loop3A_773 : vector<1x16xf32> to vector<16xf32>
        %parallel_loop3A_775 = vector.broadcast %parallel_loop3A_164 : f32 to vector<16xf32>
        %parallel_loop3A_776 = arith.mulf %parallel_loop3A_775, %parallel_loop3A_774 : vector<16xf32>
        %parallel_loop3A_777 = arith.addf %parallel_loop3A_764, %parallel_loop3A_776 : vector<16xf32>
        %parallel_loop3A_778 = arith.constant 1152 : i32
        %parallel_loop3A_779 = arith.addi %parallel_loop3A_174, %parallel_loop3A_778 : i32
        %parallel_loop3A_780 = arith.constant 48 : i32
        %parallel_loop3A_781 = arith.addi %parallel_loop3A_779, %parallel_loop3A_780 : i32
        %parallel_loop3A_782 = arith.constant 1 : i32
        %parallel_loop3A_783 = tpu.memref_reshape %arg8 : memref<2x96x128xf32, #tpu.memory_space<vmem>> -> memref<2x12288xf32, #tpu.memory_space<vmem>>
        %parallel_loop3A_784 = arith.index_cast %parallel_loop3A_782 : i32 to index
        %parallel_loop3A_785 = arith.index_cast %parallel_loop3A_781 : i32 to index
        %parallel_loop3A_786 = tpu.vector_load %parallel_loop3A_783[%parallel_loop3A_784, %parallel_loop3A_785] {strides = array<i32>} : memref<2x12288xf32, #tpu.memory_space<vmem>>, vector<1x16xf32>,
        %parallel_loop3A_787 = vector.shape_cast %parallel_loop3A_786 : vector<1x16xf32> to vector<16xf32>
        %parallel_loop3A_788 = vector.broadcast %parallel_loop3A_166 : f32 to vector<16xf32>
        %parallel_loop3A_789 = arith.mulf %parallel_loop3A_788, %parallel_loop3A_787 : vector<16xf32>
        %parallel_loop3A_790 = arith.addf %parallel_loop3A_777, %parallel_loop3A_789 : vector<16xf32>
        %parallel_loop3A_791 = arith.constant 1280 : i32
        %parallel_loop3A_792 = arith.addi %parallel_loop3A_174, %parallel_loop3A_791 : i32
        %parallel_loop3A_793 = arith.constant 48 : i32
        %parallel_loop3A_794 = arith.addi %parallel_loop3A_792, %parallel_loop3A_793 : i32
        %parallel_loop3A_795 = arith.constant 1 : i32
        %parallel_loop3A_796 = tpu.memref_reshape %arg8 : memref<2x96x128xf32, #tpu.memory_space<vmem>> -> memref<2x12288xf32, #tpu.memory_space<vmem>>
        %parallel_loop3A_797 = arith.index_cast %parallel_loop3A_795 : i32 to index
        %parallel_loop3A_798 = arith.index_cast %parallel_loop3A_794 : i32 to index
        %parallel_loop3A_799 = tpu.vector_load %parallel_loop3A_796[%parallel_loop3A_797, %parallel_loop3A_798] {strides = array<i32>} : memref<2x12288xf32, #tpu.memory_space<vmem>>, vector<1x16xf32>,
        %parallel_loop3A_800 = vector.shape_cast %parallel_loop3A_799 : vector<1x16xf32> to vector<16xf32>
        %parallel_loop3A_801 = vector.broadcast %parallel_loop3A_168 : f32 to vector<16xf32>
        %parallel_loop3A_802 = arith.mulf %parallel_loop3A_801, %parallel_loop3A_800 : vector<16xf32>
        %parallel_loop3A_803 = arith.addf %parallel_loop3A_790, %parallel_loop3A_802 : vector<16xf32>
        %parallel_loop3A_804 = arith.constant 1408 : i32
        %parallel_loop3A_805 = arith.addi %parallel_loop3A_174, %parallel_loop3A_804 : i32
        %parallel_loop3A_806 = arith.constant 48 : i32
        %parallel_loop3A_807 = arith.addi %parallel_loop3A_805, %parallel_loop3A_806 : i32
        %parallel_loop3A_808 = arith.constant 1 : i32
        %parallel_loop3A_809 = tpu.memref_reshape %arg8 : memref<2x96x128xf32, #tpu.memory_space<vmem>> -> memref<2x12288xf32, #tpu.memory_space<vmem>>
        %parallel_loop3A_810 = arith.index_cast %parallel_loop3A_808 : i32 to index
        %parallel_loop3A_811 = arith.index_cast %parallel_loop3A_807 : i32 to index
        %parallel_loop3A_812 = tpu.vector_load %parallel_loop3A_809[%parallel_loop3A_810, %parallel_loop3A_811] {strides = array<i32>} : memref<2x12288xf32, #tpu.memory_space<vmem>>, vector<1x16xf32>,
        %parallel_loop3A_813 = vector.shape_cast %parallel_loop3A_812 : vector<1x16xf32> to vector<16xf32>
        %parallel_loop3A_814 = vector.broadcast %parallel_loop3A_170 : f32 to vector<16xf32>
        %parallel_loop3A_815 = arith.mulf %parallel_loop3A_814, %parallel_loop3A_813 : vector<16xf32>
        %parallel_loop3A_816 = arith.addf %parallel_loop3A_803, %parallel_loop3A_815 : vector<16xf32>
        %parallel_loop3A_817 = arith.constant 8 : i32
        %parallel_loop3A_818 = arith.addi %parallel_loop3A_817, %parallel_loop3A_138 : i32
        %parallel_loop3A_819 = arith.constant 128 : i32
        %parallel_loop3A_820 = arith.muli %parallel_loop3A_818, %parallel_loop3A_819 : i32
        %parallel_loop3A_821 = arith.constant 48 : i32
        %parallel_loop3A_822 = arith.addi %parallel_loop3A_820, %parallel_loop3A_821 : i32
        %parallel_loop3A_823 = arith.index_cast %parallel_loop3A_822 : i32 to index
        %parallel_loop3A_824 = tpu.vector_load %arg9[%parallel_loop3A_823] {strides = array<i32>} : memref<2048xf32, #tpu.memory_space<vmem>>, vector<16xf32>,
        %parallel_loop3A_825 = vector.shape_cast %parallel_loop3A_824 : vector<16xf32> to vector<16xf32>
        %parallel_loop3A_826 = vector.shape_cast %parallel_loop3A_816 : vector<16xf32> to vector<16xf32>
        tpu.vector_store %arg9[%parallel_loop3A_823], %parallel_loop3A_826 {strides = array<i32>} : memref<2048xf32, #tpu.memory_space<vmem>>, vector<16xf32>,
        %parallel_loop3A_827 = arith.constant 64 : i32
        %parallel_loop3A_828 = arith.addi %parallel_loop3A_174, %parallel_loop3A_827 : i32
        %parallel_loop3A_829 = arith.constant 1 : i32
        %parallel_loop3A_830 = tpu.memref_reshape %arg8 : memref<2x96x128xf32, #tpu.memory_space<vmem>> -> memref<2x12288xf32, #tpu.memory_space<vmem>>
        %parallel_loop3A_831 = arith.index_cast %parallel_loop3A_829 : i32 to index
        %parallel_loop3A_832 = arith.index_cast %parallel_loop3A_828 : i32 to index
        %parallel_loop3A_833 = tpu.vector_load %parallel_loop3A_830[%parallel_loop3A_831, %parallel_loop3A_832] {strides = array<i32>} : memref<2x12288xf32, #tpu.memory_space<vmem>>, vector<1x16xf32>,
        %parallel_loop3A_834 = vector.shape_cast %parallel_loop3A_833 : vector<1x16xf32> to vector<16xf32>
        %parallel_loop3A_835 = vector.broadcast %parallel_loop3A_148 : f32 to vector<16xf32>
        %parallel_loop3A_836 = arith.mulf %parallel_loop3A_835, %parallel_loop3A_834 : vector<16xf32>
        %parallel_loop3A_837 = arith.constant 128 : i32
        %parallel_loop3A_838 = arith.addi %parallel_loop3A_174, %parallel_loop3A_837 : i32
        %parallel_loop3A_839 = arith.constant 64 : i32
        %parallel_loop3A_840 = arith.addi %parallel_loop3A_838, %parallel_loop3A_839 : i32
        %parallel_loop3A_841 = arith.constant 1 : i32
        %parallel_loop3A_842 = tpu.memref_reshape %arg8 : memref<2x96x128xf32, #tpu.memory_space<vmem>> -> memref<2x12288xf32, #tpu.memory_space<vmem>>
        %parallel_loop3A_843 = arith.index_cast %parallel_loop3A_841 : i32 to index
        %parallel_loop3A_844 = arith.index_cast %parallel_loop3A_840 : i32 to index
        %parallel_loop3A_845 = tpu.vector_load %parallel_loop3A_842[%parallel_loop3A_843, %parallel_loop3A_844] {strides = array<i32>} : memref<2x12288xf32, #tpu.memory_space<vmem>>, vector<1x16xf32>,
        %parallel_loop3A_846 = vector.shape_cast %parallel_loop3A_845 : vector<1x16xf32> to vector<16xf32>
        %parallel_loop3A_847 = vector.broadcast %parallel_loop3A_150 : f32 to vector<16xf32>
        %parallel_loop3A_848 = arith.mulf %parallel_loop3A_847, %parallel_loop3A_846 : vector<16xf32>
        %parallel_loop3A_849 = arith.addf %parallel_loop3A_836, %parallel_loop3A_848 : vector<16xf32>
        %parallel_loop3A_850 = arith.constant 256 : i32
        %parallel_loop3A_851 = arith.addi %parallel_loop3A_174, %parallel_loop3A_850 : i32
        %parallel_loop3A_852 = arith.constant 64 : i32
        %parallel_loop3A_853 = arith.addi %parallel_loop3A_851, %parallel_loop3A_852 : i32
        %parallel_loop3A_854 = arith.constant 1 : i32
        %parallel_loop3A_855 = tpu.memref_reshape %arg8 : memref<2x96x128xf32, #tpu.memory_space<vmem>> -> memref<2x12288xf32, #tpu.memory_space<vmem>>
        %parallel_loop3A_856 = arith.index_cast %parallel_loop3A_854 : i32 to index
        %parallel_loop3A_857 = arith.index_cast %parallel_loop3A_853 : i32 to index
        %parallel_loop3A_858 = tpu.vector_load %parallel_loop3A_855[%parallel_loop3A_856, %parallel_loop3A_857] {strides = array<i32>} : memref<2x12288xf32, #tpu.memory_space<vmem>>, vector<1x16xf32>,
        %parallel_loop3A_859 = vector.shape_cast %parallel_loop3A_858 : vector<1x16xf32> to vector<16xf32>
        %parallel_loop3A_860 = vector.broadcast %parallel_loop3A_152 : f32 to vector<16xf32>
        %parallel_loop3A_861 = arith.mulf %parallel_loop3A_860, %parallel_loop3A_859 : vector<16xf32>
        %parallel_loop3A_862 = arith.addf %parallel_loop3A_849, %parallel_loop3A_861 : vector<16xf32>
        %parallel_loop3A_863 = arith.constant 384 : i32
        %parallel_loop3A_864 = arith.addi %parallel_loop3A_174, %parallel_loop3A_863 : i32
        %parallel_loop3A_865 = arith.constant 64 : i32
        %parallel_loop3A_866 = arith.addi %parallel_loop3A_864, %parallel_loop3A_865 : i32
        %parallel_loop3A_867 = arith.constant 1 : i32
        %parallel_loop3A_868 = tpu.memref_reshape %arg8 : memref<2x96x128xf32, #tpu.memory_space<vmem>> -> memref<2x12288xf32, #tpu.memory_space<vmem>>
        %parallel_loop3A_869 = arith.index_cast %parallel_loop3A_867 : i32 to index
        %parallel_loop3A_870 = arith.index_cast %parallel_loop3A_866 : i32 to index
        %parallel_loop3A_871 = tpu.vector_load %parallel_loop3A_868[%parallel_loop3A_869, %parallel_loop3A_870] {strides = array<i32>} : memref<2x12288xf32, #tpu.memory_space<vmem>>, vector<1x16xf32>,
        %parallel_loop3A_872 = vector.shape_cast %parallel_loop3A_871 : vector<1x16xf32> to vector<16xf32>
        %parallel_loop3A_873 = vector.broadcast %parallel_loop3A_154 : f32 to vector<16xf32>
        %parallel_loop3A_874 = arith.mulf %parallel_loop3A_873, %parallel_loop3A_872 : vector<16xf32>
        %parallel_loop3A_875 = arith.addf %parallel_loop3A_862, %parallel_loop3A_874 : vector<16xf32>
        %parallel_loop3A_876 = arith.constant 512 : i32
        %parallel_loop3A_877 = arith.addi %parallel_loop3A_174, %parallel_loop3A_876 : i32
        %parallel_loop3A_878 = arith.constant 64 : i32
        %parallel_loop3A_879 = arith.addi %parallel_loop3A_877, %parallel_loop3A_878 : i32
        %parallel_loop3A_880 = arith.constant 1 : i32
        %parallel_loop3A_881 = tpu.memref_reshape %arg8 : memref<2x96x128xf32, #tpu.memory_space<vmem>> -> memref<2x12288xf32, #tpu.memory_space<vmem>>
        %parallel_loop3A_882 = arith.index_cast %parallel_loop3A_880 : i32 to index
        %parallel_loop3A_883 = arith.index_cast %parallel_loop3A_879 : i32 to index
        %parallel_loop3A_884 = tpu.vector_load %parallel_loop3A_881[%parallel_loop3A_882, %parallel_loop3A_883] {strides = array<i32>} : memref<2x12288xf32, #tpu.memory_space<vmem>>, vector<1x16xf32>,
        %parallel_loop3A_885 = vector.shape_cast %parallel_loop3A_884 : vector<1x16xf32> to vector<16xf32>
        %parallel_loop3A_886 = vector.broadcast %parallel_loop3A_156 : f32 to vector<16xf32>
        %parallel_loop3A_887 = arith.mulf %parallel_loop3A_886, %parallel_loop3A_885 : vector<16xf32>
        %parallel_loop3A_888 = arith.addf %parallel_loop3A_875, %parallel_loop3A_887 : vector<16xf32>
        %parallel_loop3A_889 = arith.constant 640 : i32
        %parallel_loop3A_890 = arith.addi %parallel_loop3A_174, %parallel_loop3A_889 : i32
        %parallel_loop3A_891 = arith.constant 64 : i32
        %parallel_loop3A_892 = arith.addi %parallel_loop3A_890, %parallel_loop3A_891 : i32
        %parallel_loop3A_893 = arith.constant 1 : i32
        %parallel_loop3A_894 = tpu.memref_reshape %arg8 : memref<2x96x128xf32, #tpu.memory_space<vmem>> -> memref<2x12288xf32, #tpu.memory_space<vmem>>
        %parallel_loop3A_895 = arith.index_cast %parallel_loop3A_893 : i32 to index
        %parallel_loop3A_896 = arith.index_cast %parallel_loop3A_892 : i32 to index
        %parallel_loop3A_897 = tpu.vector_load %parallel_loop3A_894[%parallel_loop3A_895, %parallel_loop3A_896] {strides = array<i32>} : memref<2x12288xf32, #tpu.memory_space<vmem>>, vector<1x16xf32>,
        %parallel_loop3A_898 = vector.shape_cast %parallel_loop3A_897 : vector<1x16xf32> to vector<16xf32>
        %parallel_loop3A_899 = vector.broadcast %parallel_loop3A_158 : f32 to vector<16xf32>
        %parallel_loop3A_900 = arith.mulf %parallel_loop3A_899, %parallel_loop3A_898 : vector<16xf32>
        %parallel_loop3A_901 = arith.addf %parallel_loop3A_888, %parallel_loop3A_900 : vector<16xf32>
        %parallel_loop3A_902 = arith.constant 768 : i32
        %parallel_loop3A_903 = arith.addi %parallel_loop3A_174, %parallel_loop3A_902 : i32
        %parallel_loop3A_904 = arith.constant 64 : i32
        %parallel_loop3A_905 = arith.addi %parallel_loop3A_903, %parallel_loop3A_904 : i32
        %parallel_loop3A_906 = arith.constant 1 : i32
        %parallel_loop3A_907 = tpu.memref_reshape %arg8 : memref<2x96x128xf32, #tpu.memory_space<vmem>> -> memref<2x12288xf32, #tpu.memory_space<vmem>>
        %parallel_loop3A_908 = arith.index_cast %parallel_loop3A_906 : i32 to index
        %parallel_loop3A_909 = arith.index_cast %parallel_loop3A_905 : i32 to index
        %parallel_loop3A_910 = tpu.vector_load %parallel_loop3A_907[%parallel_loop3A_908, %parallel_loop3A_909] {strides = array<i32>} : memref<2x12288xf32, #tpu.memory_space<vmem>>, vector<1x16xf32>,
        %parallel_loop3A_911 = vector.shape_cast %parallel_loop3A_910 : vector<1x16xf32> to vector<16xf32>
        %parallel_loop3A_912 = vector.broadcast %parallel_loop3A_160 : f32 to vector<16xf32>
        %parallel_loop3A_913 = arith.mulf %parallel_loop3A_912, %parallel_loop3A_911 : vector<16xf32>
        %parallel_loop3A_914 = arith.addf %parallel_loop3A_901, %parallel_loop3A_913 : vector<16xf32>
        %parallel_loop3A_915 = arith.constant 896 : i32
        %parallel_loop3A_916 = arith.addi %parallel_loop3A_174, %parallel_loop3A_915 : i32
        %parallel_loop3A_917 = arith.constant 64 : i32
        %parallel_loop3A_918 = arith.addi %parallel_loop3A_916, %parallel_loop3A_917 : i32
        %parallel_loop3A_919 = arith.constant 1 : i32
        %parallel_loop3A_920 = tpu.memref_reshape %arg8 : memref<2x96x128xf32, #tpu.memory_space<vmem>> -> memref<2x12288xf32, #tpu.memory_space<vmem>>
        %parallel_loop3A_921 = arith.index_cast %parallel_loop3A_919 : i32 to index
        %parallel_loop3A_922 = arith.index_cast %parallel_loop3A_918 : i32 to index
        %parallel_loop3A_923 = tpu.vector_load %parallel_loop3A_920[%parallel_loop3A_921, %parallel_loop3A_922] {strides = array<i32>} : memref<2x12288xf32, #tpu.memory_space<vmem>>, vector<1x16xf32>,
        %parallel_loop3A_924 = vector.shape_cast %parallel_loop3A_923 : vector<1x16xf32> to vector<16xf32>
        %parallel_loop3A_925 = vector.broadcast %parallel_loop3A_162 : f32 to vector<16xf32>
        %parallel_loop3A_926 = arith.mulf %parallel_loop3A_925, %parallel_loop3A_924 : vector<16xf32>
        %parallel_loop3A_927 = arith.addf %parallel_loop3A_914, %parallel_loop3A_926 : vector<16xf32>
        %parallel_loop3A_928 = arith.constant 1024 : i32
        %parallel_loop3A_929 = arith.addi %parallel_loop3A_174, %parallel_loop3A_928 : i32
        %parallel_loop3A_930 = arith.constant 64 : i32
        %parallel_loop3A_931 = arith.addi %parallel_loop3A_929, %parallel_loop3A_930 : i32
        %parallel_loop3A_932 = arith.constant 1 : i32
        %parallel_loop3A_933 = tpu.memref_reshape %arg8 : memref<2x96x128xf32, #tpu.memory_space<vmem>> -> memref<2x12288xf32, #tpu.memory_space<vmem>>
        %parallel_loop3A_934 = arith.index_cast %parallel_loop3A_932 : i32 to index
        %parallel_loop3A_935 = arith.index_cast %parallel_loop3A_931 : i32 to index
        %parallel_loop3A_936 = tpu.vector_load %parallel_loop3A_933[%parallel_loop3A_934, %parallel_loop3A_935] {strides = array<i32>} : memref<2x12288xf32, #tpu.memory_space<vmem>>, vector<1x16xf32>,
        %parallel_loop3A_937 = vector.shape_cast %parallel_loop3A_936 : vector<1x16xf32> to vector<16xf32>
        %parallel_loop3A_938 = vector.broadcast %parallel_loop3A_164 : f32 to vector<16xf32>
        %parallel_loop3A_939 = arith.mulf %parallel_loop3A_938, %parallel_loop3A_937 : vector<16xf32>
        %parallel_loop3A_940 = arith.addf %parallel_loop3A_927, %parallel_loop3A_939 : vector<16xf32>
        %parallel_loop3A_941 = arith.constant 1152 : i32
        %parallel_loop3A_942 = arith.addi %parallel_loop3A_174, %parallel_loop3A_941 : i32
        %parallel_loop3A_943 = arith.constant 64 : i32
        %parallel_loop3A_944 = arith.addi %parallel_loop3A_942, %parallel_loop3A_943 : i32
        %parallel_loop3A_945 = arith.constant 1 : i32
        %parallel_loop3A_946 = tpu.memref_reshape %arg8 : memref<2x96x128xf32, #tpu.memory_space<vmem>> -> memref<2x12288xf32, #tpu.memory_space<vmem>>
        %parallel_loop3A_947 = arith.index_cast %parallel_loop3A_945 : i32 to index
        %parallel_loop3A_948 = arith.index_cast %parallel_loop3A_944 : i32 to index
        %parallel_loop3A_949 = tpu.vector_load %parallel_loop3A_946[%parallel_loop3A_947, %parallel_loop3A_948] {strides = array<i32>} : memref<2x12288xf32, #tpu.memory_space<vmem>>, vector<1x16xf32>,
        %parallel_loop3A_950 = vector.shape_cast %parallel_loop3A_949 : vector<1x16xf32> to vector<16xf32>
        %parallel_loop3A_951 = vector.broadcast %parallel_loop3A_166 : f32 to vector<16xf32>
        %parallel_loop3A_952 = arith.mulf %parallel_loop3A_951, %parallel_loop3A_950 : vector<16xf32>
        %parallel_loop3A_953 = arith.addf %parallel_loop3A_940, %parallel_loop3A_952 : vector<16xf32>
        %parallel_loop3A_954 = arith.constant 1280 : i32
        %parallel_loop3A_955 = arith.addi %parallel_loop3A_174, %parallel_loop3A_954 : i32
        %parallel_loop3A_956 = arith.constant 64 : i32
        %parallel_loop3A_957 = arith.addi %parallel_loop3A_955, %parallel_loop3A_956 : i32
        %parallel_loop3A_958 = arith.constant 1 : i32
        %parallel_loop3A_959 = tpu.memref_reshape %arg8 : memref<2x96x128xf32, #tpu.memory_space<vmem>> -> memref<2x12288xf32, #tpu.memory_space<vmem>>
        %parallel_loop3A_960 = arith.index_cast %parallel_loop3A_958 : i32 to index
        %parallel_loop3A_961 = arith.index_cast %parallel_loop3A_957 : i32 to index
        %parallel_loop3A_962 = tpu.vector_load %parallel_loop3A_959[%parallel_loop3A_960, %parallel_loop3A_961] {strides = array<i32>} : memref<2x12288xf32, #tpu.memory_space<vmem>>, vector<1x16xf32>,
        %parallel_loop3A_963 = vector.shape_cast %parallel_loop3A_962 : vector<1x16xf32> to vector<16xf32>
        %parallel_loop3A_964 = vector.broadcast %parallel_loop3A_168 : f32 to vector<16xf32>
        %parallel_loop3A_965 = arith.mulf %parallel_loop3A_964, %parallel_loop3A_963 : vector<16xf32>
        %parallel_loop3A_966 = arith.addf %parallel_loop3A_953, %parallel_loop3A_965 : vector<16xf32>
        %parallel_loop3A_967 = arith.constant 1408 : i32
        %parallel_loop3A_968 = arith.addi %parallel_loop3A_174, %parallel_loop3A_967 : i32
        %parallel_loop3A_969 = arith.constant 64 : i32
        %parallel_loop3A_970 = arith.addi %parallel_loop3A_968, %parallel_loop3A_969 : i32
        %parallel_loop3A_971 = arith.constant 1 : i32
        %parallel_loop3A_972 = tpu.memref_reshape %arg8 : memref<2x96x128xf32, #tpu.memory_space<vmem>> -> memref<2x12288xf32, #tpu.memory_space<vmem>>
        %parallel_loop3A_973 = arith.index_cast %parallel_loop3A_971 : i32 to index
        %parallel_loop3A_974 = arith.index_cast %parallel_loop3A_970 : i32 to index
        %parallel_loop3A_975 = tpu.vector_load %parallel_loop3A_972[%parallel_loop3A_973, %parallel_loop3A_974] {strides = array<i32>} : memref<2x12288xf32, #tpu.memory_space<vmem>>, vector<1x16xf32>,
        %parallel_loop3A_976 = vector.shape_cast %parallel_loop3A_975 : vector<1x16xf32> to vector<16xf32>
        %parallel_loop3A_977 = vector.broadcast %parallel_loop3A_170 : f32 to vector<16xf32>
        %parallel_loop3A_978 = arith.mulf %parallel_loop3A_977, %parallel_loop3A_976 : vector<16xf32>
        %parallel_loop3A_979 = arith.addf %parallel_loop3A_966, %parallel_loop3A_978 : vector<16xf32>
        %parallel_loop3A_980 = arith.constant 8 : i32
        %parallel_loop3A_981 = arith.addi %parallel_loop3A_980, %parallel_loop3A_138 : i32
        %parallel_loop3A_982 = arith.constant 128 : i32
        %parallel_loop3A_983 = arith.muli %parallel_loop3A_981, %parallel_loop3A_982 : i32
        %parallel_loop3A_984 = arith.constant 64 : i32
        %parallel_loop3A_985 = arith.addi %parallel_loop3A_983, %parallel_loop3A_984 : i32
        %parallel_loop3A_986 = arith.index_cast %parallel_loop3A_985 : i32 to index
        %parallel_loop3A_987 = tpu.vector_load %arg9[%parallel_loop3A_986] {strides = array<i32>} : memref<2048xf32, #tpu.memory_space<vmem>>, vector<16xf32>,
        %parallel_loop3A_988 = vector.shape_cast %parallel_loop3A_987 : vector<16xf32> to vector<16xf32>
        %parallel_loop3A_989 = vector.shape_cast %parallel_loop3A_979 : vector<16xf32> to vector<16xf32>
        tpu.vector_store %arg9[%parallel_loop3A_986], %parallel_loop3A_989 {strides = array<i32>} : memref<2048xf32, #tpu.memory_space<vmem>>, vector<16xf32>,
        %parallel_loop3A_990 = arith.constant 80 : i32
        %parallel_loop3A_991 = arith.addi %parallel_loop3A_174, %parallel_loop3A_990 : i32
        %parallel_loop3A_992 = arith.constant 1 : i32
        %parallel_loop3A_993 = tpu.memref_reshape %arg8 : memref<2x96x128xf32, #tpu.memory_space<vmem>> -> memref<2x12288xf32, #tpu.memory_space<vmem>>
        %parallel_loop3A_994 = arith.index_cast %parallel_loop3A_992 : i32 to index
        %parallel_loop3A_995 = arith.index_cast %parallel_loop3A_991 : i32 to index
        %parallel_loop3A_996 = tpu.vector_load %parallel_loop3A_993[%parallel_loop3A_994, %parallel_loop3A_995] {strides = array<i32>} : memref<2x12288xf32, #tpu.memory_space<vmem>>, vector<1x16xf32>,
        %parallel_loop3A_997 = vector.shape_cast %parallel_loop3A_996 : vector<1x16xf32> to vector<16xf32>
        %parallel_loop3A_998 = vector.broadcast %parallel_loop3A_148 : f32 to vector<16xf32>
        %parallel_loop3A_999 = arith.mulf %parallel_loop3A_998, %parallel_loop3A_997 : vector<16xf32>
        %parallel_loop3A_1000 = arith.constant 128 : i32
        %parallel_loop3A_1001 = arith.addi %parallel_loop3A_174, %parallel_loop3A_1000 : i32
        %parallel_loop3A_1002 = arith.constant 80 : i32
        %parallel_loop3A_1003 = arith.addi %parallel_loop3A_1001, %parallel_loop3A_1002 : i32
        %parallel_loop3A_1004 = arith.constant 1 : i32
        %parallel_loop3A_1005 = tpu.memref_reshape %arg8 : memref<2x96x128xf32, #tpu.memory_space<vmem>> -> memref<2x12288xf32, #tpu.memory_space<vmem>>
        %parallel_loop3A_1006 = arith.index_cast %parallel_loop3A_1004 : i32 to index
        %parallel_loop3A_1007 = arith.index_cast %parallel_loop3A_1003 : i32 to index
        %parallel_loop3A_1008 = tpu.vector_load %parallel_loop3A_1005[%parallel_loop3A_1006, %parallel_loop3A_1007] {strides = array<i32>} : memref<2x12288xf32, #tpu.memory_space<vmem>>, vector<1x16xf32>,
        %parallel_loop3A_1009 = vector.shape_cast %parallel_loop3A_1008 : vector<1x16xf32> to vector<16xf32>
        %parallel_loop3A_1010 = vector.broadcast %parallel_loop3A_150 : f32 to vector<16xf32>
        %parallel_loop3A_1011 = arith.mulf %parallel_loop3A_1010, %parallel_loop3A_1009 : vector<16xf32>
        %parallel_loop3A_1012 = arith.addf %parallel_loop3A_999, %parallel_loop3A_1011 : vector<16xf32>
        %parallel_loop3A_1013 = arith.constant 256 : i32
        %parallel_loop3A_1014 = arith.addi %parallel_loop3A_174, %parallel_loop3A_1013 : i32
        %parallel_loop3A_1015 = arith.constant 80 : i32
        %parallel_loop3A_1016 = arith.addi %parallel_loop3A_1014, %parallel_loop3A_1015 : i32
        %parallel_loop3A_1017 = arith.constant 1 : i32
        %parallel_loop3A_1018 = tpu.memref_reshape %arg8 : memref<2x96x128xf32, #tpu.memory_space<vmem>> -> memref<2x12288xf32, #tpu.memory_space<vmem>>
        %parallel_loop3A_1019 = arith.index_cast %parallel_loop3A_1017 : i32 to index
        %parallel_loop3A_1020 = arith.index_cast %parallel_loop3A_1016 : i32 to index
        %parallel_loop3A_1021 = tpu.vector_load %parallel_loop3A_1018[%parallel_loop3A_1019, %parallel_loop3A_1020] {strides = array<i32>} : memref<2x12288xf32, #tpu.memory_space<vmem>>, vector<1x16xf32>,
        %parallel_loop3A_1022 = vector.shape_cast %parallel_loop3A_1021 : vector<1x16xf32> to vector<16xf32>
        %parallel_loop3A_1023 = vector.broadcast %parallel_loop3A_152 : f32 to vector<16xf32>
        %parallel_loop3A_1024 = arith.mulf %parallel_loop3A_1023, %parallel_loop3A_1022 : vector<16xf32>
        %parallel_loop3A_1025 = arith.addf %parallel_loop3A_1012, %parallel_loop3A_1024 : vector<16xf32>
        %parallel_loop3A_1026 = arith.constant 384 : i32
        %parallel_loop3A_1027 = arith.addi %parallel_loop3A_174, %parallel_loop3A_1026 : i32
        %parallel_loop3A_1028 = arith.constant 80 : i32
        %parallel_loop3A_1029 = arith.addi %parallel_loop3A_1027, %parallel_loop3A_1028 : i32
        %parallel_loop3A_1030 = arith.constant 1 : i32
        %parallel_loop3A_1031 = tpu.memref_reshape %arg8 : memref<2x96x128xf32, #tpu.memory_space<vmem>> -> memref<2x12288xf32, #tpu.memory_space<vmem>>
        %parallel_loop3A_1032 = arith.index_cast %parallel_loop3A_1030 : i32 to index
        %parallel_loop3A_1033 = arith.index_cast %parallel_loop3A_1029 : i32 to index
        %parallel_loop3A_1034 = tpu.vector_load %parallel_loop3A_1031[%parallel_loop3A_1032, %parallel_loop3A_1033] {strides = array<i32>} : memref<2x12288xf32, #tpu.memory_space<vmem>>, vector<1x16xf32>,
        %parallel_loop3A_1035 = vector.shape_cast %parallel_loop3A_1034 : vector<1x16xf32> to vector<16xf32>
        %parallel_loop3A_1036 = vector.broadcast %parallel_loop3A_154 : f32 to vector<16xf32>
        %parallel_loop3A_1037 = arith.mulf %parallel_loop3A_1036, %parallel_loop3A_1035 : vector<16xf32>
        %parallel_loop3A_1038 = arith.addf %parallel_loop3A_1025, %parallel_loop3A_1037 : vector<16xf32>
        %parallel_loop3A_1039 = arith.constant 512 : i32
        %parallel_loop3A_1040 = arith.addi %parallel_loop3A_174, %parallel_loop3A_1039 : i32
        %parallel_loop3A_1041 = arith.constant 80 : i32
        %parallel_loop3A_1042 = arith.addi %parallel_loop3A_1040, %parallel_loop3A_1041 : i32
        %parallel_loop3A_1043 = arith.constant 1 : i32
        %parallel_loop3A_1044 = tpu.memref_reshape %arg8 : memref<2x96x128xf32, #tpu.memory_space<vmem>> -> memref<2x12288xf32, #tpu.memory_space<vmem>>
        %parallel_loop3A_1045 = arith.index_cast %parallel_loop3A_1043 : i32 to index
        %parallel_loop3A_1046 = arith.index_cast %parallel_loop3A_1042 : i32 to index
        %parallel_loop3A_1047 = tpu.vector_load %parallel_loop3A_1044[%parallel_loop3A_1045, %parallel_loop3A_1046] {strides = array<i32>} : memref<2x12288xf32, #tpu.memory_space<vmem>>, vector<1x16xf32>,
        %parallel_loop3A_1048 = vector.shape_cast %parallel_loop3A_1047 : vector<1x16xf32> to vector<16xf32>
        %parallel_loop3A_1049 = vector.broadcast %parallel_loop3A_156 : f32 to vector<16xf32>
        %parallel_loop3A_1050 = arith.mulf %parallel_loop3A_1049, %parallel_loop3A_1048 : vector<16xf32>
        %parallel_loop3A_1051 = arith.addf %parallel_loop3A_1038, %parallel_loop3A_1050 : vector<16xf32>
        %parallel_loop3A_1052 = arith.constant 640 : i32
        %parallel_loop3A_1053 = arith.addi %parallel_loop3A_174, %parallel_loop3A_1052 : i32
        %parallel_loop3A_1054 = arith.constant 80 : i32
        %parallel_loop3A_1055 = arith.addi %parallel_loop3A_1053, %parallel_loop3A_1054 : i32
        %parallel_loop3A_1056 = arith.constant 1 : i32
        %parallel_loop3A_1057 = tpu.memref_reshape %arg8 : memref<2x96x128xf32, #tpu.memory_space<vmem>> -> memref<2x12288xf32, #tpu.memory_space<vmem>>
        %parallel_loop3A_1058 = arith.index_cast %parallel_loop3A_1056 : i32 to index
        %parallel_loop3A_1059 = arith.index_cast %parallel_loop3A_1055 : i32 to index
        %parallel_loop3A_1060 = tpu.vector_load %parallel_loop3A_1057[%parallel_loop3A_1058, %parallel_loop3A_1059] {strides = array<i32>} : memref<2x12288xf32, #tpu.memory_space<vmem>>, vector<1x16xf32>,
        %parallel_loop3A_1061 = vector.shape_cast %parallel_loop3A_1060 : vector<1x16xf32> to vector<16xf32>
        %parallel_loop3A_1062 = vector.broadcast %parallel_loop3A_158 : f32 to vector<16xf32>
        %parallel_loop3A_1063 = arith.mulf %parallel_loop3A_1062, %parallel_loop3A_1061 : vector<16xf32>
        %parallel_loop3A_1064 = arith.addf %parallel_loop3A_1051, %parallel_loop3A_1063 : vector<16xf32>
        %parallel_loop3A_1065 = arith.constant 768 : i32
        %parallel_loop3A_1066 = arith.addi %parallel_loop3A_174, %parallel_loop3A_1065 : i32
        %parallel_loop3A_1067 = arith.constant 80 : i32
        %parallel_loop3A_1068 = arith.addi %parallel_loop3A_1066, %parallel_loop3A_1067 : i32
        %parallel_loop3A_1069 = arith.constant 1 : i32
        %parallel_loop3A_1070 = tpu.memref_reshape %arg8 : memref<2x96x128xf32, #tpu.memory_space<vmem>> -> memref<2x12288xf32, #tpu.memory_space<vmem>>
        %parallel_loop3A_1071 = arith.index_cast %parallel_loop3A_1069 : i32 to index
        %parallel_loop3A_1072 = arith.index_cast %parallel_loop3A_1068 : i32 to index
        %parallel_loop3A_1073 = tpu.vector_load %parallel_loop3A_1070[%parallel_loop3A_1071, %parallel_loop3A_1072] {strides = array<i32>} : memref<2x12288xf32, #tpu.memory_space<vmem>>, vector<1x16xf32>,
        %parallel_loop3A_1074 = vector.shape_cast %parallel_loop3A_1073 : vector<1x16xf32> to vector<16xf32>
        %parallel_loop3A_1075 = vector.broadcast %parallel_loop3A_160 : f32 to vector<16xf32>
        %parallel_loop3A_1076 = arith.mulf %parallel_loop3A_1075, %parallel_loop3A_1074 : vector<16xf32>
        %parallel_loop3A_1077 = arith.addf %parallel_loop3A_1064, %parallel_loop3A_1076 : vector<16xf32>
        %parallel_loop3A_1078 = arith.constant 896 : i32
        %parallel_loop3A_1079 = arith.addi %parallel_loop3A_174, %parallel_loop3A_1078 : i32
        %parallel_loop3A_1080 = arith.constant 80 : i32
        %parallel_loop3A_1081 = arith.addi %parallel_loop3A_1079, %parallel_loop3A_1080 : i32
        %parallel_loop3A_1082 = arith.constant 1 : i32
        %parallel_loop3A_1083 = tpu.memref_reshape %arg8 : memref<2x96x128xf32, #tpu.memory_space<vmem>> -> memref<2x12288xf32, #tpu.memory_space<vmem>>
        %parallel_loop3A_1084 = arith.index_cast %parallel_loop3A_1082 : i32 to index
        %parallel_loop3A_1085 = arith.index_cast %parallel_loop3A_1081 : i32 to index
        %parallel_loop3A_1086 = tpu.vector_load %parallel_loop3A_1083[%parallel_loop3A_1084, %parallel_loop3A_1085] {strides = array<i32>} : memref<2x12288xf32, #tpu.memory_space<vmem>>, vector<1x16xf32>,
        %parallel_loop3A_1087 = vector.shape_cast %parallel_loop3A_1086 : vector<1x16xf32> to vector<16xf32>
        %parallel_loop3A_1088 = vector.broadcast %parallel_loop3A_162 : f32 to vector<16xf32>
        %parallel_loop3A_1089 = arith.mulf %parallel_loop3A_1088, %parallel_loop3A_1087 : vector<16xf32>
        %parallel_loop3A_1090 = arith.addf %parallel_loop3A_1077, %parallel_loop3A_1089 : vector<16xf32>
        %parallel_loop3A_1091 = arith.constant 1024 : i32
        %parallel_loop3A_1092 = arith.addi %parallel_loop3A_174, %parallel_loop3A_1091 : i32
        %parallel_loop3A_1093 = arith.constant 80 : i32
        %parallel_loop3A_1094 = arith.addi %parallel_loop3A_1092, %parallel_loop3A_1093 : i32
        %parallel_loop3A_1095 = arith.constant 1 : i32
        %parallel_loop3A_1096 = tpu.memref_reshape %arg8 : memref<2x96x128xf32, #tpu.memory_space<vmem>> -> memref<2x12288xf32, #tpu.memory_space<vmem>>
        %parallel_loop3A_1097 = arith.index_cast %parallel_loop3A_1095 : i32 to index
        %parallel_loop3A_1098 = arith.index_cast %parallel_loop3A_1094 : i32 to index
        %parallel_loop3A_1099 = tpu.vector_load %parallel_loop3A_1096[%parallel_loop3A_1097, %parallel_loop3A_1098] {strides = array<i32>} : memref<2x12288xf32, #tpu.memory_space<vmem>>, vector<1x16xf32>,
        %parallel_loop3A_1100 = vector.shape_cast %parallel_loop3A_1099 : vector<1x16xf32> to vector<16xf32>
        %parallel_loop3A_1101 = vector.broadcast %parallel_loop3A_164 : f32 to vector<16xf32>
        %parallel_loop3A_1102 = arith.mulf %parallel_loop3A_1101, %parallel_loop3A_1100 : vector<16xf32>
        %parallel_loop3A_1103 = arith.addf %parallel_loop3A_1090, %parallel_loop3A_1102 : vector<16xf32>
        %parallel_loop3A_1104 = arith.constant 1152 : i32
        %parallel_loop3A_1105 = arith.addi %parallel_loop3A_174, %parallel_loop3A_1104 : i32
        %parallel_loop3A_1106 = arith.constant 80 : i32
        %parallel_loop3A_1107 = arith.addi %parallel_loop3A_1105, %parallel_loop3A_1106 : i32
        %parallel_loop3A_1108 = arith.constant 1 : i32
        %parallel_loop3A_1109 = tpu.memref_reshape %arg8 : memref<2x96x128xf32, #tpu.memory_space<vmem>> -> memref<2x12288xf32, #tpu.memory_space<vmem>>
        %parallel_loop3A_1110 = arith.index_cast %parallel_loop3A_1108 : i32 to index
        %parallel_loop3A_1111 = arith.index_cast %parallel_loop3A_1107 : i32 to index
        %parallel_loop3A_1112 = tpu.vector_load %parallel_loop3A_1109[%parallel_loop3A_1110, %parallel_loop3A_1111] {strides = array<i32>} : memref<2x12288xf32, #tpu.memory_space<vmem>>, vector<1x16xf32>,
        %parallel_loop3A_1113 = vector.shape_cast %parallel_loop3A_1112 : vector<1x16xf32> to vector<16xf32>
        %parallel_loop3A_1114 = vector.broadcast %parallel_loop3A_166 : f32 to vector<16xf32>
        %parallel_loop3A_1115 = arith.mulf %parallel_loop3A_1114, %parallel_loop3A_1113 : vector<16xf32>
        %parallel_loop3A_1116 = arith.addf %parallel_loop3A_1103, %parallel_loop3A_1115 : vector<16xf32>
        %parallel_loop3A_1117 = arith.constant 1280 : i32
        %parallel_loop3A_1118 = arith.addi %parallel_loop3A_174, %parallel_loop3A_1117 : i32
        %parallel_loop3A_1119 = arith.constant 80 : i32
        %parallel_loop3A_1120 = arith.addi %parallel_loop3A_1118, %parallel_loop3A_1119 : i32
        %parallel_loop3A_1121 = arith.constant 1 : i32
        %parallel_loop3A_1122 = tpu.memref_reshape %arg8 : memref<2x96x128xf32, #tpu.memory_space<vmem>> -> memref<2x12288xf32, #tpu.memory_space<vmem>>
        %parallel_loop3A_1123 = arith.index_cast %parallel_loop3A_1121 : i32 to index
        %parallel_loop3A_1124 = arith.index_cast %parallel_loop3A_1120 : i32 to index
        %parallel_loop3A_1125 = tpu.vector_load %parallel_loop3A_1122[%parallel_loop3A_1123, %parallel_loop3A_1124] {strides = array<i32>} : memref<2x12288xf32, #tpu.memory_space<vmem>>, vector<1x16xf32>,
        %parallel_loop3A_1126 = vector.shape_cast %parallel_loop3A_1125 : vector<1x16xf32> to vector<16xf32>
        %parallel_loop3A_1127 = vector.broadcast %parallel_loop3A_168 : f32 to vector<16xf32>
        %parallel_loop3A_1128 = arith.mulf %parallel_loop3A_1127, %parallel_loop3A_1126 : vector<16xf32>
        %parallel_loop3A_1129 = arith.addf %parallel_loop3A_1116, %parallel_loop3A_1128 : vector<16xf32>
        %parallel_loop3A_1130 = arith.constant 1408 : i32
        %parallel_loop3A_1131 = arith.addi %parallel_loop3A_174, %parallel_loop3A_1130 : i32
        %parallel_loop3A_1132 = arith.constant 80 : i32
        %parallel_loop3A_1133 = arith.addi %parallel_loop3A_1131, %parallel_loop3A_1132 : i32
        %parallel_loop3A_1134 = arith.constant 1 : i32
        %parallel_loop3A_1135 = tpu.memref_reshape %arg8 : memref<2x96x128xf32, #tpu.memory_space<vmem>> -> memref<2x12288xf32, #tpu.memory_space<vmem>>
        %parallel_loop3A_1136 = arith.index_cast %parallel_loop3A_1134 : i32 to index
        %parallel_loop3A_1137 = arith.index_cast %parallel_loop3A_1133 : i32 to index
        %parallel_loop3A_1138 = tpu.vector_load %parallel_loop3A_1135[%parallel_loop3A_1136, %parallel_loop3A_1137] {strides = array<i32>} : memref<2x12288xf32, #tpu.memory_space<vmem>>, vector<1x16xf32>,
        %parallel_loop3A_1139 = vector.shape_cast %parallel_loop3A_1138 : vector<1x16xf32> to vector<16xf32>
        %parallel_loop3A_1140 = vector.broadcast %parallel_loop3A_170 : f32 to vector<16xf32>
        %parallel_loop3A_1141 = arith.mulf %parallel_loop3A_1140, %parallel_loop3A_1139 : vector<16xf32>
        %parallel_loop3A_1142 = arith.addf %parallel_loop3A_1129, %parallel_loop3A_1141 : vector<16xf32>
        %parallel_loop3A_1143 = arith.constant 8 : i32
        %parallel_loop3A_1144 = arith.addi %parallel_loop3A_1143, %parallel_loop3A_138 : i32
        %parallel_loop3A_1145 = arith.constant 128 : i32
        %parallel_loop3A_1146 = arith.muli %parallel_loop3A_1144, %parallel_loop3A_1145 : i32
        %parallel_loop3A_1147 = arith.constant 80 : i32
        %parallel_loop3A_1148 = arith.addi %parallel_loop3A_1146, %parallel_loop3A_1147 : i32
        %parallel_loop3A_1149 = arith.index_cast %parallel_loop3A_1148 : i32 to index
        %parallel_loop3A_1150 = tpu.vector_load %arg9[%parallel_loop3A_1149] {strides = array<i32>} : memref<2048xf32, #tpu.memory_space<vmem>>, vector<16xf32>,
        %parallel_loop3A_1151 = vector.shape_cast %parallel_loop3A_1150 : vector<16xf32> to vector<16xf32>
        %parallel_loop3A_1152 = vector.shape_cast %parallel_loop3A_1142 : vector<16xf32> to vector<16xf32>
        tpu.vector_store %arg9[%parallel_loop3A_1149], %parallel_loop3A_1152 {strides = array<i32>} : memref<2048xf32, #tpu.memory_space<vmem>>, vector<16xf32>,
        %parallel_loop3A_1153 = arith.constant 96 : i32
        %parallel_loop3A_1154 = arith.addi %parallel_loop3A_174, %parallel_loop3A_1153 : i32
        %parallel_loop3A_1155 = arith.constant 1 : i32
        %parallel_loop3A_1156 = tpu.memref_reshape %arg8 : memref<2x96x128xf32, #tpu.memory_space<vmem>> -> memref<2x12288xf32, #tpu.memory_space<vmem>>
        %parallel_loop3A_1157 = arith.index_cast %parallel_loop3A_1155 : i32 to index
        %parallel_loop3A_1158 = arith.index_cast %parallel_loop3A_1154 : i32 to index
        %parallel_loop3A_1159 = tpu.vector_load %parallel_loop3A_1156[%parallel_loop3A_1157, %parallel_loop3A_1158] {strides = array<i32>} : memref<2x12288xf32, #tpu.memory_space<vmem>>, vector<1x16xf32>,
        %parallel_loop3A_1160 = vector.shape_cast %parallel_loop3A_1159 : vector<1x16xf32> to vector<16xf32>
        %parallel_loop3A_1161 = vector.broadcast %parallel_loop3A_148 : f32 to vector<16xf32>
        %parallel_loop3A_1162 = arith.mulf %parallel_loop3A_1161, %parallel_loop3A_1160 : vector<16xf32>
        %parallel_loop3A_1163 = arith.constant 128 : i32
        %parallel_loop3A_1164 = arith.addi %parallel_loop3A_174, %parallel_loop3A_1163 : i32
        %parallel_loop3A_1165 = arith.constant 96 : i32
        %parallel_loop3A_1166 = arith.addi %parallel_loop3A_1164, %parallel_loop3A_1165 : i32
        %parallel_loop3A_1167 = arith.constant 1 : i32
        %parallel_loop3A_1168 = tpu.memref_reshape %arg8 : memref<2x96x128xf32, #tpu.memory_space<vmem>> -> memref<2x12288xf32, #tpu.memory_space<vmem>>
        %parallel_loop3A_1169 = arith.index_cast %parallel_loop3A_1167 : i32 to index
        %parallel_loop3A_1170 = arith.index_cast %parallel_loop3A_1166 : i32 to index
        %parallel_loop3A_1171 = tpu.vector_load %parallel_loop3A_1168[%parallel_loop3A_1169, %parallel_loop3A_1170] {strides = array<i32>} : memref<2x12288xf32, #tpu.memory_space<vmem>>, vector<1x16xf32>,
        %parallel_loop3A_1172 = vector.shape_cast %parallel_loop3A_1171 : vector<1x16xf32> to vector<16xf32>
        %parallel_loop3A_1173 = vector.broadcast %parallel_loop3A_150 : f32 to vector<16xf32>
        %parallel_loop3A_1174 = arith.mulf %parallel_loop3A_1173, %parallel_loop3A_1172 : vector<16xf32>
        %parallel_loop3A_1175 = arith.addf %parallel_loop3A_1162, %parallel_loop3A_1174 : vector<16xf32>
        %parallel_loop3A_1176 = arith.constant 256 : i32
        %parallel_loop3A_1177 = arith.addi %parallel_loop3A_174, %parallel_loop3A_1176 : i32
        %parallel_loop3A_1178 = arith.constant 96 : i32
        %parallel_loop3A_1179 = arith.addi %parallel_loop3A_1177, %parallel_loop3A_1178 : i32
        %parallel_loop3A_1180 = arith.constant 1 : i32
        %parallel_loop3A_1181 = tpu.memref_reshape %arg8 : memref<2x96x128xf32, #tpu.memory_space<vmem>> -> memref<2x12288xf32, #tpu.memory_space<vmem>>
        %parallel_loop3A_1182 = arith.index_cast %parallel_loop3A_1180 : i32 to index
        %parallel_loop3A_1183 = arith.index_cast %parallel_loop3A_1179 : i32 to index
        %parallel_loop3A_1184 = tpu.vector_load %parallel_loop3A_1181[%parallel_loop3A_1182, %parallel_loop3A_1183] {strides = array<i32>} : memref<2x12288xf32, #tpu.memory_space<vmem>>, vector<1x16xf32>,
        %parallel_loop3A_1185 = vector.shape_cast %parallel_loop3A_1184 : vector<1x16xf32> to vector<16xf32>
        %parallel_loop3A_1186 = vector.broadcast %parallel_loop3A_152 : f32 to vector<16xf32>
        %parallel_loop3A_1187 = arith.mulf %parallel_loop3A_1186, %parallel_loop3A_1185 : vector<16xf32>
        %parallel_loop3A_1188 = arith.addf %parallel_loop3A_1175, %parallel_loop3A_1187 : vector<16xf32>
        %parallel_loop3A_1189 = arith.constant 384 : i32
        %parallel_loop3A_1190 = arith.addi %parallel_loop3A_174, %parallel_loop3A_1189 : i32
        %parallel_loop3A_1191 = arith.constant 96 : i32
        %parallel_loop3A_1192 = arith.addi %parallel_loop3A_1190, %parallel_loop3A_1191 : i32
        %parallel_loop3A_1193 = arith.constant 1 : i32
        %parallel_loop3A_1194 = tpu.memref_reshape %arg8 : memref<2x96x128xf32, #tpu.memory_space<vmem>> -> memref<2x12288xf32, #tpu.memory_space<vmem>>
        %parallel_loop3A_1195 = arith.index_cast %parallel_loop3A_1193 : i32 to index
        %parallel_loop3A_1196 = arith.index_cast %parallel_loop3A_1192 : i32 to index
        %parallel_loop3A_1197 = tpu.vector_load %parallel_loop3A_1194[%parallel_loop3A_1195, %parallel_loop3A_1196] {strides = array<i32>} : memref<2x12288xf32, #tpu.memory_space<vmem>>, vector<1x16xf32>,
        %parallel_loop3A_1198 = vector.shape_cast %parallel_loop3A_1197 : vector<1x16xf32> to vector<16xf32>
        %parallel_loop3A_1199 = vector.broadcast %parallel_loop3A_154 : f32 to vector<16xf32>
        %parallel_loop3A_1200 = arith.mulf %parallel_loop3A_1199, %parallel_loop3A_1198 : vector<16xf32>
        %parallel_loop3A_1201 = arith.addf %parallel_loop3A_1188, %parallel_loop3A_1200 : vector<16xf32>
        %parallel_loop3A_1202 = arith.constant 512 : i32
        %parallel_loop3A_1203 = arith.addi %parallel_loop3A_174, %parallel_loop3A_1202 : i32
        %parallel_loop3A_1204 = arith.constant 96 : i32
        %parallel_loop3A_1205 = arith.addi %parallel_loop3A_1203, %parallel_loop3A_1204 : i32
        %parallel_loop3A_1206 = arith.constant 1 : i32
        %parallel_loop3A_1207 = tpu.memref_reshape %arg8 : memref<2x96x128xf32, #tpu.memory_space<vmem>> -> memref<2x12288xf32, #tpu.memory_space<vmem>>
        %parallel_loop3A_1208 = arith.index_cast %parallel_loop3A_1206 : i32 to index
        %parallel_loop3A_1209 = arith.index_cast %parallel_loop3A_1205 : i32 to index
        %parallel_loop3A_1210 = tpu.vector_load %parallel_loop3A_1207[%parallel_loop3A_1208, %parallel_loop3A_1209] {strides = array<i32>} : memref<2x12288xf32, #tpu.memory_space<vmem>>, vector<1x16xf32>,
        %parallel_loop3A_1211 = vector.shape_cast %parallel_loop3A_1210 : vector<1x16xf32> to vector<16xf32>
        %parallel_loop3A_1212 = vector.broadcast %parallel_loop3A_156 : f32 to vector<16xf32>
        %parallel_loop3A_1213 = arith.mulf %parallel_loop3A_1212, %parallel_loop3A_1211 : vector<16xf32>
        %parallel_loop3A_1214 = arith.addf %parallel_loop3A_1201, %parallel_loop3A_1213 : vector<16xf32>
        %parallel_loop3A_1215 = arith.constant 640 : i32
        %parallel_loop3A_1216 = arith.addi %parallel_loop3A_174, %parallel_loop3A_1215 : i32
        %parallel_loop3A_1217 = arith.constant 96 : i32
        %parallel_loop3A_1218 = arith.addi %parallel_loop3A_1216, %parallel_loop3A_1217 : i32
        %parallel_loop3A_1219 = arith.constant 1 : i32
        %parallel_loop3A_1220 = tpu.memref_reshape %arg8 : memref<2x96x128xf32, #tpu.memory_space<vmem>> -> memref<2x12288xf32, #tpu.memory_space<vmem>>
        %parallel_loop3A_1221 = arith.index_cast %parallel_loop3A_1219 : i32 to index
        %parallel_loop3A_1222 = arith.index_cast %parallel_loop3A_1218 : i32 to index
        %parallel_loop3A_1223 = tpu.vector_load %parallel_loop3A_1220[%parallel_loop3A_1221, %parallel_loop3A_1222] {strides = array<i32>} : memref<2x12288xf32, #tpu.memory_space<vmem>>, vector<1x16xf32>,
        %parallel_loop3A_1224 = vector.shape_cast %parallel_loop3A_1223 : vector<1x16xf32> to vector<16xf32>
        %parallel_loop3A_1225 = vector.broadcast %parallel_loop3A_158 : f32 to vector<16xf32>
        %parallel_loop3A_1226 = arith.mulf %parallel_loop3A_1225, %parallel_loop3A_1224 : vector<16xf32>
        %parallel_loop3A_1227 = arith.addf %parallel_loop3A_1214, %parallel_loop3A_1226 : vector<16xf32>
        %parallel_loop3A_1228 = arith.constant 768 : i32
        %parallel_loop3A_1229 = arith.addi %parallel_loop3A_174, %parallel_loop3A_1228 : i32
        %parallel_loop3A_1230 = arith.constant 96 : i32
        %parallel_loop3A_1231 = arith.addi %parallel_loop3A_1229, %parallel_loop3A_1230 : i32
        %parallel_loop3A_1232 = arith.constant 1 : i32
        %parallel_loop3A_1233 = tpu.memref_reshape %arg8 : memref<2x96x128xf32, #tpu.memory_space<vmem>> -> memref<2x12288xf32, #tpu.memory_space<vmem>>
        %parallel_loop3A_1234 = arith.index_cast %parallel_loop3A_1232 : i32 to index
        %parallel_loop3A_1235 = arith.index_cast %parallel_loop3A_1231 : i32 to index
        %parallel_loop3A_1236 = tpu.vector_load %parallel_loop3A_1233[%parallel_loop3A_1234, %parallel_loop3A_1235] {strides = array<i32>} : memref<2x12288xf32, #tpu.memory_space<vmem>>, vector<1x16xf32>,
        %parallel_loop3A_1237 = vector.shape_cast %parallel_loop3A_1236 : vector<1x16xf32> to vector<16xf32>
        %parallel_loop3A_1238 = vector.broadcast %parallel_loop3A_160 : f32 to vector<16xf32>
        %parallel_loop3A_1239 = arith.mulf %parallel_loop3A_1238, %parallel_loop3A_1237 : vector<16xf32>
        %parallel_loop3A_1240 = arith.addf %parallel_loop3A_1227, %parallel_loop3A_1239 : vector<16xf32>
        %parallel_loop3A_1241 = arith.constant 896 : i32
        %parallel_loop3A_1242 = arith.addi %parallel_loop3A_174, %parallel_loop3A_1241 : i32
        %parallel_loop3A_1243 = arith.constant 96 : i32
        %parallel_loop3A_1244 = arith.addi %parallel_loop3A_1242, %parallel_loop3A_1243 : i32
        %parallel_loop3A_1245 = arith.constant 1 : i32
        %parallel_loop3A_1246 = tpu.memref_reshape %arg8 : memref<2x96x128xf32, #tpu.memory_space<vmem>> -> memref<2x12288xf32, #tpu.memory_space<vmem>>
        %parallel_loop3A_1247 = arith.index_cast %parallel_loop3A_1245 : i32 to index
        %parallel_loop3A_1248 = arith.index_cast %parallel_loop3A_1244 : i32 to index
        %parallel_loop3A_1249 = tpu.vector_load %parallel_loop3A_1246[%parallel_loop3A_1247, %parallel_loop3A_1248] {strides = array<i32>} : memref<2x12288xf32, #tpu.memory_space<vmem>>, vector<1x16xf32>,
        %parallel_loop3A_1250 = vector.shape_cast %parallel_loop3A_1249 : vector<1x16xf32> to vector<16xf32>
        %parallel_loop3A_1251 = vector.broadcast %parallel_loop3A_162 : f32 to vector<16xf32>
        %parallel_loop3A_1252 = arith.mulf %parallel_loop3A_1251, %parallel_loop3A_1250 : vector<16xf32>
        %parallel_loop3A_1253 = arith.addf %parallel_loop3A_1240, %parallel_loop3A_1252 : vector<16xf32>
        %parallel_loop3A_1254 = arith.constant 1024 : i32
        %parallel_loop3A_1255 = arith.addi %parallel_loop3A_174, %parallel_loop3A_1254 : i32
        %parallel_loop3A_1256 = arith.constant 96 : i32
        %parallel_loop3A_1257 = arith.addi %parallel_loop3A_1255, %parallel_loop3A_1256 : i32
        %parallel_loop3A_1258 = arith.constant 1 : i32
        %parallel_loop3A_1259 = tpu.memref_reshape %arg8 : memref<2x96x128xf32, #tpu.memory_space<vmem>> -> memref<2x12288xf32, #tpu.memory_space<vmem>>
        %parallel_loop3A_1260 = arith.index_cast %parallel_loop3A_1258 : i32 to index
        %parallel_loop3A_1261 = arith.index_cast %parallel_loop3A_1257 : i32 to index
        %parallel_loop3A_1262 = tpu.vector_load %parallel_loop3A_1259[%parallel_loop3A_1260, %parallel_loop3A_1261] {strides = array<i32>} : memref<2x12288xf32, #tpu.memory_space<vmem>>, vector<1x16xf32>,
        %parallel_loop3A_1263 = vector.shape_cast %parallel_loop3A_1262 : vector<1x16xf32> to vector<16xf32>
        %parallel_loop3A_1264 = vector.broadcast %parallel_loop3A_164 : f32 to vector<16xf32>
        %parallel_loop3A_1265 = arith.mulf %parallel_loop3A_1264, %parallel_loop3A_1263 : vector<16xf32>
        %parallel_loop3A_1266 = arith.addf %parallel_loop3A_1253, %parallel_loop3A_1265 : vector<16xf32>
        %parallel_loop3A_1267 = arith.constant 1152 : i32
        %parallel_loop3A_1268 = arith.addi %parallel_loop3A_174, %parallel_loop3A_1267 : i32
        %parallel_loop3A_1269 = arith.constant 96 : i32
        %parallel_loop3A_1270 = arith.addi %parallel_loop3A_1268, %parallel_loop3A_1269 : i32
        %parallel_loop3A_1271 = arith.constant 1 : i32
        %parallel_loop3A_1272 = tpu.memref_reshape %arg8 : memref<2x96x128xf32, #tpu.memory_space<vmem>> -> memref<2x12288xf32, #tpu.memory_space<vmem>>
        %parallel_loop3A_1273 = arith.index_cast %parallel_loop3A_1271 : i32 to index
        %parallel_loop3A_1274 = arith.index_cast %parallel_loop3A_1270 : i32 to index
        %parallel_loop3A_1275 = tpu.vector_load %parallel_loop3A_1272[%parallel_loop3A_1273, %parallel_loop3A_1274] {strides = array<i32>} : memref<2x12288xf32, #tpu.memory_space<vmem>>, vector<1x16xf32>,
        %parallel_loop3A_1276 = vector.shape_cast %parallel_loop3A_1275 : vector<1x16xf32> to vector<16xf32>
        %parallel_loop3A_1277 = vector.broadcast %parallel_loop3A_166 : f32 to vector<16xf32>
        %parallel_loop3A_1278 = arith.mulf %parallel_loop3A_1277, %parallel_loop3A_1276 : vector<16xf32>
        %parallel_loop3A_1279 = arith.addf %parallel_loop3A_1266, %parallel_loop3A_1278 : vector<16xf32>
        %parallel_loop3A_1280 = arith.constant 1280 : i32
        %parallel_loop3A_1281 = arith.addi %parallel_loop3A_174, %parallel_loop3A_1280 : i32
        %parallel_loop3A_1282 = arith.constant 96 : i32
        %parallel_loop3A_1283 = arith.addi %parallel_loop3A_1281, %parallel_loop3A_1282 : i32
        %parallel_loop3A_1284 = arith.constant 1 : i32
        %parallel_loop3A_1285 = tpu.memref_reshape %arg8 : memref<2x96x128xf32, #tpu.memory_space<vmem>> -> memref<2x12288xf32, #tpu.memory_space<vmem>>
        %parallel_loop3A_1286 = arith.index_cast %parallel_loop3A_1284 : i32 to index
        %parallel_loop3A_1287 = arith.index_cast %parallel_loop3A_1283 : i32 to index
        %parallel_loop3A_1288 = tpu.vector_load %parallel_loop3A_1285[%parallel_loop3A_1286, %parallel_loop3A_1287] {strides = array<i32>} : memref<2x12288xf32, #tpu.memory_space<vmem>>, vector<1x16xf32>,
        %parallel_loop3A_1289 = vector.shape_cast %parallel_loop3A_1288 : vector<1x16xf32> to vector<16xf32>
        %parallel_loop3A_1290 = vector.broadcast %parallel_loop3A_168 : f32 to vector<16xf32>
        %parallel_loop3A_1291 = arith.mulf %parallel_loop3A_1290, %parallel_loop3A_1289 : vector<16xf32>
        %parallel_loop3A_1292 = arith.addf %parallel_loop3A_1279, %parallel_loop3A_1291 : vector<16xf32>
        %parallel_loop3A_1293 = arith.constant 1408 : i32
        %parallel_loop3A_1294 = arith.addi %parallel_loop3A_174, %parallel_loop3A_1293 : i32
        %parallel_loop3A_1295 = arith.constant 96 : i32
        %parallel_loop3A_1296 = arith.addi %parallel_loop3A_1294, %parallel_loop3A_1295 : i32
        %parallel_loop3A_1297 = arith.constant 1 : i32
        %parallel_loop3A_1298 = tpu.memref_reshape %arg8 : memref<2x96x128xf32, #tpu.memory_space<vmem>> -> memref<2x12288xf32, #tpu.memory_space<vmem>>
        %parallel_loop3A_1299 = arith.index_cast %parallel_loop3A_1297 : i32 to index
        %parallel_loop3A_1300 = arith.index_cast %parallel_loop3A_1296 : i32 to index
        %parallel_loop3A_1301 = tpu.vector_load %parallel_loop3A_1298[%parallel_loop3A_1299, %parallel_loop3A_1300] {strides = array<i32>} : memref<2x12288xf32, #tpu.memory_space<vmem>>, vector<1x16xf32>,
        %parallel_loop3A_1302 = vector.shape_cast %parallel_loop3A_1301 : vector<1x16xf32> to vector<16xf32>
        %parallel_loop3A_1303 = vector.broadcast %parallel_loop3A_170 : f32 to vector<16xf32>
        %parallel_loop3A_1304 = arith.mulf %parallel_loop3A_1303, %parallel_loop3A_1302 : vector<16xf32>
        %parallel_loop3A_1305 = arith.addf %parallel_loop3A_1292, %parallel_loop3A_1304 : vector<16xf32>
        %parallel_loop3A_1306 = arith.constant 8 : i32
        %parallel_loop3A_1307 = arith.addi %parallel_loop3A_1306, %parallel_loop3A_138 : i32
        %parallel_loop3A_1308 = arith.constant 128 : i32
        %parallel_loop3A_1309 = arith.muli %parallel_loop3A_1307, %parallel_loop3A_1308 : i32
        %parallel_loop3A_1310 = arith.constant 96 : i32
        %parallel_loop3A_1311 = arith.addi %parallel_loop3A_1309, %parallel_loop3A_1310 : i32
        %parallel_loop3A_1312 = arith.index_cast %parallel_loop3A_1311 : i32 to index
        %parallel_loop3A_1313 = tpu.vector_load %arg9[%parallel_loop3A_1312] {strides = array<i32>} : memref<2048xf32, #tpu.memory_space<vmem>>, vector<16xf32>,
        %parallel_loop3A_1314 = vector.shape_cast %parallel_loop3A_1313 : vector<16xf32> to vector<16xf32>
        %parallel_loop3A_1315 = vector.shape_cast %parallel_loop3A_1305 : vector<16xf32> to vector<16xf32>
        tpu.vector_store %arg9[%parallel_loop3A_1312], %parallel_loop3A_1315 {strides = array<i32>} : memref<2048xf32, #tpu.memory_space<vmem>>, vector<16xf32>,
        %parallel_loop3A_1316 = arith.constant 112 : i32
        %parallel_loop3A_1317 = arith.addi %parallel_loop3A_174, %parallel_loop3A_1316 : i32
        %parallel_loop3A_1318 = arith.constant 1 : i32
        %parallel_loop3A_1319 = tpu.memref_reshape %arg8 : memref<2x96x128xf32, #tpu.memory_space<vmem>> -> memref<2x12288xf32, #tpu.memory_space<vmem>>
        %parallel_loop3A_1320 = arith.index_cast %parallel_loop3A_1318 : i32 to index
        %parallel_loop3A_1321 = arith.index_cast %parallel_loop3A_1317 : i32 to index
        %parallel_loop3A_1322 = tpu.vector_load %parallel_loop3A_1319[%parallel_loop3A_1320, %parallel_loop3A_1321] {strides = array<i32>} : memref<2x12288xf32, #tpu.memory_space<vmem>>, vector<1x16xf32>,
        %parallel_loop3A_1323 = vector.shape_cast %parallel_loop3A_1322 : vector<1x16xf32> to vector<16xf32>
        %parallel_loop3A_1324 = vector.broadcast %parallel_loop3A_148 : f32 to vector<16xf32>
        %parallel_loop3A_1325 = arith.mulf %parallel_loop3A_1324, %parallel_loop3A_1323 : vector<16xf32>
        %parallel_loop3A_1326 = arith.constant 128 : i32
        %parallel_loop3A_1327 = arith.addi %parallel_loop3A_174, %parallel_loop3A_1326 : i32
        %parallel_loop3A_1328 = arith.constant 112 : i32
        %parallel_loop3A_1329 = arith.addi %parallel_loop3A_1327, %parallel_loop3A_1328 : i32
        %parallel_loop3A_1330 = arith.constant 1 : i32
        %parallel_loop3A_1331 = tpu.memref_reshape %arg8 : memref<2x96x128xf32, #tpu.memory_space<vmem>> -> memref<2x12288xf32, #tpu.memory_space<vmem>>
        %parallel_loop3A_1332 = arith.index_cast %parallel_loop3A_1330 : i32 to index
        %parallel_loop3A_1333 = arith.index_cast %parallel_loop3A_1329 : i32 to index
        %parallel_loop3A_1334 = tpu.vector_load %parallel_loop3A_1331[%parallel_loop3A_1332, %parallel_loop3A_1333] {strides = array<i32>} : memref<2x12288xf32, #tpu.memory_space<vmem>>, vector<1x16xf32>,
        %parallel_loop3A_1335 = vector.shape_cast %parallel_loop3A_1334 : vector<1x16xf32> to vector<16xf32>
        %parallel_loop3A_1336 = vector.broadcast %parallel_loop3A_150 : f32 to vector<16xf32>
        %parallel_loop3A_1337 = arith.mulf %parallel_loop3A_1336, %parallel_loop3A_1335 : vector<16xf32>
        %parallel_loop3A_1338 = arith.addf %parallel_loop3A_1325, %parallel_loop3A_1337 : vector<16xf32>
        %parallel_loop3A_1339 = arith.constant 256 : i32
        %parallel_loop3A_1340 = arith.addi %parallel_loop3A_174, %parallel_loop3A_1339 : i32
        %parallel_loop3A_1341 = arith.constant 112 : i32
        %parallel_loop3A_1342 = arith.addi %parallel_loop3A_1340, %parallel_loop3A_1341 : i32
        %parallel_loop3A_1343 = arith.constant 1 : i32
        %parallel_loop3A_1344 = tpu.memref_reshape %arg8 : memref<2x96x128xf32, #tpu.memory_space<vmem>> -> memref<2x12288xf32, #tpu.memory_space<vmem>>
        %parallel_loop3A_1345 = arith.index_cast %parallel_loop3A_1343 : i32 to index
        %parallel_loop3A_1346 = arith.index_cast %parallel_loop3A_1342 : i32 to index
        %parallel_loop3A_1347 = tpu.vector_load %parallel_loop3A_1344[%parallel_loop3A_1345, %parallel_loop3A_1346] {strides = array<i32>} : memref<2x12288xf32, #tpu.memory_space<vmem>>, vector<1x16xf32>,
        %parallel_loop3A_1348 = vector.shape_cast %parallel_loop3A_1347 : vector<1x16xf32> to vector<16xf32>
        %parallel_loop3A_1349 = vector.broadcast %parallel_loop3A_152 : f32 to vector<16xf32>
        %parallel_loop3A_1350 = arith.mulf %parallel_loop3A_1349, %parallel_loop3A_1348 : vector<16xf32>
        %parallel_loop3A_1351 = arith.addf %parallel_loop3A_1338, %parallel_loop3A_1350 : vector<16xf32>
        %parallel_loop3A_1352 = arith.constant 384 : i32
        %parallel_loop3A_1353 = arith.addi %parallel_loop3A_174, %parallel_loop3A_1352 : i32
        %parallel_loop3A_1354 = arith.constant 112 : i32
        %parallel_loop3A_1355 = arith.addi %parallel_loop3A_1353, %parallel_loop3A_1354 : i32
        %parallel_loop3A_1356 = arith.constant 1 : i32
        %parallel_loop3A_1357 = tpu.memref_reshape %arg8 : memref<2x96x128xf32, #tpu.memory_space<vmem>> -> memref<2x12288xf32, #tpu.memory_space<vmem>>
        %parallel_loop3A_1358 = arith.index_cast %parallel_loop3A_1356 : i32 to index
        %parallel_loop3A_1359 = arith.index_cast %parallel_loop3A_1355 : i32 to index
        %parallel_loop3A_1360 = tpu.vector_load %parallel_loop3A_1357[%parallel_loop3A_1358, %parallel_loop3A_1359] {strides = array<i32>} : memref<2x12288xf32, #tpu.memory_space<vmem>>, vector<1x16xf32>,
        %parallel_loop3A_1361 = vector.shape_cast %parallel_loop3A_1360 : vector<1x16xf32> to vector<16xf32>
        %parallel_loop3A_1362 = vector.broadcast %parallel_loop3A_154 : f32 to vector<16xf32>
        %parallel_loop3A_1363 = arith.mulf %parallel_loop3A_1362, %parallel_loop3A_1361 : vector<16xf32>
        %parallel_loop3A_1364 = arith.addf %parallel_loop3A_1351, %parallel_loop3A_1363 : vector<16xf32>
        %parallel_loop3A_1365 = arith.constant 512 : i32
        %parallel_loop3A_1366 = arith.addi %parallel_loop3A_174, %parallel_loop3A_1365 : i32
        %parallel_loop3A_1367 = arith.constant 112 : i32
        %parallel_loop3A_1368 = arith.addi %parallel_loop3A_1366, %parallel_loop3A_1367 : i32
        %parallel_loop3A_1369 = arith.constant 1 : i32
        %parallel_loop3A_1370 = tpu.memref_reshape %arg8 : memref<2x96x128xf32, #tpu.memory_space<vmem>> -> memref<2x12288xf32, #tpu.memory_space<vmem>>
        %parallel_loop3A_1371 = arith.index_cast %parallel_loop3A_1369 : i32 to index
        %parallel_loop3A_1372 = arith.index_cast %parallel_loop3A_1368 : i32 to index
        %parallel_loop3A_1373 = tpu.vector_load %parallel_loop3A_1370[%parallel_loop3A_1371, %parallel_loop3A_1372] {strides = array<i32>} : memref<2x12288xf32, #tpu.memory_space<vmem>>, vector<1x16xf32>,
        %parallel_loop3A_1374 = vector.shape_cast %parallel_loop3A_1373 : vector<1x16xf32> to vector<16xf32>
        %parallel_loop3A_1375 = vector.broadcast %parallel_loop3A_156 : f32 to vector<16xf32>
        %parallel_loop3A_1376 = arith.mulf %parallel_loop3A_1375, %parallel_loop3A_1374 : vector<16xf32>
        %parallel_loop3A_1377 = arith.addf %parallel_loop3A_1364, %parallel_loop3A_1376 : vector<16xf32>
        %parallel_loop3A_1378 = arith.constant 640 : i32
        %parallel_loop3A_1379 = arith.addi %parallel_loop3A_174, %parallel_loop3A_1378 : i32
        %parallel_loop3A_1380 = arith.constant 112 : i32
        %parallel_loop3A_1381 = arith.addi %parallel_loop3A_1379, %parallel_loop3A_1380 : i32
        %parallel_loop3A_1382 = arith.constant 1 : i32
        %parallel_loop3A_1383 = tpu.memref_reshape %arg8 : memref<2x96x128xf32, #tpu.memory_space<vmem>> -> memref<2x12288xf32, #tpu.memory_space<vmem>>
        %parallel_loop3A_1384 = arith.index_cast %parallel_loop3A_1382 : i32 to index
        %parallel_loop3A_1385 = arith.index_cast %parallel_loop3A_1381 : i32 to index
        %parallel_loop3A_1386 = tpu.vector_load %parallel_loop3A_1383[%parallel_loop3A_1384, %parallel_loop3A_1385] {strides = array<i32>} : memref<2x12288xf32, #tpu.memory_space<vmem>>, vector<1x16xf32>,
        %parallel_loop3A_1387 = vector.shape_cast %parallel_loop3A_1386 : vector<1x16xf32> to vector<16xf32>
        %parallel_loop3A_1388 = vector.broadcast %parallel_loop3A_158 : f32 to vector<16xf32>
        %parallel_loop3A_1389 = arith.mulf %parallel_loop3A_1388, %parallel_loop3A_1387 : vector<16xf32>
        %parallel_loop3A_1390 = arith.addf %parallel_loop3A_1377, %parallel_loop3A_1389 : vector<16xf32>
        %parallel_loop3A_1391 = arith.constant 768 : i32
        %parallel_loop3A_1392 = arith.addi %parallel_loop3A_174, %parallel_loop3A_1391 : i32
        %parallel_loop3A_1393 = arith.constant 112 : i32
        %parallel_loop3A_1394 = arith.addi %parallel_loop3A_1392, %parallel_loop3A_1393 : i32
        %parallel_loop3A_1395 = arith.constant 1 : i32
        %parallel_loop3A_1396 = tpu.memref_reshape %arg8 : memref<2x96x128xf32, #tpu.memory_space<vmem>> -> memref<2x12288xf32, #tpu.memory_space<vmem>>
        %parallel_loop3A_1397 = arith.index_cast %parallel_loop3A_1395 : i32 to index
        %parallel_loop3A_1398 = arith.index_cast %parallel_loop3A_1394 : i32 to index
        %parallel_loop3A_1399 = tpu.vector_load %parallel_loop3A_1396[%parallel_loop3A_1397, %parallel_loop3A_1398] {strides = array<i32>} : memref<2x12288xf32, #tpu.memory_space<vmem>>, vector<1x16xf32>,
        %parallel_loop3A_1400 = vector.shape_cast %parallel_loop3A_1399 : vector<1x16xf32> to vector<16xf32>
        %parallel_loop3A_1401 = vector.broadcast %parallel_loop3A_160 : f32 to vector<16xf32>
        %parallel_loop3A_1402 = arith.mulf %parallel_loop3A_1401, %parallel_loop3A_1400 : vector<16xf32>
        %parallel_loop3A_1403 = arith.addf %parallel_loop3A_1390, %parallel_loop3A_1402 : vector<16xf32>
        %parallel_loop3A_1404 = arith.constant 896 : i32
        %parallel_loop3A_1405 = arith.addi %parallel_loop3A_174, %parallel_loop3A_1404 : i32
        %parallel_loop3A_1406 = arith.constant 112 : i32
        %parallel_loop3A_1407 = arith.addi %parallel_loop3A_1405, %parallel_loop3A_1406 : i32
        %parallel_loop3A_1408 = arith.constant 1 : i32
        %parallel_loop3A_1409 = tpu.memref_reshape %arg8 : memref<2x96x128xf32, #tpu.memory_space<vmem>> -> memref<2x12288xf32, #tpu.memory_space<vmem>>
        %parallel_loop3A_1410 = arith.index_cast %parallel_loop3A_1408 : i32 to index
        %parallel_loop3A_1411 = arith.index_cast %parallel_loop3A_1407 : i32 to index
        %parallel_loop3A_1412 = tpu.vector_load %parallel_loop3A_1409[%parallel_loop3A_1410, %parallel_loop3A_1411] {strides = array<i32>} : memref<2x12288xf32, #tpu.memory_space<vmem>>, vector<1x16xf32>,
        %parallel_loop3A_1413 = vector.shape_cast %parallel_loop3A_1412 : vector<1x16xf32> to vector<16xf32>
        %parallel_loop3A_1414 = vector.broadcast %parallel_loop3A_162 : f32 to vector<16xf32>
        %parallel_loop3A_1415 = arith.mulf %parallel_loop3A_1414, %parallel_loop3A_1413 : vector<16xf32>
        %parallel_loop3A_1416 = arith.addf %parallel_loop3A_1403, %parallel_loop3A_1415 : vector<16xf32>
        %parallel_loop3A_1417 = arith.constant 1024 : i32
        %parallel_loop3A_1418 = arith.addi %parallel_loop3A_174, %parallel_loop3A_1417 : i32
        %parallel_loop3A_1419 = arith.constant 112 : i32
        %parallel_loop3A_1420 = arith.addi %parallel_loop3A_1418, %parallel_loop3A_1419 : i32
        %parallel_loop3A_1421 = arith.constant 1 : i32
        %parallel_loop3A_1422 = tpu.memref_reshape %arg8 : memref<2x96x128xf32, #tpu.memory_space<vmem>> -> memref<2x12288xf32, #tpu.memory_space<vmem>>
        %parallel_loop3A_1423 = arith.index_cast %parallel_loop3A_1421 : i32 to index
        %parallel_loop3A_1424 = arith.index_cast %parallel_loop3A_1420 : i32 to index
        %parallel_loop3A_1425 = tpu.vector_load %parallel_loop3A_1422[%parallel_loop3A_1423, %parallel_loop3A_1424] {strides = array<i32>} : memref<2x12288xf32, #tpu.memory_space<vmem>>, vector<1x16xf32>,
        %parallel_loop3A_1426 = vector.shape_cast %parallel_loop3A_1425 : vector<1x16xf32> to vector<16xf32>
        %parallel_loop3A_1427 = vector.broadcast %parallel_loop3A_164 : f32 to vector<16xf32>
        %parallel_loop3A_1428 = arith.mulf %parallel_loop3A_1427, %parallel_loop3A_1426 : vector<16xf32>
        %parallel_loop3A_1429 = arith.addf %parallel_loop3A_1416, %parallel_loop3A_1428 : vector<16xf32>
        %parallel_loop3A_1430 = arith.constant 1152 : i32
        %parallel_loop3A_1431 = arith.addi %parallel_loop3A_174, %parallel_loop3A_1430 : i32
        %parallel_loop3A_1432 = arith.constant 112 : i32
        %parallel_loop3A_1433 = arith.addi %parallel_loop3A_1431, %parallel_loop3A_1432 : i32
        %parallel_loop3A_1434 = arith.constant 1 : i32
        %parallel_loop3A_1435 = tpu.memref_reshape %arg8 : memref<2x96x128xf32, #tpu.memory_space<vmem>> -> memref<2x12288xf32, #tpu.memory_space<vmem>>
        %parallel_loop3A_1436 = arith.index_cast %parallel_loop3A_1434 : i32 to index
        %parallel_loop3A_1437 = arith.index_cast %parallel_loop3A_1433 : i32 to index
        %parallel_loop3A_1438 = tpu.vector_load %parallel_loop3A_1435[%parallel_loop3A_1436, %parallel_loop3A_1437] {strides = array<i32>} : memref<2x12288xf32, #tpu.memory_space<vmem>>, vector<1x16xf32>,
        %parallel_loop3A_1439 = vector.shape_cast %parallel_loop3A_1438 : vector<1x16xf32> to vector<16xf32>
        %parallel_loop3A_1440 = vector.broadcast %parallel_loop3A_166 : f32 to vector<16xf32>
        %parallel_loop3A_1441 = arith.mulf %parallel_loop3A_1440, %parallel_loop3A_1439 : vector<16xf32>
        %parallel_loop3A_1442 = arith.addf %parallel_loop3A_1429, %parallel_loop3A_1441 : vector<16xf32>
        %parallel_loop3A_1443 = arith.constant 1280 : i32
        %parallel_loop3A_1444 = arith.addi %parallel_loop3A_174, %parallel_loop3A_1443 : i32
        %parallel_loop3A_1445 = arith.constant 112 : i32
        %parallel_loop3A_1446 = arith.addi %parallel_loop3A_1444, %parallel_loop3A_1445 : i32
        %parallel_loop3A_1447 = arith.constant 1 : i32
        %parallel_loop3A_1448 = tpu.memref_reshape %arg8 : memref<2x96x128xf32, #tpu.memory_space<vmem>> -> memref<2x12288xf32, #tpu.memory_space<vmem>>
        %parallel_loop3A_1449 = arith.index_cast %parallel_loop3A_1447 : i32 to index
        %parallel_loop3A_1450 = arith.index_cast %parallel_loop3A_1446 : i32 to index
        %parallel_loop3A_1451 = tpu.vector_load %parallel_loop3A_1448[%parallel_loop3A_1449, %parallel_loop3A_1450] {strides = array<i32>} : memref<2x12288xf32, #tpu.memory_space<vmem>>, vector<1x16xf32>,
        %parallel_loop3A_1452 = vector.shape_cast %parallel_loop3A_1451 : vector<1x16xf32> to vector<16xf32>
        %parallel_loop3A_1453 = vector.broadcast %parallel_loop3A_168 : f32 to vector<16xf32>
        %parallel_loop3A_1454 = arith.mulf %parallel_loop3A_1453, %parallel_loop3A_1452 : vector<16xf32>
        %parallel_loop3A_1455 = arith.addf %parallel_loop3A_1442, %parallel_loop3A_1454 : vector<16xf32>
        %parallel_loop3A_1456 = arith.constant 1408 : i32
        %parallel_loop3A_1457 = arith.addi %parallel_loop3A_174, %parallel_loop3A_1456 : i32
        %parallel_loop3A_1458 = arith.constant 112 : i32
        %parallel_loop3A_1459 = arith.addi %parallel_loop3A_1457, %parallel_loop3A_1458 : i32
        %parallel_loop3A_1460 = arith.constant 1 : i32
        %parallel_loop3A_1461 = tpu.memref_reshape %arg8 : memref<2x96x128xf32, #tpu.memory_space<vmem>> -> memref<2x12288xf32, #tpu.memory_space<vmem>>
        %parallel_loop3A_1462 = arith.index_cast %parallel_loop3A_1460 : i32 to index
        %parallel_loop3A_1463 = arith.index_cast %parallel_loop3A_1459 : i32 to index
        %parallel_loop3A_1464 = tpu.vector_load %parallel_loop3A_1461[%parallel_loop3A_1462, %parallel_loop3A_1463] {strides = array<i32>} : memref<2x12288xf32, #tpu.memory_space<vmem>>, vector<1x16xf32>,
        %parallel_loop3A_1465 = vector.shape_cast %parallel_loop3A_1464 : vector<1x16xf32> to vector<16xf32>
        %parallel_loop3A_1466 = vector.broadcast %parallel_loop3A_170 : f32 to vector<16xf32>
        %parallel_loop3A_1467 = arith.mulf %parallel_loop3A_1466, %parallel_loop3A_1465 : vector<16xf32>
        %parallel_loop3A_1468 = arith.addf %parallel_loop3A_1455, %parallel_loop3A_1467 : vector<16xf32>
        %parallel_loop3A_1469 = arith.constant 8 : i32
        %parallel_loop3A_1470 = arith.addi %parallel_loop3A_1469, %parallel_loop3A_138 : i32
        %parallel_loop3A_1471 = arith.constant 128 : i32
        %parallel_loop3A_1472 = arith.muli %parallel_loop3A_1470, %parallel_loop3A_1471 : i32
        %parallel_loop3A_1473 = arith.constant 112 : i32
        %parallel_loop3A_1474 = arith.addi %parallel_loop3A_1472, %parallel_loop3A_1473 : i32
        %parallel_loop3A_1475 = arith.index_cast %parallel_loop3A_1474 : i32 to index
        %parallel_loop3A_1476 = tpu.vector_load %arg9[%parallel_loop3A_1475] {strides = array<i32>} : memref<2048xf32, #tpu.memory_space<vmem>>, vector<16xf32>,
        %parallel_loop3A_1477 = vector.shape_cast %parallel_loop3A_1476 : vector<16xf32> to vector<16xf32>
        %parallel_loop3A_1478 = vector.shape_cast %parallel_loop3A_1468 : vector<16xf32> to vector<16xf32>
        tpu.vector_store %arg9[%parallel_loop3A_1475], %parallel_loop3A_1478 {strides = array<i32>} : memref<2048xf32, #tpu.memory_space<vmem>>, vector<16xf32>,
      } {sc.loop_unroll_factor = 4 : i64, sc.parallel_access}
      %lt3A_126 = arith.constant 286 : i32
      %lt3A_127 = arith.cmpi slt, %add3A_98, %lt3A_126 : i32
      %convert_element_type3A_128 = arith.extui %lt3A_127 : i1 to i32
      %cond3A_129 = arith.constant 0 : i32
      %cond3A_130 = arith.cmpi ne, %convert_element_type3A_128, %cond3A_129 : i32
      scf.if %cond3A_130 {
        %add3A_138 = arith.constant 2 : i32
        %add3A_139 = arith.addi %add3A_98, %add3A_138 : i32
        %dma_start3A_140 = arith.constant 1 : i32
        %dma_start3A_141 = arith.constant 0 : i32
        %dma_start3A_142 = arith.constant 0 : i32
        %dma_start3A_143 = tpu.memref_slice %arg8[%dma_start3A_140, %dma_start3A_141, %dma_start3A_142] : memref<2x96x128xf32, #tpu.memory_space<vmem>> -> memref<1x48x128xf32, #tpu.memory_space<vmem>>
        %dma_start3A_144 = tpu.memref_squeeze %dma_start3A_143 : memref<1x48x128xf32, #tpu.memory_space<vmem>> -> memref<48x128xf32, #tpu.memory_space<vmem>>
        %dma_start3A_145 = arith.constant 0 : i32
        %dma_start3A_146 = tpu.memref_slice %arg6[%add3A_139, %dma_start3A_145] : memref<288x96xi32, #tpu.memory_space<vmem>> -> memref<1x48xi32, #tpu.memory_space<vmem>>
        %dma_start3A_147 = tpu.memref_squeeze %dma_start3A_146 : memref<1x48xi32, #tpu.memory_space<vmem>> -> memref<48xi32, #tpu.memory_space<vmem>>
        %dma_start3A_148 = arith.constant 0 : i32
        %dma_start3A_149 = arith.constant 0 : i32
        %dma_start3A_150 = tpu.memref_slice %arg2[%dma_start3A_148, %dma_start3A_149] : memref<387072x128xf32, #tpu.memory_space<hbm>> -> memref<387072x128xf32, #tpu.memory_space<hbm>>
        tpu.enqueue_indirect_dma source(%dma_start3A_150 : memref<387072x128xf32, #tpu.memory_space<hbm>>) target(%dma_start3A_144 : memref<48x128xf32, #tpu.memory_space<vmem>>) offsets(%dma_start3A_147 : memref<48xi32, #tpu.memory_space<vmem>>) semaphore(%arg11 : memref<!tpu.dma_semaphore, #tpu.memory_space<semaphore_mem>>)
        %dma_start3A_151 = arith.constant 1 : i32
        %dma_start3A_152 = arith.constant 48 : i32
        %dma_start3A_153 = arith.constant 0 : i32
        %dma_start3A_154 = tpu.memref_slice %arg8[%dma_start3A_151, %dma_start3A_152, %dma_start3A_153] : memref<2x96x128xf32, #tpu.memory_space<vmem>> -> memref<1x48x128xf32, #tpu.memory_space<vmem>>
        %dma_start3A_155 = tpu.memref_squeeze %dma_start3A_154 : memref<1x48x128xf32, #tpu.memory_space<vmem>> -> memref<48x128xf32, #tpu.memory_space<vmem>>
        %dma_start3A_156 = arith.constant 48 : i32
        %dma_start3A_157 = tpu.memref_slice %arg6[%add3A_139, %dma_start3A_156] : memref<288x96xi32, #tpu.memory_space<vmem>> -> memref<1x48xi32, #tpu.memory_space<vmem>>
        %dma_start3A_158 = tpu.memref_squeeze %dma_start3A_157 : memref<1x48xi32, #tpu.memory_space<vmem>> -> memref<48xi32, #tpu.memory_space<vmem>>
        %dma_start3A_159 = arith.constant 0 : i32
        %dma_start3A_160 = arith.constant 0 : i32
        %dma_start3A_161 = tpu.memref_slice %arg2[%dma_start3A_159, %dma_start3A_160] : memref<387072x128xf32, #tpu.memory_space<hbm>> -> memref<387072x128xf32, #tpu.memory_space<hbm>>
        tpu.enqueue_indirect_dma source(%dma_start3A_161 : memref<387072x128xf32, #tpu.memory_space<hbm>>) target(%dma_start3A_155 : memref<48x128xf32, #tpu.memory_space<vmem>>) offsets(%dma_start3A_158 : memref<48xi32, #tpu.memory_space<vmem>>) semaphore(%arg11 : memref<!tpu.dma_semaphore, #tpu.memory_space<semaphore_mem>>)
      } else {
      }
      %mul3A_131 = arith.constant 16 : i32
      %mul3A_132 = arith.muli %scan3A_58, %mul3A_131 : i32
      %add3A_133 = arith.addi %mul3A_2, %mul3A_132 : i32
      %mul3A_134 = arith.constant 128 : i32
      %mul3A_135 = arith.muli %add3A_133, %mul3A_134 : i32
      %dma_start3A_136 = tpu.memref_slice %arg5[%mul3A_135] : memref<9437184xf32, #tpu.memory_space<hbm>> -> memref<2048xf32, #tpu.memory_space<hbm>>
      %dma_start3A_137 = tpu.memref_slice %arg5[%mul3A_135] : memref<9437184xf32, #tpu.memory_space<hbm>> -> memref<2048xf32, #tpu.memory_space<hbm>>
      tpu.enqueue_dma source(%arg9 : memref<2048xf32, #tpu.memory_space<vmem>>) target(%dma_start3A_137 : memref<2048xf32, #tpu.memory_space<hbm>>) target_semaphore(%arg12 : memref<!tpu.dma_semaphore, #tpu.memory_space<semaphore_mem>>)
    }
    %scan3A_54 = arith.constant 144 : i32
    %dma_wait3A = arith.constant 0 : i32
    %dma_wait3A_55 = tpu.memref_slice %arg5[%dma_wait3A] : memref<9437184xf32, #tpu.memory_space<hbm>> -> memref<2048xf32, #tpu.memory_space<hbm>>
    %dma_wait3A_56 = arith.constant 0 : i32
    %dma_wait3A_57 = tpu.memref_slice %arg5[%dma_wait3A_56] : memref<9437184xf32, #tpu.memory_space<hbm>> -> memref<2048xf32, #tpu.memory_space<hbm>>
    tpu.wait_dma2 semaphore(%arg12 : memref<!tpu.dma_semaphore, #tpu.memory_space<semaphore_mem>>) src(%arg9 : memref<2048xf32, #tpu.memory_space<vmem>>) dst(%dma_wait3A_57 : memref<2048xf32, #tpu.memory_space<hbm>>)
    return
  }
}

module attributes {stable_mosaic.version = 14 : i64} {
  func.func @_coord_kernel(%arg0: i32, %arg1: memref<768x1024xf32, #tpu.memory_space<vmem>>, %arg2: memref<1024x192xf32, #tpu.memory_space<vmem>>, %arg3: memref<1x192xf32, #tpu.memory_space<vmem>>, %arg4: memref<1024x96xf32, #tpu.memory_space<vmem>>, %arg5: memref<1x96xf32, #tpu.memory_space<vmem>>, %arg6: memref<768x2xf32, #tpu.memory_space<vmem>>, %arg7: memref<768x96xi32, #tpu.memory_space<vmem>>, %arg8: memref<768x128xf32, #tpu.memory_space<vmem>>) attributes {dimension_semantics = [#tpu.dimension_semantics<arbitrary>], iteration_bounds = array<i64: 12>, scalar_prefetch = 0 : i64, scratch_operands = 0 : i64, tpu.core_type = #tpu.core_type<tc>, window_params = [{transform_indices = @transform_0, window_bounds = array<i64: 768, 1024>}, {pipeline_mode = #tpu.pipeline_mode<synchronous>, transform_indices = @transform_1, window_bounds = array<i64: 1024, 192>}, {pipeline_mode = #tpu.pipeline_mode<synchronous>, transform_indices = @transform_2, window_bounds = array<i64: 1, 192>}, {pipeline_mode = #tpu.pipeline_mode<synchronous>, transform_indices = @transform_3, window_bounds = array<i64: 1024, 96>}, {pipeline_mode = #tpu.pipeline_mode<synchronous>, transform_indices = @transform_4, window_bounds = array<i64: 1, 96>}, {transform_indices = @transform_5, window_bounds = array<i64: 768, 2>}, {transform_indices = @transform_6, window_bounds = array<i64: 768, 96>}, {transform_indices = @transform_7, window_bounds = array<i64: 768, 128>}]} {
    %get3A = arith.constant 0 : index
    %get3A_0 = arith.constant 0 : index
    %get3A_1 = vector.load %arg1[%get3A, %get3A_0] : memref<768x1024xf32, #tpu.memory_space<vmem>>, vector<768x1024xf32>
    %get3A_2 = arith.constant 0 : index
    %get3A_3 = arith.constant 0 : index
    %get3A_4 = vector.load %arg2[%get3A_2, %get3A_3] : memref<1024x192xf32, #tpu.memory_space<vmem>>, vector<1024x192xf32>
    %dot_general3A = arith.constant dense<0.000000e+00> : vector<768x192xf32>
    %dot_general3A_5 = tpu.matmul %get3A_1, %get3A_4, %dot_general3A {dimension_numbers = #tpu.dot_dimension_numbers<[1], [0], [0], [1], [0, 0, 1, 1], [], []>, transpose_lhs_hint = false} : vector<768x1024xf32>, vector<1024x192xf32>, vector<768x192xf32> -> vector<768x192xf32>
    %get3A_6 = arith.constant 0 : index
    %get3A_7 = arith.constant 0 : index
    %get3A_8 = vector.load %arg3[%get3A_6, %get3A_7] : memref<1x192xf32, #tpu.memory_space<vmem>>, vector<1x192xf32>
    %add3A = vector.broadcast %get3A_8 : vector<1x192xf32> to vector<768x192xf32>
    %add3A_9 = arith.addf %dot_general3A_5, %add3A : vector<768x192xf32>
    %get3A_10 = arith.constant 0 : index
    %get3A_11 = arith.constant 0 : index
    %get3A_12 = vector.load %arg4[%get3A_10, %get3A_11] : memref<1024x96xf32, #tpu.memory_space<vmem>>, vector<1024x96xf32>
    %dot_general3A_13 = arith.constant dense<0.000000e+00> : vector<768x96xf32>
    %dot_general3A_14 = tpu.matmul %get3A_1, %get3A_12, %dot_general3A_13 {dimension_numbers = #tpu.dot_dimension_numbers<[1], [0], [0], [1], [0, 0, 1, 1], [], []>, transpose_lhs_hint = false} : vector<768x1024xf32>, vector<1024x96xf32>, vector<768x96xf32> -> vector<768x96xf32>
    %get3A_15 = arith.constant 0 : index
    %get3A_16 = arith.constant 0 : index
    %get3A_17 = vector.load %arg5[%get3A_15, %get3A_16] : memref<1x96xf32, #tpu.memory_space<vmem>>, vector<1x96xf32>
    %add3A_18 = vector.broadcast %get3A_17 : vector<1x96xf32> to vector<768x96xf32>
    %add3A_19 = arith.addf %dot_general3A_14, %add3A_18 : vector<768x96xf32>
    %get3A_20 = arith.constant 0 : index
    %get3A_21 = arith.constant 0 : index
    %get3A_22 = vector.load %arg6[%get3A_20, %get3A_21] : memref<768x2xf32, #tpu.memory_space<vmem>>, vector<768x1xf32>
    %get3A_23 = arith.constant 0 : index
    %get3A_24 = arith.constant 1 : index
    %get3A_25 = vector.load %arg6[%get3A_23, %get3A_24] : memref<768x2xf32, #tpu.memory_space<vmem>>, vector<768x1xf32>
    %slice3A = vector.extract_strided_slice %add3A_9 {offsets = [0, 0], sizes = [768, 96], strides = [1, 1]} : vector<768x192xf32> to vector<768x96xf32>
    %add3A_26 = vector.broadcast %get3A_22 : vector<768x1xf32> to vector<768x96xf32>
    %add3A_27 = arith.addf %slice3A, %add3A_26 : vector<768x96xf32>
    %slice3A_28 = vector.extract_strided_slice %add3A_9 {offsets = [0, 96], sizes = [768, 96], strides = [1, 1]} : vector<768x192xf32> to vector<768x96xf32>
    %add3A_29 = vector.broadcast %get3A_25 : vector<768x1xf32> to vector<768x96xf32>
    %add3A_30 = arith.addf %slice3A_28, %add3A_29 : vector<768x96xf32>
    %iota3A = tpu.iota {dimensions = array<i32: 1>} : vector<768x96xi32>
    %jit3A = arith.constant 4 : i32
    %div3A = vector.broadcast %jit3A : i32 to vector<768x96xi32>
    %div3A_31 = arith.divsi %iota3A, %div3A : vector<768x96xi32>
    %sign3A = arith.constant 0 : i32
    %sign3A_32 = vector.broadcast %sign3A : i32 to vector<768x96xi32>
    %sign3A_33 = arith.cmpi sgt, %iota3A, %sign3A_32 : vector<768x96xi32>
    %sign3A_34 = arith.extui %sign3A_33 : vector<768x96xi1> to vector<768x96xi32>
    %sign3A_35 = arith.constant 0 : i32
    %sign3A_36 = vector.broadcast %sign3A_35 : i32 to vector<768x96xi32>
    %sign3A_37 = arith.cmpi slt, %iota3A, %sign3A_36 : vector<768x96xi32>
    %sign3A_38 = arith.extui %sign3A_37 : vector<768x96xi1> to vector<768x96xi32>
    %sign3A_39 = arith.subi %sign3A_34, %sign3A_38 : vector<768x96xi32>
    %sign3A_40 = arith.constant 0 : i32
    %sign3A_41 = arith.cmpi sgt, %jit3A, %sign3A_40 : i32
    %sign3A_42 = arith.extui %sign3A_41 : i1 to i32
    %sign3A_43 = arith.constant 0 : i32
    %sign3A_44 = arith.cmpi slt, %jit3A, %sign3A_43 : i32
    %sign3A_45 = arith.extui %sign3A_44 : i1 to i32
    %sign3A_46 = arith.subi %sign3A_42, %sign3A_45 : i32
    %ne3A = vector.broadcast %sign3A_46 : i32 to vector<768x96xi32>
    %ne3A_47 = arith.cmpi ne, %sign3A_39, %ne3A : vector<768x96xi32>
    %rem3A = vector.broadcast %jit3A : i32 to vector<768x96xi32>
    %rem3A_48 = arith.remsi %iota3A, %rem3A : vector<768x96xi32>
    %ne3A_49 = arith.constant 0 : i32
    %ne3A_50 = vector.broadcast %ne3A_49 : i32 to vector<768x96xi32>
    %ne3A_51 = arith.cmpi ne, %rem3A_48, %ne3A_50 : vector<768x96xi32>
    %and3A = arith.andi %ne3A_47, %ne3A_51 : vector<768x96xi1>
    %sub3A = arith.constant 1 : i32
    %sub3A_52 = vector.broadcast %sub3A : i32 to vector<768x96xi32>
    %sub3A_53 = arith.subi %div3A_31, %sub3A_52 : vector<768x96xi32>
    %select_n3A = arith.select %and3A, %sub3A_53, %div3A_31 : vector<768x96xi1>, vector<768x96xi32>
    %jit3A_54 = arith.constant 3 : i32
    %eq3A = arith.constant 0 : i32
    %eq3A_55 = arith.cmpi eq, %jit3A_54, %eq3A : i32
    %jit3A_56 = arith.constant 1 : i32
    %select_n3A_57 = arith.select %eq3A_55, %jit3A_56, %jit3A_54 : i32
    %rem3A_58 = vector.broadcast %select_n3A_57 : i32 to vector<768x96xi32>
    %rem3A_59 = arith.remsi %select_n3A, %rem3A_58 : vector<768x96xi32>
    %ne3A_60 = arith.constant 0 : i32
    %ne3A_61 = vector.broadcast %ne3A_60 : i32 to vector<768x96xi32>
    %ne3A_62 = arith.cmpi ne, %rem3A_59, %ne3A_61 : vector<768x96xi32>
    %lt3A = arith.constant 0 : i32
    %lt3A_63 = vector.broadcast %lt3A : i32 to vector<768x96xi32>
    %lt3A_64 = arith.cmpi slt, %rem3A_59, %lt3A_63 : vector<768x96xi32>
    %lt3A_65 = arith.constant 0 : i32
    %lt3A_66 = arith.cmpi slt, %select_n3A_57, %lt3A_65 : i32
    %ne3A_67 = vector.broadcast %lt3A_66 : i1 to vector<768x96xi1>
    %ne3A_68 = vector.broadcast %ne3A_67 : vector<768x96xi1> to vector<768x96xi1>
    %ne3A_69 = arith.xori %lt3A_64, %ne3A_68 : vector<768x96xi1>
    %and3A_70 = arith.andi %ne3A_69, %ne3A_62 : vector<768x96xi1>
    %add3A_71 = vector.broadcast %select_n3A_57 : i32 to vector<768x96xi32>
    %add3A_72 = arith.addi %rem3A_59, %add3A_71 : vector<768x96xi32>
    %select_n3A_73 = arith.select %and3A_70, %add3A_72, %rem3A_59 : vector<768x96xi1>, vector<768x96xi32>
    %jit3A_74 = arith.constant 12 : i32
    %div3A_75 = vector.broadcast %jit3A_74 : i32 to vector<768x96xi32>
    %div3A_76 = arith.divsi %iota3A, %div3A_75 : vector<768x96xi32>
    %sign3A_77 = arith.constant 0 : i32
    %sign3A_78 = vector.broadcast %sign3A_77 : i32 to vector<768x96xi32>
    %sign3A_79 = arith.cmpi sgt, %iota3A, %sign3A_78 : vector<768x96xi32>
    %sign3A_80 = arith.extui %sign3A_79 : vector<768x96xi1> to vector<768x96xi32>
    %sign3A_81 = arith.constant 0 : i32
    %sign3A_82 = vector.broadcast %sign3A_81 : i32 to vector<768x96xi32>
    %sign3A_83 = arith.cmpi slt, %iota3A, %sign3A_82 : vector<768x96xi32>
    %sign3A_84 = arith.extui %sign3A_83 : vector<768x96xi1> to vector<768x96xi32>
    %sign3A_85 = arith.subi %sign3A_80, %sign3A_84 : vector<768x96xi32>
    %sign3A_86 = arith.constant 0 : i32
    %sign3A_87 = arith.cmpi sgt, %jit3A_74, %sign3A_86 : i32
    %sign3A_88 = arith.extui %sign3A_87 : i1 to i32
    %sign3A_89 = arith.constant 0 : i32
    %sign3A_90 = arith.cmpi slt, %jit3A_74, %sign3A_89 : i32
    %sign3A_91 = arith.extui %sign3A_90 : i1 to i32
    %sign3A_92 = arith.subi %sign3A_88, %sign3A_91 : i32
    %ne3A_93 = vector.broadcast %sign3A_92 : i32 to vector<768x96xi32>
    %ne3A_94 = arith.cmpi ne, %sign3A_85, %ne3A_93 : vector<768x96xi32>
    %rem3A_95 = vector.broadcast %jit3A_74 : i32 to vector<768x96xi32>
    %rem3A_96 = arith.remsi %iota3A, %rem3A_95 : vector<768x96xi32>
    %ne3A_97 = arith.constant 0 : i32
    %ne3A_98 = vector.broadcast %ne3A_97 : i32 to vector<768x96xi32>
    %ne3A_99 = arith.cmpi ne, %rem3A_96, %ne3A_98 : vector<768x96xi32>
    %and3A_100 = arith.andi %ne3A_94, %ne3A_99 : vector<768x96xi1>
    %sub3A_101 = arith.constant 1 : i32
    %sub3A_102 = vector.broadcast %sub3A_101 : i32 to vector<768x96xi32>
    %sub3A_103 = arith.subi %div3A_76, %sub3A_102 : vector<768x96xi32>
    %select_n3A_104 = arith.select %and3A_100, %sub3A_103, %div3A_76 : vector<768x96xi1>, vector<768x96xi32>
    %eq3A_105 = arith.constant 0 : i32
    %eq3A_106 = vector.broadcast %eq3A_105 : i32 to vector<768x96xi32>
    %eq3A_107 = arith.cmpi eq, %select_n3A_73, %eq3A_106 : vector<768x96xi32>
    %eq3A_108 = arith.constant 1 : i32
    %eq3A_109 = vector.broadcast %eq3A_108 : i32 to vector<768x96xi32>
    %eq3A_110 = arith.cmpi eq, %select_n3A_73, %eq3A_109 : vector<768x96xi32>
    %jit3A_111 = arith.constant 24 : i32
    %jit3A_112 = arith.constant 12 : i32
    %broadcast_in_dim3A = vector.broadcast %jit3A_111 : i32 to vector<768x96xi32>
    %broadcast_in_dim3A_113 = vector.broadcast %jit3A_112 : i32 to vector<768x96xi32>
    %select_n3A_114 = arith.select %eq3A_110, %broadcast_in_dim3A, %broadcast_in_dim3A_113 : vector<768x96xi1>, vector<768x96xi32>
    %jit3A_115 = arith.constant 48 : i32
    %broadcast_in_dim3A_116 = vector.broadcast %jit3A_115 : i32 to vector<768x96xi32>
    %select_n3A_117 = arith.select %eq3A_107, %broadcast_in_dim3A_116, %select_n3A_114 : vector<768x96xi1>, vector<768x96xi32>
    %eq3A_118 = arith.constant 0 : i32
    %eq3A_119 = vector.broadcast %eq3A_118 : i32 to vector<768x96xi32>
    %eq3A_120 = arith.cmpi eq, %select_n3A_73, %eq3A_119 : vector<768x96xi32>
    %eq3A_121 = arith.constant 1 : i32
    %eq3A_122 = vector.broadcast %eq3A_121 : i32 to vector<768x96xi32>
    %eq3A_123 = arith.cmpi eq, %select_n3A_73, %eq3A_122 : vector<768x96xi32>
    %jit3A_124 = arith.constant 2304 : i32
    %jit3A_125 = arith.constant 2880 : i32
    %broadcast_in_dim3A_126 = vector.broadcast %jit3A_124 : i32 to vector<768x96xi32>
    %broadcast_in_dim3A_127 = vector.broadcast %jit3A_125 : i32 to vector<768x96xi32>
    %select_n3A_128 = arith.select %eq3A_123, %broadcast_in_dim3A_126, %broadcast_in_dim3A_127 : vector<768x96xi1>, vector<768x96xi32>
    %jit3A_129 = arith.constant 0 : i32
    %broadcast_in_dim3A_130 = vector.broadcast %jit3A_129 : i32 to vector<768x96xi32>
    %select_n3A_131 = arith.select %eq3A_120, %broadcast_in_dim3A_130, %select_n3A_128 : vector<768x96xi1>, vector<768x96xi32>
    %floor3A = math.floor %add3A_27 : vector<768x96xf32>
    %convert_element_type3A = arith.fptosi %floor3A : vector<768x96xf32> to vector<768x96xi32>
    %sub3A_132 = arith.constant 1 : i32
    %sub3A_133 = vector.broadcast %sub3A_132 : i32 to vector<768x96xi32>
    %sub3A_134 = arith.subi %select_n3A_117, %sub3A_133 : vector<768x96xi32>
    %jit3A_135 = arith.constant 0 : i32
    %max3A = vector.broadcast %jit3A_135 : i32 to vector<768x96xi32>
    %max3A_136 = arith.maxsi %max3A, %convert_element_type3A : vector<768x96xi32>
    %min3A = arith.minsi %sub3A_134, %max3A_136 : vector<768x96xi32>
    %floor3A_137 = math.floor %add3A_30 : vector<768x96xf32>
    %convert_element_type3A_138 = arith.fptosi %floor3A_137 : vector<768x96xf32> to vector<768x96xi32>
    %sub3A_139 = arith.constant 1 : i32
    %sub3A_140 = vector.broadcast %sub3A_139 : i32 to vector<768x96xi32>
    %sub3A_141 = arith.subi %select_n3A_117, %sub3A_140 : vector<768x96xi32>
    %jit3A_142 = arith.constant 0 : i32
    %max3A_143 = vector.broadcast %jit3A_142 : i32 to vector<768x96xi32>
    %max3A_144 = arith.maxsi %max3A_143, %convert_element_type3A_138 : vector<768x96xi32>
    %min3A_145 = arith.minsi %sub3A_141, %max3A_144 : vector<768x96xi32>
    %iota3A_146 = tpu.iota {dimensions = array<i32: 0>} : vector<768x96xi32>
    %mul3A = arith.constant 768 : i32
    %mul3A_147 = arith.muli %arg0, %mul3A : i32
    %add3A_148 = vector.broadcast %mul3A_147 : i32 to vector<768x96xi32>
    %add3A_149 = arith.addi %iota3A_146, %add3A_148 : vector<768x96xi32>
    %jit3A_150 = arith.constant 576 : i32
    %div3A_151 = vector.broadcast %jit3A_150 : i32 to vector<768x96xi32>
    %div3A_152 = arith.divsi %add3A_149, %div3A_151 : vector<768x96xi32>
    %sign3A_153 = arith.constant 0 : i32
    %sign3A_154 = vector.broadcast %sign3A_153 : i32 to vector<768x96xi32>
    %sign3A_155 = arith.cmpi sgt, %add3A_149, %sign3A_154 : vector<768x96xi32>
    %sign3A_156 = arith.extui %sign3A_155 : vector<768x96xi1> to vector<768x96xi32>
    %sign3A_157 = arith.constant 0 : i32
    %sign3A_158 = vector.broadcast %sign3A_157 : i32 to vector<768x96xi32>
    %sign3A_159 = arith.cmpi slt, %add3A_149, %sign3A_158 : vector<768x96xi32>
    %sign3A_160 = arith.extui %sign3A_159 : vector<768x96xi1> to vector<768x96xi32>
    %sign3A_161 = arith.subi %sign3A_156, %sign3A_160 : vector<768x96xi32>
    %sign3A_162 = arith.constant 0 : i32
    %sign3A_163 = arith.cmpi sgt, %jit3A_150, %sign3A_162 : i32
    %sign3A_164 = arith.extui %sign3A_163 : i1 to i32
    %sign3A_165 = arith.constant 0 : i32
    %sign3A_166 = arith.cmpi slt, %jit3A_150, %sign3A_165 : i32
    %sign3A_167 = arith.extui %sign3A_166 : i1 to i32
    %sign3A_168 = arith.subi %sign3A_164, %sign3A_167 : i32
    %ne3A_169 = vector.broadcast %sign3A_168 : i32 to vector<768x96xi32>
    %ne3A_170 = arith.cmpi ne, %sign3A_161, %ne3A_169 : vector<768x96xi32>
    %rem3A_171 = vector.broadcast %jit3A_150 : i32 to vector<768x96xi32>
    %rem3A_172 = arith.remsi %add3A_149, %rem3A_171 : vector<768x96xi32>
    %ne3A_173 = arith.constant 0 : i32
    %ne3A_174 = vector.broadcast %ne3A_173 : i32 to vector<768x96xi32>
    %ne3A_175 = arith.cmpi ne, %rem3A_172, %ne3A_174 : vector<768x96xi32>
    %and3A_176 = arith.andi %ne3A_170, %ne3A_175 : vector<768x96xi1>
    %sub3A_177 = arith.constant 1 : i32
    %sub3A_178 = vector.broadcast %sub3A_177 : i32 to vector<768x96xi32>
    %sub3A_179 = arith.subi %div3A_152, %sub3A_178 : vector<768x96xi32>
    %select_n3A_180 = arith.select %and3A_176, %sub3A_179, %div3A_152 : vector<768x96xi1>, vector<768x96xi32>
    %mul3A_181 = arith.constant 48384 : i32
    %mul3A_182 = vector.broadcast %mul3A_181 : i32 to vector<768x96xi32>
    %mul3A_183 = arith.muli %select_n3A_104, %mul3A_182 : vector<768x96xi32>
    %mul3A_184 = arith.constant 3024 : i32
    %mul3A_185 = vector.broadcast %mul3A_184 : i32 to vector<768x96xi32>
    %mul3A_186 = arith.muli %select_n3A_180, %mul3A_185 : vector<768x96xi32>
    %add3A_187 = arith.addi %mul3A_183, %mul3A_186 : vector<768x96xi32>
    %add3A_188 = arith.addi %add3A_187, %select_n3A_131 : vector<768x96xi32>
    %mul3A_189 = arith.muli %min3A, %select_n3A_117 : vector<768x96xi32>
    %add3A_190 = arith.addi %add3A_188, %mul3A_189 : vector<768x96xi32>
    %add3A_191 = arith.addi %add3A_190, %min3A_145 : vector<768x96xi32>
    %swap3A = arith.constant 0 : index
    %swap3A_192 = arith.constant 0 : index
    %swap3A_193 = vector.load %arg7[%swap3A, %swap3A_192] : memref<768x96xi32, #tpu.memory_space<vmem>>, vector<768x96xi32>
    tpu.vector_store %arg7[%swap3A, %swap3A_192], %add3A_191 {strides = array<i32>} : memref<768x96xi32, #tpu.memory_space<vmem>>, vector<768x96xi32>,
    %slice3A_194 = vector.extract_strided_slice %add3A_19 {offsets = [0, 0], sizes = [768, 12], strides = [1, 1]} : vector<768x96xf32> to vector<768x12xf32>
    %reduce_max3A = arith.constant dense<0xFF800000> : vector<768xf32>
    %reduce_max3A_195 = vector.multi_reduction <maximumf>, %slice3A_194, %reduce_max3A [1] : vector<768x12xf32> to vector<768xf32>
    %broadcast_in_dim3A_196 = vector.shape_cast %reduce_max3A_195 : vector<768xf32> to vector<768x1xf32>
    %sub3A_197 = vector.broadcast %broadcast_in_dim3A_196 : vector<768x1xf32> to vector<768x12xf32>
    %sub3A_198 = arith.subf %slice3A_194, %sub3A_197 : vector<768x12xf32>
    %exp3A = math.exp %sub3A_198 : vector<768x12xf32>
    %reduce_sum3A = arith.constant dense<0.000000e+00> : vector<768xf32>
    %reduce_sum3A_199 = vector.multi_reduction <add>, %exp3A, %reduce_sum3A [1] : vector<768x12xf32> to vector<768xf32>
    %broadcast_in_dim3A_200 = vector.shape_cast %reduce_sum3A_199 : vector<768xf32> to vector<768x1xf32>
    %div3A_201 = vector.broadcast %broadcast_in_dim3A_200 : vector<768x1xf32> to vector<768x12xf32>
    %div3A_202 = arith.divf %exp3A, %div3A_201 : vector<768x12xf32>
    %swap3A_203 = arith.constant 0 : index
    %swap3A_204 = arith.constant 0 : index
    %swap3A_205 = vector.load %arg8[%swap3A_203, %swap3A_204] : memref<768x128xf32, #tpu.memory_space<vmem>>, vector<768x12xf32>
    tpu.vector_store %arg8[%swap3A_203, %swap3A_204], %div3A_202 {strides = array<i32>} : memref<768x128xf32, #tpu.memory_space<vmem>>, vector<768x12xf32>,
    %slice3A_206 = vector.extract_strided_slice %add3A_19 {offsets = [0, 12], sizes = [768, 12], strides = [1, 1]} : vector<768x96xf32> to vector<768x12xf32>
    %reduce_max3A_207 = arith.constant dense<0xFF800000> : vector<768xf32>
    %reduce_max3A_208 = vector.multi_reduction <maximumf>, %slice3A_206, %reduce_max3A_207 [1] : vector<768x12xf32> to vector<768xf32>
    %broadcast_in_dim3A_209 = vector.shape_cast %reduce_max3A_208 : vector<768xf32> to vector<768x1xf32>
    %sub3A_210 = vector.broadcast %broadcast_in_dim3A_209 : vector<768x1xf32> to vector<768x12xf32>
    %sub3A_211 = arith.subf %slice3A_206, %sub3A_210 : vector<768x12xf32>
    %exp3A_212 = math.exp %sub3A_211 : vector<768x12xf32>
    %reduce_sum3A_213 = arith.constant dense<0.000000e+00> : vector<768xf32>
    %reduce_sum3A_214 = vector.multi_reduction <add>, %exp3A_212, %reduce_sum3A_213 [1] : vector<768x12xf32> to vector<768xf32>
    %broadcast_in_dim3A_215 = vector.shape_cast %reduce_sum3A_214 : vector<768xf32> to vector<768x1xf32>
    %div3A_216 = vector.broadcast %broadcast_in_dim3A_215 : vector<768x1xf32> to vector<768x12xf32>
    %div3A_217 = arith.divf %exp3A_212, %div3A_216 : vector<768x12xf32>
    %swap3A_218 = arith.constant 0 : index
    %swap3A_219 = arith.constant 16 : index
    %swap3A_220 = vector.load %arg8[%swap3A_218, %swap3A_219] : memref<768x128xf32, #tpu.memory_space<vmem>>, vector<768x12xf32>
    tpu.vector_store %arg8[%swap3A_218, %swap3A_219], %div3A_217 {strides = array<i32>} : memref<768x128xf32, #tpu.memory_space<vmem>>, vector<768x12xf32>,
    %slice3A_221 = vector.extract_strided_slice %add3A_19 {offsets = [0, 24], sizes = [768, 12], strides = [1, 1]} : vector<768x96xf32> to vector<768x12xf32>
    %reduce_max3A_222 = arith.constant dense<0xFF800000> : vector<768xf32>
    %reduce_max3A_223 = vector.multi_reduction <maximumf>, %slice3A_221, %reduce_max3A_222 [1] : vector<768x12xf32> to vector<768xf32>
    %broadcast_in_dim3A_224 = vector.shape_cast %reduce_max3A_223 : vector<768xf32> to vector<768x1xf32>
    %sub3A_225 = vector.broadcast %broadcast_in_dim3A_224 : vector<768x1xf32> to vector<768x12xf32>
    %sub3A_226 = arith.subf %slice3A_221, %sub3A_225 : vector<768x12xf32>
    %exp3A_227 = math.exp %sub3A_226 : vector<768x12xf32>
    %reduce_sum3A_228 = arith.constant dense<0.000000e+00> : vector<768xf32>
    %reduce_sum3A_229 = vector.multi_reduction <add>, %exp3A_227, %reduce_sum3A_228 [1] : vector<768x12xf32> to vector<768xf32>
    %broadcast_in_dim3A_230 = vector.shape_cast %reduce_sum3A_229 : vector<768xf32> to vector<768x1xf32>
    %div3A_231 = vector.broadcast %broadcast_in_dim3A_230 : vector<768x1xf32> to vector<768x12xf32>
    %div3A_232 = arith.divf %exp3A_227, %div3A_231 : vector<768x12xf32>
    %swap3A_233 = arith.constant 0 : index
    %swap3A_234 = arith.constant 32 : index
    %swap3A_235 = vector.load %arg8[%swap3A_233, %swap3A_234] : memref<768x128xf32, #tpu.memory_space<vmem>>, vector<768x12xf32>
    tpu.vector_store %arg8[%swap3A_233, %swap3A_234], %div3A_232 {strides = array<i32>} : memref<768x128xf32, #tpu.memory_space<vmem>>, vector<768x12xf32>,
    %slice3A_236 = vector.extract_strided_slice %add3A_19 {offsets = [0, 36], sizes = [768, 12], strides = [1, 1]} : vector<768x96xf32> to vector<768x12xf32>
    %reduce_max3A_237 = arith.constant dense<0xFF800000> : vector<768xf32>
    %reduce_max3A_238 = vector.multi_reduction <maximumf>, %slice3A_236, %reduce_max3A_237 [1] : vector<768x12xf32> to vector<768xf32>
    %broadcast_in_dim3A_239 = vector.shape_cast %reduce_max3A_238 : vector<768xf32> to vector<768x1xf32>
    %sub3A_240 = vector.broadcast %broadcast_in_dim3A_239 : vector<768x1xf32> to vector<768x12xf32>
    %sub3A_241 = arith.subf %slice3A_236, %sub3A_240 : vector<768x12xf32>
    %exp3A_242 = math.exp %sub3A_241 : vector<768x12xf32>
    %reduce_sum3A_243 = arith.constant dense<0.000000e+00> : vector<768xf32>
    %reduce_sum3A_244 = vector.multi_reduction <add>, %exp3A_242, %reduce_sum3A_243 [1] : vector<768x12xf32> to vector<768xf32>
    %broadcast_in_dim3A_245 = vector.shape_cast %reduce_sum3A_244 : vector<768xf32> to vector<768x1xf32>
    %div3A_246 = vector.broadcast %broadcast_in_dim3A_245 : vector<768x1xf32> to vector<768x12xf32>
    %div3A_247 = arith.divf %exp3A_242, %div3A_246 : vector<768x12xf32>
    %swap3A_248 = arith.constant 0 : index
    %swap3A_249 = arith.constant 48 : index
    %swap3A_250 = vector.load %arg8[%swap3A_248, %swap3A_249] : memref<768x128xf32, #tpu.memory_space<vmem>>, vector<768x12xf32>
    tpu.vector_store %arg8[%swap3A_248, %swap3A_249], %div3A_247 {strides = array<i32>} : memref<768x128xf32, #tpu.memory_space<vmem>>, vector<768x12xf32>,
    %slice3A_251 = vector.extract_strided_slice %add3A_19 {offsets = [0, 48], sizes = [768, 12], strides = [1, 1]} : vector<768x96xf32> to vector<768x12xf32>
    %reduce_max3A_252 = arith.constant dense<0xFF800000> : vector<768xf32>
    %reduce_max3A_253 = vector.multi_reduction <maximumf>, %slice3A_251, %reduce_max3A_252 [1] : vector<768x12xf32> to vector<768xf32>
    %broadcast_in_dim3A_254 = vector.shape_cast %reduce_max3A_253 : vector<768xf32> to vector<768x1xf32>
    %sub3A_255 = vector.broadcast %broadcast_in_dim3A_254 : vector<768x1xf32> to vector<768x12xf32>
    %sub3A_256 = arith.subf %slice3A_251, %sub3A_255 : vector<768x12xf32>
    %exp3A_257 = math.exp %sub3A_256 : vector<768x12xf32>
    %reduce_sum3A_258 = arith.constant dense<0.000000e+00> : vector<768xf32>
    %reduce_sum3A_259 = vector.multi_reduction <add>, %exp3A_257, %reduce_sum3A_258 [1] : vector<768x12xf32> to vector<768xf32>
    %broadcast_in_dim3A_260 = vector.shape_cast %reduce_sum3A_259 : vector<768xf32> to vector<768x1xf32>
    %div3A_261 = vector.broadcast %broadcast_in_dim3A_260 : vector<768x1xf32> to vector<768x12xf32>
    %div3A_262 = arith.divf %exp3A_257, %div3A_261 : vector<768x12xf32>
    %swap3A_263 = arith.constant 0 : index
    %swap3A_264 = arith.constant 64 : index
    %swap3A_265 = vector.load %arg8[%swap3A_263, %swap3A_264] : memref<768x128xf32, #tpu.memory_space<vmem>>, vector<768x12xf32>
    tpu.vector_store %arg8[%swap3A_263, %swap3A_264], %div3A_262 {strides = array<i32>} : memref<768x128xf32, #tpu.memory_space<vmem>>, vector<768x12xf32>,
    %slice3A_266 = vector.extract_strided_slice %add3A_19 {offsets = [0, 60], sizes = [768, 12], strides = [1, 1]} : vector<768x96xf32> to vector<768x12xf32>
    %reduce_max3A_267 = arith.constant dense<0xFF800000> : vector<768xf32>
    %reduce_max3A_268 = vector.multi_reduction <maximumf>, %slice3A_266, %reduce_max3A_267 [1] : vector<768x12xf32> to vector<768xf32>
    %broadcast_in_dim3A_269 = vector.shape_cast %reduce_max3A_268 : vector<768xf32> to vector<768x1xf32>
    %sub3A_270 = vector.broadcast %broadcast_in_dim3A_269 : vector<768x1xf32> to vector<768x12xf32>
    %sub3A_271 = arith.subf %slice3A_266, %sub3A_270 : vector<768x12xf32>
    %exp3A_272 = math.exp %sub3A_271 : vector<768x12xf32>
    %reduce_sum3A_273 = arith.constant dense<0.000000e+00> : vector<768xf32>
    %reduce_sum3A_274 = vector.multi_reduction <add>, %exp3A_272, %reduce_sum3A_273 [1] : vector<768x12xf32> to vector<768xf32>
    %broadcast_in_dim3A_275 = vector.shape_cast %reduce_sum3A_274 : vector<768xf32> to vector<768x1xf32>
    %div3A_276 = vector.broadcast %broadcast_in_dim3A_275 : vector<768x1xf32> to vector<768x12xf32>
    %div3A_277 = arith.divf %exp3A_272, %div3A_276 : vector<768x12xf32>
    %swap3A_278 = arith.constant 0 : index
    %swap3A_279 = arith.constant 80 : index
    %swap3A_280 = vector.load %arg8[%swap3A_278, %swap3A_279] : memref<768x128xf32, #tpu.memory_space<vmem>>, vector<768x12xf32>
    tpu.vector_store %arg8[%swap3A_278, %swap3A_279], %div3A_277 {strides = array<i32>} : memref<768x128xf32, #tpu.memory_space<vmem>>, vector<768x12xf32>,
    %slice3A_281 = vector.extract_strided_slice %add3A_19 {offsets = [0, 72], sizes = [768, 12], strides = [1, 1]} : vector<768x96xf32> to vector<768x12xf32>
    %reduce_max3A_282 = arith.constant dense<0xFF800000> : vector<768xf32>
    %reduce_max3A_283 = vector.multi_reduction <maximumf>, %slice3A_281, %reduce_max3A_282 [1] : vector<768x12xf32> to vector<768xf32>
    %broadcast_in_dim3A_284 = vector.shape_cast %reduce_max3A_283 : vector<768xf32> to vector<768x1xf32>
    %sub3A_285 = vector.broadcast %broadcast_in_dim3A_284 : vector<768x1xf32> to vector<768x12xf32>
    %sub3A_286 = arith.subf %slice3A_281, %sub3A_285 : vector<768x12xf32>
    %exp3A_287 = math.exp %sub3A_286 : vector<768x12xf32>
    %reduce_sum3A_288 = arith.constant dense<0.000000e+00> : vector<768xf32>
    %reduce_sum3A_289 = vector.multi_reduction <add>, %exp3A_287, %reduce_sum3A_288 [1] : vector<768x12xf32> to vector<768xf32>
    %broadcast_in_dim3A_290 = vector.shape_cast %reduce_sum3A_289 : vector<768xf32> to vector<768x1xf32>
    %div3A_291 = vector.broadcast %broadcast_in_dim3A_290 : vector<768x1xf32> to vector<768x12xf32>
    %div3A_292 = arith.divf %exp3A_287, %div3A_291 : vector<768x12xf32>
    %swap3A_293 = arith.constant 0 : index
    %swap3A_294 = arith.constant 96 : index
    %swap3A_295 = vector.load %arg8[%swap3A_293, %swap3A_294] : memref<768x128xf32, #tpu.memory_space<vmem>>, vector<768x12xf32>
    tpu.vector_store %arg8[%swap3A_293, %swap3A_294], %div3A_292 {strides = array<i32>} : memref<768x128xf32, #tpu.memory_space<vmem>>, vector<768x12xf32>,
    %slice3A_296 = vector.extract_strided_slice %add3A_19 {offsets = [0, 84], sizes = [768, 12], strides = [1, 1]} : vector<768x96xf32> to vector<768x12xf32>
    %reduce_max3A_297 = arith.constant dense<0xFF800000> : vector<768xf32>
    %reduce_max3A_298 = vector.multi_reduction <maximumf>, %slice3A_296, %reduce_max3A_297 [1] : vector<768x12xf32> to vector<768xf32>
    %broadcast_in_dim3A_299 = vector.shape_cast %reduce_max3A_298 : vector<768xf32> to vector<768x1xf32>
    %sub3A_300 = vector.broadcast %broadcast_in_dim3A_299 : vector<768x1xf32> to vector<768x12xf32>
    %sub3A_301 = arith.subf %slice3A_296, %sub3A_300 : vector<768x12xf32>
    %exp3A_302 = math.exp %sub3A_301 : vector<768x12xf32>
    %reduce_sum3A_303 = arith.constant dense<0.000000e+00> : vector<768xf32>
    %reduce_sum3A_304 = vector.multi_reduction <add>, %exp3A_302, %reduce_sum3A_303 [1] : vector<768x12xf32> to vector<768xf32>
    %broadcast_in_dim3A_305 = vector.shape_cast %reduce_sum3A_304 : vector<768xf32> to vector<768x1xf32>
    %div3A_306 = vector.broadcast %broadcast_in_dim3A_305 : vector<768x1xf32> to vector<768x12xf32>
    %div3A_307 = arith.divf %exp3A_302, %div3A_306 : vector<768x12xf32>
    %swap3A_308 = arith.constant 0 : index
    %swap3A_309 = arith.constant 112 : index
    %swap3A_310 = vector.load %arg8[%swap3A_308, %swap3A_309] : memref<768x128xf32, #tpu.memory_space<vmem>>, vector<768x12xf32>
    tpu.vector_store %arg8[%swap3A_308, %swap3A_309], %div3A_307 {strides = array<i32>} : memref<768x128xf32, #tpu.memory_space<vmem>>, vector<768x12xf32>,
    return
  }
  func.func @transform_0(%arg0: i32) -> (i32, i32) {
    %c0_i32 = arith.constant 0 : i32
    %c0_i32_0 = arith.constant 0 : i32
    return %arg0, %c0_i32 : i32, i32
  }
  func.func @transform_1(%arg0: i32) -> (i32, i32) {
    %c0_i32 = arith.constant 0 : i32
    %c0_i32_0 = arith.constant 0 : i32
    %c0_i32_1 = arith.constant 0 : i32
    return %c0_i32, %c0_i32_0 : i32, i32
  }
  func.func @transform_2(%arg0: i32) -> (i32, i32) {
    %c0_i32 = arith.constant 0 : i32
    %c0_i32_0 = arith.constant 0 : i32
    %c0_i32_1 = arith.constant 0 : i32
    return %c0_i32, %c0_i32_0 : i32, i32
  }
  func.func @transform_3(%arg0: i32) -> (i32, i32) {
    %c0_i32 = arith.constant 0 : i32
    %c0_i32_0 = arith.constant 0 : i32
    %c0_i32_1 = arith.constant 0 : i32
    return %c0_i32, %c0_i32_0 : i32, i32
  }
  func.func @transform_4(%arg0: i32) -> (i32, i32) {
    %c0_i32 = arith.constant 0 : i32
    %c0_i32_0 = arith.constant 0 : i32
    %c0_i32_1 = arith.constant 0 : i32
    return %c0_i32, %c0_i32_0 : i32, i32
  }
  func.func @transform_5(%arg0: i32) -> (i32, i32) {
    %c0_i32 = arith.constant 0 : i32
    %c0_i32_0 = arith.constant 0 : i32
    return %arg0, %c0_i32 : i32, i32
  }
  func.func @transform_6(%arg0: i32) -> (i32, i32) {
    %c0_i32 = arith.constant 0 : i32
    %c0_i32_0 = arith.constant 0 : i32
    return %arg0, %c0_i32 : i32, i32
  }
  func.func @transform_7(%arg0: i32) -> (i32, i32) {
    %c0_i32 = arith.constant 0 : i32
    %c0_i32_0 = arith.constant 0 : i32
    return %arg0, %c0_i32 : i32, i32
  }
}

module attributes {stable_mosaic.version = 14 : i64} {
  func.func @_vproj_kernel(%arg0: i32, %arg1: memref<768x1024xf32, #tpu.memory_space<vmem>>, %arg2: memref<1024x1024xbf16, #tpu.memory_space<vmem>>, %arg3: memref<1x1024xf32, #tpu.memory_space<vmem>>, %arg4: memref<8x768x128xf32, #tpu.memory_space<vmem>>) attributes {dimension_semantics = [#tpu.dimension_semantics<arbitrary>], iteration_bounds = array<i64: 63>, scalar_prefetch = 0 : i64, scratch_operands = 0 : i64, tpu.core_type = #tpu.core_type<tc>, window_params = [{transform_indices = @transform_0, window_bounds = array<i64: 768, 1024>}, {pipeline_mode = #tpu.pipeline_mode<synchronous>, transform_indices = @transform_1, window_bounds = array<i64: 1024, 1024>}, {pipeline_mode = #tpu.pipeline_mode<synchronous>, transform_indices = @transform_2, window_bounds = array<i64: 1, 1024>}, {transform_indices = @transform_3, window_bounds = array<i64: 8, 768, 128>}]} {
    %get3A = arith.constant 0 : index
    %get3A_0 = arith.constant 0 : index
    %get3A_1 = vector.load %arg1[%get3A, %get3A_0] : memref<768x1024xf32, #tpu.memory_space<vmem>>, vector<768x1024xf32>
    %convert_element_type3A = arith.truncf %get3A_1 : vector<768x1024xf32> to vector<768x1024xbf16>
    %get3A_2 = arith.constant 0 : index
    %get3A_3 = arith.constant 0 : index
    %get3A_4 = vector.load %arg2[%get3A_2, %get3A_3] : memref<1024x1024xbf16, #tpu.memory_space<vmem>>, vector<1024x1024xbf16>
    %dot_general3A = arith.constant dense<0.000000e+00> : vector<768x1024xf32>
    %dot_general3A_5 = tpu.matmul %convert_element_type3A, %get3A_4, %dot_general3A {dimension_numbers = #tpu.dot_dimension_numbers<[1], [0], [0], [1], [0, 0, 1, 1], [], []>, transpose_lhs_hint = false} : vector<768x1024xbf16>, vector<1024x1024xbf16>, vector<768x1024xf32> -> vector<768x1024xf32>
    %get3A_6 = arith.constant 0 : index
    %get3A_7 = arith.constant 0 : index
    %get3A_8 = vector.load %arg3[%get3A_6, %get3A_7] : memref<1x1024xf32, #tpu.memory_space<vmem>>, vector<1x1024xf32>
    %add3A = vector.broadcast %get3A_8 : vector<1x1024xf32> to vector<768x1024xf32>
    %add3A_9 = arith.addf %dot_general3A_5, %add3A : vector<768x1024xf32>
    %slice3A = vector.extract_strided_slice %add3A_9 {offsets = [0, 0], sizes = [768, 128], strides = [1, 1]} : vector<768x1024xf32> to vector<768x128xf32>
    %swap3A = arith.constant 0 : index
    %swap3A_10 = arith.constant 0 : index
    %swap3A_11 = arith.constant 0 : index
    %swap3A_12 = vector.load %arg4[%swap3A, %swap3A_10, %swap3A_11] : memref<8x768x128xf32, #tpu.memory_space<vmem>>, vector<1x768x128xf32>
    %swap3A_13 = vector.shape_cast %swap3A_12 : vector<1x768x128xf32> to vector<768x128xf32>
    %swap3A_14 = vector.shape_cast %slice3A : vector<768x128xf32> to vector<1x768x128xf32>
    tpu.vector_store %arg4[%swap3A, %swap3A_10, %swap3A_11], %swap3A_14 {strides = array<i32>} : memref<8x768x128xf32, #tpu.memory_space<vmem>>, vector<1x768x128xf32>,
    %slice3A_15 = vector.extract_strided_slice %add3A_9 {offsets = [0, 128], sizes = [768, 128], strides = [1, 1]} : vector<768x1024xf32> to vector<768x128xf32>
    %swap3A_16 = arith.constant 1 : index
    %swap3A_17 = arith.constant 0 : index
    %swap3A_18 = arith.constant 0 : index
    %swap3A_19 = vector.load %arg4[%swap3A_16, %swap3A_17, %swap3A_18] : memref<8x768x128xf32, #tpu.memory_space<vmem>>, vector<1x768x128xf32>
    %swap3A_20 = vector.shape_cast %swap3A_19 : vector<1x768x128xf32> to vector<768x128xf32>
    %swap3A_21 = vector.shape_cast %slice3A_15 : vector<768x128xf32> to vector<1x768x128xf32>
    tpu.vector_store %arg4[%swap3A_16, %swap3A_17, %swap3A_18], %swap3A_21 {strides = array<i32>} : memref<8x768x128xf32, #tpu.memory_space<vmem>>, vector<1x768x128xf32>,
    %slice3A_22 = vector.extract_strided_slice %add3A_9 {offsets = [0, 256], sizes = [768, 128], strides = [1, 1]} : vector<768x1024xf32> to vector<768x128xf32>
    %swap3A_23 = arith.constant 2 : index
    %swap3A_24 = arith.constant 0 : index
    %swap3A_25 = arith.constant 0 : index
    %swap3A_26 = vector.load %arg4[%swap3A_23, %swap3A_24, %swap3A_25] : memref<8x768x128xf32, #tpu.memory_space<vmem>>, vector<1x768x128xf32>
    %swap3A_27 = vector.shape_cast %swap3A_26 : vector<1x768x128xf32> to vector<768x128xf32>
    %swap3A_28 = vector.shape_cast %slice3A_22 : vector<768x128xf32> to vector<1x768x128xf32>
    tpu.vector_store %arg4[%swap3A_23, %swap3A_24, %swap3A_25], %swap3A_28 {strides = array<i32>} : memref<8x768x128xf32, #tpu.memory_space<vmem>>, vector<1x768x128xf32>,
    %slice3A_29 = vector.extract_strided_slice %add3A_9 {offsets = [0, 384], sizes = [768, 128], strides = [1, 1]} : vector<768x1024xf32> to vector<768x128xf32>
    %swap3A_30 = arith.constant 3 : index
    %swap3A_31 = arith.constant 0 : index
    %swap3A_32 = arith.constant 0 : index
    %swap3A_33 = vector.load %arg4[%swap3A_30, %swap3A_31, %swap3A_32] : memref<8x768x128xf32, #tpu.memory_space<vmem>>, vector<1x768x128xf32>
    %swap3A_34 = vector.shape_cast %swap3A_33 : vector<1x768x128xf32> to vector<768x128xf32>
    %swap3A_35 = vector.shape_cast %slice3A_29 : vector<768x128xf32> to vector<1x768x128xf32>
    tpu.vector_store %arg4[%swap3A_30, %swap3A_31, %swap3A_32], %swap3A_35 {strides = array<i32>} : memref<8x768x128xf32, #tpu.memory_space<vmem>>, vector<1x768x128xf32>,
    %slice3A_36 = vector.extract_strided_slice %add3A_9 {offsets = [0, 512], sizes = [768, 128], strides = [1, 1]} : vector<768x1024xf32> to vector<768x128xf32>
    %swap3A_37 = arith.constant 4 : index
    %swap3A_38 = arith.constant 0 : index
    %swap3A_39 = arith.constant 0 : index
    %swap3A_40 = vector.load %arg4[%swap3A_37, %swap3A_38, %swap3A_39] : memref<8x768x128xf32, #tpu.memory_space<vmem>>, vector<1x768x128xf32>
    %swap3A_41 = vector.shape_cast %swap3A_40 : vector<1x768x128xf32> to vector<768x128xf32>
    %swap3A_42 = vector.shape_cast %slice3A_36 : vector<768x128xf32> to vector<1x768x128xf32>
    tpu.vector_store %arg4[%swap3A_37, %swap3A_38, %swap3A_39], %swap3A_42 {strides = array<i32>} : memref<8x768x128xf32, #tpu.memory_space<vmem>>, vector<1x768x128xf32>,
    %slice3A_43 = vector.extract_strided_slice %add3A_9 {offsets = [0, 640], sizes = [768, 128], strides = [1, 1]} : vector<768x1024xf32> to vector<768x128xf32>
    %swap3A_44 = arith.constant 5 : index
    %swap3A_45 = arith.constant 0 : index
    %swap3A_46 = arith.constant 0 : index
    %swap3A_47 = vector.load %arg4[%swap3A_44, %swap3A_45, %swap3A_46] : memref<8x768x128xf32, #tpu.memory_space<vmem>>, vector<1x768x128xf32>
    %swap3A_48 = vector.shape_cast %swap3A_47 : vector<1x768x128xf32> to vector<768x128xf32>
    %swap3A_49 = vector.shape_cast %slice3A_43 : vector<768x128xf32> to vector<1x768x128xf32>
    tpu.vector_store %arg4[%swap3A_44, %swap3A_45, %swap3A_46], %swap3A_49 {strides = array<i32>} : memref<8x768x128xf32, #tpu.memory_space<vmem>>, vector<1x768x128xf32>,
    %slice3A_50 = vector.extract_strided_slice %add3A_9 {offsets = [0, 768], sizes = [768, 128], strides = [1, 1]} : vector<768x1024xf32> to vector<768x128xf32>
    %swap3A_51 = arith.constant 6 : index
    %swap3A_52 = arith.constant 0 : index
    %swap3A_53 = arith.constant 0 : index
    %swap3A_54 = vector.load %arg4[%swap3A_51, %swap3A_52, %swap3A_53] : memref<8x768x128xf32, #tpu.memory_space<vmem>>, vector<1x768x128xf32>
    %swap3A_55 = vector.shape_cast %swap3A_54 : vector<1x768x128xf32> to vector<768x128xf32>
    %swap3A_56 = vector.shape_cast %slice3A_50 : vector<768x128xf32> to vector<1x768x128xf32>
    tpu.vector_store %arg4[%swap3A_51, %swap3A_52, %swap3A_53], %swap3A_56 {strides = array<i32>} : memref<8x768x128xf32, #tpu.memory_space<vmem>>, vector<1x768x128xf32>,
    %slice3A_57 = vector.extract_strided_slice %add3A_9 {offsets = [0, 896], sizes = [768, 128], strides = [1, 1]} : vector<768x1024xf32> to vector<768x128xf32>
    %swap3A_58 = arith.constant 7 : index
    %swap3A_59 = arith.constant 0 : index
    %swap3A_60 = arith.constant 0 : index
    %swap3A_61 = vector.load %arg4[%swap3A_58, %swap3A_59, %swap3A_60] : memref<8x768x128xf32, #tpu.memory_space<vmem>>, vector<1x768x128xf32>
    %swap3A_62 = vector.shape_cast %swap3A_61 : vector<1x768x128xf32> to vector<768x128xf32>
    %swap3A_63 = vector.shape_cast %slice3A_57 : vector<768x128xf32> to vector<1x768x128xf32>
    tpu.vector_store %arg4[%swap3A_58, %swap3A_59, %swap3A_60], %swap3A_63 {strides = array<i32>} : memref<8x768x128xf32, #tpu.memory_space<vmem>>, vector<1x768x128xf32>,
    return
  }
  func.func @transform_0(%arg0: i32) -> (i32, i32) {
    %c0_i32 = arith.constant 0 : i32
    %c0_i32_0 = arith.constant 0 : i32
    return %arg0, %c0_i32 : i32, i32
  }
  func.func @transform_1(%arg0: i32) -> (i32, i32) {
    %c0_i32 = arith.constant 0 : i32
    %c0_i32_0 = arith.constant 0 : i32
    %c0_i32_1 = arith.constant 0 : i32
    return %c0_i32, %c0_i32_0 : i32, i32
  }
  func.func @transform_2(%arg0: i32) -> (i32, i32) {
    %c0_i32 = arith.constant 0 : i32
    %c0_i32_0 = arith.constant 0 : i32
    %c0_i32_1 = arith.constant 0 : i32
    return %c0_i32, %c0_i32_0 : i32, i32
  }
  func.func @transform_3(%arg0: i32) -> (i32, i32, i32) {
    %c0_i32 = arith.constant 0 : i32
    %c0_i32_0 = arith.constant 0 : i32
    %c0_i32_1 = arith.constant 0 : i32
    return %c0_i32, %arg0, %c0_i32_0 : i32, i32, i32
  }
}

module attributes {stable_mosaic.version = 14 : i64} {
  func.func @_mm_bias_kernel(%arg0: i32, %arg1: memref<768x1024xf32, #tpu.memory_space<vmem>>, %arg2: memref<1024x1024xbf16, #tpu.memory_space<vmem>>, %arg3: memref<1x1024xf32, #tpu.memory_space<vmem>>, %arg4: memref<768x1024xf32, #tpu.memory_space<vmem>>) attributes {dimension_semantics = [#tpu.dimension_semantics<arbitrary>], iteration_bounds = array<i64: 12>, scalar_prefetch = 0 : i64, scratch_operands = 0 : i64, tpu.core_type = #tpu.core_type<tc>, window_params = [{transform_indices = @transform_0, window_bounds = array<i64: 768, 1024>}, {pipeline_mode = #tpu.pipeline_mode<synchronous>, transform_indices = @transform_1, window_bounds = array<i64: 1024, 1024>}, {pipeline_mode = #tpu.pipeline_mode<synchronous>, transform_indices = @transform_2, window_bounds = array<i64: 1, 1024>}, {transform_indices = @transform_3, window_bounds = array<i64: 768, 1024>}]} {
    %get3A = arith.constant 0 : index
    %get3A_0 = arith.constant 0 : index
    %get3A_1 = vector.load %arg1[%get3A, %get3A_0] : memref<768x1024xf32, #tpu.memory_space<vmem>>, vector<768x1024xf32>
    %convert_element_type3A = arith.truncf %get3A_1 : vector<768x1024xf32> to vector<768x1024xbf16>
    %get3A_2 = arith.constant 0 : index
    %get3A_3 = arith.constant 0 : index
    %get3A_4 = vector.load %arg2[%get3A_2, %get3A_3] : memref<1024x1024xbf16, #tpu.memory_space<vmem>>, vector<1024x1024xbf16>
    %dot_general3A = arith.constant dense<0.000000e+00> : vector<768x1024xf32>
    %dot_general3A_5 = tpu.matmul %convert_element_type3A, %get3A_4, %dot_general3A {dimension_numbers = #tpu.dot_dimension_numbers<[1], [0], [0], [1], [0, 0, 1, 1], [], []>, transpose_lhs_hint = false} : vector<768x1024xbf16>, vector<1024x1024xbf16>, vector<768x1024xf32> -> vector<768x1024xf32>
    %get3A_6 = arith.constant 0 : index
    %get3A_7 = arith.constant 0 : index
    %get3A_8 = vector.load %arg3[%get3A_6, %get3A_7] : memref<1x1024xf32, #tpu.memory_space<vmem>>, vector<1x1024xf32>
    %add3A = vector.broadcast %get3A_8 : vector<1x1024xf32> to vector<768x1024xf32>
    %add3A_9 = arith.addf %dot_general3A_5, %add3A : vector<768x1024xf32>
    %swap3A = arith.constant 0 : index
    %swap3A_10 = arith.constant 0 : index
    %swap3A_11 = vector.load %arg4[%swap3A, %swap3A_10] : memref<768x1024xf32, #tpu.memory_space<vmem>>, vector<768x1024xf32>
    tpu.vector_store %arg4[%swap3A, %swap3A_10], %add3A_9 {strides = array<i32>} : memref<768x1024xf32, #tpu.memory_space<vmem>>, vector<768x1024xf32>,
    return
  }
  func.func @transform_0(%arg0: i32) -> (i32, i32) {
    %c0_i32 = arith.constant 0 : i32
    %c0_i32_0 = arith.constant 0 : i32
    return %arg0, %c0_i32 : i32, i32
  }
  func.func @transform_1(%arg0: i32) -> (i32, i32) {
    %c0_i32 = arith.constant 0 : i32
    %c0_i32_0 = arith.constant 0 : i32
    %c0_i32_1 = arith.constant 0 : i32
    return %c0_i32, %c0_i32_0 : i32, i32
  }
  func.func @transform_2(%arg0: i32) -> (i32, i32) {
    %c0_i32 = arith.constant 0 : i32
    %c0_i32_0 = arith.constant 0 : i32
    %c0_i32_1 = arith.constant 0 : i32
    return %c0_i32, %c0_i32_0 : i32, i32
  }
  func.func @transform_3(%arg0: i32) -> (i32, i32) {
    %c0_i32 = arith.constant 0 : i32
    %c0_i32_0 = arith.constant 0 : i32
    return %arg0, %c0_i32 : i32, i32
  }
}

</mosaic_0001>

<sc_bundles>
// kernel: kernel.6.cloned.1.call-start
scs
__scs_entry_jumppad:
0x0: {  	(pc) =	sbr.rel $0x88, $3  }
0x1: {  	(tag) =	ssettag $0x0;
	lr =	simm.s32 $0x1  }
0x2: {  	[smem:$0x3F96] =	sst lr;
	_ =	strace $0xD0000000  }
0x3: {  	_ = 	snop  }
0x4: {  	_ = 	snop  }
0x5: {  	_ = 	snop  }
0x6: {  	_ = 	snop  }
0x7: {  	_ = 	snop  }
__scs_overlays_trampoline_lowered:
0x8: {  	[smem:$0x3FA5] =	sst s0  }
0x9: {  	[smem:$0x3FA6] =	sst s1  }
0xa: {  	[smem:$0x3FA7] =	sst s2  }
0xb: {  	[smem:$0x3FA8] =	sst s3  }
0xc: {  	[smem:$0x3FA9] =	sst s4  }
0xd: {  	[smem:$0x3FAA] =	sst s5  }
0xe: {  	[smem:$0x3FAB] =	sst s6  }
0xf: {  	[smem:$0x3FAC] =	sst s7  }
0x10: {  	[smem:$0x3FAD] =	sst s8  }
0x11: {  	[smem:$0x3FAE] =	sst s9;
	s0 =	simm.s32 @!p0 $0x0  }
0x12: {  	s1 =	sld [smem:$0x3F94];
	s0 =	simm.s32 @p0 $0x1  }
0x13: {  	[smem:$0x3FAF] =	sst s0;
	s0 =	simm.s32 @!p1 $0x0  }
0x14: {  	s2 =	sld [smem:$0x3F93];
	s0 =	simm.s32 @p1 $0x1  }
0x15: {  	[smem:$0x3FB0] =	sst s0;
	s0 =	simm.s32 @!p2 $0x0  }
0x16: {  	s3 =	sld [smem:$0x3FDB];
	s0 =	simm.s32 @p2 $0x1  }
0x17: {  	s4 =	simm.s32 $0x1BF5;
	[smem:$0x3FB2] =	sst s0  }
0x18: {  	s0 =	sld [smem:$0x3F95];
	_ =	swait.ge [sflag:s4], $0x0  }
0x19: {  	s7 =	sld [smem:$0x3F96]  }
0x1a: {  	s8 =	sadd.s32 $0xFFFFE003, lr  }
0x1b: {  	s9 =	sadd.s32 $0xFFFFFEF7, lr;
	s5 =	simm.s32 $0xFFFFFFFF;
	p2 =	slt.u32 s8, $0xFFFFF086  }
0x1c: {  	p1 =	slt.u32 s9, $0xF7A;
	s5 =	simm.s32 @!p2 $0x0  }
0x1d: {  	s5 =	simm.s32 @p1 $0x1;
	p0 =	seq.s32 s7, s2  }
0x1e: {  	s7 =	smul.u32 @!p0 $0xF7A, s2;
	p2 =	seq.s32 @!p0 s5, $0x0  }
0x1f: {  	s9 =	smul.u32 $0xF7A, s1;
	s8 =	simm.s32 @!p0 $0x1BF5;
	p2 =	por !p2, p0  }
0x20: {  	[sflag:s8] =	ssyncset.s32 @!p0 $0xFFFFF086;
	s6 =	sadd.s32 @!p0 s3, s7;
	s7 =	simm.s32 @!p0 $0x108  }
0x21: {  	s3 =	sadd.s32 s3, s9;
	s6 =	sadd.s32 @!p0 $0x88, s6;
	s7 =	simm.s32 @p2 $0x1082  }
0x22: {  	[simem:s7], [sflag:s8] =	dma.local @!p0 [hbm:s6], $0xF7A  }
0x23: {  	s9 =	sor.u32 $0xD0000000, s2;
	s6 =	simm.s32 $0x108;
	_ =	swait.ge @!p0 [sflag:s8], $0x0  }
0x24: {  	s3 =	sadd.s32 $0x88, s3;
	s6 =	simm.s32 @!p1 $0x1082;
	[sflag:s4] =	ssyncset.s32 $0xFFFFF086  }
0x25: {  	[simem:s6], [sflag:s4] =	dma.local [hbm:s3], $0xF7A  }
0x26: {  	[smem:$0x3F96] =	sst s1;
	(tag) =	ssettag s2;
	_ =	strace s9  }
0x27: {  	s1 =	sld [smem:$0x3FA6]  }
0x28: {  	s2 =	sld [smem:$0x3FA7]  }
0x29: {  	s4 =	sld [smem:$0x3FA9]  }
0x2a: {  	p0 =	seq.s32 s5, $0x0;
	s5 =	sld [smem:$0x3FAA]  }
0x2b: {  	s6 =	sld [smem:$0x3FAB]  }
0x2c: {  	s7 =	sld [smem:$0x3FAC]  }
0x2d: {  	s3 =	simm.s32 $0x108;
	s8 =	sld [smem:$0x3FAD]  }
0x2e: {  	s3 =	simm.s32 @!p0 $0x1082;
	s9 =	sld [smem:$0x3FAE]  }
0x2f: {  	lr =	sadd.s32 s0, s3;
	s0 =	sld [smem:$0x3FA5]  }
0x30: {  	s3 =	sld [smem:$0x3FA8]  }
0x31: {  	[smem:$0x3FB1] =	sst s10  }
0x32: {  	s10 =	sld [smem:$0x3FAF];
	_ =	sdelay $0x3  }
0x33: {  	p0 =	seq.s32 s10, $0x1;
	s10 =	sld [smem:$0x3FB1];
	_ =	sdelay $0x3  }
0x34: {  	[smem:$0x3FB1] =	sst s10  }
0x35: {  	s10 =	sld [smem:$0x3FB0];
	_ =	sdelay $0x3  }
0x36: {  	p1 =	seq.s32 s10, $0x1;
	s10 =	sld [smem:$0x3FB1];
	_ =	sdelay $0x3  }
0x37: {  	[smem:$0x3FB1] =	sst s10  }
0x38: {  	s10 =	sld [smem:$0x3FB2]  }
0x39: {  	_ = 	snop;
	(pc) =	sbr.ind lr, $3  }
0x3a: {  	_ = 	snop  }
0x3b: {  	_ = 	snop  }
0x3c: {  	p2 =	seq.s32 s10, $0x1;
	s10 =	sld [smem:$0x3FB1]  }
0x3d: {  	_ =	shalt  }
0x3e: {  	_ =	shalt  }
0x3f: {  	_ =	shalt  }
0x40: {  	_ =	shalt  }
0x41: {  	_ =	shalt  }
0x42: {  	_ =	shalt  }
0x43: {  	_ =	shalt  }
0x44: {  	_ =	shalt  }
0x45: {  	_ =	shalt  }
0x46: {  	_ =	shalt  }
0x47: {  	_ =	shalt  }
0x48: {  	_ =	shalt  }
0x49: {  	_ =	shalt  }
0x4a: {  	_ =	shalt  }
0x4b: {  	_ =	shalt  }
0x4c: {  	_ =	shalt  }
0x4d: {  	_ =	shalt  }
0x4e: {  	_ =	shalt  }
0x4f: {  	_ =	shalt  }
0x50: {  	_ =	shalt  }
0x51: {  	_ =	shalt  }
0x52: {  	_ =	shalt  }
0x53: {  	_ =	shalt  }
0x54: {  	_ =	shalt  }
0x55: {  	_ =	shalt  }
0x56: {  	_ =	shalt  }
0x57: {  	_ =	shalt  }
0x58: {  	_ =	shalt  }
0x59: {  	_ =	shalt  }
0x5a: {  	_ =	shalt  }
0x5b: {  	_ =	shalt  }
0x5c: {  	_ =	shalt  }
0x5d: {  	_ =	shalt  }
0x5e: {  	_ =	shalt  }
0x5f: {  	_ =	shalt  }
0x60: {  	_ =	shalt  }
0x61: {  	_ =	shalt  }
0x62: {  	_ =	shalt  }
0x63: {  	_ =	shalt  }
0x64: {  	_ =	shalt  }
0x65: {  	_ =	shalt  }
0x66: {  	_ =	shalt  }
0x67: {  	_ =	shalt  }
0x68: {  	_ =	shalt  }
0x69: {  	_ =	shalt  }
0x6a: {  	_ =	shalt  }
0x6b: {  	_ =	shalt  }
0x6c: {  	_ =	shalt  }
0x6d: {  	_ =	shalt  }
0x6e: {  	_ =	shalt  }
0x6f: {  	_ =	shalt  }
0x70: {  	_ =	shalt  }
0x71: {  	_ =	shalt  }
0x72: {  	_ =	shalt  }
0x73: {  	_ =	shalt  }
0x74: {  	_ =	shalt  }
0x75: {  	_ =	shalt  }
0x76: {  	_ =	shalt  }
0x77: {  	_ =	shalt  }
0x78: {  	_ =	shalt  }
0x79: {  	_ =	shalt  }
0x7a: {  	_ =	shalt  }
0x7b: {  	_ =	shalt  }
0x7c: {  	_ =	shalt  }
0x7d: {  	_ =	shalt  }
0x7e: {  	_ =	shalt  }
0x7f: {  	_ =	shalt  }
0x80: {  	_ =	shalt  }
0x81: {  	_ =	shalt  }
0x82: {  	_ =	shalt  }
0x83: {  	_ =	shalt  }
0x84: {  	_ =	shalt  }
0x85: {  	_ =	shalt  }
0x86: {  	_ =	shalt  }
0x87: {  	_ =	shalt  }
.Lfunc_end0:
.L_simem_size_0:
called_computation_lowered:
.L_overlay_start_0:
0x88: {  	s2 =	sld [smem:$0x3FD9]  }
0x89: {  	s3 =	sld [smem:$0x3FFE];
	_ =	sdelay $0x1  }
0x8a: {  	s1 =	srdreg.scid  }
0x8b: {  	s0 =	sand.u32 $0x1, s1  }
0x8c: {  	s17 =	sshll.u32 s0, $0xA;
	s2 =	sadd.s32 s3, s2  }
0x8d: {  	s2 =	sadd.s32 s2, s17  }
0x8e: {  	[smem:$0x3FBD] =	sst s2  }
0x8f: {  	_ = 	snop  }
0x90: {  	s2 =	sld [smem:$0x3FD0];
	(tm) =	ssettm $0x1  }
0x91: {  	s18 =	sld [smem:$0x3FFB];
	_ =	sdelay $0x3  }
0x92: {  	_ =	strace s18  }
0x93: {  	s3 =	sld [smem:$0x3FFC];
	_ =	sdelay $0x3  }
0x94: {  	_ =	strace s3  }
0x95: {  	s3 =	sld [smem:$0x3FFD];
	_ =	sdelay $0x3  }
0x96: {  	_ =	strace s3  }
0x97: {  	_ =	strace $0x8FFFFFFF  }
0x98: {  	s19 =	sld [smem:$0x3FDB];
	_ =	sdelay $0x1  }
0x99: {  	s4 =	simm.s32 $_scs_section_size  }
0x9a: {  	s5 =	simm.s32 $_size__tile_overlayer_lowered;
	s6 =	simm.s32 $_tile_overlayer_lowered  }
0x9b: {  	s22 =	simm.s32 $0x1BFF;
	s21 =	sshll.u32 s6, $0x1;
	s3 =	sadd.s32 s4, s19  }
0x9c: {  	s7 =	simm.s32 $0x0;
	s20 =	sshll.u32 s5, $0x1;
	s5 =	sadd.s32 s21, s3  }
0x9d: {  	[timem:s7], [sflag:s22] =	dma.local [hbm:s5], s20  }
0x9e: {  	_ =	swait.ge [sflag:s22], s20  }
0x9f: {  	s4 =	ssub.s32 $0x0, s20;
	[sflag:s22] =	ssyncset.done $0x0  }
0xa0: {  	[sflag:s22] =	ssyncadd.s32 s4;
	_ =	sdelay $0x1  }
0xa1: {  	s23 =	simm.s32 $0x1B8B  }
0xa2: {  	_ =	swait.ge [sflag:s23], $0x1  }
0xa3: {  	[sflag:s23] =	ssyncset.done $0x0  }
0xa4: {  	s25 =	simm.s32 $0x1B8E;
	s24 =	sld [smem:$0x3FFE];
	[sflag:s23] =	ssyncadd.s32 $0xFFFFFFFF  }
0xa5: {  	s26 =	simm.s32 $execute0_lowered;
	[smem:$0x3FD2] =	sst s25  }
0xa6: {  	s5 =	sshll.u32 s26, $0x1;
	_ =	strace $0x80000046;
	[dreg:$0x1] =	wrdreg $0xFFFFFFFF  }
0xa7: {  	s28 =	simm.s32 $_size_execute0_lowered;
	s3 =	sadd.s32 s3, s5;
	[dreg:$0x0] =	wrdreg $0x0  }
0xa8: {  	s5 =	sshll.u32 s28, $0x1;
	[dreg:$0x2] =	wrdreg s3  }
0xa9: {  	[dreg:$0x3] =	wrdreg s5  }
0xaa: {  	[dreg:$0x4] =	wrdreg $0xC0  }
0xab: {  	_ =	task [dreg:s7], $0x5FFFF  }
0xac: {  	[dreg:$0x1] =	wrdreg $0xFFFFFFFF  }
0xad: {  	[dreg:$0x0] =	wrdreg $0x60  }
0xae: {  	[dreg:$0x2] =	wrdreg s24  }
0xaf: {  	[dreg:$0x3] =	wrdreg s2  }
0xb0: {  	[dreg:$0x4] =	wrdreg $0x9  }
0xb1: {  	_ =	task.clear_ibuf [dreg:s7], $0x5FFFF;
	_ =	strace $0x90000046  }
0xb2: {  	s29 =	simm.s32 $0x9;
	_ =	strace $0x80000048  }
0xb3: {  	_ =	swait.ge [sflag:s29], $0x1  }
0xb4: {  	[sflag:s29] =	ssyncadd.s32 $0xFFFFFFFF  }
0xb5: {  	_ =	strace $0x90000048  }
0xb6: {  	_ =	sfence  }
0xb7: {  	s30 =	sld [smem:$0x0];
	_ =	sdelay $0x2  }
0xb8: {  	s31 =	sshll.u32 s1, $0xD;
	s1 =	sshrl.u32 s1, $0x2  }
0xb9: {  	s3 =	sand.u32 $0x4000, s31;
	s1 =	sadd.s32 s1, s30  }
0xba: {  	s0 =	sor.u32 s3, s0;
	s1 =	sshll.u32 s1, $0x11  }
0xbb: {  	s0 =	sor.u32 s1, s0  }
0xbc: {  	s0 =	sadd.s32 $0x8F2B, s0  }
0xbd: {  	[sflag:s0] =	ssyncadd.remote.s32 $0x1  }
0xbe: {  	_ =	sfence.sel $0xFFFF  }
0xbf: {  	[dreg:$0x0] =	wrdreg $0xFFFFFFFF;
	(pc) =	sbr.abs _section_cstart, $3  }
0xc0: {  	[dreg:$0x1] =	wrdreg $0xFFFFFFFF  }
0xc1: {  	_ =	task.clear_ibuf [dreg:s7], $0x2FFFF;
	_ =	strace $0x9FFFFFFF  }
0xc2: {  	(tm) =	ssettm $0x7FFFFFFF  }
0xc3: {  	_ =	shalt  }
tec
execute0_lowered:
.L_overlay_start_1:
0x0: {  	(tag) =	ssettag $0x1  }
0x1: {  	s0 =	rddreg [dreg:$0x0]  }
0x2: {  	s2 =	rddreg [dreg:$0x1]  }
0x3: {  	s1 =	srdreg.scid;
	s5 =	stileid.u32  }
0x4: {  	s3 =	simm.s32 $0x0;
	s9 =	simm.s32 $0x4;
	s10 =	simm.s32 $0x80  }
0x5: {  	s13 =	simm.s32 $0x30;
	s14 =	simm.s32 $0x12000;
	s15 =	simm.s32 $0x13800  }
0x6: {  	s16 =	simm.s32 $0x15000;
	s17 =	simm.s32 $0xB0;
	s18 =	simm.s32 $0x16800  }
0x7: {  	s19 =	simm.s32 $0x1;
	s20 =	simm.s32 $0x2;
	s21 =	simm.s32 $0x18000  }
0x8: {  	s22 =	simm.s32 $0x3;
	s1 =	sand.u32 $0x1, s1;
	s4 =	sshll.u32 s5, $0x1  }
0x9: {  	s23 =	simm.s32 $0x0;
	s29 =	sshrl.u32 s5, $0x2;
	s7 =	sor.u32 s1, s4  }
0xa: {  	[smem:$0x7FF] =	sst s3;
	s5 =	smul.u32 $0x48000, s29;
	s30 =	sshll.u32 s7, $0x7  }
0xb: {  	_ =	strace $0x80000047;
	s4 =	sadd.s32 $0x49000, s0;
	s8 =	sand.u32 $0x380, s30  }
0xc: {  	s1 =	ssub.s32 $0x2, s1;
	s6 =	smul.u32 $0x1200, s7;
	s5 =	sor.u32 s5, s8  }
0xd: {  	s31 =	sshrl.u32 s1, $0x1;
	s7 =	smul.u32 $0x48000, s7;
	s5 =	sshrl.u32 s5, $0x3  }
0xe: {  	s1 =	ssub.s32 s1, s31;
	s6 =	sadd.s32 s6, s0;
	s0 =	sadd.s32 s5, s0  }
0xf: {  	s8 =	smax.u32 s1, $0x1;
	s5 =	sadd.s32 $0x1000, s6;
	s6 =	sadd.s32 $0x25000, s0  }
.LBB2_1:
0x10: {  	[tilespmem:s3], [sflag:$0x4] =	stream.linear.gather [hbm4b:s5+s3], $0x9000, $0x38;
	[tilespmem:$0x18800] =	vst v63  }
0x11: {  	_ =	swait.ge [sflag:s9], $0x9000  }
0x12: {  	[sflag:s9] =	ssyncset.done $0x0  }
0x13: {  	s0 =	simm.s32 $0x400;
	s1 =	simm.s32 $0x9000;
	[sflag:s9] =	ssyncadd.s32 $0xFFFF7000  }
0x14: {  	[tilespmem:s1], [sflag:$0x4] =	stream.strided.gather [hbm4b:s6+s10], $0x9000, s0, s10, $0x38;
	[tilespmem:$0x18800] =	vst v63  }
0x15: {  	_ =	swait.ge [sflag:s9], $0x9000  }
0x16: {  	[sflag:s9] =	ssyncset.done $0x0  }
0x17: {  	[sflag:s9] =	ssyncadd.s32 $0xFFFF7000  }
0x18: {  	[tilespmem:s14], [sflag:$0x1] =	stream.indirect.gather [hbm4b:s4+s13], $0x80, s3, s13, $0xb8;
	[tilespmem:$0x18800] =	vst v63  }
0x19: {  	_ = 	snop  }
0x1a: {  	[tilespmem:s15], [sflag:$0x1] =	stream.indirect.gather [hbm4b:s4+s13], $0x80, s13, s13, $0xb8;
	[tilespmem:$0x18800] =	vst v63  }
0x1b: {  	_ = 	snop  }
0x1c: {  	[tilespmem:s16], [sflag:$0x2] =	stream.indirect.gather [hbm4b:s4+s13], $0x80, s10, s13, $0xb8;
	[tilespmem:$0x18800] =	vst v63  }
0x1d: {  	s24 =	simm.s32 $0x0  }
0x1e: {  	[tilespmem:s18], [sflag:$0x2] =	stream.indirect.gather [hbm4b:s4+s13], $0x80, s17, s13, $0xb8;
	[tilespmem:$0x18800] =	vst v63  }
.LBB2_2:
0x1f: {  	p0 =	seq.s32 s24, $0x0  }
0x20: {  	s0 =	simm.s32 @!p0 $0x3  }
0x21: {  	_ =	swait.ge @!p0 [sflag:s0], $0x800  }
0x22: {  	[sflag:s0] =	ssyncset.done @!p0 $0x0  }
0x23: {  	[sflag:s0] =	ssyncadd.s32 @!p0 $0xFFFFF800  }
0x24: {  	_ =	swait.ge [sflag:s19], $0x1800  }
0x25: {  	[sflag:s19] =	ssyncset.done $0x0  }
0x26: {  	[sflag:s19] =	ssyncadd.s32 $0xFFFFE800  }
0x27: {  	_ =	swait.ge [sflag:s19], $0x1800  }
0x28: {  	s25 =	sshll.u32 s24, $0x4;
	[sflag:s19] =	ssyncset.done $0x0  }
0x29: {  	s0 =	simm.s32 $0x0;
	p0 =	por $0x1, $0x1;
	[sflag:s19] =	ssyncadd.s32 $0xFFFFE800  }
.LBB2_3:
0x2a: {  	s1 =	sor.u32 s25, s0  }
0x2b: {  	s11 =	smul.u32 $0x1800, s0;
	s1 =	sshll.u32 s1, $0x4  }
0x2c: {  	s1 =	sand.u32 $0x3FFFFFF0, s1  }
0x2d: {  	s28 =	sshra.s32 s11, $0x2;
	v0 =	vld [tilespmem:s1+$0x9000]  }
0x2e: {  	v1 =	vld [tilespmem:s28+$0x12000]  }
0x2f: {  	v2 =	vld [tilespmem:s28+$0x12080];
	_ =	sdelay $0x1  }
0x30: {  	v3 =	vld [tilespmem:s28+$0x12100]  }
0x31: {  	v11 =	vbroadcast v0, $0x0;
	v10 =	vbroadcast v0, $0x1  }
0x32: {  	v4 =	vld [tilespmem:s28+$0x12180];
	v9 =	vbroadcast v0, $0x2  }
0x33: {  	v1 =	vmul.f32 v1, v11;
	v2 =	vmul.f32 v2, v10  }
0x34: {  	v5 =	vld [tilespmem:s28+$0x12200]  }
0x35: {  	v37 =	vbroadcast v0, $0x3;
	v53 =	vmul.f32 v3, v9;
	v1 =	vadd.f32 v2, v1  }
0x36: {  	v54 =	vld [tilespmem:s28+$0x12280]  }
0x37: {  	v49 =	vbroadcast v0, $0x4;
	v55 =	vmul.f32 v4, v37;
	v1 =	vadd.f32 v53, v1  }
0x38: {  	v12 =	vld [tilespmem:s28+$0x12300]  }
0x39: {  	v50 =	vbroadcast v0, $0x5;
	v56 =	vmul.f32 v5, v49;
	v1 =	vadd.f32 v55, v1  }
0x3a: {  	v57 =	vld [tilespmem:s28+$0x12380]  }
0x3b: {  	v52 =	vbroadcast v0, $0x6;
	v58 =	vmul.f32 v54, v50;
	v1 =	vadd.f32 v56, v1  }
0x3c: {  	v13 =	vld [tilespmem:s28+$0x12400]  }
0x3d: {  	v59 =	vmul.f32 v12, v52;
	v3 =	vbroadcast v0, $0x7;
	v1 =	vadd.f32 v58, v1  }
0x3e: {  	v60 =	vld [tilespmem:s28+$0x12480]  }
0x3f: {  	v51 =	vbroadcast v0, $0x8;
	v61 =	vmul.f32 v57, v3;
	v1 =	vadd.f32 v59, v1  }
0x40: {  	v14 =	vld [tilespmem:s28+$0x12500]  }
0x41: {  	v13 =	vmul.f32 v13, v51;
	v2 =	vbroadcast v0, $0x9;
	v1 =	vadd.f32 v61, v1  }
0x42: {  	v15 =	vld [tilespmem:s28+$0x12580]  }
0x43: {  	v12 =	vmul.f32 v60, v2;
	v13 =	vadd.f32 v13, v1;
	v1 =	vbroadcast v0, $0xA;
	_ =	sdelay $0x1  }
0x44: {  	v0 =	vbroadcast v0, $0xB;
	v12 =	vadd.f32 v12, v13;
	v62 =	vmul.f32 v14, v1;
	_ =	sdelay $0x1  }
0x45: {  	v63 =	vmul.f32 v15, v0;
	v12 =	vadd.f32 v62, v12;
	_ =	sdelay $0x1  }
0x46: {  	s11 =	sshll.u32 s0, $0x7;
	v12 =	vadd.f32 v63, v12  }
0x47: {  	s26 =	sand.u32 $0x3FFFFF80, s11  }
0x48: {  	[tilespmem:s26+$0x18000] =	vst v12  }
0x49: {  	v12 =	vld [tilespmem:s28+$0x12010]  }
0x4a: {  	v4 =	vld [tilespmem:s28+$0x12090];
	_ =	sdelay $0x1  }
0x4b: {  	v5 =	vld [tilespmem:s28+$0x12110];
	_ =	sdelay $0x1  }
0x4c: {  	v6 =	vld [tilespmem:s28+$0x12190]  }
0x4d: {  	v12 =	vmul.f32 v12, v11;
	v13 =	vmul.f32 v4, v10  }
0x4e: {  	v16 =	vld [tilespmem:s28+$0x12210]  }
0x4f: {  	v7 =	vmul.f32 v5, v9;
	v12 =	vadd.f32 v13, v12  }
0x50: {  	v8 =	vld [tilespmem:s28+$0x12290]  }
0x51: {  	v19 =	vmul.f32 v6, v37;
	v12 =	vadd.f32 v7, v12  }
0x52: {  	v20 =	vld [tilespmem:s28+$0x12310]  }
0x53: {  	v21 =	vmul.f32 v16, v49;
	v12 =	vadd.f32 v19, v12  }
0x54: {  	v22 =	vld [tilespmem:s28+$0x12390]  }
0x55: {  	v23 =	vmul.f32 v8, v50;
	v12 =	vadd.f32 v21, v12  }
0x56: {  	v24 =	vld [tilespmem:s28+$0x12410]  }
0x57: {  	v25 =	vmul.f32 v20, v52;
	v12 =	vadd.f32 v23, v12  }
0x58: {  	v26 =	vld [tilespmem:s28+$0x12490]  }
0x59: {  	v27 =	vmul.f32 v22, v3;
	v12 =	vadd.f32 v25, v12  }
0x5a: {  	v28 =	vld [tilespmem:s28+$0x12510]  }
0x5b: {  	v29 =	vmul.f32 v24, v51;
	v12 =	vadd.f32 v27, v12  }
0x5c: {  	v30 =	vld [tilespmem:s28+$0x12590]  }
0x5d: {  	v31 =	vmul.f32 v26, v2;
	v12 =	vadd.f32 v29, v12;
	_ =	sdelay $0x1  }
0x5e: {  	v32 =	vmul.f32 v28, v1;
	v12 =	vadd.f32 v31, v12;
	_ =	sdelay $0x1  }
0x5f: {  	v33 =	vmul.f32 v30, v0;
	v12 =	vadd.f32 v32, v12;
	_ =	sdelay $0x1  }
0x60: {  	v12 =	vadd.f32 v33, v12;
	_ =	sdelay $0x1  }
0x61: {  	[tilespmem:s26+$0x18010] =	vst v12  }
0x62: {  	v12 =	vld [tilespmem:s28+$0x12020]  }
0x63: {  	v34 =	vld [tilespmem:s28+$0x120A0];
	_ =	sdelay $0x1  }
0x64: {  	v35 =	vld [tilespmem:s28+$0x12120];
	_ =	sdelay $0x1  }
0x65: {  	v36 =	vld [tilespmem:s28+$0x121A0]  }
0x66: {  	v12 =	vmul.f32 v12, v11;
	v13 =	vmul.f32 v34, v10  }
0x67: {  	v38 =	vld [tilespmem:s28+$0x12220]  }
0x68: {  	v39 =	vmul.f32 v35, v9;
	v12 =	vadd.f32 v13, v12  }
0x69: {  	v40 =	vld [tilespmem:s28+$0x122A0]  }
0x6a: {  	v41 =	vmul.f32 v36, v37;
	v12 =	vadd.f32 v39, v12  }
0x6b: {  	v42 =	vld [tilespmem:s28+$0x12320]  }
0x6c: {  	v43 =	vmul.f32 v38, v49;
	v12 =	vadd.f32 v41, v12  }
0x6d: {  	v44 =	vld [tilespmem:s28+$0x123A0]  }
0x6e: {  	v45 =	vmul.f32 v40, v50;
	v12 =	vadd.f32 v43, v12  }
0x6f: {  	v46 =	vld [tilespmem:s28+$0x12420]  }
0x70: {  	v47 =	vmul.f32 v42, v52;
	v12 =	vadd.f32 v45, v12  }
0x71: {  	v48 =	vld [tilespmem:s28+$0x124A0]  }
0x72: {  	v53 =	vmul.f32 v44, v3;
	v12 =	vadd.f32 v47, v12  }
0x73: {  	v54 =	vld [tilespmem:s28+$0x12520]  }
0x74: {  	v55 =	vmul.f32 v46, v51;
	v12 =	vadd.f32 v53, v12  }
0x75: {  	v56 =	vld [tilespmem:s28+$0x125A0]  }
0x76: {  	v57 =	vmul.f32 v48, v2;
	v12 =	vadd.f32 v55, v12;
	_ =	sdelay $0x1  }
0x77: {  	v58 =	vmul.f32 v54, v1;
	v12 =	vadd.f32 v57, v12;
	_ =	sdelay $0x1  }
0x78: {  	v59 =	vmul.f32 v56, v0;
	v12 =	vadd.f32 v58, v12;
	_ =	sdelay $0x1  }
0x79: {  	v12 =	vadd.f32 v59, v12;
	_ =	sdelay $0x1  }
0x7a: {  	[tilespmem:s26+$0x18020] =	vst v12  }
0x7b: {  	v12 =	vld [tilespmem:s28+$0x12030]  }
0x7c: {  	v60 =	vld [tilespmem:s28+$0x120B0]  }
0x7d: {  	s12 =	sor.u32 $0x1, s0  }
0x7e: {  	s29 =	smul.u32 $0x1800, s12;
	v61 =	vld [tilespmem:s28+$0x12130]  }
0x7f: {  	s30 =	sor.u32 s25, s12  }
0x80: {  	s11 =	sshll.u32 s30, $0x4;
	s30 =	sshra.s32 s29, $0x2;
	v62 =	vld [tilespmem:s28+$0x121B0]  }
0x81: {  	v17 =	vld [tilespmem:s30+$0x12080];
	v12 =	vmul.f32 v12, v11;
	v13 =	vmul.f32 v60, v10  }
0x82: {  	s11 =	sand.u32 $0x3FFFFFF0, s11;
	v21 =	vld [tilespmem:s28+$0x12230]  }
0x83: {  	v24 =	vld [tilespmem:s11+$0x9000];
	v4 =	vmul.f32 v61, v9;
	v12 =	vadd.f32 v13, v12  }
0x84: {  	v22 =	vld [tilespmem:s28+$0x122B0]  }
0x85: {  	v63 =	vld [tilespmem:s30+$0x12000];
	v6 =	vmul.f32 v62, v37;
	v12 =	vadd.f32 v4, v12  }
0x86: {  	v23 =	vld [tilespmem:s28+$0x12330]  }
0x87: {  	v5 =	vld [tilespmem:s30+$0x12100];
	v30 =	vmul.f32 v21, v49;
	v12 =	vadd.f32 v6, v12  }
0x88: {  	v18 =	vbroadcast v24, $0x0;
	v19 =	vbroadcast v24, $0x1;
	v26 =	vld [tilespmem:s28+$0x123B0]  }
0x89: {  	v8 =	vld [tilespmem:s30+$0x12180];
	v20 =	vbroadcast v24, $0x2;
	v31 =	vmul.f32 v22, v50;
	v12 =	vadd.f32 v30, v12  }
0x8a: {  	v7 =	vmul.f32 v63, v18;
	v17 =	vmul.f32 v17, v19;
	v27 =	vld [tilespmem:s28+$0x12430]  }
0x8b: {  	v25 =	vld [tilespmem:s30+$0x12200];
	v34 =	vmul.f32 v23, v52;
	v12 =	vadd.f32 v31, v12  }
0x8c: {  	v14 =	vmul.f32 v5, v20;
	v15 =	vadd.f32 v17, v7;
	v28 =	vld [tilespmem:s28+$0x124B0];
	v21 =	vbroadcast v24, $0x3  }
0x8d: {  	v32 =	vld [tilespmem:s30+$0x12280];
	v38 =	vmul.f32 v26, v3;
	v12 =	vadd.f32 v34, v12  }
0x8e: {  	v14 =	vadd.f32 v14, v15;
	v40 =	vld [tilespmem:s28+$0x12530];
	v22 =	vbroadcast v24, $0x4;
	v33 =	vmul.f32 v8, v21  }
0x8f: {  	v35 =	vld [tilespmem:s30+$0x12300];
	v42 =	vmul.f32 v27, v51;
	v12 =	vadd.f32 v38, v12  }
0x90: {  	v29 =	vld [tilespmem:s28+$0x125B0];
	v23 =	vbroadcast v24, $0x5;
	v36 =	vmul.f32 v25, v22;
	v14 =	vadd.f32 v33, v14  }
0x91: {  	v39 =	vld [tilespmem:s30+$0x12380];
	v45 =	vmul.f32 v28, v2;
	v12 =	vadd.f32 v42, v12  }
0x92: {  	v17 =	vbroadcast v24, $0x6;
	v41 =	vmul.f32 v32, v23;
	v14 =	vadd.f32 v36, v14  }
0x93: {  	v43 =	vld [tilespmem:s30+$0x12400];
	v47 =	vmul.f32 v40, v1;
	v12 =	vadd.f32 v45, v12  }
0x94: {  	v16 =	vbroadcast v24, $0x7;
	v44 =	vmul.f32 v35, v17;
	v14 =	vadd.f32 v41, v14  }
0x95: {  	v46 =	vld [tilespmem:s30+$0x12480];
	v29 =	vmul.f32 v29, v0;
	v12 =	vadd.f32 v47, v12  }
0x96: {  	v15 =	vbroadcast v24, $0x8;
	v25 =	vmul.f32 v39, v16;
	v14 =	vadd.f32 v44, v14  }
0x97: {  	v48 =	vld [tilespmem:s30+$0x12500];
	v54 =	vadd.f32 v29, v12  }
0x98: {  	v27 =	vmul.f32 v43, v15;
	v25 =	vadd.f32 v25, v14;
	v14 =	vbroadcast v24, $0x9  }
0x99: {  	v30 =	vld [tilespmem:s30+$0x12580];
	[tilespmem:s26+$0x18030] =	vst v54  }
0x9a: {  	v13 =	vbroadcast v24, $0xA;
	v25 =	vadd.f32 v27, v25;
	v53 =	vmul.f32 v46, v14;
	v55 =	vld [tilespmem:s28+$0x12040]  }
0x9b: {  	v57 =	vld [tilespmem:s28+$0x120C0]  }
0x9c: {  	v26 =	vmul.f32 v48, v13;
	v25 =	vadd.f32 v53, v25;
	v12 =	vbroadcast v24, $0xB  }
0x9d: {  	v58 =	vld [tilespmem:s28+$0x12140]  }
0x9e: {  	v25 =	vadd.f32 v26, v25;
	v56 =	vmul.f32 v30, v12  }
0x9f: {  	v28 =	vld [tilespmem:s28+$0x121C0]  }
0xa0: {  	s1 =	sshll.u32 s12, $0x7;
	v25 =	vadd.f32 v56, v25;
	v24 =	vmul.f32 v55, v11;
	v27 =	vmul.f32 v57, v10  }
0xa1: {  	s29 =	sand.u32 $0x3FFFFF80, s1;
	v60 =	vld [tilespmem:s28+$0x12240]  }
0xa2: {  	v31 =	vld [tilespmem:s28+$0x122C0];
	[tilespmem:s29+$0x18000] =	vst v25;
	v26 =	vmul.f32 v58, v9;
	v24 =	vadd.f32 v27, v24  }
0xa3: {  	v25 =	vld [tilespmem:s30+$0x12010]  }
0xa4: {  	v59 =	vld [tilespmem:s30+$0x12090];
	v62 =	vmul.f32 v28, v37;
	v24 =	vadd.f32 v26, v24  }
0xa5: {  	v32 =	vld [tilespmem:s28+$0x12340]  }
0xa6: {  	v61 =	vld [tilespmem:s30+$0x12110];
	v4 =	vmul.f32 v60, v49;
	v24 =	vadd.f32 v62, v24  }
0xa7: {  	v33 =	vld [tilespmem:s28+$0x123C0]  }
0xa8: {  	v63 =	vld [tilespmem:s30+$0x12190];
	v6 =	vmul.f32 v31, v50;
	v24 =	vadd.f32 v4, v24  }
0xa9: {  	v8 =	vld [tilespmem:s28+$0x12440];
	v25 =	vmul.f32 v25, v18;
	v29 =	vmul.f32 v59, v19  }
0xaa: {  	v5 =	vld [tilespmem:s30+$0x12210];
	v38 =	vmul.f32 v32, v52;
	v24 =	vadd.f32 v6, v24  }
0xab: {  	v40 =	vld [tilespmem:s28+$0x124C0];
	v27 =	vmul.f32 v61, v20;
	v25 =	vadd.f32 v29, v25  }
0xac: {  	v7 =	vld [tilespmem:s30+$0x12290];
	v42 =	vmul.f32 v33, v3;
	v24 =	vadd.f32 v38, v24  }
0xad: {  	v44 =	vld [tilespmem:s28+$0x12540];
	v36 =	vmul.f32 v63, v21;
	v25 =	vadd.f32 v27, v25  }
0xae: {  	v39 =	vld [tilespmem:s30+$0x12310];
	v46 =	vmul.f32 v8, v51;
	v24 =	vadd.f32 v42, v24  }
0xaf: {  	v48 =	vld [tilespmem:s28+$0x125C0];
	v41 =	vmul.f32 v5, v22;
	v25 =	vadd.f32 v36, v25  }
0xb0: {  	v43 =	vld [tilespmem:s30+$0x12390];
	v54 =	vmul.f32 v40, v2;
	v24 =	vadd.f32 v46, v24  }
0xb1: {  	v45 =	vmul.f32 v7, v23;
	v25 =	vadd.f32 v41, v25  }
0xb2: {  	v47 =	vld [tilespmem:s30+$0x12410];
	v57 =	vmul.f32 v44, v1;
	v24 =	vadd.f32 v54, v24  }
0xb3: {  	v53 =	vmul.f32 v39, v17;
	v25 =	vadd.f32 v45, v25  }
0xb4: {  	v55 =	vld [tilespmem:s30+$0x12490];
	v60 =	vmul.f32 v48, v0;
	v24 =	vadd.f32 v57, v24  }
0xb5: {  	v56 =	vmul.f32 v43, v16;
	v25 =	vadd.f32 v53, v25  }
0xb6: {  	v58 =	vld [tilespmem:s30+$0x12510];
	v24 =	vadd.f32 v60, v24  }
0xb7: {  	v59 =	vmul.f32 v47, v15;
	v25 =	vadd.f32 v56, v25  }
0xb8: {  	v61 =	vld [tilespmem:s30+$0x12590];
	[tilespmem:s26+$0x18040] =	vst v24  }
0xb9: {  	v62 =	vmul.f32 v55, v14;
	v25 =	vadd.f32 v59, v25;
	v24 =	vld [tilespmem:s28+$0x12050]  }
0xba: {  	v5 =	vld [tilespmem:s28+$0x120D0]  }
0xbb: {  	v63 =	vmul.f32 v58, v13;
	v25 =	vadd.f32 v62, v25  }
0xbc: {  	v6 =	vld [tilespmem:s28+$0x12150]  }
0xbd: {  	v4 =	vmul.f32 v61, v12;
	v25 =	vadd.f32 v63, v25  }
0xbe: {  	v7 =	vld [tilespmem:s28+$0x121D0]  }
0xbf: {  	v25 =	vadd.f32 v4, v25;
	v24 =	vmul.f32 v24, v11;
	v27 =	vmul.f32 v5, v10  }
0xc0: {  	v36 =	vld [tilespmem:s28+$0x12250]  }
0xc1: {  	v39 =	vld [tilespmem:s28+$0x122D0];
	[tilespmem:s29+$0x18010] =	vst v25;
	v26 =	vmul.f32 v6, v9;
	v24 =	vadd.f32 v27, v24  }
0xc2: {  	v25 =	vld [tilespmem:s30+$0x12020]  }
0xc3: {  	v8 =	vld [tilespmem:s30+$0x120A0];
	v40 =	vmul.f32 v7, v37;
	v24 =	vadd.f32 v26, v24  }
0xc4: {  	v42 =	vld [tilespmem:s28+$0x12350]  }
0xc5: {  	v38 =	vld [tilespmem:s30+$0x12120];
	v43 =	vmul.f32 v36, v49;
	v24 =	vadd.f32 v40, v24  }
0xc6: {  	v45 =	vld [tilespmem:s28+$0x123D0]  }
0xc7: {  	v41 =	vld [tilespmem:s30+$0x121A0];
	v46 =	vmul.f32 v39, v50;
	v24 =	vadd.f32 v43, v24  }
0xc8: {  	v48 =	vld [tilespmem:s28+$0x12450];
	v25 =	vmul.f32 v25, v18;
	v29 =	vmul.f32 v8, v19  }
0xc9: {  	v44 =	vld [tilespmem:s30+$0x12220];
	v54 =	vmul.f32 v42, v52;
	v24 =	vadd.f32 v46, v24  }
0xca: {  	v56 =	vld [tilespmem:s28+$0x124D0];
	v27 =	vmul.f32 v38, v20;
	v25 =	vadd.f32 v29, v25  }
0xcb: {  	v47 =	vld [tilespmem:s30+$0x122A0];
	v58 =	vmul.f32 v45, v3;
	v24 =	vadd.f32 v54, v24  }
0xcc: {  	v60 =	vld [tilespmem:s28+$0x12550];
	v53 =	vmul.f32 v41, v21;
	v25 =	vadd.f32 v27, v25  }
0xcd: {  	v55 =	vld [tilespmem:s30+$0x12320];
	v62 =	vmul.f32 v48, v51;
	v24 =	vadd.f32 v58, v24  }
0xce: {  	v4 =	vld [tilespmem:s28+$0x125D0];
	v57 =	vmul.f32 v44, v22;
	v25 =	vadd.f32 v53, v25  }
0xcf: {  	v59 =	vld [tilespmem:s30+$0x123A0];
	v6 =	vmul.f32 v56, v2;
	v24 =	vadd.f32 v62, v24  }
0xd0: {  	v61 =	vmul.f32 v47, v23;
	v25 =	vadd.f32 v57, v25  }
0xd1: {  	v63 =	vld [tilespmem:s30+$0x12420];
	v33 =	vmul.f32 v60, v1;
	v24 =	vadd.f32 v6, v24  }
0xd2: {  	v34 =	vld [tilespmem:s30+$0x12520];
	v5 =	vmul.f32 v55, v17;
	v25 =	vadd.f32 v61, v25  }
0xd3: {  	s1 =	sor.u32 $0x2, s0;
	v7 =	vld [tilespmem:s30+$0x124A0];
	v36 =	vmul.f32 v4, v0;
	v24 =	vadd.f32 v33, v24  }
0xd4: {  	s31 =	sor.u32 s25, s1;
	v8 =	vmul.f32 v59, v16;
	v25 =	vadd.f32 v5, v25  }
0xd5: {  	s11 =	sshll.u32 s31, $0x4;
	v24 =	vadd.f32 v36, v24  }
0xd6: {  	s31 =	sand.u32 $0x3FFFFFF0, s11;
	v35 =	vmul.f32 v63, v15;
	v38 =	vld [tilespmem:s30+$0x125A0];
	v25 =	vadd.f32 v8, v25  }
0xd7: {  	v40 =	vmul.f32 v34, v13;
	v34 =	vld [tilespmem:s31+$0x9000];
	[tilespmem:s26+$0x18050] =	vst v24  }
0xd8: {  	v39 =	vmul.f32 v7, v14;
	v25 =	vadd.f32 v35, v25;
	v24 =	vld [tilespmem:s28+$0x12060]  }
0xd9: {  	v42 =	vld [tilespmem:s28+$0x120E0]  }
0xda: {  	v25 =	vadd.f32 v39, v25;
	v43 =	vld [tilespmem:s28+$0x12160]  }
0xdb: {  	v44 =	vld [tilespmem:s28+$0x121E0]  }
0xdc: {  	v41 =	vmul.f32 v38, v12;
	v25 =	vadd.f32 v40, v25;
	v46 =	vld [tilespmem:s28+$0x12260]  }
0xdd: {  	v48 =	vld [tilespmem:s28+$0x122E0]  }
0xde: {  	v55 =	vld [tilespmem:s28+$0x12360];
	v25 =	vadd.f32 v41, v25  }
0xdf: {  	v58 =	vld [tilespmem:s28+$0x123E0]  }
0xe0: {  	v61 =	vld [tilespmem:s28+$0x12460];
	[tilespmem:s29+$0x18020] =	vst v25  }
0xe1: {  	v25 =	vld [tilespmem:s30+$0x12030]  }
0xe2: {  	v45 =	vld [tilespmem:s30+$0x120B0]  }
0xe3: {  	v5 =	vld [tilespmem:s28+$0x124E0];
	v24 =	vmul.f32 v24, v11;
	v27 =	vmul.f32 v42, v10  }
0xe4: {  	v47 =	vld [tilespmem:s30+$0x12130]  }
0xe5: {  	v36 =	vld [tilespmem:s28+$0x12560];
	v26 =	vmul.f32 v43, v9;
	v24 =	vadd.f32 v27, v24  }
0xe6: {  	v54 =	vld [tilespmem:s30+$0x121B0];
	v53 =	vmul.f32 v44, v37  }
0xe7: {  	v41 =	vld [tilespmem:s28+$0x125E0];
	v24 =	vadd.f32 v26, v24;
	v25 =	vmul.f32 v25, v18;
	v29 =	vmul.f32 v45, v19  }
0xe8: {  	v57 =	vld [tilespmem:s30+$0x12230];
	v56 =	vmul.f32 v46, v49  }
0xe9: {  	v60 =	vld [tilespmem:s30+$0x122B0];
	v27 =	vmul.f32 v47, v20;
	v24 =	vadd.f32 v53, v24;
	v25 =	vadd.f32 v29, v25  }
0xea: {  	v4 =	vld [tilespmem:s30+$0x12330];
	v59 =	vmul.f32 v48, v50  }
0xeb: {  	s12 =	smul.u32 $0x1800, s1;
	v8 =	vld [tilespmem:s30+$0x123B0];
	v62 =	vmul.f32 v54, v21;
	v24 =	vadd.f32 v56, v24;
	v25 =	vadd.f32 v27, v25  }
0xec: {  	v40 =	vld [tilespmem:s30+$0x12430];
	v63 =	vmul.f32 v55, v52  }
0xed: {  	s31 =	sshra.s32 s12, $0x2;
	v44 =	vld [tilespmem:s30+$0x124B0];
	v6 =	vmul.f32 v57, v22;
	v24 =	vadd.f32 v59, v24;
	v25 =	vadd.f32 v62, v25  }
0xee: {  	v7 =	vmul.f32 v58, v3;
	v43 =	vmul.f32 v5, v2;
	v5 =	vld [tilespmem:s31+$0x12080]  }
0xef: {  	v38 =	vmul.f32 v60, v23;
	v47 =	vld [tilespmem:s30+$0x12530];
	v24 =	vadd.f32 v63, v24;
	v25 =	vadd.f32 v6, v25  }
0xf0: {  	v39 =	vmul.f32 v61, v51;
	v54 =	vld [tilespmem:s30+$0x125B0]  }
0xf1: {  	v42 =	vmul.f32 v4, v17;
	v4 =	vld [tilespmem:s31+$0x12000];
	v24 =	vadd.f32 v7, v24;
	v25 =	vadd.f32 v38, v25  }
0xf2: {  	v55 =	vmul.f32 v44, v14;
	v44 =	vld [tilespmem:s31+$0x12380]  }
0xf3: {  	s11 =	sor.u32 $0x3, s0;
	v45 =	vmul.f32 v8, v16;
	v6 =	vld [tilespmem:s31+$0x12100];
	v24 =	vadd.f32 v39, v24;
	v25 =	vadd.f32 v42, v25  }
0xf4: {  	s0 =	sor.u32 s25, s11;
	v46 =	vmul.f32 v36, v1;
	v38 =	vld [tilespmem:s31+$0x12200]  }
0xf5: {  	s0 =	sshll.u32 s0, $0x4;
	s12 =	smul.u32 $0x1800, s11;
	v48 =	vmul.f32 v40, v15;
	v42 =	vld [tilespmem:s31+$0x12280];
	v24 =	vadd.f32 v43, v24;
	v25 =	vadd.f32 v45, v25  }
0xf6: {  	s0 =	sand.u32 $0x3FFFFFF0, s0;
	v43 =	vld [tilespmem:s31+$0x12300]  }
0xf7: {  	v53 =	vmul.f32 v41, v0;
	v24 =	vadd.f32 v46, v24;
	v25 =	vadd.f32 v48, v25;
	v48 =	vld [tilespmem:s0+$0x9000];
	s0 =	sshra.s32 s12, $0x2  }
0xf8: {  	v7 =	vld [tilespmem:s0+$0x12000]  }
0xf9: {  	v8 =	vld [tilespmem:s0+$0x12080];
	v24 =	vadd.f32 v53, v24  }
0xfa: {  	[tilespmem:$0x1FFE0] =	vst v1;
	v56 =	vmul.f32 v47, v13;
	v41 =	vld [tilespmem:s0+$0x12180];
	v25 =	vadd.f32 v55, v25  }
0xfb: {  	v1 =	vld [tilespmem:s0+$0x12280];
	[tilespmem:s26+$0x18060] =	vst v24  }
0xfc: {  	v59 =	vmul.f32 v54, v12;
	v58 =	vadd.f32 v56, v25;
	v60 =	vld [tilespmem:s28+$0x120F0]  }
0xfd: {  	v61 =	vld [tilespmem:s28+$0x12170]  }
0xfe: {  	v35 =	vbroadcast v34, $0x1;
	v62 =	vld [tilespmem:s28+$0x121F0];
	v24 =	vadd.f32 v59, v58  }
0xff: {  	v33 =	vbroadcast v34, $0x0;
	v63 =	vld [tilespmem:s28+$0x12270]  }
0x100: {  	v26 =	vbroadcast v34, $0x3;
	v25 =	vmul.f32 v5, v35;
	v59 =	vld [tilespmem:s31+$0x12180];
	[tilespmem:s29+$0x18030] =	vst v24  }
0x101: {  	v58 =	vmul.f32 v4, v33;
	v24 =	vbroadcast v34, $0x2;
	[tilespmem:$0x1FF70] =	vst v60;
	v60 =	vld [tilespmem:s0+$0x12100]  }
0x102: {  	v47 =	vld [tilespmem:s0+$0x12300];
	v36 =	vbroadcast v48, $0x0;
	v46 =	vbroadcast v48, $0x1  }
0x103: {  	v57 =	vld [tilespmem:s28+$0x12070];
	v39 =	vbroadcast v48, $0x2;
	v25 =	vadd.f32 v25, v58;
	[tilespmem:$0x1FF80] =	vst v61;
	v61 =	vmul.f32 v6, v24  }
0x104: {  	v28 =	vmul.f32 v8, v46;
	v58 =	vld [tilespmem:s31+$0x12400];
	[tilespmem:$0x1FF90] =	vst v62;
	v62 =	vmul.f32 v7, v36  }
0x105: {  	v27 =	vbroadcast v34, $0x4;
	[tilespmem:$0x1FFA0] =	vst v63;
	v63 =	vld [tilespmem:s0+$0x12200];
	v30 =	vmul.f32 v59, v26;
	v25 =	vadd.f32 v61, v25  }
0x106: {  	v40 =	vbroadcast v48, $0x3;
	v53 =	vld [tilespmem:s30+$0x12040];
	v29 =	vadd.f32 v28, v62;
	v31 =	vmul.f32 v60, v39  }
0x107: {  	[tilespmem:$0x1FFF0] =	vst v0;
	v0 =	vmul.f32 v38, v27;
	v54 =	vld [tilespmem:s30+$0x120C0];
	v28 =	vbroadcast v34, $0x5;
	v25 =	vadd.f32 v30, v25  }
0x108: {  	v45 =	vmul.f32 v41, v40;
	v41 =	vbroadcast v48, $0x4;
	v55 =	vld [tilespmem:s30+$0x12140];
	v31 =	vadd.f32 v31, v29  }
0x109: {  	[tilespmem:$0x1FFD0] =	vst v2;
	v56 =	vld [tilespmem:s30+$0x121C0];
	v2 =	vmul.f32 v42, v28;
	v25 =	vadd.f32 v0, v25;
	v29 =	vbroadcast v34, $0x6  }
0x10a: {  	[tilespmem:$0x1FF60] =	vst v57;
	v57 =	vld [tilespmem:s30+$0x12240];
	v42 =	vbroadcast v48, $0x5;
	v32 =	vmul.f32 v63, v41;
	v31 =	vadd.f32 v45, v31  }
0x10b: {  	[tilespmem:$0x1FFC0] =	vst v3;
	v59 =	vld [tilespmem:s0+$0x12380];
	v30 =	vbroadcast v34, $0x7;
	v25 =	vadd.f32 v2, v25;
	v3 =	vmul.f32 v43, v29  }
0x10c: {  	v60 =	vld [tilespmem:s31+$0x12480];
	v38 =	vmul.f32 v1, v42;
	v43 =	vbroadcast v48, $0x6;
	v32 =	vadd.f32 v32, v31  }
0x10d: {  	v61 =	vld [tilespmem:s0+$0x12400];
	v4 =	vmul.f32 v44, v30;
	v25 =	vadd.f32 v3, v25;
	v31 =	vbroadcast v34, $0x8  }
0x10e: {  	v62 =	vld [tilespmem:s31+$0x12500];
	v44 =	vbroadcast v48, $0x7;
	v5 =	vmul.f32 v47, v43;
	v32 =	vadd.f32 v38, v32  }
0x10f: {  	v7 =	vld [tilespmem:s0+$0x12480];
	v45 =	vadd.f32 v4, v25;
	v6 =	vmul.f32 v58, v31;
	v25 =	vbroadcast v34, $0x9  }
0x110: {  	v63 =	vld [tilespmem:s31+$0x12580];
	v59 =	vmul.f32 v59, v44;
	v38 =	vbroadcast v48, $0x8;
	v8 =	vadd.f32 v5, v32  }
0x111: {  	v4 =	vld [tilespmem:s0+$0x12500];
	v47 =	vadd.f32 v6, v45;
	v60 =	vmul.f32 v60, v25;
	v32 =	vbroadcast v34, $0xA  }
0x112: {  	v3 =	vld [tilespmem:s30+$0x12540];
	v5 =	vmul.f32 v61, v38;
	v45 =	vbroadcast v48, $0x9;
	v0 =	vadd.f32 v59, v8  }
0x113: {  	v34 =	vbroadcast v34, $0xB;
	v6 =	vld [tilespmem:s0+$0x12580];
	v60 =	vadd.f32 v60, v47;
	v62 =	vmul.f32 v62, v32  }
0x114: {  	v61 =	vld [tilespmem:s30+$0x122C0];
	v58 =	vmul.f32 v7, v45;
	v47 =	vbroadcast v48, $0xA;
	v0 =	vadd.f32 v5, v0  }
0x115: {  	v59 =	vld [tilespmem:s30+$0x12340];
	v7 =	vmul.f32 v63, v34;
	v60 =	vadd.f32 v62, v60  }
0x116: {  	v63 =	vld [tilespmem:s30+$0x123C0];
	v48 =	vbroadcast v48, $0xB;
	v1 =	vmul.f32 v4, v47;
	v0 =	vadd.f32 v58, v0  }
0x117: {  	s1 =	sshll.u32 s1, $0x7;
	v53 =	vmul.f32 v53, v18;
	v54 =	vmul.f32 v54, v19;
	v62 =	vld [tilespmem:s30+$0x124C0];
	v60 =	vadd.f32 v7, v60  }
0x118: {  	s1 =	sand.u32 $0x3FFFFF80, s1;
	v8 =	vmul.f32 v6, v48;
	v6 =	vmul.f32 v55, v20;
	v55 =	vld [tilespmem:s30+$0x125C0];
	v0 =	vadd.f32 v1, v0  }
0x119: {  	v53 =	vadd.f32 v54, v53;
	v58 =	vld [tilespmem:s30+$0x12440];
	[tilespmem:s1+$0x18000] =	vst v60  }
0x11a: {  	s11 =	sshll.u32 s11, $0x7;
	v1 =	vld [tilespmem:s31+$0x12010];
	v0 =	vadd.f32 v8, v0  }
0x11b: {  	s11 =	sand.u32 $0x3FFFFF80, s11;
	v7 =	vmul.f32 v56, v21;
	v53 =	vadd.f32 v6, v53;
	v8 =	vld [tilespmem:s31+$0x12090]  }
0x11c: {  	[tilespmem:s11+$0x18000] =	vst v0;
	v0 =	vld [tilespmem:s31+$0x12110]  }
0x11d: {  	v4 =	vmul.f32 v57, v22;
	v53 =	vadd.f32 v7, v53;
	v5 =	vld [tilespmem:s0+$0x12010]  }
0x11e: {  	v6 =	vld [tilespmem:s0+$0x12090]  }
0x11f: {  	v7 =	vmul.f32 v61, v23;
	v61 =	vld [tilespmem:s31+$0x12190];
	v53 =	vadd.f32 v4, v53  }
0x120: {  	v2 =	vld [tilespmem:s0+$0x12110];
	v1 =	vmul.f32 v1, v33;
	v56 =	vmul.f32 v8, v35  }
0x121: {  	v53 =	vadd.f32 v7, v53;
	v8 =	vmul.f32 v59, v17;
	v59 =	vld [tilespmem:s31+$0x12210]  }
0x122: {  	v4 =	vmul.f32 v63, v16;
	v63 =	vld [tilespmem:s0+$0x12190];
	v1 =	vadd.f32 v56, v1;
	v0 =	vmul.f32 v0, v24  }
0x123: {  	v7 =	vld [tilespmem:s31+$0x12290];
	v53 =	vadd.f32 v8, v53;
	v5 =	vmul.f32 v5, v36;
	v6 =	vmul.f32 v6, v46  }
0x124: {  	v8 =	vmul.f32 v61, v26;
	v61 =	vld [tilespmem:s0+$0x12210];
	v0 =	vadd.f32 v0, v1  }
0x125: {  	v56 =	vld [tilespmem:s31+$0x12310];
	v2 =	vmul.f32 v2, v39;
	v53 =	vadd.f32 v4, v53;
	v54 =	vadd.f32 v6, v5  }
0x126: {  	v4 =	vmul.f32 v58, v15;
	v58 =	vld [tilespmem:s0+$0x12290];
	v5 =	vmul.f32 v59, v27;
	v0 =	vadd.f32 v8, v0  }
0x127: {  	v6 =	vmul.f32 v63, v40;
	v59 =	vld [tilespmem:s31+$0x12390];
	v2 =	vadd.f32 v2, v54  }
0x128: {  	v57 =	vld [tilespmem:s0+$0x12310];
	v7 =	vmul.f32 v7, v28;
	v0 =	vadd.f32 v5, v0  }
0x129: {  	v1 =	vadd.f32 v4, v53;
	v4 =	vmul.f32 v61, v41;
	v61 =	vld [tilespmem:s31+$0x12410];
	v2 =	vadd.f32 v6, v2  }
0x12a: {  	v8 =	vmul.f32 v62, v14;
	v5 =	vmul.f32 v56, v29;
	v56 =	vld [tilespmem:s0+$0x12390];
	v0 =	vadd.f32 v7, v0  }
0x12b: {  	v3 =	vmul.f32 v3, v13;
	v6 =	vmul.f32 v58, v42;
	v58 =	vld [tilespmem:s31+$0x12490];
	v2 =	vadd.f32 v4, v2  }
0x12c: {  	v1 =	vadd.f32 v8, v1;
	v7 =	vmul.f32 v59, v30;
	v59 =	vld [tilespmem:s0+$0x12410];
	v0 =	vadd.f32 v5, v0  }
0x12d: {  	v8 =	vmul.f32 v57, v43;
	v57 =	vld [tilespmem:s31+$0x12510];
	v2 =	vadd.f32 v6, v2  }
0x12e: {  	v60 =	vld [tilespmem:s0+$0x12490];
	v1 =	vadd.f32 v3, v1;
	v6 =	vmul.f32 v61, v31;
	v0 =	vadd.f32 v7, v0  }
0x12f: {  	v56 =	vmul.f32 v56, v44;
	v7 =	vmul.f32 v55, v12;
	v55 =	vld [tilespmem:s31+$0x12590];
	v2 =	vadd.f32 v8, v2  }
0x130: {  	v8 =	vmul.f32 v58, v25;
	v58 =	vld [tilespmem:s0+$0x12510];
	v0 =	vadd.f32 v6, v0  }
0x131: {  	v63 =	vld [tilespmem:s28+$0x12370];
	v61 =	vmul.f32 v59, v38;
	v1 =	vadd.f32 v7, v1;
	v2 =	vadd.f32 v56, v2  }
0x132: {  	v62 =	vmul.f32 v57, v32;
	v57 =	vld [tilespmem:s0+$0x12590];
	v0 =	vadd.f32 v8, v0  }
0x133: {  	v60 =	vmul.f32 v60, v45;
	[tilespmem:s29+$0x18040] =	vst v1;
	v8 =	vadd.f32 v61, v2  }
0x134: {  	v56 =	vld [tilespmem:s30+$0x12050];
	v61 =	vmul.f32 v55, v34;
	v0 =	vadd.f32 v62, v0  }
0x135: {  	v55 =	vld [tilespmem:s30+$0x120D0];
	v62 =	vmul.f32 v58, v47;
	v1 =	vadd.f32 v60, v8  }
0x136: {  	v4 =	vld [tilespmem:s30+$0x121D0];
	v0 =	vadd.f32 v61, v0  }
0x137: {  	[tilespmem:$0x1FFB0] =	vst v63;
	v63 =	vmul.f32 v57, v48;
	v57 =	vld [tilespmem:s30+$0x12250];
	v1 =	vadd.f32 v62, v1  }
0x138: {  	v58 =	vld [tilespmem:s30+$0x12150];
	[tilespmem:s1+$0x18010] =	vst v0  }
0x139: {  	v0 =	vld [tilespmem:s31+$0x12020];
	v1 =	vadd.f32 v63, v1  }
0x13a: {  	v5 =	vld [tilespmem:s31+$0x120A0]  }
0x13b: {  	v6 =	vld [tilespmem:s31+$0x12120];
	[tilespmem:s11+$0x18010] =	vst v1  }
0x13c: {  	v1 =	vld [tilespmem:s0+$0x12020]  }
0x13d: {  	v7 =	vld [tilespmem:s0+$0x120A0]  }
0x13e: {  	v8 =	vld [tilespmem:s31+$0x121A0]  }
0x13f: {  	v53 =	vld [tilespmem:s0+$0x12120];
	v0 =	vmul.f32 v0, v33;
	v2 =	vmul.f32 v5, v35  }
0x140: {  	v63 =	vld [tilespmem:s31+$0x12220]  }
0x141: {  	v59 =	vld [tilespmem:s0+$0x121A0];
	v6 =	vmul.f32 v6, v24;
	v0 =	vadd.f32 v2, v0  }
0x142: {  	v3 =	vld [tilespmem:s31+$0x122A0];
	v1 =	vmul.f32 v1, v36;
	v60 =	vmul.f32 v7, v46  }
0x143: {  	v7 =	vmul.f32 v8, v26;
	v8 =	vld [tilespmem:s0+$0x12220];
	v0 =	vadd.f32 v6, v0  }
0x144: {  	v62 =	vld [tilespmem:s31+$0x12320];
	v53 =	vmul.f32 v53, v39;
	v1 =	vadd.f32 v60, v1  }
0x145: {  	v5 =	vmul.f32 v63, v27;
	v6 =	vld [tilespmem:s0+$0x122A0];
	v0 =	vadd.f32 v7, v0  }
0x146: {  	v59 =	vmul.f32 v59, v40;
	v60 =	vld [tilespmem:s31+$0x123A0];
	v1 =	vadd.f32 v53, v1  }
0x147: {  	v7 =	vmul.f32 v3, v28;
	v3 =	vld [tilespmem:s0+$0x12320];
	v0 =	vadd.f32 v5, v0  }
0x148: {  	v53 =	vld [tilespmem:s31+$0x12420];
	v8 =	vmul.f32 v8, v41;
	v1 =	vadd.f32 v59, v1  }
0x149: {  	v5 =	vmul.f32 v62, v29;
	v62 =	vld [tilespmem:s0+$0x123A0];
	v0 =	vadd.f32 v7, v0  }
0x14a: {  	v63 =	vld [tilespmem:s31+$0x124A0];
	v6 =	vmul.f32 v6, v42;
	v1 =	vadd.f32 v8, v1  }
0x14b: {  	v7 =	vmul.f32 v60, v30;
	v8 =	vld [tilespmem:s0+$0x12420];
	v0 =	vadd.f32 v5, v0  }
0x14c: {  	v59 =	vld [tilespmem:s31+$0x12520];
	v3 =	vmul.f32 v3, v43;
	v1 =	vadd.f32 v6, v1  }
0x14d: {  	v61 =	vld [tilespmem:s0+$0x124A0];
	v53 =	vmul.f32 v53, v31;
	v0 =	vadd.f32 v7, v0  }
0x14e: {  	v6 =	vmul.f32 v62, v44;
	v62 =	vld [tilespmem:s31+$0x125A0];
	v1 =	vadd.f32 v3, v1  }
0x14f: {  	v7 =	vmul.f32 v63, v25;
	v63 =	vld [tilespmem:s0+$0x12520];
	v0 =	vadd.f32 v53, v0  }
0x150: {  	v60 =	vld [tilespmem:s30+$0x122D0];
	v8 =	vmul.f32 v8, v38;
	v1 =	vadd.f32 v6, v1  }
0x151: {  	v53 =	vmul.f32 v59, v32;
	v59 =	vld [tilespmem:s0+$0x125A0];
	v0 =	vadd.f32 v7, v0  }
0x152: {  	v6 =	vmul.f32 v61, v45;
	v61 =	vld [tilespmem:s30+$0x12350];
	v1 =	vadd.f32 v8, v1  }
0x153: {  	v7 =	vmul.f32 v62, v34;
	v62 =	vld [tilespmem:s30+$0x123D0];
	v0 =	vadd.f32 v53, v0  }
0x154: {  	v8 =	vmul.f32 v63, v47;
	v63 =	vld [tilespmem:s30+$0x12450];
	v1 =	vadd.f32 v6, v1  }
0x155: {  	v55 =	vmul.f32 v55, v19;
	v6 =	vmul.f32 v56, v18;
	v56 =	vld [tilespmem:s30+$0x124D0];
	v0 =	vadd.f32 v7, v0  }
0x156: {  	v7 =	vmul.f32 v59, v48;
	v59 =	vld [tilespmem:s30+$0x12550];
	v1 =	vadd.f32 v8, v1  }
0x157: {  	v2 =	vadd.f32 v55, v6;
	v8 =	vmul.f32 v58, v20;
	v55 =	vld [tilespmem:s30+$0x125D0];
	[tilespmem:s1+$0x18020] =	vst v0  }
0x158: {  	v1 =	vadd.f32 v7, v1;
	v3 =	vld [tilespmem:s31+$0x12030]  }
0x159: {  	v58 =	vmul.f32 v4, v21;
	v0 =	vadd.f32 v8, v2;
	v4 =	vld [tilespmem:s31+$0x120B0]  }
0x15a: {  	[tilespmem:s11+$0x18020] =	vst v1;
	v1 =	vld [tilespmem:s31+$0x12130]  }
0x15b: {  	v8 =	vmul.f32 v57, v22;
	v0 =	vadd.f32 v58, v0;
	v57 =	vld [tilespmem:s0+$0x12030]  }
0x15c: {  	v58 =	vld [tilespmem:s0+$0x120B0]  }
0x15d: {  	v53 =	vmul.f32 v60, v23;
	v60 =	vld [tilespmem:s31+$0x121B0];
	v0 =	vadd.f32 v8, v0  }
0x15e: {  	v5 =	vld [tilespmem:s0+$0x12130];
	v3 =	vmul.f32 v3, v33;
	v4 =	vmul.f32 v4, v35  }
0x15f: {  	v8 =	vmul.f32 v61, v17;
	v61 =	vld [tilespmem:s31+$0x12230];
	v0 =	vadd.f32 v53, v0  }
0x160: {  	v53 =	vmul.f32 v62, v16;
	v62 =	vld [tilespmem:s0+$0x121B0];
	v3 =	vadd.f32 v4, v3;
	v1 =	vmul.f32 v1, v24  }
0x161: {  	v0 =	vadd.f32 v8, v0;
	v6 =	vmul.f32 v57, v36;
	v7 =	vmul.f32 v58, v46;
	v58 =	vld [tilespmem:s31+$0x122B0]  }
0x162: {  	v8 =	vmul.f32 v60, v26;
	v60 =	vld [tilespmem:s0+$0x12230];
	v1 =	vadd.f32 v1, v3  }
0x163: {  	v0 =	vadd.f32 v53, v0;
	v2 =	vadd.f32 v7, v6;
	v53 =	vmul.f32 v5, v39;
	v5 =	vld [tilespmem:s31+$0x12330]  }
0x164: {  	v1 =	vadd.f32 v8, v1;
	v8 =	vmul.f32 v61, v27;
	v61 =	vld [tilespmem:s0+$0x122B0]  }
0x165: {  	v3 =	vmul.f32 v63, v15;
	v2 =	vadd.f32 v53, v2;
	v53 =	vmul.f32 v62, v40;
	v62 =	vld [tilespmem:s31+$0x123B0]  }
0x166: {  	v57 =	vld [tilespmem:s0+$0x12330];
	v1 =	vadd.f32 v8, v1;
	v8 =	vmul.f32 v58, v28  }
0x167: {  	v0 =	vadd.f32 v3, v0;
	v60 =	vmul.f32 v60, v41;
	v58 =	vld [tilespmem:s31+$0x12430];
	v2 =	vadd.f32 v53, v2  }
0x168: {  	v53 =	vmul.f32 v56, v14;
	v1 =	vadd.f32 v8, v1;
	v63 =	vmul.f32 v5, v29;
	v5 =	vld [tilespmem:s0+$0x123B0]  }
0x169: {  	v56 =	vld [tilespmem:s31+$0x124B0];
	v2 =	vadd.f32 v60, v2;
	v8 =	vmul.f32 v61, v42  }
0x16a: {  	v0 =	vadd.f32 v53, v0;
	v60 =	vld [tilespmem:s0+$0x12430];
	v1 =	vadd.f32 v63, v1;
	v53 =	vmul.f32 v62, v30  }
0x16b: {  	v3 =	vmul.f32 v59, v13;
	v2 =	vadd.f32 v8, v2;
	v8 =	vmul.f32 v57, v43;
	v57 =	vld [tilespmem:s31+$0x12530]  }
0x16c: {  	v55 =	vmul.f32 v55, v12;
	v1 =	vadd.f32 v53, v1;
	v53 =	vmul.f32 v58, v31;
	v58 =	vld [tilespmem:s0+$0x124B0]  }
0x16d: {  	v59 =	vld [tilespmem:s31+$0x125B0];
	v0 =	vadd.f32 v3, v0;
	v2 =	vadd.f32 v8, v2;
	v5 =	vmul.f32 v5, v44  }
0x16e: {  	v61 =	vld [tilespmem:s0+$0x12530];
	v8 =	vmul.f32 v56, v25;
	v1 =	vadd.f32 v53, v1  }
0x16f: {  	v0 =	vadd.f32 v55, v0;
	v62 =	vmul.f32 v60, v38;
	v2 =	vadd.f32 v5, v2  }
0x170: {  	v1 =	vadd.f32 v8, v1;
	v63 =	vmul.f32 v57, v32;
	v8 =	vld [tilespmem:s0+$0x125B0]  }
0x171: {  	[tilespmem:s29+$0x18050] =	vst v0;
	v53 =	vadd.f32 v62, v2;
	v60 =	vmul.f32 v58, v45  }
0x172: {  	v3 =	vld [tilespmem:s30+$0x12060];
	v62 =	vmul.f32 v59, v34;
	v1 =	vadd.f32 v63, v1  }
0x173: {  	v4 =	vld [tilespmem:s30+$0x12160];
	v63 =	vmul.f32 v61, v47;
	v0 =	vadd.f32 v60, v53  }
0x174: {  	v57 =	vld [tilespmem:s30+$0x121E0];
	v1 =	vadd.f32 v62, v1  }
0x175: {  	v6 =	vld [tilespmem:s30+$0x12260];
	v0 =	vadd.f32 v63, v0;
	v5 =	vmul.f32 v8, v48  }
0x176: {  	v2 =	vld [tilespmem:s30+$0x120E0];
	[tilespmem:s1+$0x18030] =	vst v1  }
0x177: {  	v0 =	vadd.f32 v5, v0;
	v5 =	vld [tilespmem:s31+$0x12040]  }
0x178: {  	v8 =	vld [tilespmem:s31+$0x120C0]  }
0x179: {  	[tilespmem:s11+$0x18030] =	vst v0;
	v0 =	vld [tilespmem:s31+$0x12140]  }
0x17a: {  	v59 =	vld [tilespmem:s0+$0x12040]  }
0x17b: {  	v60 =	vld [tilespmem:s0+$0x120C0]  }
0x17c: {  	v53 =	vld [tilespmem:s31+$0x121C0]  }
0x17d: {  	v5 =	vmul.f32 v5, v33;
	v58 =	vmul.f32 v8, v35;
	v8 =	vld [tilespmem:s0+$0x12140]  }
0x17e: {  	v63 =	vld [tilespmem:s31+$0x12240]  }
0x17f: {  	v5 =	vadd.f32 v58, v5;
	v0 =	vmul.f32 v0, v24;
	v58 =	vld [tilespmem:s0+$0x121C0]  }
0x180: {  	v1 =	vld [tilespmem:s31+$0x122C0];
	v59 =	vmul.f32 v59, v36;
	v60 =	vmul.f32 v60, v46  }
0x181: {  	v61 =	vld [tilespmem:s0+$0x12240];
	v53 =	vmul.f32 v53, v26;
	v0 =	vadd.f32 v0, v5  }
0x182: {  	v62 =	vld [tilespmem:s31+$0x12340];
	v59 =	vadd.f32 v60, v59;
	v8 =	vmul.f32 v8, v39  }
0x183: {  	v0 =	vadd.f32 v53, v0;
	v53 =	vmul.f32 v63, v27;
	v63 =	vld [tilespmem:s0+$0x122C0]  }
0x184: {  	v60 =	vld [tilespmem:s31+$0x123C0];
	v59 =	vadd.f32 v8, v59;
	v58 =	vmul.f32 v58, v40  }
0x185: {  	v1 =	vmul.f32 v1, v28;
	v5 =	vld [tilespmem:s0+$0x12340];
	v0 =	vadd.f32 v53, v0  }
0x186: {  	v8 =	vmul.f32 v61, v41;
	v61 =	vld [tilespmem:s31+$0x12440];
	v58 =	vadd.f32 v58, v59  }
0x187: {  	v53 =	vmul.f32 v62, v29;
	v62 =	vld [tilespmem:s0+$0x123C0];
	v0 =	vadd.f32 v1, v0  }
0x188: {  	v58 =	vadd.f32 v8, v58;
	v7 =	vmul.f32 v63, v42;
	v63 =	vld [tilespmem:s31+$0x124C0]  }
0x189: {  	v8 =	vmul.f32 v60, v30;
	v60 =	vld [tilespmem:s0+$0x12440];
	v0 =	vadd.f32 v53, v0  }
0x18a: {  	v5 =	vmul.f32 v5, v43;
	v59 =	vld [tilespmem:s31+$0x12540];
	v58 =	vadd.f32 v7, v58  }
0x18b: {  	v53 =	vmul.f32 v61, v31;
	v61 =	vld [tilespmem:s0+$0x124C0];
	v0 =	vadd.f32 v8, v0  }
0x18c: {  	v8 =	vmul.f32 v62, v44;
	v62 =	vld [tilespmem:s31+$0x125C0];
	v5 =	vadd.f32 v5, v58  }
0x18d: {  	v0 =	vadd.f32 v53, v0;
	v53 =	vmul.f32 v63, v25;
	v63 =	vld [tilespmem:s0+$0x12540]  }
0x18e: {  	v5 =	vadd.f32 v8, v5;
	v8 =	vmul.f32 v60, v38;
	v60 =	vld [tilespmem:s30+$0x122E0]  }
0x18f: {  	v0 =	vadd.f32 v53, v0;
	v53 =	vmul.f32 v59, v32;
	v59 =	vld [tilespmem:s0+$0x125C0]  }
0x190: {  	v5 =	vadd.f32 v8, v5;
	v8 =	vmul.f32 v61, v45;
	v61 =	vld [tilespmem:s30+$0x12360]  }
0x191: {  	v0 =	vadd.f32 v53, v0;
	v53 =	vmul.f32 v62, v34;
	v62 =	vld [tilespmem:s30+$0x123E0]  }
0x192: {  	v5 =	vadd.f32 v8, v5;
	v7 =	vmul.f32 v63, v47;
	v63 =	vld [tilespmem:s30+$0x12460]  }
0x193: {  	v2 =	vmul.f32 v2, v19;
	v8 =	vmul.f32 v3, v18;
	v3 =	vld [tilespmem:s30+$0x124E0];
	v0 =	vadd.f32 v53, v0  }
0x194: {  	v5 =	vadd.f32 v7, v5;
	v53 =	vmul.f32 v59, v48;
	v59 =	vld [tilespmem:s30+$0x12560]  }
0x195: {  	v1 =	vadd.f32 v2, v8;
	v7 =	vld [tilespmem:s30+$0x125E0];
	[tilespmem:s1+$0x18040] =	vst v0;
	v0 =	vmul.f32 v4, v20  }
0x196: {  	v53 =	vadd.f32 v53, v5;
	v5 =	vld [tilespmem:s31+$0x12050]  }
0x197: {  	v8 =	vmul.f32 v57, v21;
	v57 =	vld [tilespmem:s31+$0x120D0];
	v0 =	vadd.f32 v0, v1  }
0x198: {  	v4 =	vld [tilespmem:s31+$0x12150];
	[tilespmem:s11+$0x18040] =	vst v53  }
0x199: {  	v53 =	vmul.f32 v6, v22;
	v0 =	vadd.f32 v8, v0;
	v6 =	vld [tilespmem:s0+$0x12050]  }
0x19a: {  	v58 =	vld [tilespmem:s0+$0x120D0]  }
0x19b: {  	v0 =	vadd.f32 v53, v0;
	v53 =	vmul.f32 v60, v23;
	v60 =	vld [tilespmem:s31+$0x121D0]  }
0x19c: {  	v2 =	vld [tilespmem:s0+$0x12150];
	v5 =	vmul.f32 v5, v33;
	v57 =	vmul.f32 v57, v35  }
0x19d: {  	v8 =	vmul.f32 v61, v17;
	v61 =	vld [tilespmem:s31+$0x12250];
	v4 =	vmul.f32 v4, v24  }
0x19e: {  	v0 =	vadd.f32 v53, v0;
	v5 =	vadd.f32 v57, v5;
	v57 =	vld [tilespmem:s0+$0x121D0];
	v53 =	vmul.f32 v62, v16  }
0x19f: {  	v1 =	vmul.f32 v6, v36;
	v6 =	vmul.f32 v58, v46;
	v58 =	vld [tilespmem:s31+$0x122D0]  }
0x1a0: {  	v62 =	vld [tilespmem:s0+$0x12250];
	v0 =	vadd.f32 v8, v0;
	v4 =	vadd.f32 v4, v5;
	v60 =	vmul.f32 v60, v26  }
0x1a1: {  	v2 =	vmul.f32 v2, v39;
	v1 =	vadd.f32 v6, v1;
	v6 =	vld [tilespmem:s31+$0x12350]  }
0x1a2: {  	v0 =	vadd.f32 v53, v0;
	v53 =	vmul.f32 v61, v27;
	v4 =	vadd.f32 v60, v4;
	v60 =	vld [tilespmem:s0+$0x122D0]  }
0x1a3: {  	v61 =	vld [tilespmem:s31+$0x123D0];
	v1 =	vadd.f32 v2, v1;
	v57 =	vmul.f32 v57, v40  }
0x1a4: {  	v8 =	vmul.f32 v63, v15;
	v4 =	vadd.f32 v53, v4;
	v53 =	vmul.f32 v58, v28;
	v58 =	vld [tilespmem:s0+$0x12350]  }
0x1a5: {  	v3 =	vmul.f32 v3, v14;
	v63 =	vmul.f32 v62, v41;
	v1 =	vadd.f32 v57, v1;
	v57 =	vld [tilespmem:s31+$0x12450]  }
0x1a6: {  	v0 =	vadd.f32 v8, v0;
	v4 =	vadd.f32 v53, v4;
	v53 =	vmul.f32 v6, v29;
	v6 =	vld [tilespmem:s0+$0x123D0]  }
0x1a7: {  	v1 =	vadd.f32 v63, v1;
	v8 =	vmul.f32 v60, v42;
	v60 =	vld [tilespmem:s31+$0x124D0]  }
0x1a8: {  	v5 =	vld [tilespmem:s0+$0x12450];
	v0 =	vadd.f32 v3, v0;
	v3 =	vadd.f32 v53, v4;
	v53 =	vmul.f32 v61, v30  }
0x1a9: {  	v61 =	vld [tilespmem:s31+$0x12550];
	v1 =	vadd.f32 v8, v1;
	v58 =	vmul.f32 v58, v43  }
0x1aa: {  	v3 =	vadd.f32 v53, v3;
	v53 =	vmul.f32 v57, v31;
	v57 =	vld [tilespmem:s0+$0x124D0]  }
0x1ab: {  	v8 =	vmul.f32 v59, v13;
	v1 =	vadd.f32 v58, v1;
	v59 =	vmul.f32 v6, v44;
	v6 =	vld [tilespmem:s31+$0x125D0]  }
0x1ac: {  	v4 =	vmul.f32 v7, v12;
	v3 =	vadd.f32 v53, v3;
	v7 =	vmul.f32 v60, v25;
	v60 =	vld [tilespmem:s0+$0x12550]  }
0x1ad: {  	v53 =	vmul.f32 v5, v38;
	v1 =	vadd.f32 v59, v1  }
0x1ae: {  	v63 =	vld [tilespmem:s0+$0x125D0];
	v0 =	vadd.f32 v8, v0;
	v62 =	vmul.f32 v61, v32;
	v3 =	vadd.f32 v7, v3  }
0x1af: {  	v1 =	vadd.f32 v53, v1;
	v8 =	vmul.f32 v57, v45  }
0x1b0: {  	v0 =	vadd.f32 v4, v0;
	v53 =	vadd.f32 v62, v3;
	v61 =	vmul.f32 v6, v34  }
0x1b1: {  	v1 =	vadd.f32 v8, v1;
	v62 =	vmul.f32 v60, v47  }
0x1b2: {  	[tilespmem:s29+$0x18060] =	vst v0;
	v0 =	vadd.f32 v61, v53  }
0x1b3: {  	v63 =	vmul.f32 v63, v48;
	v1 =	vadd.f32 v62, v1  }
0x1b4: {  	v54 =	vld [tilespmem:s28+$0x122F0];
	[tilespmem:s1+$0x18050] =	vst v0  }
0x1b5: {  	v1 =	vadd.f32 v63, v1;
	v2 =	vld [tilespmem:s31+$0x12060]  }
0x1b6: {  	v6 =	vld [tilespmem:s31+$0x120E0]  }
0x1b7: {  	[tilespmem:s11+$0x18050] =	vst v1;
	v1 =	vld [tilespmem:s31+$0x12160]  }
0x1b8: {  	v7 =	vld [tilespmem:s0+$0x12060]  }
0x1b9: {  	v60 =	vld [tilespmem:s0+$0x120E0]  }
0x1ba: {  	v53 =	vld [tilespmem:s31+$0x121E0]  }
0x1bb: {  	v62 =	vld [tilespmem:s0+$0x12160];
	v2 =	vmul.f32 v2, v33;
	v6 =	vmul.f32 v6, v35  }
0x1bc: {  	v63 =	vld [tilespmem:s31+$0x12260]  }
0x1bd: {  	v2 =	vadd.f32 v6, v2;
	v1 =	vmul.f32 v1, v24;
	v6 =	vld [tilespmem:s0+$0x121E0]  }
0x1be: {  	v0 =	vld [tilespmem:s31+$0x122E0];
	v7 =	vmul.f32 v7, v36;
	v60 =	vmul.f32 v60, v46  }
0x1bf: {  	v61 =	vld [tilespmem:s0+$0x12260];
	v53 =	vmul.f32 v53, v26;
	v1 =	vadd.f32 v1, v2  }
0x1c0: {  	v7 =	vadd.f32 v60, v7;
	v60 =	vmul.f32 v62, v39;
	v62 =	vld [tilespmem:s31+$0x12360]  }
0x1c1: {  	v55 =	vld [tilespmem:s28+$0x123F0];
	v1 =	vadd.f32 v53, v1;
	v53 =	vmul.f32 v63, v27  }
0x1c2: {  	v7 =	vadd.f32 v60, v7;
	v6 =	vmul.f32 v6, v40;
	v60 =	vld [tilespmem:s31+$0x123E0]  }
0x1c3: {  	v56 =	vld [tilespmem:s28+$0x12470];
	v0 =	vmul.f32 v0, v28;
	v1 =	vadd.f32 v53, v1  }
0x1c4: {  	v6 =	vadd.f32 v6, v7;
	v7 =	vmul.f32 v61, v41;
	v61 =	vld [tilespmem:s31+$0x12460]  }
0x1c5: {  	v58 =	vld [tilespmem:s28+$0x12570];
	v0 =	vadd.f32 v0, v1;
	v53 =	vmul.f32 v62, v29  }
0x1c6: {  	v59 =	vld [tilespmem:s28+$0x124F0]  }
0x1c7: {  	v57 =	vld [tilespmem:s28+$0x125F0];
	v0 =	vadd.f32 v53, v0;
	v53 =	vmul.f32 v60, v30  }
0x1c8: {  	v4 =	vld [tilespmem:s30+$0x12070]  }
0x1c9: {  	v63 =	vld [tilespmem:s0+$0x122E0];
	v0 =	vadd.f32 v53, v0;
	v53 =	vmul.f32 v61, v31  }
0x1ca: {  	v3 =	vld [tilespmem:s30+$0x120F0]  }
0x1cb: {  	v0 =	vadd.f32 v53, v0;
	v53 =	vld [tilespmem:$0x1FF60]  }
0x1cc: {  	v2 =	vld [tilespmem:s0+$0x12360]  }
0x1cd: {  	v62 =	vld [tilespmem:s0+$0x123E0]  }
0x1ce: {  	v6 =	vadd.f32 v7, v6;
	v7 =	vmul.f32 v63, v42;
	v63 =	vld [tilespmem:s31+$0x124E0]  }
0x1cf: {  	v60 =	vld [tilespmem:s0+$0x12460]  }
0x1d0: {  	v11 =	vmul.f32 v53, v11;
	v53 =	vld [tilespmem:$0x1FF70]  }
0x1d1: {  	v2 =	vmul.f32 v2, v43;
	v6 =	vadd.f32 v7, v6;
	v7 =	vld [tilespmem:s31+$0x12560]  }
0x1d2: {  	v61 =	vld [tilespmem:s0+$0x124E0]  }
0x1d3: {  	v2 =	vadd.f32 v2, v6;
	v6 =	vmul.f32 v62, v44;
	v62 =	vld [tilespmem:s31+$0x125E0]  }
0x1d4: {  	v1 =	vmul.f32 v63, v25;
	v63 =	vld [tilespmem:s0+$0x12560]  }
0x1d5: {  	v2 =	vadd.f32 v6, v2;
	v6 =	vmul.f32 v60, v38;
	v10 =	vmul.f32 v53, v10;
	v53 =	vld [tilespmem:$0x1FF80]  }
0x1d6: {  	v5 =	vld [tilespmem:s30+$0x12170];
	v0 =	vadd.f32 v1, v0  }
0x1d7: {  	v8 =	vld [tilespmem:s30+$0x121F0];
	v1 =	vmul.f32 v7, v32;
	v2 =	vadd.f32 v6, v2;
	v6 =	vmul.f32 v61, v45  }
0x1d8: {  	v60 =	vld [tilespmem:s30+$0x12270]  }
0x1d9: {  	v7 =	vld [tilespmem:s0+$0x125E0];
	v0 =	vadd.f32 v1, v0;
	v2 =	vadd.f32 v6, v2;
	v6 =	vmul.f32 v62, v34  }
0x1da: {  	v9 =	vmul.f32 v53, v9;
	v53 =	vmul.f32 v63, v47;
	v63 =	vld [tilespmem:$0x1FF90]  }
0x1db: {  	v61 =	vld [tilespmem:s30+$0x122F0];
	v0 =	vadd.f32 v6, v0  }
0x1dc: {  	v1 =	vld [tilespmem:s30+$0x12370]  }
0x1dd: {  	v62 =	vld [tilespmem:s30+$0x123F0];
	[tilespmem:s1+$0x18060] =	vst v0;
	v10 =	vadd.f32 v10, v11  }
0x1de: {  	v6 =	vld [tilespmem:s31+$0x12070]  }
0x1df: {  	v9 =	vadd.f32 v9, v10;
	v10 =	vmul.f32 v63, v37;
	v63 =	vld [tilespmem:$0x1FFA0]  }
0x1e0: {  	v0 =	vld [tilespmem:s31+$0x120F0]  }
0x1e1: {  	v11 =	vld [tilespmem:s30+$0x12570];
	v2 =	vadd.f32 v53, v2;
	v53 =	vmul.f32 v7, v48  }
0x1e2: {  	v7 =	vld [tilespmem:s30+$0x124F0]  }
0x1e3: {  	v53 =	vadd.f32 v53, v2;
	v2 =	vld [tilespmem:s30+$0x125F0]  }
0x1e4: {  	v37 =	vld [tilespmem:s30+$0x12470];
	v9 =	vadd.f32 v10, v9;
	v10 =	vmul.f32 v63, v49  }
0x1e5: {  	[tilespmem:s11+$0x18060] =	vst v53;
	v53 =	vld [tilespmem:s31+$0x12170]  }
0x1e6: {  	v54 =	vmul.f32 v54, v50;
	v49 =	vld [tilespmem:$0x1FFB0];
	v9 =	vadd.f32 v10, v9  }
0x1e7: {  	v50 =	vld [tilespmem:s0+$0x120F0]  }
0x1e8: {  	v4 =	vmul.f32 v4, v18;
	v3 =	vmul.f32 v3, v19;
	v9 =	vadd.f32 v54, v9;
	v54 =	vld [tilespmem:$0x1FFC0]  }
0x1e9: {  	v0 =	vmul.f32 v0, v35;
	v35 =	vld [tilespmem:s0+$0x121F0]  }
0x1ea: {  	v3 =	vadd.f32 v3, v4;
	v63 =	vmul.f32 v5, v20;
	v5 =	vld [tilespmem:s0+$0x12070]  }
0x1eb: {  	v61 =	vmul.f32 v61, v23;
	v23 =	vld [tilespmem:s0+$0x12370];
	v10 =	vmul.f32 v49, v52  }
0x1ec: {  	v15 =	vmul.f32 v37, v15;
	v37 =	vld [tilespmem:s0+$0x12470];
	v3 =	vadd.f32 v63, v3;
	v52 =	vmul.f32 v8, v21  }
0x1ed: {  	v9 =	vadd.f32 v10, v9;
	v10 =	vmul.f32 v55, v54;
	v55 =	vmul.f32 v56, v51;
	v56 =	vld [tilespmem:s0+$0x12170]  }
0x1ee: {  	v6 =	vmul.f32 v6, v33;
	v63 =	vld [tilespmem:s31+$0x121F0];
	v50 =	vmul.f32 v50, v46  }
0x1ef: {  	v49 =	vmul.f32 v5, v36;
	v3 =	vadd.f32 v52, v3;
	v52 =	vmul.f32 v53, v24;
	v53 =	vld [tilespmem:s0+$0x12270]  }
0x1f0: {  	v60 =	vmul.f32 v60, v22;
	v51 =	vld [tilespmem:s31+$0x12270];
	v9 =	vadd.f32 v10, v9  }
0x1f1: {  	v0 =	vadd.f32 v0, v6;
	v21 =	vld [tilespmem:s31+$0x12370];
	v4 =	vadd.f32 v50, v49  }
0x1f2: {  	v3 =	vadd.f32 v60, v3;
	v9 =	vadd.f32 v55, v9;
	v55 =	vld [tilespmem:s31+$0x122F0];
	v54 =	vmul.f32 v56, v39  }
0x1f3: {  	v1 =	vmul.f32 v1, v17;
	v0 =	vadd.f32 v52, v0;
	v60 =	vld [tilespmem:s0+$0x122F0];
	v56 =	vmul.f32 v63, v26  }
0x1f4: {  	v3 =	vadd.f32 v61, v3;
	v61 =	vld [tilespmem:$0x1FFD0];
	v63 =	vmul.f32 v35, v40;
	v4 =	vadd.f32 v54, v4  }
0x1f5: {  	v24 =	vmul.f32 v53, v41;
	v41 =	vld [tilespmem:s31+$0x124F0];
	v22 =	vmul.f32 v51, v27;
	v0 =	vadd.f32 v56, v0  }
0x1f6: {  	v16 =	vmul.f32 v62, v16;
	v7 =	vmul.f32 v7, v14;
	v26 =	vld [tilespmem:s31+$0x123F0];
	v4 =	vadd.f32 v63, v4  }
0x1f7: {  	v2 =	vmul.f32 v2, v12;
	v0 =	vadd.f32 v22, v0;
	v27 =	vmul.f32 v55, v28;
	v28 =	vld [tilespmem:s0+$0x123F0]  }
0x1f8: {  	v1 =	vadd.f32 v1, v3;
	v33 =	vmul.f32 v60, v42;
	v35 =	vld [tilespmem:s31+$0x12470];
	v4 =	vadd.f32 v24, v4  }
0x1f9: {  	v52 =	vmul.f32 v37, v38;
	v36 =	vmul.f32 v21, v29;
	v39 =	vld [tilespmem:$0x1FFE0];
	v0 =	vadd.f32 v27, v0  }
0x1fa: {  	v40 =	vmul.f32 v23, v43;
	v43 =	vld [tilespmem:s0+$0x124F0];
	v1 =	vadd.f32 v16, v1;
	v4 =	vadd.f32 v33, v4  }
0x1fb: {  	v20 =	vmul.f32 v59, v61;
	v56 =	vld [tilespmem:$0x1FFF0];
	v42 =	vmul.f32 v26, v30;
	v0 =	vadd.f32 v36, v0  }
0x1fc: {  	v46 =	vld [tilespmem:s31+$0x12570];
	v54 =	vmul.f32 v11, v13;
	v44 =	vmul.f32 v28, v44;
	v4 =	vadd.f32 v40, v4  }
0x1fd: {  	v50 =	vld [tilespmem:s0+$0x12570];
	v1 =	vadd.f32 v15, v1;
	v49 =	vmul.f32 v35, v31;
	v0 =	vadd.f32 v42, v0  }
0x1fe: {  	v51 =	vld [tilespmem:s31+$0x125F0];
	v9 =	vadd.f32 v20, v9;
	v55 =	vmul.f32 v41, v25;
	v4 =	vadd.f32 v44, v4  }
0x1ff: {  	v53 =	vld [tilespmem:s0+$0x125F0];
	v17 =	vmul.f32 v58, v39;
	v1 =	vadd.f32 v7, v1;
	v0 =	vadd.f32 v49, v0  }
0x200: {  	v6 =	vmul.f32 v57, v56;
	v57 =	vmul.f32 v43, v45;
	v4 =	vadd.f32 v52, v4  }
0x201: {  	v58 =	vmul.f32 v46, v32;
	v9 =	vadd.f32 v17, v9;
	v0 =	vadd.f32 v55, v0  }
0x202: {  	v59 =	vmul.f32 v50, v47;
	v1 =	vadd.f32 v54, v1;
	v4 =	vadd.f32 v57, v4  }
0x203: {  	p1 =	por p0, p0;
	v60 =	vmul.f32 v51, v34;
	v6 =	vadd.f32 v6, v9;
	v0 =	vadd.f32 v58, v0  }
.Ltmp0:
0x204: {  	v62 =	vmul.f32 v53, v48;
	v1 =	vadd.f32 v2, v1;
	v61 =	vadd.f32 v59, v4;
	(pc) =	sbr.rel @p1 .LBB2_3-.Ltmp0, $4  }
0x205: {  	[tilespmem:s26+$0x18070] =	vst v6;
	v0 =	vadd.f32 v60, v0  }
0x206: {  	[tilespmem:s29+$0x18070] =	vst v1;
	v63 =	vadd.f32 v62, v61  }
0x207: {  	[tilespmem:s1+$0x18070] =	vst v0  }
0x208: {  	p0 =	por $0x0, $0x0;
	s0 =	simm.s32 $0x4;
	[tilespmem:s11+$0x18070] =	vst v63  }
0x209: {  	p0 =	seq.s32 s24, $0x8F  }
0x20a: {  	s0 =	sshll.u32 @!p0 s24, $0x8  }
0x20b: {  	s26 =	sand.u32 @!p0 $0x3FFFFF00, s0  }
0x20c: {  	s1 =	simm.s32 @!p0 $0x30;
	s11 =	simm.s32 @!p0 $0x12000;
	s0 =	sadd.s32 @!p0 $0x100, s26  }
0x20d: {  	[tilespmem:s11], [sflag:$0x1] =	stream.indirect.gather @!p0 [hbm4b:s4+s1], $0x80, s0, s1, $0xb8;
	[tilespmem:$0x18800] =	vst v63  }
0x20e: {  	s0 =	sadd.s32 @!p0 $0x130, s26;
	s11 =	simm.s32 @!p0 $0x13800  }
0x20f: {  	[tilespmem:s11], [sflag:$0x1] =	stream.indirect.gather @!p0 [hbm4b:s4+s1], $0x80, s0, s1, $0xb8;
	[tilespmem:$0x18800] =	vst v63  }
0x210: {  	_ =	swait.ge [sflag:s20], $0x1800  }
0x211: {  	[sflag:s20] =	ssyncset.done $0x0  }
0x212: {  	[sflag:s20] =	ssyncadd.s32 $0xFFFFE800  }
0x213: {  	_ =	swait.ge [sflag:s20], $0x1800  }
0x214: {  	s25 =	sor.u32 $0x8, s25;
	[sflag:s20] =	ssyncset.done $0x0  }
0x215: {  	p1 =	por $0x1, $0x1;
	s0 =	simm.s32 $0x0;
	[sflag:s20] =	ssyncadd.s32 $0xFFFFE800  }
.LBB2_5:
0x216: {  	s1 =	sor.u32 s25, s0  }
0x217: {  	s11 =	smul.u32 $0x1800, s0;
	s1 =	sshll.u32 s1, $0x4  }
0x218: {  	s1 =	sand.u32 $0x3FFFFFF0, s1  }
0x219: {  	s29 =	sshra.s32 s11, $0x2;
	v0 =	vld [tilespmem:s1+$0x9000]  }
0x21a: {  	v1 =	vld [tilespmem:s29+$0x15000]  }
0x21b: {  	v2 =	vld [tilespmem:s29+$0x15080];
	_ =	sdelay $0x1  }
0x21c: {  	v3 =	vld [tilespmem:s29+$0x15100]  }
0x21d: {  	v11 =	vbroadcast v0, $0x0;
	v10 =	vbroadcast v0, $0x1  }
0x21e: {  	v4 =	vld [tilespmem:s29+$0x15180];
	v9 =	vbroadcast v0, $0x2  }
0x21f: {  	v1 =	vmul.f32 v1, v11;
	v2 =	vmul.f32 v2, v10  }
0x220: {  	v5 =	vld [tilespmem:s29+$0x15200]  }
0x221: {  	v48 =	vbroadcast v0, $0x3;
	v37 =	vmul.f32 v3, v9;
	v1 =	vadd.f32 v2, v1  }
0x222: {  	v38 =	vld [tilespmem:s29+$0x15280]  }
0x223: {  	v49 =	vbroadcast v0, $0x4;
	v39 =	vmul.f32 v4, v48;
	v1 =	vadd.f32 v37, v1  }
0x224: {  	v12 =	vld [tilespmem:s29+$0x15300]  }
0x225: {  	v50 =	vbroadcast v0, $0x5;
	v40 =	vmul.f32 v5, v49;
	v1 =	vadd.f32 v39, v1  }
0x226: {  	v41 =	vld [tilespmem:s29+$0x15380]  }
0x227: {  	v52 =	vbroadcast v0, $0x6;
	v42 =	vmul.f32 v38, v50;
	v1 =	vadd.f32 v40, v1  }
0x228: {  	v13 =	vld [tilespmem:s29+$0x15400]  }
0x229: {  	v43 =	vmul.f32 v12, v52;
	v3 =	vbroadcast v0, $0x7;
	v1 =	vadd.f32 v42, v1  }
0x22a: {  	v44 =	vld [tilespmem:s29+$0x15480]  }
0x22b: {  	v51 =	vbroadcast v0, $0x8;
	v45 =	vmul.f32 v41, v3;
	v1 =	vadd.f32 v43, v1  }
0x22c: {  	v14 =	vld [tilespmem:s29+$0x15500]  }
0x22d: {  	v13 =	vmul.f32 v13, v51;
	v2 =	vbroadcast v0, $0x9;
	v1 =	vadd.f32 v45, v1  }
0x22e: {  	v15 =	vld [tilespmem:s29+$0x15580]  }
0x22f: {  	v12 =	vmul.f32 v44, v2;
	v13 =	vadd.f32 v13, v1;
	v1 =	vbroadcast v0, $0xA;
	_ =	sdelay $0x1  }
0x230: {  	v0 =	vbroadcast v0, $0xB;
	v12 =	vadd.f32 v12, v13;
	v46 =	vmul.f32 v14, v1;
	_ =	sdelay $0x1  }
0x231: {  	v47 =	vmul.f32 v15, v0;
	v12 =	vadd.f32 v46, v12;
	_ =	sdelay $0x1  }
0x232: {  	s11 =	sshll.u32 s0, $0x7;
	v12 =	vadd.f32 v47, v12  }
0x233: {  	s28 =	sand.u32 $0x3FFFFF80, s11  }
0x234: {  	[tilespmem:s28+$0x18400] =	vst v12  }
0x235: {  	v12 =	vld [tilespmem:s29+$0x15010]  }
0x236: {  	v53 =	vld [tilespmem:s29+$0x15090];
	_ =	sdelay $0x1  }
0x237: {  	v54 =	vld [tilespmem:s29+$0x15110];
	_ =	sdelay $0x1  }
0x238: {  	v55 =	vld [tilespmem:s29+$0x15190]  }
0x239: {  	v12 =	vmul.f32 v12, v11;
	v13 =	vmul.f32 v53, v10  }
0x23a: {  	v16 =	vld [tilespmem:s29+$0x15210]  }
0x23b: {  	v56 =	vmul.f32 v54, v9;
	v12 =	vadd.f32 v13, v12  }
0x23c: {  	v57 =	vld [tilespmem:s29+$0x15290]  }
0x23d: {  	v58 =	vmul.f32 v55, v48;
	v12 =	vadd.f32 v56, v12  }
0x23e: {  	v59 =	vld [tilespmem:s29+$0x15310]  }
0x23f: {  	v60 =	vmul.f32 v16, v49;
	v12 =	vadd.f32 v58, v12  }
0x240: {  	v61 =	vld [tilespmem:s29+$0x15390]  }
0x241: {  	v62 =	vmul.f32 v57, v50;
	v12 =	vadd.f32 v60, v12  }
0x242: {  	v63 =	vld [tilespmem:s29+$0x15410]  }
0x243: {  	v4 =	vmul.f32 v59, v52;
	v12 =	vadd.f32 v62, v12  }
0x244: {  	v5 =	vld [tilespmem:s29+$0x15490]  }
0x245: {  	v6 =	vmul.f32 v61, v3;
	v12 =	vadd.f32 v4, v12  }
0x246: {  	v7 =	vld [tilespmem:s29+$0x15510]  }
0x247: {  	v8 =	vmul.f32 v63, v51;
	v12 =	vadd.f32 v6, v12  }
0x248: {  	v17 =	vld [tilespmem:s29+$0x15590]  }
0x249: {  	v18 =	vmul.f32 v5, v2;
	v12 =	vadd.f32 v8, v12;
	_ =	sdelay $0x1  }
0x24a: {  	v19 =	vmul.f32 v7, v1;
	v12 =	vadd.f32 v18, v12;
	_ =	sdelay $0x1  }
0x24b: {  	v20 =	vmul.f32 v17, v0;
	v12 =	vadd.f32 v19, v12;
	_ =	sdelay $0x1  }
0x24c: {  	v12 =	vadd.f32 v20, v12;
	_ =	sdelay $0x1  }
0x24d: {  	[tilespmem:s28+$0x18410] =	vst v12  }
0x24e: {  	v12 =	vld [tilespmem:s29+$0x15020]  }
0x24f: {  	v21 =	vld [tilespmem:s29+$0x150A0];
	_ =	sdelay $0x1  }
0x250: {  	v22 =	vld [tilespmem:s29+$0x15120];
	_ =	sdelay $0x1  }
0x251: {  	v23 =	vld [tilespmem:s29+$0x151A0]  }
0x252: {  	v12 =	vmul.f32 v12, v11;
	v13 =	vmul.f32 v21, v10  }
0x253: {  	v24 =	vld [tilespmem:s29+$0x15220]  }
0x254: {  	v25 =	vmul.f32 v22, v9;
	v12 =	vadd.f32 v13, v12  }
0x255: {  	v26 =	vld [tilespmem:s29+$0x152A0]  }
0x256: {  	v27 =	vmul.f32 v23, v48;
	v12 =	vadd.f32 v25, v12  }
0x257: {  	v28 =	vld [tilespmem:s29+$0x15320]  }
0x258: {  	v29 =	vmul.f32 v24, v49;
	v12 =	vadd.f32 v27, v12  }
0x259: {  	v30 =	vld [tilespmem:s29+$0x153A0]  }
0x25a: {  	v31 =	vmul.f32 v26, v50;
	v12 =	vadd.f32 v29, v12  }
0x25b: {  	v32 =	vld [tilespmem:s29+$0x15420]  }
0x25c: {  	v33 =	vmul.f32 v28, v52;
	v12 =	vadd.f32 v31, v12  }
0x25d: {  	v34 =	vld [tilespmem:s29+$0x154A0]  }
0x25e: {  	v35 =	vmul.f32 v30, v3;
	v12 =	vadd.f32 v33, v12  }
0x25f: {  	v36 =	vld [tilespmem:s29+$0x15520]  }
0x260: {  	v37 =	vmul.f32 v32, v51;
	v12 =	vadd.f32 v35, v12  }
0x261: {  	v38 =	vld [tilespmem:s29+$0x155A0]  }
0x262: {  	v39 =	vmul.f32 v34, v2;
	v12 =	vadd.f32 v37, v12;
	_ =	sdelay $0x1  }
0x263: {  	v40 =	vmul.f32 v36, v1;
	v12 =	vadd.f32 v39, v12;
	_ =	sdelay $0x1  }
0x264: {  	v41 =	vmul.f32 v38, v0;
	v12 =	vadd.f32 v40, v12;
	_ =	sdelay $0x1  }
0x265: {  	v12 =	vadd.f32 v41, v12;
	_ =	sdelay $0x1  }
0x266: {  	[tilespmem:s28+$0x18420] =	vst v12  }
0x267: {  	s12 =	sor.u32 $0x1, s0;
	v12 =	vld [tilespmem:s29+$0x15030]  }
0x268: {  	s1 =	smul.u32 $0x1800, s12;
	v42 =	vld [tilespmem:s29+$0x150B0]  }
0x269: {  	s30 =	sor.u32 s25, s12  }
0x26a: {  	s11 =	sshll.u32 s30, $0x4;
	s30 =	sshra.s32 s1, $0x2;
	v43 =	vld [tilespmem:s29+$0x15130]  }
0x26b: {  	v45 =	vld [tilespmem:s30+$0x15000]  }
0x26c: {  	s11 =	sand.u32 $0x3FFFFFF0, s11;
	v44 =	vld [tilespmem:s29+$0x151B0]  }
0x26d: {  	v24 =	vld [tilespmem:s11+$0x9000];
	v12 =	vmul.f32 v12, v11;
	v13 =	vmul.f32 v42, v10  }
0x26e: {  	v21 =	vld [tilespmem:s29+$0x15230]  }
0x26f: {  	v17 =	vld [tilespmem:s30+$0x15080];
	v46 =	vmul.f32 v43, v9;
	v12 =	vadd.f32 v13, v12  }
0x270: {  	v22 =	vld [tilespmem:s29+$0x152B0]  }
0x271: {  	v47 =	vld [tilespmem:s30+$0x15100];
	v53 =	vmul.f32 v44, v48;
	v12 =	vadd.f32 v46, v12  }
0x272: {  	v18 =	vbroadcast v24, $0x0;
	v19 =	vbroadcast v24, $0x1;
	v23 =	vld [tilespmem:s29+$0x15330]  }
0x273: {  	v55 =	vld [tilespmem:s30+$0x15180];
	v20 =	vbroadcast v24, $0x2;
	v56 =	vmul.f32 v21, v49;
	v12 =	vadd.f32 v53, v12  }
0x274: {  	v54 =	vmul.f32 v45, v18;
	v17 =	vmul.f32 v17, v19;
	v26 =	vld [tilespmem:s29+$0x153B0]  }
0x275: {  	v27 =	vld [tilespmem:s29+$0x15430];
	v57 =	vmul.f32 v22, v50;
	v12 =	vadd.f32 v56, v12  }
0x276: {  	v25 =	vld [tilespmem:s30+$0x15200];
	v14 =	vmul.f32 v47, v20;
	v15 =	vadd.f32 v17, v54  }
0x277: {  	v28 =	vld [tilespmem:s29+$0x154B0];
	v21 =	vbroadcast v24, $0x3;
	v60 =	vmul.f32 v23, v52;
	v12 =	vadd.f32 v57, v12  }
0x278: {  	v58 =	vld [tilespmem:s30+$0x15280];
	v14 =	vadd.f32 v14, v15;
	v22 =	vbroadcast v24, $0x4  }
0x279: {  	v61 =	vld [tilespmem:s30+$0x15300];
	v63 =	vmul.f32 v26, v3;
	v59 =	vmul.f32 v55, v21;
	v12 =	vadd.f32 v60, v12  }
0x27a: {  	v5 =	vld [tilespmem:s29+$0x15530];
	v23 =	vbroadcast v24, $0x5;
	v7 =	vmul.f32 v27, v51  }
0x27b: {  	v29 =	vld [tilespmem:s29+$0x155B0];
	v62 =	vmul.f32 v25, v22;
	v14 =	vadd.f32 v59, v14;
	v12 =	vadd.f32 v63, v12  }
0x27c: {  	v4 =	vld [tilespmem:s30+$0x15380];
	v17 =	vbroadcast v24, $0x6;
	v33 =	vmul.f32 v28, v2  }
0x27d: {  	v8 =	vld [tilespmem:s30+$0x15400];
	v6 =	vmul.f32 v58, v23;
	v14 =	vadd.f32 v62, v14;
	v12 =	vadd.f32 v7, v12  }
0x27e: {  	v16 =	vbroadcast v24, $0x7;
	v32 =	vmul.f32 v61, v17  }
0x27f: {  	v35 =	vmul.f32 v5, v1;
	v14 =	vadd.f32 v6, v14;
	v12 =	vadd.f32 v33, v12  }
0x280: {  	v34 =	vld [tilespmem:s30+$0x15480];
	v15 =	vbroadcast v24, $0x8;
	v29 =	vmul.f32 v29, v0  }
0x281: {  	v25 =	vmul.f32 v4, v16;
	v14 =	vadd.f32 v32, v14;
	v12 =	vadd.f32 v35, v12  }
0x282: {  	v36 =	vld [tilespmem:s30+$0x15500];
	v27 =	vmul.f32 v8, v15  }
0x283: {  	v25 =	vadd.f32 v25, v14;
	v14 =	vbroadcast v24, $0x9;
	v38 =	vadd.f32 v29, v12  }
0x284: {  	v30 =	vld [tilespmem:s30+$0x15580]  }
0x285: {  	v13 =	vbroadcast v24, $0xA;
	v25 =	vadd.f32 v27, v25;
	v37 =	vmul.f32 v34, v14;
	[tilespmem:s28+$0x18430] =	vst v38  }
0x286: {  	v39 =	vld [tilespmem:s29+$0x15040]  }
0x287: {  	v26 =	vmul.f32 v36, v13;
	v25 =	vadd.f32 v37, v25;
	v12 =	vbroadcast v24, $0xB;
	v41 =	vld [tilespmem:s29+$0x150C0];
	_ =	sdelay $0x1  }
0x288: {  	v25 =	vadd.f32 v26, v25;
	v40 =	vmul.f32 v30, v12;
	v42 =	vld [tilespmem:s29+$0x15140];
	_ =	sdelay $0x1  }
0x289: {  	v28 =	vld [tilespmem:s29+$0x151C0];
	v25 =	vadd.f32 v40, v25  }
0x28a: {  	v44 =	vld [tilespmem:s29+$0x15240];
	v24 =	vmul.f32 v39, v11;
	v27 =	vmul.f32 v41, v10  }
0x28b: {  	v31 =	vld [tilespmem:s29+$0x152C0];
	[tilespmem:s28+$0x18480] =	vst v25  }
0x28c: {  	v25 =	vld [tilespmem:s30+$0x15010];
	v26 =	vmul.f32 v42, v9;
	v24 =	vadd.f32 v27, v24  }
0x28d: {  	v43 =	vld [tilespmem:s30+$0x15090]  }
0x28e: {  	v32 =	vld [tilespmem:s29+$0x15340];
	v46 =	vmul.f32 v28, v48;
	v24 =	vadd.f32 v26, v24  }
0x28f: {  	v45 =	vld [tilespmem:s30+$0x15110]  }
0x290: {  	v33 =	vld [tilespmem:s29+$0x153C0];
	v53 =	vmul.f32 v44, v49;
	v24 =	vadd.f32 v46, v24  }
0x291: {  	v47 =	vld [tilespmem:s30+$0x15190];
	v55 =	vmul.f32 v31, v50  }
0x292: {  	v57 =	vld [tilespmem:s29+$0x15440];
	v25 =	vmul.f32 v25, v18;
	v29 =	vmul.f32 v43, v19;
	v24 =	vadd.f32 v53, v24  }
0x293: {  	v54 =	vld [tilespmem:s30+$0x15210];
	v59 =	vmul.f32 v32, v52  }
0x294: {  	v61 =	vld [tilespmem:s29+$0x154C0];
	v27 =	vmul.f32 v45, v20;
	v25 =	vadd.f32 v29, v25;
	v24 =	vadd.f32 v55, v24  }
0x295: {  	v56 =	vld [tilespmem:s30+$0x15290];
	v63 =	vmul.f32 v33, v3  }
0x296: {  	v5 =	vld [tilespmem:s29+$0x15540];
	v58 =	vmul.f32 v47, v21;
	v25 =	vadd.f32 v27, v25;
	v24 =	vadd.f32 v59, v24  }
0x297: {  	v60 =	vld [tilespmem:s30+$0x15310];
	v7 =	vmul.f32 v57, v51  }
0x298: {  	v34 =	vld [tilespmem:s29+$0x155C0];
	v62 =	vmul.f32 v54, v22;
	v25 =	vadd.f32 v58, v25;
	v24 =	vadd.f32 v63, v24  }
0x299: {  	v4 =	vld [tilespmem:s30+$0x15390];
	v36 =	vmul.f32 v61, v2  }
0x29a: {  	v6 =	vmul.f32 v56, v23;
	v25 =	vadd.f32 v62, v25;
	v24 =	vadd.f32 v7, v24  }
0x29b: {  	v8 =	vld [tilespmem:s30+$0x15410];
	v39 =	vmul.f32 v5, v1  }
0x29c: {  	v35 =	vmul.f32 v60, v17;
	v25 =	vadd.f32 v6, v25;
	v24 =	vadd.f32 v36, v24  }
0x29d: {  	v37 =	vld [tilespmem:s30+$0x15490];
	v42 =	vmul.f32 v34, v0  }
0x29e: {  	v38 =	vmul.f32 v4, v16;
	v25 =	vadd.f32 v35, v25;
	v24 =	vadd.f32 v39, v24  }
0x29f: {  	v40 =	vld [tilespmem:s30+$0x15510]  }
0x2a0: {  	v41 =	vmul.f32 v8, v15;
	v25 =	vadd.f32 v38, v25;
	v24 =	vadd.f32 v42, v24  }
0x2a1: {  	v43 =	vld [tilespmem:s30+$0x15590]  }
0x2a2: {  	v44 =	vmul.f32 v37, v14;
	v25 =	vadd.f32 v41, v25;
	[tilespmem:s28+$0x18440] =	vst v24  }
0x2a3: {  	v24 =	vld [tilespmem:s29+$0x15050]  }
0x2a4: {  	v45 =	vmul.f32 v40, v13;
	v25 =	vadd.f32 v44, v25;
	v47 =	vld [tilespmem:s29+$0x150D0];
	_ =	sdelay $0x1  }
0x2a5: {  	v46 =	vmul.f32 v43, v12;
	v25 =	vadd.f32 v45, v25;
	v53 =	vld [tilespmem:s29+$0x15150];
	_ =	sdelay $0x1  }
0x2a6: {  	v54 =	vld [tilespmem:s29+$0x151D0];
	v25 =	vadd.f32 v46, v25  }
0x2a7: {  	v56 =	vld [tilespmem:s29+$0x15250];
	v24 =	vmul.f32 v24, v11;
	v27 =	vmul.f32 v47, v10  }
0x2a8: {  	v58 =	vld [tilespmem:s29+$0x152D0];
	[tilespmem:s28+$0x18490] =	vst v25  }
0x2a9: {  	v25 =	vld [tilespmem:s30+$0x15020];
	v26 =	vmul.f32 v53, v9;
	v24 =	vadd.f32 v27, v24  }
0x2aa: {  	v55 =	vld [tilespmem:s30+$0x150A0]  }
0x2ab: {  	v61 =	vld [tilespmem:s29+$0x15350];
	v59 =	vmul.f32 v54, v48;
	v24 =	vadd.f32 v26, v24  }
0x2ac: {  	v57 =	vld [tilespmem:s30+$0x15120]  }
0x2ad: {  	v4 =	vld [tilespmem:s29+$0x153D0];
	v62 =	vmul.f32 v56, v49;
	v24 =	vadd.f32 v59, v24  }
0x2ae: {  	v60 =	vld [tilespmem:s30+$0x151A0];
	v5 =	vmul.f32 v58, v50  }
0x2af: {  	v7 =	vld [tilespmem:s29+$0x15450];
	v25 =	vmul.f32 v25, v18;
	v29 =	vmul.f32 v55, v19;
	v24 =	vadd.f32 v62, v24  }
0x2b0: {  	v63 =	vld [tilespmem:s30+$0x15220];
	v36 =	vmul.f32 v61, v52  }
0x2b1: {  	v38 =	vld [tilespmem:s29+$0x154D0];
	v27 =	vmul.f32 v57, v20;
	v25 =	vadd.f32 v29, v25;
	v24 =	vadd.f32 v5, v24  }
0x2b2: {  	v6 =	vld [tilespmem:s30+$0x152A0];
	v40 =	vmul.f32 v4, v3  }
0x2b3: {  	v42 =	vld [tilespmem:s29+$0x15550];
	v8 =	vmul.f32 v60, v21;
	v25 =	vadd.f32 v27, v25;
	v24 =	vadd.f32 v36, v24  }
0x2b4: {  	v37 =	vld [tilespmem:s30+$0x15320];
	v44 =	vmul.f32 v7, v51  }
0x2b5: {  	v41 =	vld [tilespmem:s30+$0x153A0];
	v39 =	vmul.f32 v63, v22;
	v25 =	vadd.f32 v8, v25;
	v24 =	vadd.f32 v40, v24  }
0x2b6: {  	v46 =	vld [tilespmem:s29+$0x155D0];
	v53 =	vmul.f32 v38, v2  }
0x2b7: {  	v43 =	vmul.f32 v6, v23;
	v25 =	vadd.f32 v39, v25;
	v24 =	vadd.f32 v44, v24  }
0x2b8: {  	v45 =	vld [tilespmem:s30+$0x15420];
	v56 =	vmul.f32 v42, v1  }
0x2b9: {  	v47 =	vmul.f32 v37, v17;
	v25 =	vadd.f32 v43, v25;
	v24 =	vadd.f32 v53, v24  }
0x2ba: {  	v54 =	vld [tilespmem:s30+$0x154A0];
	v55 =	vmul.f32 v41, v16  }
0x2bb: {  	v59 =	vmul.f32 v46, v0;
	v25 =	vadd.f32 v47, v25;
	v24 =	vadd.f32 v56, v24  }
0x2bc: {  	v57 =	vld [tilespmem:s30+$0x15520]  }
0x2bd: {  	v58 =	vmul.f32 v45, v15;
	v25 =	vadd.f32 v55, v25;
	v24 =	vadd.f32 v59, v24  }
0x2be: {  	v60 =	vld [tilespmem:s30+$0x155A0]  }
0x2bf: {  	v61 =	vmul.f32 v54, v14;
	v25 =	vadd.f32 v58, v25;
	[tilespmem:s28+$0x18450] =	vst v24  }
0x2c0: {  	v24 =	vld [tilespmem:s29+$0x15060]  }
0x2c1: {  	v62 =	vmul.f32 v57, v13;
	v25 =	vadd.f32 v61, v25;
	v4 =	vld [tilespmem:s29+$0x150E0]  }
0x2c2: {  	v5 =	vld [tilespmem:s29+$0x15160]  }
0x2c3: {  	v63 =	vmul.f32 v60, v12;
	v25 =	vadd.f32 v62, v25;
	v6 =	vld [tilespmem:s29+$0x151E0]  }
0x2c4: {  	v8 =	vld [tilespmem:s29+$0x15260]  }
0x2c5: {  	v37 =	vld [tilespmem:s29+$0x152E0];
	v25 =	vadd.f32 v63, v25  }
0x2c6: {  	v40 =	vld [tilespmem:s29+$0x15360]  }
0x2c7: {  	v43 =	vld [tilespmem:s29+$0x153E0];
	[tilespmem:s28+$0x184A0] =	vst v25  }
0x2c8: {  	v25 =	vld [tilespmem:s30+$0x15030]  }
0x2c9: {  	v7 =	vld [tilespmem:s30+$0x150B0]  }
0x2ca: {  	v46 =	vld [tilespmem:s29+$0x15460]  }
0x2cb: {  	v36 =	vld [tilespmem:s30+$0x15130];
	v24 =	vmul.f32 v24, v11;
	v27 =	vmul.f32 v4, v10  }
0x2cc: {  	v55 =	vld [tilespmem:s29+$0x154E0]  }
0x2cd: {  	v39 =	vld [tilespmem:s30+$0x151B0];
	v26 =	vmul.f32 v5, v9;
	v24 =	vadd.f32 v27, v24  }
0x2ce: {  	v59 =	vld [tilespmem:s29+$0x15560];
	v25 =	vmul.f32 v25, v18;
	v29 =	vmul.f32 v7, v19  }
0x2cf: {  	v42 =	vld [tilespmem:s30+$0x15230];
	v38 =	vmul.f32 v6, v48;
	v24 =	vadd.f32 v26, v24  }
0x2d0: {  	v63 =	vld [tilespmem:s29+$0x155E0];
	v27 =	vmul.f32 v36, v20;
	v25 =	vadd.f32 v29, v25  }
0x2d1: {  	s1 =	sor.u32 $0x2, s0;
	v45 =	vld [tilespmem:s30+$0x152B0];
	v41 =	vmul.f32 v8, v49;
	v24 =	vadd.f32 v38, v24  }
0x2d2: {  	s12 =	sor.u32 $0x3, s0;
	s31 =	sor.u32 s25, s1;
	v54 =	vld [tilespmem:s30+$0x15330];
	v47 =	vmul.f32 v39, v21;
	v25 =	vadd.f32 v27, v25  }
0x2d3: {  	s11 =	sshll.u32 s31, $0x4;
	s31 =	sor.u32 s25, s12;
	v58 =	vld [tilespmem:s30+$0x153B0];
	v44 =	vmul.f32 v37, v50;
	v24 =	vadd.f32 v41, v24  }
0x2d4: {  	s0 =	sand.u32 $0x3FFFFFF0, s11;
	s11 =	sshll.u32 s31, $0x4;
	v5 =	vld [tilespmem:s30+$0x154B0];
	v56 =	vmul.f32 v42, v22;
	v25 =	vadd.f32 v47, v25  }
0x2d5: {  	s31 =	sand.u32 $0x3FFFFFF0, s11;
	v53 =	vmul.f32 v40, v52;
	v8 =	vld [tilespmem:s30+$0x15530];
	v24 =	vadd.f32 v44, v24  }
0x2d6: {  	v60 =	vmul.f32 v45, v23;
	v47 =	vld [tilespmem:s31+$0x9000];
	s31 =	smul.u32 $0x1800, s12;
	v25 =	vadd.f32 v56, v25  }
0x2d7: {  	v62 =	vld [tilespmem:s30+$0x15430];
	v57 =	vmul.f32 v43, v3;
	v24 =	vadd.f32 v53, v24  }
0x2d8: {  	[tilespmem:$0x1FF20] =	vst v3;
	v3 =	vmul.f32 v54, v17;
	v36 =	vld [tilespmem:s30+$0x155B0];
	s31 =	sshra.s32 s31, $0x2;
	v25 =	vadd.f32 v60, v25  }
0x2d9: {  	[tilespmem:$0x1FF50] =	vst v0;
	v61 =	vmul.f32 v46, v51;
	v35 =	vmul.f32 v63, v0;
	v0 =	vld [tilespmem:s31+$0x15100];
	v24 =	vadd.f32 v57, v24  }
0x2da: {  	v6 =	vmul.f32 v58, v16;
	v37 =	vmul.f32 v5, v14;
	v5 =	vld [tilespmem:s31+$0x15380];
	v25 =	vadd.f32 v3, v25  }
0x2db: {  	v4 =	vmul.f32 v55, v2;
	v38 =	vmul.f32 v8, v13;
	v8 =	vld [tilespmem:s31+$0x15580];
	v24 =	vadd.f32 v61, v24  }
0x2dc: {  	s11 =	smul.u32 $0x1800, s1;
	v34 =	vmul.f32 v62, v15;
	v60 =	vld [tilespmem:s31+$0x15000];
	v25 =	vadd.f32 v6, v25  }
0x2dd: {  	v7 =	vmul.f32 v59, v1;
	v61 =	vld [tilespmem:s31+$0x15080];
	v24 =	vadd.f32 v4, v24  }
0x2de: {  	v25 =	vadd.f32 v34, v25;
	v34 =	vld [tilespmem:s0+$0x9000];
	s0 =	sshra.s32 s11, $0x2  }
0x2df: {  	v24 =	vadd.f32 v7, v24;
	v46 =	vld [tilespmem:s0+$0x15000]  }
0x2e0: {  	v58 =	vld [tilespmem:s0+$0x15080]  }
0x2e1: {  	v59 =	vld [tilespmem:s0+$0x15100];
	v24 =	vadd.f32 v35, v24  }
0x2e2: {  	[tilespmem:$0x1FF40] =	vst v1;
	v63 =	vld [tilespmem:s0+$0x15180];
	v25 =	vadd.f32 v37, v25  }
0x2e3: {  	v1 =	vld [tilespmem:s0+$0x15200];
	[tilespmem:s28+$0x18460] =	vst v24  }
0x2e4: {  	v41 =	vmul.f32 v36, v12;
	v40 =	vadd.f32 v38, v25;
	v39 =	vld [tilespmem:s29+$0x15070]  }
0x2e5: {  	v42 =	vld [tilespmem:s29+$0x150F0];
	v33 =	vbroadcast v34, $0x0  }
0x2e6: {  	v45 =	vld [tilespmem:s29+$0x15270];
	v35 =	vbroadcast v34, $0x1;
	v24 =	vadd.f32 v41, v40  }
0x2e7: {  	v36 =	vbroadcast v47, $0x0;
	v43 =	vld [tilespmem:s29+$0x15170];
	v62 =	vmul.f32 v46, v33  }
0x2e8: {  	v44 =	vld [tilespmem:s29+$0x151F0];
	v25 =	vmul.f32 v58, v35;
	[tilespmem:s28+$0x184B0] =	vst v24;
	v24 =	vbroadcast v34, $0x2  }
0x2e9: {  	v37 =	vbroadcast v47, $0x2;
	v53 =	vld [tilespmem:s30+$0x15040]  }
0x2ea: {  	v27 =	vmul.f32 v60, v36;
	v54 =	vld [tilespmem:s30+$0x150C0];
	v29 =	vadd.f32 v25, v62;
	[tilespmem:$0x1FEC0] =	vst v39;
	v26 =	vmul.f32 v59, v24  }
0x2eb: {  	v31 =	vmul.f32 v0, v37;
	[tilespmem:$0x1FF00] =	vst v45;
	v45 =	vbroadcast v47, $0x1;
	v39 =	vld [tilespmem:s31+$0x15180]  }
0x2ec: {  	v40 =	vld [tilespmem:s0+$0x15280];
	v25 =	vbroadcast v34, $0x3;
	v29 =	vadd.f32 v26, v29;
	v26 =	vbroadcast v34, $0x4  }
0x2ed: {  	v3 =	vld [tilespmem:s31+$0x15280];
	v38 =	vbroadcast v47, $0x3;
	v28 =	vmul.f32 v61, v45  }
0x2ee: {  	[tilespmem:$0x1FF30] =	vst v2;
	v41 =	vld [tilespmem:s31+$0x15200];
	v30 =	vmul.f32 v63, v25;
	v2 =	vmul.f32 v1, v26  }
0x2ef: {  	[tilespmem:$0x1FED0] =	vst v42;
	v42 =	vld [tilespmem:s0+$0x15300];
	v28 =	vadd.f32 v28, v27;
	v27 =	vbroadcast v34, $0x5;
	v53 =	vmul.f32 v53, v18  }
0x2f0: {  	v6 =	vld [tilespmem:s31+$0x15500];
	[tilespmem:$0x1FEF0] =	vst v44;
	v29 =	vadd.f32 v30, v29;
	v54 =	vmul.f32 v54, v19;
	v44 =	vmul.f32 v39, v38  }
0x2f1: {  	[tilespmem:$0x1FEE0] =	vst v43;
	v43 =	vld [tilespmem:s0+$0x15380];
	v39 =	vbroadcast v47, $0x4;
	v31 =	vadd.f32 v31, v28;
	v4 =	vmul.f32 v40, v27  }
0x2f2: {  	v46 =	vld [tilespmem:s31+$0x15300];
	v29 =	vadd.f32 v2, v29;
	v28 =	vbroadcast v34, $0x6;
	v40 =	vbroadcast v47, $0x5  }
0x2f3: {  	v58 =	vld [tilespmem:s0+$0x15400];
	v53 =	vadd.f32 v54, v53;
	v41 =	vmul.f32 v41, v39;
	v31 =	vadd.f32 v44, v31  }
0x2f4: {  	v0 =	vld [tilespmem:s0+$0x15580];
	v30 =	vadd.f32 v4, v29;
	v42 =	vmul.f32 v42, v28;
	v29 =	vbroadcast v34, $0x7  }
0x2f5: {  	v59 =	vld [tilespmem:s0+$0x15480];
	v32 =	vmul.f32 v3, v40;
	v31 =	vadd.f32 v41, v31;
	v41 =	vbroadcast v47, $0x6  }
0x2f6: {  	v61 =	vld [tilespmem:s31+$0x15400];
	v60 =	vadd.f32 v42, v30;
	v43 =	vmul.f32 v43, v29;
	v30 =	vbroadcast v34, $0x8  }
0x2f7: {  	v62 =	vld [tilespmem:s0+$0x15500];
	v42 =	vbroadcast v47, $0x7;
	v32 =	vadd.f32 v32, v31;
	v46 =	vmul.f32 v46, v41  }
0x2f8: {  	v63 =	vld [tilespmem:s31+$0x15480];
	v60 =	vadd.f32 v43, v60;
	v58 =	vmul.f32 v58, v30;
	v31 =	vbroadcast v34, $0x9  }
0x2f9: {  	v55 =	vld [tilespmem:s30+$0x15140];
	v44 =	vmul.f32 v5, v42;
	v43 =	vbroadcast v47, $0x8;
	v46 =	vadd.f32 v46, v32  }
0x2fa: {  	v56 =	vld [tilespmem:s30+$0x151C0];
	v58 =	vadd.f32 v58, v60;
	v59 =	vmul.f32 v59, v31;
	v32 =	vbroadcast v34, $0xA  }
0x2fb: {  	v57 =	vld [tilespmem:s30+$0x15240];
	v61 =	vmul.f32 v61, v43;
	v46 =	vadd.f32 v44, v46;
	v44 =	vbroadcast v47, $0x9  }
0x2fc: {  	v2 =	vld [tilespmem:s30+$0x152C0];
	v34 =	vbroadcast v34, $0xB;
	v58 =	vadd.f32 v59, v58;
	v7 =	vmul.f32 v62, v32  }
0x2fd: {  	v54 =	vld [tilespmem:s30+$0x155C0];
	v61 =	vadd.f32 v61, v46;
	v63 =	vmul.f32 v63, v44;
	v46 =	vbroadcast v47, $0xA  }
0x2fe: {  	v3 =	vld [tilespmem:s30+$0x15340];
	v0 =	vmul.f32 v0, v34;
	v58 =	vadd.f32 v7, v58  }
0x2ff: {  	v59 =	vld [tilespmem:s30+$0x153C0];
	v47 =	vbroadcast v47, $0xB;
	v61 =	vadd.f32 v63, v61;
	v60 =	vmul.f32 v6, v46  }
0x300: {  	v62 =	vld [tilespmem:s30+$0x15540];
	v0 =	vadd.f32 v0, v58  }
0x301: {  	v63 =	vld [tilespmem:s30+$0x15440];
	v6 =	vmul.f32 v8, v47;
	v60 =	vadd.f32 v60, v61  }
0x302: {  	v7 =	vmul.f32 v55, v20;
	v58 =	vld [tilespmem:s30+$0x154C0];
	[tilespmem:s28+$0x18500] =	vst v0  }
0x303: {  	v4 =	vld [tilespmem:s0+$0x15010];
	v8 =	vadd.f32 v6, v60  }
0x304: {  	v0 =	vadd.f32 v7, v53;
	v7 =	vld [tilespmem:s0+$0x15090]  }
0x305: {  	v6 =	vmul.f32 v56, v21;
	[tilespmem:s28+$0x18580] =	vst v8;
	v8 =	vld [tilespmem:s0+$0x15110]  }
0x306: {  	v5 =	vmul.f32 v57, v22;
	v57 =	vld [tilespmem:s31+$0x15010]  }
0x307: {  	v0 =	vadd.f32 v6, v0;
	v6 =	vld [tilespmem:s31+$0x15090]  }
0x308: {  	v2 =	vmul.f32 v2, v23;
	v53 =	vld [tilespmem:s0+$0x15190]  }
0x309: {  	v1 =	vld [tilespmem:s31+$0x15110];
	v0 =	vadd.f32 v5, v0;
	v60 =	vmul.f32 v4, v33;
	v56 =	vmul.f32 v7, v35  }
0x30a: {  	v59 =	vmul.f32 v59, v16;
	v7 =	vmul.f32 v3, v17;
	v3 =	vld [tilespmem:s0+$0x15210]  }
0x30b: {  	v0 =	vadd.f32 v2, v0;
	v56 =	vadd.f32 v56, v60;
	v55 =	vmul.f32 v8, v24;
	v8 =	vld [tilespmem:s31+$0x15190]  }
0x30c: {  	v4 =	vmul.f32 v57, v36;
	v5 =	vmul.f32 v6, v45;
	v6 =	vld [tilespmem:s0+$0x15290]  }
0x30d: {  	v53 =	vmul.f32 v53, v25;
	v0 =	vadd.f32 v7, v0;
	v55 =	vadd.f32 v55, v56;
	v56 =	vld [tilespmem:s31+$0x15210]  }
0x30e: {  	v1 =	vmul.f32 v1, v37;
	v57 =	vld [tilespmem:s0+$0x15310];
	v2 =	vadd.f32 v5, v4  }
0x30f: {  	v3 =	vmul.f32 v3, v26;
	v0 =	vadd.f32 v59, v0;
	v59 =	vld [tilespmem:s31+$0x15290];
	v53 =	vadd.f32 v53, v55  }
0x310: {  	v60 =	vld [tilespmem:s0+$0x15390];
	v1 =	vadd.f32 v1, v2;
	v8 =	vmul.f32 v8, v38  }
0x311: {  	v7 =	vmul.f32 v63, v15;
	v55 =	vld [tilespmem:s31+$0x15310];
	v3 =	vadd.f32 v3, v53;
	v5 =	vmul.f32 v6, v27  }
0x312: {  	v6 =	vmul.f32 v58, v14;
	v58 =	vld [tilespmem:s0+$0x15410];
	v1 =	vadd.f32 v8, v1;
	v56 =	vmul.f32 v56, v39  }
0x313: {  	v0 =	vadd.f32 v7, v0;
	v7 =	vmul.f32 v57, v28;
	v57 =	vld [tilespmem:s31+$0x15390];
	v3 =	vadd.f32 v5, v3  }
0x314: {  	v8 =	vmul.f32 v59, v40;
	v1 =	vadd.f32 v56, v1;
	v56 =	vld [tilespmem:s0+$0x15490]  }
0x315: {  	v4 =	vmul.f32 v62, v13;
	v5 =	vmul.f32 v60, v29;
	v60 =	vld [tilespmem:s31+$0x15410];
	v3 =	vadd.f32 v7, v3  }
0x316: {  	v0 =	vadd.f32 v6, v0;
	v6 =	vmul.f32 v55, v41;
	v7 =	vld [tilespmem:s0+$0x15510];
	v1 =	vadd.f32 v8, v1  }
0x317: {  	v54 =	vmul.f32 v54, v12;
	v8 =	vmul.f32 v58, v30;
	v58 =	vld [tilespmem:s31+$0x15490];
	v3 =	vadd.f32 v5, v3  }
0x318: {  	v2 =	vld [tilespmem:s0+$0x15590];
	v0 =	vadd.f32 v4, v0;
	v57 =	vmul.f32 v57, v42;
	v1 =	vadd.f32 v6, v1  }
0x319: {  	v62 =	vld [tilespmem:s31+$0x15510];
	v3 =	vadd.f32 v8, v3;
	v61 =	vmul.f32 v56, v31  }
0x31a: {  	v0 =	vadd.f32 v54, v0;
	v63 =	vmul.f32 v60, v43;
	v1 =	vadd.f32 v57, v1  }
0x31b: {  	v8 =	vld [tilespmem:s31+$0x15590];
	v55 =	vmul.f32 v7, v32;
	v3 =	vadd.f32 v61, v3  }
0x31c: {  	v53 =	vld [tilespmem:s29+$0x15370];
	[tilespmem:s28+$0x184C0] =	vst v0;
	v61 =	vmul.f32 v58, v44;
	v60 =	vadd.f32 v63, v1  }
0x31d: {  	v2 =	vmul.f32 v2, v34;
	v57 =	vld [tilespmem:s30+$0x15050];
	v3 =	vadd.f32 v55, v3  }
0x31e: {  	v62 =	vmul.f32 v62, v46;
	v56 =	vld [tilespmem:s30+$0x15150];
	v0 =	vadd.f32 v61, v60  }
0x31f: {  	v4 =	vld [tilespmem:s30+$0x151D0];
	v2 =	vadd.f32 v2, v3  }
0x320: {  	v58 =	vld [tilespmem:s30+$0x15250];
	v63 =	vmul.f32 v8, v47;
	v0 =	vadd.f32 v62, v0  }
0x321: {  	v55 =	vld [tilespmem:s30+$0x150D0];
	[tilespmem:s28+$0x18510] =	vst v2  }
0x322: {  	v2 =	vld [tilespmem:s0+$0x15020];
	v0 =	vadd.f32 v63, v0  }
0x323: {  	v5 =	vld [tilespmem:s0+$0x150A0]  }
0x324: {  	v6 =	vld [tilespmem:s0+$0x15120];
	[tilespmem:s28+$0x18590] =	vst v0  }
0x325: {  	v0 =	vld [tilespmem:s31+$0x15020]  }
0x326: {  	v7 =	vld [tilespmem:s31+$0x150A0]  }
0x327: {  	v8 =	vld [tilespmem:s0+$0x151A0]  }
0x328: {  	[tilespmem:$0x1FF10] =	vst v53;
	v53 =	vld [tilespmem:s31+$0x15120];
	v2 =	vmul.f32 v2, v33;
	v1 =	vmul.f32 v5, v35  }
0x329: {  	v63 =	vld [tilespmem:s0+$0x15220]  }
0x32a: {  	v59 =	vld [tilespmem:s31+$0x151A0];
	v6 =	vmul.f32 v6, v24;
	v1 =	vadd.f32 v1, v2  }
0x32b: {  	v3 =	vld [tilespmem:s0+$0x152A0];
	v0 =	vmul.f32 v0, v36;
	v60 =	vmul.f32 v7, v45  }
0x32c: {  	v7 =	vmul.f32 v8, v25;
	v8 =	vld [tilespmem:s31+$0x15220];
	v1 =	vadd.f32 v6, v1  }
0x32d: {  	v62 =	vld [tilespmem:s0+$0x15320];
	v53 =	vmul.f32 v53, v37;
	v0 =	vadd.f32 v60, v0  }
0x32e: {  	v5 =	vmul.f32 v63, v26;
	v6 =	vld [tilespmem:s31+$0x152A0];
	v1 =	vadd.f32 v7, v1  }
0x32f: {  	v59 =	vmul.f32 v59, v38;
	v60 =	vld [tilespmem:s0+$0x153A0];
	v0 =	vadd.f32 v53, v0  }
0x330: {  	v7 =	vmul.f32 v3, v27;
	v3 =	vld [tilespmem:s31+$0x15320];
	v1 =	vadd.f32 v5, v1  }
0x331: {  	v53 =	vld [tilespmem:s0+$0x15420];
	v8 =	vmul.f32 v8, v39;
	v0 =	vadd.f32 v59, v0  }
0x332: {  	v5 =	vmul.f32 v62, v28;
	v62 =	vld [tilespmem:s31+$0x153A0];
	v1 =	vadd.f32 v7, v1  }
0x333: {  	v63 =	vld [tilespmem:s0+$0x154A0];
	v6 =	vmul.f32 v6, v40;
	v0 =	vadd.f32 v8, v0  }
0x334: {  	v7 =	vmul.f32 v60, v29;
	v8 =	vld [tilespmem:s31+$0x15420];
	v1 =	vadd.f32 v5, v1  }
0x335: {  	v59 =	vld [tilespmem:s0+$0x15520];
	v3 =	vmul.f32 v3, v41;
	v0 =	vadd.f32 v6, v0  }
0x336: {  	v61 =	vld [tilespmem:s31+$0x154A0];
	v53 =	vmul.f32 v53, v30;
	v1 =	vadd.f32 v7, v1  }
0x337: {  	v6 =	vmul.f32 v62, v42;
	v62 =	vld [tilespmem:s0+$0x155A0];
	v0 =	vadd.f32 v3, v0  }
0x338: {  	v7 =	vmul.f32 v63, v31;
	v63 =	vld [tilespmem:s31+$0x15520];
	v1 =	vadd.f32 v53, v1  }
0x339: {  	v60 =	vld [tilespmem:s30+$0x152D0];
	v8 =	vmul.f32 v8, v43;
	v0 =	vadd.f32 v6, v0  }
0x33a: {  	v53 =	vmul.f32 v59, v32;
	v59 =	vld [tilespmem:s31+$0x155A0];
	v1 =	vadd.f32 v7, v1  }
0x33b: {  	v6 =	vmul.f32 v61, v44;
	v61 =	vld [tilespmem:s30+$0x15350];
	v0 =	vadd.f32 v8, v0  }
0x33c: {  	v7 =	vmul.f32 v62, v34;
	v62 =	vld [tilespmem:s30+$0x153D0];
	v1 =	vadd.f32 v53, v1  }
0x33d: {  	v8 =	vmul.f32 v63, v46;
	v63 =	vld [tilespmem:s30+$0x15450];
	v0 =	vadd.f32 v6, v0  }
0x33e: {  	v55 =	vmul.f32 v55, v19;
	v6 =	vmul.f32 v57, v18;
	v57 =	vld [tilespmem:s30+$0x154D0];
	v1 =	vadd.f32 v7, v1  }
0x33f: {  	v7 =	vmul.f32 v59, v47;
	v59 =	vld [tilespmem:s30+$0x15550];
	v0 =	vadd.f32 v8, v0  }
0x340: {  	v2 =	vadd.f32 v55, v6;
	v8 =	vmul.f32 v56, v20;
	v55 =	vld [tilespmem:s30+$0x155D0];
	[tilespmem:s28+$0x18520] =	vst v1  }
0x341: {  	v0 =	vadd.f32 v7, v0;
	v3 =	vld [tilespmem:s0+$0x15030]  }
0x342: {  	v56 =	vmul.f32 v4, v21;
	v1 =	vadd.f32 v8, v2;
	v4 =	vld [tilespmem:s0+$0x150B0]  }
0x343: {  	[tilespmem:s28+$0x185A0] =	vst v0;
	v0 =	vld [tilespmem:s0+$0x15130]  }
0x344: {  	v8 =	vmul.f32 v58, v22;
	v1 =	vadd.f32 v56, v1;
	v56 =	vld [tilespmem:s31+$0x15030]  }
0x345: {  	v58 =	vld [tilespmem:s31+$0x150B0]  }
0x346: {  	v53 =	vmul.f32 v60, v23;
	v60 =	vld [tilespmem:s0+$0x151B0];
	v1 =	vadd.f32 v8, v1  }
0x347: {  	v5 =	vld [tilespmem:s31+$0x15130];
	v3 =	vmul.f32 v3, v33;
	v4 =	vmul.f32 v4, v35  }
0x348: {  	v8 =	vmul.f32 v61, v17;
	v61 =	vld [tilespmem:s0+$0x15230];
	v1 =	vadd.f32 v53, v1  }
0x349: {  	v53 =	vmul.f32 v62, v16;
	v62 =	vld [tilespmem:s31+$0x151B0];
	v3 =	vadd.f32 v4, v3;
	v0 =	vmul.f32 v0, v24  }
0x34a: {  	v1 =	vadd.f32 v8, v1;
	v6 =	vmul.f32 v56, v36;
	v7 =	vmul.f32 v58, v45;
	v58 =	vld [tilespmem:s0+$0x152B0]  }
0x34b: {  	v8 =	vmul.f32 v60, v25;
	v60 =	vld [tilespmem:s31+$0x15230];
	v0 =	vadd.f32 v0, v3  }
0x34c: {  	v1 =	vadd.f32 v53, v1;
	v2 =	vadd.f32 v7, v6;
	v53 =	vmul.f32 v5, v37;
	v5 =	vld [tilespmem:s0+$0x15330]  }
0x34d: {  	v3 =	vmul.f32 v63, v15;
	v0 =	vadd.f32 v8, v0;
	v8 =	vmul.f32 v61, v26;
	v61 =	vld [tilespmem:s31+$0x152B0]  }
0x34e: {  	v2 =	vadd.f32 v53, v2;
	v53 =	vmul.f32 v62, v38;
	v62 =	vld [tilespmem:s0+$0x153B0]  }
0x34f: {  	v56 =	vld [tilespmem:s31+$0x15330];
	v1 =	vadd.f32 v3, v1;
	v0 =	vadd.f32 v8, v0;
	v8 =	vmul.f32 v58, v27  }
0x350: {  	v63 =	vmul.f32 v60, v39;
	v58 =	vld [tilespmem:s0+$0x15430];
	v2 =	vadd.f32 v53, v2;
	v53 =	vmul.f32 v57, v14  }
0x351: {  	v0 =	vadd.f32 v8, v0;
	v8 =	vmul.f32 v5, v28;
	v5 =	vld [tilespmem:s31+$0x153B0]  }
0x352: {  	v57 =	vld [tilespmem:s0+$0x154B0];
	v1 =	vadd.f32 v53, v1;
	v2 =	vadd.f32 v63, v2;
	v53 =	vmul.f32 v61, v40  }
0x353: {  	v3 =	vmul.f32 v59, v13;
	v0 =	vadd.f32 v8, v0;
	v59 =	vmul.f32 v62, v29;
	v8 =	vld [tilespmem:s31+$0x15430]  }
0x354: {  	v2 =	vadd.f32 v53, v2;
	v53 =	vmul.f32 v56, v41;
	v56 =	vld [tilespmem:s0+$0x15530]  }
0x355: {  	v62 =	vmul.f32 v55, v12;
	v61 =	vmul.f32 v58, v30;
	v58 =	vld [tilespmem:s31+$0x154B0];
	v0 =	vadd.f32 v59, v0  }
0x356: {  	v1 =	vadd.f32 v3, v1;
	v59 =	vld [tilespmem:s0+$0x155B0];
	v2 =	vadd.f32 v53, v2;
	v5 =	vmul.f32 v5, v42  }
0x357: {  	v63 =	vmul.f32 v57, v31;
	v57 =	vld [tilespmem:s31+$0x15530];
	v0 =	vadd.f32 v61, v0  }
0x358: {  	v1 =	vadd.f32 v62, v1;
	v2 =	vadd.f32 v5, v2;
	v8 =	vmul.f32 v8, v43  }
0x359: {  	v60 =	vld [tilespmem:s31+$0x155B0];
	v0 =	vadd.f32 v63, v0;
	v53 =	vmul.f32 v56, v32  }
0x35a: {  	[tilespmem:s28+$0x184D0] =	vst v1;
	v62 =	vmul.f32 v58, v44;
	v61 =	vadd.f32 v8, v2  }
0x35b: {  	v3 =	vld [tilespmem:s30+$0x15060];
	v63 =	vmul.f32 v59, v34;
	v0 =	vadd.f32 v53, v0  }
0x35c: {  	v4 =	vld [tilespmem:s30+$0x15160];
	v57 =	vmul.f32 v57, v46;
	v1 =	vadd.f32 v62, v61  }
0x35d: {  	v6 =	vld [tilespmem:s30+$0x15260];
	v0 =	vadd.f32 v63, v0  }
0x35e: {  	v5 =	vmul.f32 v60, v47;
	v2 =	vld [tilespmem:s30+$0x150E0];
	v1 =	vadd.f32 v57, v1  }
0x35f: {  	v57 =	vld [tilespmem:s30+$0x151E0];
	[tilespmem:s28+$0x18530] =	vst v0  }
0x360: {  	v1 =	vadd.f32 v5, v1;
	v5 =	vld [tilespmem:s0+$0x15040]  }
0x361: {  	v8 =	vld [tilespmem:s0+$0x150C0]  }
0x362: {  	[tilespmem:s28+$0x185B0] =	vst v1;
	v1 =	vld [tilespmem:s0+$0x15140]  }
0x363: {  	v59 =	vld [tilespmem:s31+$0x15040]  }
0x364: {  	v60 =	vld [tilespmem:s31+$0x150C0]  }
0x365: {  	v53 =	vld [tilespmem:s0+$0x151C0]  }
0x366: {  	v5 =	vmul.f32 v5, v33;
	v58 =	vmul.f32 v8, v35;
	v8 =	vld [tilespmem:s31+$0x15140]  }
0x367: {  	v63 =	vld [tilespmem:s0+$0x15240]  }
0x368: {  	v5 =	vadd.f32 v58, v5;
	v1 =	vmul.f32 v1, v24;
	v58 =	vld [tilespmem:s31+$0x151C0]  }
0x369: {  	v0 =	vld [tilespmem:s0+$0x152C0];
	v59 =	vmul.f32 v59, v36;
	v60 =	vmul.f32 v60, v45  }
0x36a: {  	v61 =	vld [tilespmem:s31+$0x15240];
	v53 =	vmul.f32 v53, v25;
	v1 =	vadd.f32 v1, v5  }
0x36b: {  	v62 =	vld [tilespmem:s0+$0x15340];
	v59 =	vadd.f32 v60, v59;
	v8 =	vmul.f32 v8, v37  }
0x36c: {  	v1 =	vadd.f32 v53, v1;
	v53 =	vmul.f32 v63, v26;
	v63 =	vld [tilespmem:s31+$0x152C0]  }
0x36d: {  	v60 =	vld [tilespmem:s0+$0x153C0];
	v59 =	vadd.f32 v8, v59;
	v58 =	vmul.f32 v58, v38  }
0x36e: {  	v0 =	vmul.f32 v0, v27;
	v5 =	vld [tilespmem:s31+$0x15340];
	v1 =	vadd.f32 v53, v1  }
0x36f: {  	v8 =	vmul.f32 v61, v39;
	v61 =	vld [tilespmem:s0+$0x15440];
	v58 =	vadd.f32 v58, v59  }
0x370: {  	v53 =	vmul.f32 v62, v28;
	v62 =	vld [tilespmem:s31+$0x153C0];
	v0 =	vadd.f32 v0, v1  }
0x371: {  	v58 =	vadd.f32 v8, v58;
	v7 =	vmul.f32 v63, v40;
	v63 =	vld [tilespmem:s0+$0x154C0]  }
0x372: {  	v8 =	vmul.f32 v60, v29;
	v60 =	vld [tilespmem:s31+$0x15440];
	v0 =	vadd.f32 v53, v0  }
0x373: {  	v5 =	vmul.f32 v5, v41;
	v59 =	vld [tilespmem:s0+$0x15540];
	v58 =	vadd.f32 v7, v58  }
0x374: {  	v53 =	vmul.f32 v61, v30;
	v61 =	vld [tilespmem:s31+$0x154C0];
	v0 =	vadd.f32 v8, v0  }
0x375: {  	v8 =	vmul.f32 v62, v42;
	v62 =	vld [tilespmem:s0+$0x155C0];
	v5 =	vadd.f32 v5, v58  }
0x376: {  	v0 =	vadd.f32 v53, v0;
	v53 =	vmul.f32 v63, v31;
	v63 =	vld [tilespmem:s31+$0x15540]  }
0x377: {  	v5 =	vadd.f32 v8, v5;
	v8 =	vmul.f32 v60, v43;
	v60 =	vld [tilespmem:s30+$0x152E0]  }
0x378: {  	v0 =	vadd.f32 v53, v0;
	v53 =	vmul.f32 v59, v32;
	v59 =	vld [tilespmem:s31+$0x155C0]  }
0x379: {  	v5 =	vadd.f32 v8, v5;
	v8 =	vmul.f32 v61, v44;
	v61 =	vld [tilespmem:s30+$0x15360]  }
0x37a: {  	v0 =	vadd.f32 v53, v0;
	v53 =	vmul.f32 v62, v34;
	v62 =	vld [tilespmem:s30+$0x153E0]  }
0x37b: {  	v5 =	vadd.f32 v8, v5;
	v7 =	vmul.f32 v63, v46;
	v63 =	vld [tilespmem:s30+$0x15460]  }
0x37c: {  	v2 =	vmul.f32 v2, v19;
	v8 =	vmul.f32 v3, v18;
	v3 =	vld [tilespmem:s30+$0x154E0];
	v0 =	vadd.f32 v53, v0  }
0x37d: {  	v5 =	vadd.f32 v7, v5;
	v53 =	vmul.f32 v59, v47;
	v59 =	vld [tilespmem:s30+$0x15560]  }
0x37e: {  	v1 =	vadd.f32 v2, v8;
	v7 =	vld [tilespmem:s30+$0x155E0];
	[tilespmem:s28+$0x18540] =	vst v0;
	v0 =	vmul.f32 v4, v20  }
0x37f: {  	v53 =	vadd.f32 v53, v5;
	v5 =	vld [tilespmem:s0+$0x15050]  }
0x380: {  	v8 =	vmul.f32 v57, v21;
	v57 =	vld [tilespmem:s0+$0x150D0];
	v0 =	vadd.f32 v0, v1  }
0x381: {  	v4 =	vld [tilespmem:s0+$0x15150];
	[tilespmem:s28+$0x185C0] =	vst v53  }
0x382: {  	v53 =	vmul.f32 v6, v22;
	v0 =	vadd.f32 v8, v0;
	v6 =	vld [tilespmem:s31+$0x15050]  }
0x383: {  	v58 =	vld [tilespmem:s31+$0x150D0]  }
0x384: {  	v0 =	vadd.f32 v53, v0;
	v53 =	vmul.f32 v60, v23;
	v60 =	vld [tilespmem:s0+$0x151D0]  }
0x385: {  	v2 =	vld [tilespmem:s31+$0x15150];
	v5 =	vmul.f32 v5, v33;
	v57 =	vmul.f32 v57, v35  }
0x386: {  	v8 =	vmul.f32 v61, v17;
	v61 =	vld [tilespmem:s0+$0x15250];
	v4 =	vmul.f32 v4, v24  }
0x387: {  	v0 =	vadd.f32 v53, v0;
	v5 =	vadd.f32 v57, v5;
	v57 =	vld [tilespmem:s31+$0x151D0];
	v53 =	vmul.f32 v62, v16  }
0x388: {  	v1 =	vmul.f32 v6, v36;
	v6 =	vmul.f32 v58, v45;
	v58 =	vld [tilespmem:s0+$0x152D0]  }
0x389: {  	v62 =	vld [tilespmem:s31+$0x15250];
	v0 =	vadd.f32 v8, v0;
	v4 =	vadd.f32 v4, v5;
	v60 =	vmul.f32 v60, v25  }
0x38a: {  	v2 =	vmul.f32 v2, v37;
	v1 =	vadd.f32 v6, v1;
	v6 =	vld [tilespmem:s0+$0x15350]  }
0x38b: {  	v0 =	vadd.f32 v53, v0;
	v53 =	vmul.f32 v61, v26;
	v4 =	vadd.f32 v60, v4;
	v60 =	vld [tilespmem:s31+$0x152D0]  }
0x38c: {  	v61 =	vld [tilespmem:s0+$0x153D0];
	v1 =	vadd.f32 v2, v1;
	v57 =	vmul.f32 v57, v38  }
0x38d: {  	v8 =	vmul.f32 v63, v15;
	v4 =	vadd.f32 v53, v4;
	v53 =	vmul.f32 v58, v27;
	v58 =	vld [tilespmem:s31+$0x15350]  }
0x38e: {  	v3 =	vmul.f32 v3, v14;
	v63 =	vmul.f32 v62, v39;
	v1 =	vadd.f32 v57, v1;
	v57 =	vld [tilespmem:s0+$0x15450]  }
0x38f: {  	v0 =	vadd.f32 v8, v0;
	v4 =	vadd.f32 v53, v4;
	v53 =	vmul.f32 v6, v28;
	v6 =	vld [tilespmem:s31+$0x153D0]  }
0x390: {  	v1 =	vadd.f32 v63, v1;
	v8 =	vmul.f32 v60, v40;
	v60 =	vld [tilespmem:s0+$0x154D0]  }
0x391: {  	v5 =	vld [tilespmem:s31+$0x15450];
	v0 =	vadd.f32 v3, v0;
	v3 =	vadd.f32 v53, v4;
	v53 =	vmul.f32 v61, v29  }
0x392: {  	v61 =	vld [tilespmem:s0+$0x15550];
	v1 =	vadd.f32 v8, v1;
	v58 =	vmul.f32 v58, v41  }
0x393: {  	v3 =	vadd.f32 v53, v3;
	v53 =	vmul.f32 v57, v30;
	v57 =	vld [tilespmem:s31+$0x154D0]  }
0x394: {  	v8 =	vmul.f32 v59, v13;
	v1 =	vadd.f32 v58, v1;
	v59 =	vmul.f32 v6, v42;
	v6 =	vld [tilespmem:s0+$0x155D0]  }
0x395: {  	v4 =	vmul.f32 v7, v12;
	v3 =	vadd.f32 v53, v3;
	v7 =	vmul.f32 v60, v31;
	v60 =	vld [tilespmem:s31+$0x15550]  }
0x396: {  	v53 =	vmul.f32 v5, v43;
	v1 =	vadd.f32 v59, v1  }
0x397: {  	v63 =	vld [tilespmem:s31+$0x155D0];
	v0 =	vadd.f32 v8, v0;
	v62 =	vmul.f32 v61, v32;
	v3 =	vadd.f32 v7, v3  }
0x398: {  	v1 =	vadd.f32 v53, v1;
	v8 =	vmul.f32 v57, v44  }
0x399: {  	v0 =	vadd.f32 v4, v0;
	v53 =	vadd.f32 v62, v3;
	v61 =	vmul.f32 v6, v34  }
0x39a: {  	v1 =	vadd.f32 v8, v1;
	v62 =	vmul.f32 v60, v46  }
0x39b: {  	[tilespmem:s28+$0x184E0] =	vst v0;
	v0 =	vadd.f32 v61, v53  }
0x39c: {  	v63 =	vmul.f32 v63, v47;
	v1 =	vadd.f32 v62, v1  }
0x39d: {  	v54 =	vld [tilespmem:s29+$0x152F0];
	[tilespmem:s28+$0x18550] =	vst v0  }
0x39e: {  	v1 =	vadd.f32 v63, v1;
	v2 =	vld [tilespmem:s0+$0x15060]  }
0x39f: {  	v6 =	vld [tilespmem:s0+$0x150E0]  }
0x3a0: {  	[tilespmem:s28+$0x185D0] =	vst v1;
	v1 =	vld [tilespmem:s0+$0x15160]  }
0x3a1: {  	v7 =	vld [tilespmem:s31+$0x15060]  }
0x3a2: {  	v60 =	vld [tilespmem:s31+$0x150E0]  }
0x3a3: {  	v53 =	vld [tilespmem:s0+$0x151E0]  }
0x3a4: {  	v62 =	vld [tilespmem:s31+$0x15160];
	v2 =	vmul.f32 v2, v33;
	v6 =	vmul.f32 v6, v35  }
0x3a5: {  	v63 =	vld [tilespmem:s0+$0x15260]  }
0x3a6: {  	v2 =	vadd.f32 v6, v2;
	v1 =	vmul.f32 v1, v24;
	v6 =	vld [tilespmem:s31+$0x151E0]  }
0x3a7: {  	v0 =	vld [tilespmem:s0+$0x152E0];
	v7 =	vmul.f32 v7, v36;
	v60 =	vmul.f32 v60, v45  }
0x3a8: {  	v61 =	vld [tilespmem:s31+$0x15260];
	v53 =	vmul.f32 v53, v25;
	v1 =	vadd.f32 v1, v2  }
0x3a9: {  	v7 =	vadd.f32 v60, v7;
	v60 =	vmul.f32 v62, v37;
	v62 =	vld [tilespmem:s0+$0x15360]  }
0x3aa: {  	v55 =	vld [tilespmem:s29+$0x153F0];
	v1 =	vadd.f32 v53, v1;
	v53 =	vmul.f32 v63, v26  }
0x3ab: {  	v7 =	vadd.f32 v60, v7;
	v6 =	vmul.f32 v6, v38;
	v60 =	vld [tilespmem:s0+$0x153E0]  }
0x3ac: {  	v56 =	vld [tilespmem:s29+$0x15470];
	v0 =	vmul.f32 v0, v27;
	v1 =	vadd.f32 v53, v1  }
0x3ad: {  	v6 =	vadd.f32 v6, v7;
	v7 =	vmul.f32 v61, v39;
	v61 =	vld [tilespmem:s0+$0x15460]  }
0x3ae: {  	v58 =	vld [tilespmem:s29+$0x15570];
	v0 =	vadd.f32 v0, v1;
	v53 =	vmul.f32 v62, v28  }
0x3af: {  	v59 =	vld [tilespmem:s29+$0x154F0]  }
0x3b0: {  	v57 =	vld [tilespmem:s29+$0x155F0];
	v0 =	vadd.f32 v53, v0;
	v53 =	vmul.f32 v60, v29  }
0x3b1: {  	v63 =	vld [tilespmem:s31+$0x152E0]  }
0x3b2: {  	v4 =	vld [tilespmem:s30+$0x15070];
	v0 =	vadd.f32 v53, v0;
	v53 =	vmul.f32 v61, v30  }
0x3b3: {  	v2 =	vld [tilespmem:s31+$0x15360]  }
0x3b4: {  	v0 =	vadd.f32 v53, v0;
	v53 =	vld [tilespmem:$0x1FEC0]  }
0x3b5: {  	v62 =	vld [tilespmem:s31+$0x153E0]  }
0x3b6: {  	v6 =	vadd.f32 v7, v6;
	v7 =	vmul.f32 v63, v40;
	v63 =	vld [tilespmem:s0+$0x154E0]  }
0x3b7: {  	v60 =	vld [tilespmem:s31+$0x15460]  }
0x3b8: {  	v6 =	vadd.f32 v7, v6;
	v7 =	vld [tilespmem:s0+$0x15560]  }
0x3b9: {  	v2 =	vmul.f32 v2, v41;
	v11 =	vmul.f32 v53, v11;
	v53 =	vld [tilespmem:$0x1FED0]  }
0x3ba: {  	v61 =	vld [tilespmem:s31+$0x154E0]  }
0x3bb: {  	v3 =	vld [tilespmem:s30+$0x150F0];
	v2 =	vadd.f32 v2, v6;
	v6 =	vmul.f32 v62, v42  }
0x3bc: {  	v62 =	vld [tilespmem:s0+$0x155E0];
	v1 =	vmul.f32 v63, v31  }
0x3bd: {  	v63 =	vld [tilespmem:s31+$0x15560];
	v2 =	vadd.f32 v6, v2;
	v6 =	vmul.f32 v60, v43  }
0x3be: {  	v0 =	vadd.f32 v1, v0;
	v10 =	vmul.f32 v53, v10;
	v53 =	vld [tilespmem:$0x1FEE0]  }
0x3bf: {  	v5 =	vld [tilespmem:s30+$0x15170];
	v1 =	vmul.f32 v7, v32;
	v2 =	vadd.f32 v6, v2;
	v6 =	vmul.f32 v61, v44  }
0x3c0: {  	v8 =	vld [tilespmem:s30+$0x151F0]  }
0x3c1: {  	v60 =	vld [tilespmem:s30+$0x15270];
	v0 =	vadd.f32 v1, v0;
	v2 =	vadd.f32 v6, v2;
	v6 =	vmul.f32 v62, v34  }
0x3c2: {  	v7 =	vld [tilespmem:s31+$0x155E0]  }
0x3c3: {  	v0 =	vadd.f32 v6, v0;
	v9 =	vmul.f32 v53, v9;
	v53 =	vmul.f32 v63, v46;
	v63 =	vld [tilespmem:$0x1FEF0]  }
0x3c4: {  	v61 =	vld [tilespmem:s30+$0x152F0]  }
0x3c5: {  	v1 =	vld [tilespmem:s30+$0x15370];
	[tilespmem:s28+$0x18560] =	vst v0  }
0x3c6: {  	v6 =	vld [tilespmem:s0+$0x15070];
	v10 =	vadd.f32 v10, v11  }
0x3c7: {  	v62 =	vld [tilespmem:s30+$0x153F0]  }
0x3c8: {  	v9 =	vadd.f32 v9, v10;
	v10 =	vmul.f32 v63, v48;
	v63 =	vld [tilespmem:$0x1FF00]  }
0x3c9: {  	v0 =	vld [tilespmem:s0+$0x150F0]  }
0x3ca: {  	v11 =	vld [tilespmem:s30+$0x15570]  }
0x3cb: {  	v6 =	vmul.f32 v6, v33;
	v33 =	vld [tilespmem:s0+$0x15470];
	v2 =	vadd.f32 v53, v2;
	v53 =	vmul.f32 v7, v47  }
0x3cc: {  	v7 =	vld [tilespmem:s30+$0x154F0]  }
0x3cd: {  	v53 =	vadd.f32 v53, v2;
	v2 =	vld [tilespmem:s30+$0x155F0];
	v9 =	vadd.f32 v10, v9;
	v10 =	vmul.f32 v63, v49  }
0x3ce: {  	v48 =	vld [tilespmem:s30+$0x15470]  }
0x3cf: {  	v54 =	vmul.f32 v54, v50;
	v49 =	vld [tilespmem:$0x1FF10];
	v9 =	vadd.f32 v10, v9  }
0x3d0: {  	[tilespmem:s28+$0x185E0] =	vst v53;
	v53 =	vld [tilespmem:s0+$0x15170]  }
0x3d1: {  	v9 =	vadd.f32 v54, v9;
	v54 =	vld [tilespmem:$0x1FF20]  }
0x3d2: {  	v4 =	vmul.f32 v4, v18;
	v50 =	vld [tilespmem:s31+$0x150F0]  }
0x3d3: {  	v3 =	vmul.f32 v3, v19;
	v63 =	vmul.f32 v5, v20;
	v5 =	vld [tilespmem:s31+$0x15070]  }
0x3d4: {  	v0 =	vmul.f32 v0, v35;
	v35 =	vld [tilespmem:s31+$0x151F0];
	v10 =	vmul.f32 v49, v52  }
0x3d5: {  	v3 =	vadd.f32 v3, v4;
	v60 =	vmul.f32 v60, v22;
	v22 =	vld [tilespmem:s31+$0x15370]  }
0x3d6: {  	v9 =	vadd.f32 v10, v9;
	v10 =	vmul.f32 v55, v54;
	v55 =	vmul.f32 v56, v51;
	v56 =	vld [tilespmem:s31+$0x15170]  }
0x3d7: {  	v61 =	vmul.f32 v61, v23;
	v3 =	vadd.f32 v63, v3;
	v63 =	vld [tilespmem:s0+$0x151F0];
	v52 =	vmul.f32 v8, v21  }
0x3d8: {  	v36 =	vmul.f32 v5, v36;
	v49 =	vmul.f32 v50, v45;
	v50 =	vld [tilespmem:s0+$0x15270]  }
0x3d9: {  	v1 =	vmul.f32 v1, v17;
	v0 =	vadd.f32 v0, v6;
	v3 =	vadd.f32 v52, v3;
	v52 =	vld [tilespmem:s31+$0x15270]  }
0x3da: {  	v4 =	vadd.f32 v49, v36;
	v36 =	vld [tilespmem:s31+$0x15470];
	v51 =	vmul.f32 v53, v24;
	v9 =	vadd.f32 v10, v9  }
0x3db: {  	v16 =	vmul.f32 v62, v16;
	v3 =	vadd.f32 v60, v3;
	v54 =	vld [tilespmem:s0+$0x152F0];
	v53 =	vmul.f32 v56, v37  }
0x3dc: {  	v0 =	vadd.f32 v51, v0;
	v9 =	vadd.f32 v55, v9;
	v55 =	vmul.f32 v63, v25;
	v56 =	vld [tilespmem:s31+$0x152F0]  }
0x3dd: {  	v3 =	vadd.f32 v61, v3;
	v61 =	vmul.f32 v35, v38;
	v63 =	vld [tilespmem:s0+$0x15370];
	v4 =	vadd.f32 v53, v4  }
0x3de: {  	v7 =	vmul.f32 v7, v14;
	v60 =	vld [tilespmem:$0x1FF30];
	v21 =	vmul.f32 v50, v26;
	v0 =	vadd.f32 v55, v0  }
0x3df: {  	v2 =	vmul.f32 v2, v12;
	v24 =	vld [tilespmem:s0+$0x153F0];
	v23 =	vmul.f32 v52, v39;
	v4 =	vadd.f32 v61, v4  }
0x3e0: {  	v15 =	vmul.f32 v48, v15;
	v26 =	vld [tilespmem:s31+$0x153F0];
	v25 =	vmul.f32 v54, v27;
	v0 =	vadd.f32 v21, v0  }
0x3e1: {  	v38 =	vmul.f32 v22, v41;
	v41 =	vld [tilespmem:s31+$0x154F0];
	v27 =	vmul.f32 v56, v40;
	v4 =	vadd.f32 v23, v4  }
0x3e2: {  	v39 =	vld [tilespmem:s0+$0x154F0];
	v1 =	vadd.f32 v1, v3;
	v35 =	vmul.f32 v63, v28;
	v0 =	vadd.f32 v25, v0  }
0x3e3: {  	v48 =	vmul.f32 v33, v30;
	v50 =	vmul.f32 v36, v43;
	v37 =	vld [tilespmem:$0x1FF40];
	v4 =	vadd.f32 v27, v4  }
0x3e4: {  	v1 =	vadd.f32 v16, v1;
	v55 =	vld [tilespmem:$0x1FF50];
	v40 =	vmul.f32 v24, v29;
	v0 =	vadd.f32 v35, v0  }
0x3e5: {  	v45 =	vld [tilespmem:s0+$0x15570];
	v20 =	vmul.f32 v59, v60;
	v42 =	vmul.f32 v26, v42;
	v4 =	vadd.f32 v38, v4  }
0x3e6: {  	v49 =	vld [tilespmem:s31+$0x15570];
	v52 =	vmul.f32 v11, v13;
	v1 =	vadd.f32 v15, v1;
	v0 =	vadd.f32 v40, v0  }
0x3e7: {  	v51 =	vld [tilespmem:s0+$0x155F0];
	v9 =	vadd.f32 v20, v9;
	v53 =	vmul.f32 v39, v31;
	v4 =	vadd.f32 v42, v4  }
0x3e8: {  	v54 =	vld [tilespmem:s31+$0x155F0];
	v17 =	vmul.f32 v58, v37;
	v1 =	vadd.f32 v7, v1;
	v0 =	vadd.f32 v48, v0  }
0x3e9: {  	v56 =	vmul.f32 v41, v44;
	v11 =	vmul.f32 v57, v55;
	v4 =	vadd.f32 v50, v4  }
0x3ea: {  	v57 =	vmul.f32 v45, v32;
	v9 =	vadd.f32 v17, v9;
	v0 =	vadd.f32 v53, v0  }
0x3eb: {  	v58 =	vmul.f32 v49, v46;
	v1 =	vadd.f32 v52, v1;
	v4 =	vadd.f32 v56, v4  }
0x3ec: {  	p2 =	por p1, p1;
	v60 =	vmul.f32 v51, v34;
	v59 =	vadd.f32 v11, v9;
	v0 =	vadd.f32 v57, v0  }
.Ltmp1:
0x3ed: {  	v62 =	vmul.f32 v54, v47;
	v1 =	vadd.f32 v2, v1;
	v61 =	vadd.f32 v58, v4;
	(pc) =	sbr.rel @p2 .LBB2_5-.Ltmp1, $4  }
0x3ee: {  	[tilespmem:s28+$0x18470] =	vst v59;
	v0 =	vadd.f32 v60, v0  }
0x3ef: {  	[tilespmem:s28+$0x184F0] =	vst v1;
	v63 =	vadd.f32 v62, v61  }
0x3f0: {  	[tilespmem:s28+$0x18570] =	vst v0  }
0x3f1: {  	p1 =	por $0x0, $0x0;
	s0 =	simm.s32 $0x4;
	[tilespmem:s28+$0x185F0] =	vst v63  }
0x3f2: {  	s0 =	sadd.s32 @!p0 $0x180, s26  }
0x3f3: {  	s1 =	simm.s32 @!p0 $0x30;
	s11 =	simm.s32 @!p0 $0x15000;
	s31 =	sshll.u32 s24, $0xB  }
0x3f4: {  	[tilespmem:s11], [sflag:$0x2] =	stream.indirect.gather @!p0 [hbm4b:s4+s1], $0x80, s0, s1, $0xb8;
	[tilespmem:$0x18800] =	vst v63  }
0x3f5: {  	s24 =	sadd.s32 $0x1, s24;
	s0 =	sadd.s32 @!p0 $0x1B0, s26;
	s11 =	simm.s32 @!p0 $0x16800  }
0x3f6: {  	[tilespmem:s11], [sflag:$0x2] =	stream.indirect.gather @!p0 [hbm4b:s4+s1], $0x80, s0, s1, $0xb8;
	[tilespmem:$0x18800] =	vst v63  }
0x3f7: {  	p0 =	sne.s32 s24, $0x90  }
.Ltmp2:
0x3f8: {  	_ = 	snop;
	(pc) =	sbr.rel @p0 .LBB2_2-.Ltmp2, $4  }
0x3f9: {  	s0 =	sadd.s32 s7, s31  }
0x3fa: {  	s0 =	sshrl.u32 s0, $0x3  }
0x3fb: {  	s0 =	sadd.s32 s2, s0  }
0x3fc: {  	[hbm4b:s0+s3] =	stream.linear.scatter [tilespmem:s21], [sflag:$0x3], $0x800, $0x38;
	[tilespmem:$0x18800] =	vst v63  }
0x3fd: {  	s23 =	sadd.s32 $0x1, s23  }
0x3fe: {  	p0 =	sne.s32 s23, s8  }
.Ltmp3:
0x3ff: {  	_ = 	snop;
	(pc) =	sbr.rel @p0 .LBB2_1-.Ltmp3, $4  }
0x400: {  	_ = 	snop  }
0x401: {  	_ =	swait.ge [sflag:s22], $0x800  }
0x402: {  	[sflag:s22] =	ssyncset.done $0x0  }
0x403: {  	[sflag:s22] =	ssyncadd.s32 $0xFFFFF800  }
0x404: {  	_ =	sfence.sel $0x180000  }
0x405: {  	[bflag:$0x0] =	sbarrier.arrive $0xFFFF  }
0x406: {  	_ =	strace $0x90000047  }
0x407: {  	s0 =	stileid.u32;
	[bflag:$0x2] =	sbarrier.arrive $0xFFFF  }
0x408: {  	p0 =	sne.s32 s0, $0x0;
	s0 =	rddreg [dreg:$0x2]  }
0x409: {  	s0 =	sadd.s32 @!p0 $0x100000, s0  }
0x40a: {  	[sflag:s0] =	ssyncadd.tile.s32 @!p0 $0x1;
	_ =	shalt  }
.Lfunc_end2:
_tile_overlayer_lowered:
.L_overlay_start_2:
0x40b: {  	(tag) =	ssettag $0x2  }
0x40c: {  	s0 =	rddreg [dreg:$0x0];
	s2 =	stileid.u32  }
0x40d: {  	s1 =	rddreg [dreg:$0x1];
	p0 =	sne.s32 s2, $0x0  }
0x40e: {  	s3 =	rddreg [dreg:$0x2];
	[bflag:$0x3] =	sbarrier.arrive $0xFFFF;
	s2 =	simm.s32 @!p0 $0x1C04  }
0x40f: {  	[timem:s3], [sflag:s2] =	dma.local @!p0 [hbm:s0], s1  }
0x410: {  	s0 =	simm.s32 @!p0 $0x4  }
0x411: {  	_ =	swait.ge @!p0 [sflag:s0], s1  }
0x412: {  	s1 =	ssub.s32 @!p0 $0x0, s1;
	[sflag:s0] =	ssyncset.done @!p0 $0x0  }
0x413: {  	[sflag:s0] =	ssyncadd.s32 @!p0 s1  }
0x414: {  	[bflag:$0x3] =	sbarrier.arrive $0xFFFF  }
0x415: {  	_ =	shalt  }

</sc_bundles>
